<compile_context>
chip_gen: v7x
topology: tpu7x:2x2x1
jax: 0.10.2.dev20260603
libtpu: 0.0.44.dev20260713+nightly
codegen_flags: <defaults>
</compile_context>

<pallas_src>
import functools

import jax
import jax.numpy as jnp
from jax import lax
from jax.experimental import pallas as pl
from jax.experimental.pallas import tpu as pltpu
from jax.experimental.pallas import tpu_sc as plsc

N = 10000
E = 320000
D = 128
H = 128
OUT = 64
G = 64
BN_EPS = 1e-5

NC = 2
NS = 16
NW = NC * NS
CHUNK = 80
EPW = E // NW
NCHUNK = EPW // CHUNK
PHASES = ((0, 32), (32, 32), (64, 32), (96, 29))
STAGE = 32
DEPTH = 3
RPT = 624
TAIL = N - NS * RPT


def _sc_segment_sum(h, edges4d):
    mesh = plsc.VectorSubcoreMesh(core_axis_name="c", subcore_axis_name="s")

    @functools.partial(
        pl.kernel,
        out_type=jax.ShapeDtypeStruct((NC, N, D), jnp.float32),
        mesh=mesh,
        scratch_types=[
            pltpu.VMEM((STAGE, CHUNK), jnp.int32),
            pltpu.VMEM((STAGE, CHUNK), jnp.int32),
            pltpu.VMEM((CHUNK, D), jnp.float32),
            pltpu.VMEM((CHUNK, D), jnp.float32),
            pltpu.VMEM((CHUNK, D), jnp.float32),
            pltpu.VMEM_SHARED((N, D), jnp.float32),
            pltpu.SemaphoreType.DMA,
            pltpu.SemaphoreType.DMA,
            pltpu.SemaphoreType.DMA,
        ],
    )
    def k(h_hbm, e_hbm, out_hbm,
          sidx, didx, rows0, rows1, rows2, acc, sem0, sem1, sem2):
        rows = (rows0, rows1, rows2)
        sems = (sem0, sem1, sem2)
        cid = lax.axis_index("c")
        sid = lax.axis_index("s")
        wid = cid * NS + sid
        src_hbm = e_hbm.at[0]
        dst_hbm = e_hbm.at[1]

        zv = jnp.zeros((16,), jnp.float32)

        @pl.loop(0, CHUNK)
        def _(i):
            for j in range(D // 16):
                rows2.at[i, pl.ds(j * 16, 16)][...] = zv

        for j in range(RPT // CHUNK):
            pltpu.async_copy(
                rows2, acc.at[pl.ds(sid * RPT + j * CHUNK, CHUNK)], sem2)
        _rem = RPT - (RPT // CHUNK) * CHUNK
        pltpu.async_copy(
            rows2.at[pl.ds(0, _rem)],
            acc.at[pl.ds(sid * RPT + RPT - _rem, _rem)], sem2)

        @pl.when(sid == NS - 1)
        def _():
            pltpu.async_copy(
                rows2.at[pl.ds(0, TAIL)],
                acc.at[pl.ds(NS * RPT, TAIL)], sem2)

        def _drain_init():
            for j in range(RPT // CHUNK):
                pltpu.make_async_copy(
                    rows2, acc.at[pl.ds(sid * RPT + j * CHUNK, CHUNK)],
                    sem2).wait()
            pltpu.make_async_copy(
                rows2.at[pl.ds(0, _rem)],
                acc.at[pl.ds(sid * RPT + RPT - _rem, _rem)], sem2).wait()

            @pl.when(sid == NS - 1)
            def _():
                pltpu.make_async_copy(
                    rows2.at[pl.ds(0, TAIL)],
                    acc.at[pl.ds(NS * RPT, TAIL)], sem2).wait()

        def start_gather(c, buf, sem):
            pltpu.async_copy(h_hbm.at[sidx.at[c]], buf, sem)

        def wait_gather(buf, sem):
            pltpu.make_async_copy(h_hbm.at[sidx.at[0]], buf, sem).wait()

        def scatter(c, buf):
            pltpu.sync_copy(buf, acc.at[didx.at[c]], add=True)

        def do_phase(start, cnt):
            assert cnt >= DEPTH - 1
            pltpu.sync_copy(src_hbm.at[wid].at[pl.ds(start, cnt)],
                            sidx.at[pl.ds(0, cnt)])
            pltpu.sync_copy(dst_hbm.at[wid].at[pl.ds(start, cnt)],
                            didx.at[pl.ds(0, cnt)])
            if start == 0:
                _drain_init()
                plsc.subcore_barrier()
            for c in range(DEPTH - 1):
                start_gather(c, rows[c], sems[c])
            m = (cnt - (DEPTH - 1)) // DEPTH

            @pl.loop(0, m)
            def _(km):
                c0 = DEPTH * km
                for j in range(DEPTH):
                    nb = (j + DEPTH - 1) % DEPTH
                    start_gather(c0 + j + DEPTH - 1, rows[nb], sems[nb])
                    wait_gather(rows[j], sems[j])
                    scatter(c0 + j, rows[j])

            for c in range(DEPTH * m, cnt):
                nc = c + DEPTH - 1
                if nc < cnt:
                    start_gather(nc, rows[nc % DEPTH], sems[nc % DEPTH])
                wait_gather(rows[c % DEPTH], sems[c % DEPTH])
                scatter(c, rows[c % DEPTH])

        for start, cnt in PHASES:
            do_phase(start, cnt)

        plsc.subcore_barrier()
        pltpu.sync_copy(
            acc.at[pl.ds(sid * RPT, RPT)],
            out_hbm.at[cid].at[pl.ds(sid * RPT, RPT)],
        )

        @pl.when(sid == NS - 1)
        def _():
            pltpu.sync_copy(
                acc.at[pl.ds(NS * RPT, TAIL)],
                out_hbm.at[cid].at[pl.ds(NS * RPT, TAIL)],
            )

    return k(h, edges4d)


def _mm(a, b):
    return jnp.dot(a.astype(jnp.bfloat16), b.astype(jnp.bfloat16),
                   preferred_element_type=jnp.float32)


def _bn_relu(z, g, b):
    mu = jnp.mean(z, axis=0, keepdims=True)
    zc = z - mu
    var = jnp.mean(zc * zc, axis=0, keepdims=True)
    z = zc * lax.rsqrt(var + BN_EPS) * g + b
    return jnp.maximum(z, 0.0)


def _tc_layer(h, p, W1, b1, g1, be1, W2, b2, gout, bout):
    def body(h_ref, p_ref, W1_ref, b1_ref, g1_ref, be1_ref, W2_ref, b2_ref,
             gout_ref, bout_ref, o_ref):
        z = h_ref[...] + p_ref[0] + p_ref[1]
        z = _mm(z, W1_ref[...]) + b1_ref[...]
        z = _bn_relu(z, g1_ref[...], be1_ref[...])
        z = _mm(z, W2_ref[...]) + b2_ref[...]
        o_ref[...] = _bn_relu(z, gout_ref[...], bout_ref[...])

    return pl.pallas_call(
        body,
        out_shape=jax.ShapeDtypeStruct((N, H), jnp.float32),
    )(h, p, W1, b1, g1, be1, W2, b2, gout, bout)


def _tc_layer_pool(h, p, W1, b1, g1, be1, W2, b2, gout, bout,
                   batch2d, pred_W, pred_b):
    def body(h_ref, p_ref, W1_ref, b1_ref, g1_ref, be1_ref, W2_ref, b2_ref,
             gout_ref, bout_ref, batch_ref, pW_ref, pb_ref, o_ref):
        z = h_ref[...] + p_ref[0] + p_ref[1]
        z = _mm(z, W1_ref[...]) + b1_ref[...]
        z = _bn_relu(z, g1_ref[...], be1_ref[...])
        z = _mm(z, W2_ref[...]) + b2_ref[...]
        h2 = _bn_relu(z, gout_ref[...], bout_ref[...])

        gids = lax.broadcasted_iota(jnp.int32, (G, N), 0)
        oh = (batch_ref[...] == gids).astype(jnp.float32)
        sums = _mm(oh, h2)
        counts = jnp.sum(oh, axis=1, keepdims=True)
        pooled = sums / jnp.maximum(counts, 1.0)
        out = _mm(pooled, pW_ref[...])
        out = out + pb_ref[...]
        m = jnp.max(out, axis=-1, keepdims=True)
        sh = out - m
        lse = jnp.log(jnp.sum(jnp.exp(sh), axis=-1, keepdims=True))
        o_ref[...] = sh - lse

    return pl.pallas_call(
        body,
        out_shape=jax.ShapeDtypeStruct((G, OUT), jnp.float32),
    )(h, p, W1, b1, g1, be1, W2, b2, gout, bout, batch2d, pred_W, pred_b)


def kernel(x, params, edge_index, batch):
    edges4d = edge_index.reshape(2, NW, NCHUNK, CHUNK)
    batch2d = batch.reshape(1, N)

    l0, l1 = params["layers"]
    r = lambda v: v.reshape(1, -1)

    p1 = _sc_segment_sum(x, edges4d)
    h1 = _tc_layer(x, p1, l0["W1"], r(l0["b1"]), r(l0["g1"]), r(l0["be1"]),
                   l0["W2"], r(l0["b2"]), r(l0["gout"]), r(l0["bout"]))
    p2 = _sc_segment_sum(h1, edges4d)
    return _tc_layer_pool(h1, p2, l1["W1"], r(l1["b1"]), r(l1["g1"]),
                          r(l1["be1"]), l1["W2"], r(l1["b2"]), r(l1["gout"]),
                          r(l1["bout"]), batch2d, params["pred_W"],
                          r(params["pred_b"]))

# --- scband reference (transcript-rebuilt; emitter-appended) ---
"""Pipeline reference for scband-gnn-26929444946580 (READ-ONLY COPY).

The authoritative reference and input builder live on the scoring server;
editing this copy changes nothing except your own understanding.
"""

import jax, jax.numpy as jnp
import numpy as np

N = 10000
E = 320000
D = 128
H = 128
OUT = 64
G = 64
BN_EPS = 1e-5


def _lin(k, fan_in, fan_out):
    return jax.random.normal(k, (fan_in, fan_out), dtype=jnp.float32) * (1.0 / np.sqrt(fan_in))


def setup_inputs(seed: int = 0) -> dict:
    key = jax.random.key(seed)
    ks = jax.random.split(key, 16)
    x = jax.random.normal(ks[0], (N, D), dtype=jnp.float32)
    edge_index = jax.random.randint(ks[1], (2, E), 0, N, dtype=jnp.int32)
    batch = jnp.sort(jax.random.randint(ks[2], (N,), 0, G, dtype=jnp.int32))
    layers = []
    kk = 3
    for i in range(2):
        in_dim = D if i == 0 else H
        layers.append({
            'W1': _lin(ks[kk], in_dim, H), 'b1': jnp.zeros((H,), jnp.float32),
            'g1': jnp.ones((H,), jnp.float32), 'be1': jnp.zeros((H,), jnp.float32),
            'W2': _lin(ks[kk + 1], H, H), 'b2': jnp.zeros((H,), jnp.float32),
            'gout': jnp.ones((H,), jnp.float32), 'bout': jnp.zeros((H,), jnp.float32),
        })
        kk += 2
    params = {
        'layers': layers,
        'pred_W': _lin(ks[kk], H, OUT),
        'pred_b': jnp.zeros((OUT,), jnp.float32),
    }
    return {'x': x, 'params': params, 'edge_index': edge_index, 'batch': batch}


def _bn(h, g, b):
    mu = jnp.mean(h, axis=0, keepdims=True)
    var = jnp.var(h, axis=0, keepdims=True)
    return (h - mu) / jnp.sqrt(var + BN_EPS) * g + b


def reference(x, params, edge_index, batch):
    src = edge_index[0]
    dst = edge_index[1]
    h = x
    for lp in params['layers']:
        # GINConv, eps=0, aggr='add': mlp((1+eps)*x + sum_{j in N(i)} x_j)
        agg = jax.ops.segment_sum(h[src], dst, num_segments=N)
        z = h + agg
        z = z @ lp['W1'] + lp['b1']
        z = _bn(z, lp['g1'], lp['be1'])
        z = jax.nn.relu(z)
        z = z @ lp['W2'] + lp['b2']
        # outer BatchNorm1d + ReLU (dropout p=0.0 -> identity)
        z = _bn(z, lp['gout'], lp['bout'])
        h = jax.nn.relu(z)
    # JK = 'last' -> node_representation = h
    # global_mean_pool
    sums = jax.ops.segment_sum(h, batch, num_segments=G)
    counts = jax.ops.segment_sum(jnp.ones((N, 1), jnp.float32), batch, num_segments=G)
    pooled = sums / jnp.maximum(counts, 1.0)
    out = pooled @ params['pred_W'] + params['pred_b']
    return jax.nn.log_softmax(out, axis=-1)

if __name__ == "__main__":
    import jax
    _d = setup_inputs()
    print(jax.jit(kernel)(*tuple(_d.values())))

</pallas_src>

<mosaic_0001>
#map = affine_map<(d0, d1) -> (0, 0)>
#map1 = affine_map<(d0, d1) -> (0, 0, 0, 0)>
#map2 = affine_map<(d0, d1) -> (0, 0, 0)>
module attributes {stable_mosaic.version = 14 : i64} {
  func.func @k(%arg0: i32, %arg1: i32, %arg2: memref<10000x128xf32, #tpu.memory_space<hbm>>, %arg3: memref<2x32x125x80xi32, #tpu.memory_space<hbm>>, %arg4: memref<2x10000x128xf32, #tpu.memory_space<hbm>>, %arg5: memref<32x80xi32, #tpu.memory_space<vmem>>, %arg6: memref<32x80xi32, #tpu.memory_space<vmem>>, %arg7: memref<80x128xf32, #tpu.memory_space<vmem>>, %arg8: memref<80x128xf32, #tpu.memory_space<vmem>>, %arg9: memref<80x128xf32, #tpu.memory_space<vmem>>, %arg10: memref<10000x128xf32, #tpu.memory_space<vmem_shared>>, %arg11: memref<!tpu.dma_semaphore, #tpu.memory_space<semaphore_mem>>, %arg12: memref<!tpu.dma_semaphore, #tpu.memory_space<semaphore_mem>>, %arg13: memref<!tpu.dma_semaphore, #tpu.memory_space<semaphore_mem>>) attributes {dimension_semantics = [#tpu.dimension_semantics<core_parallel>, #tpu.dimension_semantics<subcore_parallel>], iteration_bounds = array<i64: 2, 16>, scalar_prefetch = 0 : i64, scratch_operands = 9 : i64, tpu.core_type = #tpu.core_type<sc_vector_subcore>, window_params = [{transform_indices = #map}, {transform_indices = #map1}, {transform_indices = #map2}]} {
    %mul3A = arith.constant 16 : i32
    %mul3A_0 = arith.muli %arg0, %mul3A : i32
    %add3A = arith.addi %mul3A_0, %arg1 : i32
    %broadcast_in_dim3A = arith.constant 0.000000e+00 : f32
    %broadcast_in_dim3A_1 = vector.broadcast %broadcast_in_dim3A : f32 to vector<16xf32>
    %scan3A = arith.constant 0 : i32
    %scan3A_2 = arith.constant 80 : i32
    %scan3A_3 = arith.addi %scan3A, %scan3A_2 : i32
    %scan3A_4 = arith.constant 1 : i32
    scf.for %scan3A_311 = %scan3A to %scan3A_3 step %scan3A_4  : i32 {
      %mul3A_312 = arith.constant 1 : i32
      %mul3A_313 = arith.muli %scan3A_311, %mul3A_312 : i32
      %add3A_314 = arith.constant 0 : i32
      %add3A_315 = arith.addi %add3A_314, %mul3A_313 : i32
      %swap3A = arith.index_cast %add3A_315 : i32 to index
      %swap3A_316 = arith.constant 0 : index
      %swap3A_317 = tpu.vector_load %arg9[%swap3A, %swap3A_316] {strides = array<i32>} : memref<80x128xf32, #tpu.memory_space<vmem>>, vector<1x16xf32>,
      %swap3A_318 = vector.shape_cast %swap3A_317 : vector<1x16xf32> to vector<16xf32>
      %swap3A_319 = vector.shape_cast %broadcast_in_dim3A_1 : vector<16xf32> to vector<1x16xf32>
      tpu.vector_store %arg9[%swap3A, %swap3A_316], %swap3A_319 {strides = array<i32>} : memref<80x128xf32, #tpu.memory_space<vmem>>, vector<1x16xf32>,
      %swap3A_320 = arith.index_cast %add3A_315 : i32 to index
      %swap3A_321 = arith.constant 16 : index
      %swap3A_322 = tpu.vector_load %arg9[%swap3A_320, %swap3A_321] {strides = array<i32>} : memref<80x128xf32, #tpu.memory_space<vmem>>, vector<1x16xf32>,
      %swap3A_323 = vector.shape_cast %swap3A_322 : vector<1x16xf32> to vector<16xf32>
      %swap3A_324 = vector.shape_cast %broadcast_in_dim3A_1 : vector<16xf32> to vector<1x16xf32>
      tpu.vector_store %arg9[%swap3A_320, %swap3A_321], %swap3A_324 {strides = array<i32>} : memref<80x128xf32, #tpu.memory_space<vmem>>, vector<1x16xf32>,
      %swap3A_325 = arith.index_cast %add3A_315 : i32 to index
      %swap3A_326 = arith.constant 32 : index
      %swap3A_327 = tpu.vector_load %arg9[%swap3A_325, %swap3A_326] {strides = array<i32>} : memref<80x128xf32, #tpu.memory_space<vmem>>, vector<1x16xf32>,
      %swap3A_328 = vector.shape_cast %swap3A_327 : vector<1x16xf32> to vector<16xf32>
      %swap3A_329 = vector.shape_cast %broadcast_in_dim3A_1 : vector<16xf32> to vector<1x16xf32>
      tpu.vector_store %arg9[%swap3A_325, %swap3A_326], %swap3A_329 {strides = array<i32>} : memref<80x128xf32, #tpu.memory_space<vmem>>, vector<1x16xf32>,
      %swap3A_330 = arith.index_cast %add3A_315 : i32 to index
      %swap3A_331 = arith.constant 48 : index
      %swap3A_332 = tpu.vector_load %arg9[%swap3A_330, %swap3A_331] {strides = array<i32>} : memref<80x128xf32, #tpu.memory_space<vmem>>, vector<1x16xf32>,
      %swap3A_333 = vector.shape_cast %swap3A_332 : vector<1x16xf32> to vector<16xf32>
      %swap3A_334 = vector.shape_cast %broadcast_in_dim3A_1 : vector<16xf32> to vector<1x16xf32>
      tpu.vector_store %arg9[%swap3A_330, %swap3A_331], %swap3A_334 {strides = array<i32>} : memref<80x128xf32, #tpu.memory_space<vmem>>, vector<1x16xf32>,
      %swap3A_335 = arith.index_cast %add3A_315 : i32 to index
      %swap3A_336 = arith.constant 64 : index
      %swap3A_337 = tpu.vector_load %arg9[%swap3A_335, %swap3A_336] {strides = array<i32>} : memref<80x128xf32, #tpu.memory_space<vmem>>, vector<1x16xf32>,
      %swap3A_338 = vector.shape_cast %swap3A_337 : vector<1x16xf32> to vector<16xf32>
      %swap3A_339 = vector.shape_cast %broadcast_in_dim3A_1 : vector<16xf32> to vector<1x16xf32>
      tpu.vector_store %arg9[%swap3A_335, %swap3A_336], %swap3A_339 {strides = array<i32>} : memref<80x128xf32, #tpu.memory_space<vmem>>, vector<1x16xf32>,
      %swap3A_340 = arith.index_cast %add3A_315 : i32 to index
      %swap3A_341 = arith.constant 80 : index
      %swap3A_342 = tpu.vector_load %arg9[%swap3A_340, %swap3A_341] {strides = array<i32>} : memref<80x128xf32, #tpu.memory_space<vmem>>, vector<1x16xf32>,
      %swap3A_343 = vector.shape_cast %swap3A_342 : vector<1x16xf32> to vector<16xf32>
      %swap3A_344 = vector.shape_cast %broadcast_in_dim3A_1 : vector<16xf32> to vector<1x16xf32>
      tpu.vector_store %arg9[%swap3A_340, %swap3A_341], %swap3A_344 {strides = array<i32>} : memref<80x128xf32, #tpu.memory_space<vmem>>, vector<1x16xf32>,
      %swap3A_345 = arith.index_cast %add3A_315 : i32 to index
      %swap3A_346 = arith.constant 96 : index
      %swap3A_347 = tpu.vector_load %arg9[%swap3A_345, %swap3A_346] {strides = array<i32>} : memref<80x128xf32, #tpu.memory_space<vmem>>, vector<1x16xf32>,
      %swap3A_348 = vector.shape_cast %swap3A_347 : vector<1x16xf32> to vector<16xf32>
      %swap3A_349 = vector.shape_cast %broadcast_in_dim3A_1 : vector<16xf32> to vector<1x16xf32>
      tpu.vector_store %arg9[%swap3A_345, %swap3A_346], %swap3A_349 {strides = array<i32>} : memref<80x128xf32, #tpu.memory_space<vmem>>, vector<1x16xf32>,
      %swap3A_350 = arith.index_cast %add3A_315 : i32 to index
      %swap3A_351 = arith.constant 112 : index
      %swap3A_352 = tpu.vector_load %arg9[%swap3A_350, %swap3A_351] {strides = array<i32>} : memref<80x128xf32, #tpu.memory_space<vmem>>, vector<1x16xf32>,
      %swap3A_353 = vector.shape_cast %swap3A_352 : vector<1x16xf32> to vector<16xf32>
      %swap3A_354 = vector.shape_cast %broadcast_in_dim3A_1 : vector<16xf32> to vector<1x16xf32>
      tpu.vector_store %arg9[%swap3A_350, %swap3A_351], %swap3A_354 {strides = array<i32>} : memref<80x128xf32, #tpu.memory_space<vmem>>, vector<1x16xf32>,
    }
    %scan3A_5 = arith.constant 80 : i32
    %mul3A_6 = arith.constant 624 : i32
    %mul3A_7 = arith.muli %arg1, %mul3A_6 : i32
    %add3A_8 = arith.constant 0 : i32
    %add3A_9 = arith.addi %mul3A_7, %add3A_8 : i32
    %dma_start3A = arith.constant 0 : i32
    %dma_start3A_10 = tpu.memref_slice %arg10[%add3A_9, %dma_start3A] : memref<10000x128xf32, #tpu.memory_space<vmem_shared>> -> memref<80x128xf32, #tpu.memory_space<vmem_shared>>
    %dma_start3A_11 = arith.constant 0 : i32
    %dma_start3A_12 = tpu.memref_slice %arg10[%add3A_9, %dma_start3A_11] : memref<10000x128xf32, #tpu.memory_space<vmem_shared>> -> memref<80x128xf32, #tpu.memory_space<vmem_shared>>
    tpu.enqueue_dma source(%arg9 : memref<80x128xf32, #tpu.memory_space<vmem>>) target(%dma_start3A_12 : memref<80x128xf32, #tpu.memory_space<vmem_shared>>) target_semaphore(%arg13 : memref<!tpu.dma_semaphore, #tpu.memory_space<semaphore_mem>>)
    %mul3A_13 = arith.constant 624 : i32
    %mul3A_14 = arith.muli %arg1, %mul3A_13 : i32
    %add3A_15 = arith.constant 80 : i32
    %add3A_16 = arith.addi %mul3A_14, %add3A_15 : i32
    %dma_start3A_17 = arith.constant 0 : i32
    %dma_start3A_18 = tpu.memref_slice %arg10[%add3A_16, %dma_start3A_17] : memref<10000x128xf32, #tpu.memory_space<vmem_shared>> -> memref<80x128xf32, #tpu.memory_space<vmem_shared>>
    %dma_start3A_19 = arith.constant 0 : i32
    %dma_start3A_20 = tpu.memref_slice %arg10[%add3A_16, %dma_start3A_19] : memref<10000x128xf32, #tpu.memory_space<vmem_shared>> -> memref<80x128xf32, #tpu.memory_space<vmem_shared>>
    tpu.enqueue_dma source(%arg9 : memref<80x128xf32, #tpu.memory_space<vmem>>) target(%dma_start3A_20 : memref<80x128xf32, #tpu.memory_space<vmem_shared>>) target_semaphore(%arg13 : memref<!tpu.dma_semaphore, #tpu.memory_space<semaphore_mem>>)
    %mul3A_21 = arith.constant 624 : i32
    %mul3A_22 = arith.muli %arg1, %mul3A_21 : i32
    %add3A_23 = arith.constant 160 : i32
    %add3A_24 = arith.addi %mul3A_22, %add3A_23 : i32
    %dma_start3A_25 = arith.constant 0 : i32
    %dma_start3A_26 = tpu.memref_slice %arg10[%add3A_24, %dma_start3A_25] : memref<10000x128xf32, #tpu.memory_space<vmem_shared>> -> memref<80x128xf32, #tpu.memory_space<vmem_shared>>
    %dma_start3A_27 = arith.constant 0 : i32
    %dma_start3A_28 = tpu.memref_slice %arg10[%add3A_24, %dma_start3A_27] : memref<10000x128xf32, #tpu.memory_space<vmem_shared>> -> memref<80x128xf32, #tpu.memory_space<vmem_shared>>
    tpu.enqueue_dma source(%arg9 : memref<80x128xf32, #tpu.memory_space<vmem>>) target(%dma_start3A_28 : memref<80x128xf32, #tpu.memory_space<vmem_shared>>) target_semaphore(%arg13 : memref<!tpu.dma_semaphore, #tpu.memory_space<semaphore_mem>>)
    %mul3A_29 = arith.constant 624 : i32
    %mul3A_30 = arith.muli %arg1, %mul3A_29 : i32
    %add3A_31 = arith.constant 240 : i32
    %add3A_32 = arith.addi %mul3A_30, %add3A_31 : i32
    %dma_start3A_33 = arith.constant 0 : i32
    %dma_start3A_34 = tpu.memref_slice %arg10[%add3A_32, %dma_start3A_33] : memref<10000x128xf32, #tpu.memory_space<vmem_shared>> -> memref<80x128xf32, #tpu.memory_space<vmem_shared>>
    %dma_start3A_35 = arith.constant 0 : i32
    %dma_start3A_36 = tpu.memref_slice %arg10[%add3A_32, %dma_start3A_35] : memref<10000x128xf32, #tpu.memory_space<vmem_shared>> -> memref<80x128xf32, #tpu.memory_space<vmem_shared>>
    tpu.enqueue_dma source(%arg9 : memref<80x128xf32, #tpu.memory_space<vmem>>) target(%dma_start3A_36 : memref<80x128xf32, #tpu.memory_space<vmem_shared>>) target_semaphore(%arg13 : memref<!tpu.dma_semaphore, #tpu.memory_space<semaphore_mem>>)
    %mul3A_37 = arith.constant 624 : i32
    %mul3A_38 = arith.muli %arg1, %mul3A_37 : i32
    %add3A_39 = arith.constant 320 : i32
    %add3A_40 = arith.addi %mul3A_38, %add3A_39 : i32
    %dma_start3A_41 = arith.constant 0 : i32
    %dma_start3A_42 = tpu.memref_slice %arg10[%add3A_40, %dma_start3A_41] : memref<10000x128xf32, #tpu.memory_space<vmem_shared>> -> memref<80x128xf32, #tpu.memory_space<vmem_shared>>
    %dma_start3A_43 = arith.constant 0 : i32
    %dma_start3A_44 = tpu.memref_slice %arg10[%add3A_40, %dma_start3A_43] : memref<10000x128xf32, #tpu.memory_space<vmem_shared>> -> memref<80x128xf32, #tpu.memory_space<vmem_shared>>
    tpu.enqueue_dma source(%arg9 : memref<80x128xf32, #tpu.memory_space<vmem>>) target(%dma_start3A_44 : memref<80x128xf32, #tpu.memory_space<vmem_shared>>) target_semaphore(%arg13 : memref<!tpu.dma_semaphore, #tpu.memory_space<semaphore_mem>>)
    %mul3A_45 = arith.constant 624 : i32
    %mul3A_46 = arith.muli %arg1, %mul3A_45 : i32
    %add3A_47 = arith.constant 400 : i32
    %add3A_48 = arith.addi %mul3A_46, %add3A_47 : i32
    %dma_start3A_49 = arith.constant 0 : i32
    %dma_start3A_50 = tpu.memref_slice %arg10[%add3A_48, %dma_start3A_49] : memref<10000x128xf32, #tpu.memory_space<vmem_shared>> -> memref<80x128xf32, #tpu.memory_space<vmem_shared>>
    %dma_start3A_51 = arith.constant 0 : i32
    %dma_start3A_52 = tpu.memref_slice %arg10[%add3A_48, %dma_start3A_51] : memref<10000x128xf32, #tpu.memory_space<vmem_shared>> -> memref<80x128xf32, #tpu.memory_space<vmem_shared>>
    tpu.enqueue_dma source(%arg9 : memref<80x128xf32, #tpu.memory_space<vmem>>) target(%dma_start3A_52 : memref<80x128xf32, #tpu.memory_space<vmem_shared>>) target_semaphore(%arg13 : memref<!tpu.dma_semaphore, #tpu.memory_space<semaphore_mem>>)
    %mul3A_53 = arith.constant 624 : i32
    %mul3A_54 = arith.muli %arg1, %mul3A_53 : i32
    %add3A_55 = arith.constant 480 : i32
    %add3A_56 = arith.addi %mul3A_54, %add3A_55 : i32
    %dma_start3A_57 = arith.constant 0 : i32
    %dma_start3A_58 = tpu.memref_slice %arg10[%add3A_56, %dma_start3A_57] : memref<10000x128xf32, #tpu.memory_space<vmem_shared>> -> memref<80x128xf32, #tpu.memory_space<vmem_shared>>
    %dma_start3A_59 = arith.constant 0 : i32
    %dma_start3A_60 = tpu.memref_slice %arg10[%add3A_56, %dma_start3A_59] : memref<10000x128xf32, #tpu.memory_space<vmem_shared>> -> memref<80x128xf32, #tpu.memory_space<vmem_shared>>
    tpu.enqueue_dma source(%arg9 : memref<80x128xf32, #tpu.memory_space<vmem>>) target(%dma_start3A_60 : memref<80x128xf32, #tpu.memory_space<vmem_shared>>) target_semaphore(%arg13 : memref<!tpu.dma_semaphore, #tpu.memory_space<semaphore_mem>>)
    %mul3A_61 = arith.constant 624 : i32
    %mul3A_62 = arith.muli %arg1, %mul3A_61 : i32
    %add3A_63 = arith.constant 624 : i32
    %add3A_64 = arith.addi %mul3A_62, %add3A_63 : i32
    %sub3A = arith.constant 64 : i32
    %sub3A_65 = arith.subi %add3A_64, %sub3A : i32
    %dma_start3A_66 = arith.constant 0 : i32
    %dma_start3A_67 = arith.constant 0 : i32
    %dma_start3A_68 = tpu.memref_slice %arg9[%dma_start3A_66, %dma_start3A_67] : memref<80x128xf32, #tpu.memory_space<vmem>> -> memref<64x128xf32, #tpu.memory_space<vmem>>
    %dma_start3A_69 = arith.constant 0 : i32
    %dma_start3A_70 = tpu.memref_slice %arg10[%sub3A_65, %dma_start3A_69] : memref<10000x128xf32, #tpu.memory_space<vmem_shared>> -> memref<64x128xf32, #tpu.memory_space<vmem_shared>>
    %dma_start3A_71 = arith.constant 0 : i32
    %dma_start3A_72 = tpu.memref_slice %arg10[%sub3A_65, %dma_start3A_71] : memref<10000x128xf32, #tpu.memory_space<vmem_shared>> -> memref<64x128xf32, #tpu.memory_space<vmem_shared>>
    %dma_start3A_73 = arith.constant 0 : i32
    %dma_start3A_74 = arith.constant 0 : i32
    %dma_start3A_75 = tpu.memref_slice %arg9[%dma_start3A_73, %dma_start3A_74] : memref<80x128xf32, #tpu.memory_space<vmem>> -> memref<64x128xf32, #tpu.memory_space<vmem>>
    tpu.enqueue_dma source(%dma_start3A_75 : memref<64x128xf32, #tpu.memory_space<vmem>>) target(%dma_start3A_72 : memref<64x128xf32, #tpu.memory_space<vmem_shared>>) target_semaphore(%arg13 : memref<!tpu.dma_semaphore, #tpu.memory_space<semaphore_mem>>)
    %eq3A = arith.constant 15 : i32
    %eq3A_76 = arith.cmpi eq, %arg1, %eq3A : i32
    %convert_element_type3A = arith.extui %eq3A_76 : i1 to i32
    %cond3A = arith.constant 0 : i32
    %cond3A_77 = arith.cmpi ne, %convert_element_type3A, %cond3A : i32
    scf.if %cond3A_77 {
      %dma_start3A_311 = arith.constant 0 : i32
      %dma_start3A_312 = arith.constant 0 : i32
      %dma_start3A_313 = tpu.memref_slice %arg9[%dma_start3A_311, %dma_start3A_312] : memref<80x128xf32, #tpu.memory_space<vmem>> -> memref<16x128xf32, #tpu.memory_space<vmem>>
      %dma_start3A_314 = arith.constant 9984 : i32
      %dma_start3A_315 = arith.constant 0 : i32
      %dma_start3A_316 = tpu.memref_slice %arg10[%dma_start3A_314, %dma_start3A_315] : memref<10000x128xf32, #tpu.memory_space<vmem_shared>> -> memref<16x128xf32, #tpu.memory_space<vmem_shared>>
      %dma_start3A_317 = arith.constant 9984 : i32
      %dma_start3A_318 = arith.constant 0 : i32
      %dma_start3A_319 = tpu.memref_slice %arg10[%dma_start3A_317, %dma_start3A_318] : memref<10000x128xf32, #tpu.memory_space<vmem_shared>> -> memref<16x128xf32, #tpu.memory_space<vmem_shared>>
      %dma_start3A_320 = arith.constant 0 : i32
      %dma_start3A_321 = arith.constant 0 : i32
      %dma_start3A_322 = tpu.memref_slice %arg9[%dma_start3A_320, %dma_start3A_321] : memref<80x128xf32, #tpu.memory_space<vmem>> -> memref<16x128xf32, #tpu.memory_space<vmem>>
      tpu.enqueue_dma source(%dma_start3A_322 : memref<16x128xf32, #tpu.memory_space<vmem>>) target(%dma_start3A_319 : memref<16x128xf32, #tpu.memory_space<vmem_shared>>) target_semaphore(%arg13 : memref<!tpu.dma_semaphore, #tpu.memory_space<semaphore_mem>>)
    } else {
    }
    %run_scoped3A = arith.constant 0 : i32
    "tpu.region"() ({
      %run_scoped3A_311 = tpu.sem_alloc : memref<!tpu.dma_semaphore, #tpu.memory_space<semaphore_mem>>
      %dma_start3A_312 = arith.constant 0 : i32
      %dma_start3A_313 = arith.constant 0 : i32
      %dma_start3A_314 = tpu.memref_slice %arg5[%dma_start3A_312, %dma_start3A_313] : memref<32x80xi32, #tpu.memory_space<vmem>> -> memref<32x80xi32, #tpu.memory_space<vmem>>
      %dma_start3A_315 = arith.constant 0 : i32
      %dma_start3A_316 = arith.constant 0 : i32
      %dma_start3A_317 = arith.constant 0 : i32
      %dma_start3A_318 = tpu.memref_slice %arg3[%run_scoped3A, %dma_start3A_315, %dma_start3A_316, %dma_start3A_317] : memref<2x32x125x80xi32, #tpu.memory_space<hbm>> -> memref<1x32x125x80xi32, #tpu.memory_space<hbm>>
      %dma_start3A_319 = tpu.memref_squeeze %dma_start3A_318 : memref<1x32x125x80xi32, #tpu.memory_space<hbm>> -> memref<32x125x80xi32, #tpu.memory_space<hbm>>
      %dma_start3A_320 = arith.constant 0 : i32
      %dma_start3A_321 = arith.constant 0 : i32
      %dma_start3A_322 = tpu.memref_slice %dma_start3A_319[%add3A, %dma_start3A_320, %dma_start3A_321] : memref<32x125x80xi32, #tpu.memory_space<hbm>> -> memref<1x125x80xi32, #tpu.memory_space<hbm>>
      %dma_start3A_323 = tpu.memref_squeeze %dma_start3A_322 : memref<1x125x80xi32, #tpu.memory_space<hbm>> -> memref<125x80xi32, #tpu.memory_space<hbm>>
      %dma_start3A_324 = arith.constant 0 : i32
      %dma_start3A_325 = arith.constant 0 : i32
      %dma_start3A_326 = tpu.memref_slice %dma_start3A_323[%dma_start3A_324, %dma_start3A_325] : memref<125x80xi32, #tpu.memory_space<hbm>> -> memref<32x80xi32, #tpu.memory_space<hbm>>
      %dma_start3A_327 = arith.constant 0 : i32
      %dma_start3A_328 = arith.constant 0 : i32
      %dma_start3A_329 = tpu.memref_slice %arg5[%dma_start3A_327, %dma_start3A_328] : memref<32x80xi32, #tpu.memory_space<vmem>> -> memref<32x80xi32, #tpu.memory_space<vmem>>
      %dma_start3A_330 = arith.constant 0 : i32
      %dma_start3A_331 = arith.constant 0 : i32
      %dma_start3A_332 = arith.constant 0 : i32
      %dma_start3A_333 = tpu.memref_slice %arg3[%run_scoped3A, %dma_start3A_330, %dma_start3A_331, %dma_start3A_332] : memref<2x32x125x80xi32, #tpu.memory_space<hbm>> -> memref<1x32x125x80xi32, #tpu.memory_space<hbm>>
      %dma_start3A_334 = tpu.memref_squeeze %dma_start3A_333 : memref<1x32x125x80xi32, #tpu.memory_space<hbm>> -> memref<32x125x80xi32, #tpu.memory_space<hbm>>
      %dma_start3A_335 = arith.constant 0 : i32
      %dma_start3A_336 = arith.constant 0 : i32
      %dma_start3A_337 = tpu.memref_slice %dma_start3A_334[%add3A, %dma_start3A_335, %dma_start3A_336] : memref<32x125x80xi32, #tpu.memory_space<hbm>> -> memref<1x125x80xi32, #tpu.memory_space<hbm>>
      %dma_start3A_338 = tpu.memref_squeeze %dma_start3A_337 : memref<1x125x80xi32, #tpu.memory_space<hbm>> -> memref<125x80xi32, #tpu.memory_space<hbm>>
      %dma_start3A_339 = arith.constant 0 : i32
      %dma_start3A_340 = arith.constant 0 : i32
      %dma_start3A_341 = tpu.memref_slice %dma_start3A_338[%dma_start3A_339, %dma_start3A_340] : memref<125x80xi32, #tpu.memory_space<hbm>> -> memref<32x80xi32, #tpu.memory_space<hbm>>
      tpu.enqueue_dma source(%dma_start3A_341 : memref<32x80xi32, #tpu.memory_space<hbm>>) target(%dma_start3A_329 : memref<32x80xi32, #tpu.memory_space<vmem>>) target_semaphore(%run_scoped3A_311 : memref<!tpu.dma_semaphore, #tpu.memory_space<semaphore_mem>>)
      %dma_wait3A_342 = arith.constant 0 : i32
      %dma_wait3A_343 = arith.constant 0 : i32
      %dma_wait3A_344 = tpu.memref_slice %arg5[%dma_wait3A_342, %dma_wait3A_343] : memref<32x80xi32, #tpu.memory_space<vmem>> -> memref<32x80xi32, #tpu.memory_space<vmem>>
      %dma_wait3A_345 = arith.constant 0 : i32
      %dma_wait3A_346 = arith.constant 0 : i32
      %dma_wait3A_347 = arith.constant 0 : i32
      %dma_wait3A_348 = tpu.memref_slice %arg3[%run_scoped3A, %dma_wait3A_345, %dma_wait3A_346, %dma_wait3A_347] : memref<2x32x125x80xi32, #tpu.memory_space<hbm>> -> memref<1x32x125x80xi32, #tpu.memory_space<hbm>>
      %dma_wait3A_349 = tpu.memref_squeeze %dma_wait3A_348 : memref<1x32x125x80xi32, #tpu.memory_space<hbm>> -> memref<32x125x80xi32, #tpu.memory_space<hbm>>
      %dma_wait3A_350 = arith.constant 0 : i32
      %dma_wait3A_351 = arith.constant 0 : i32
      %dma_wait3A_352 = tpu.memref_slice %dma_wait3A_349[%add3A, %dma_wait3A_350, %dma_wait3A_351] : memref<32x125x80xi32, #tpu.memory_space<hbm>> -> memref<1x125x80xi32, #tpu.memory_space<hbm>>
      %dma_wait3A_353 = tpu.memref_squeeze %dma_wait3A_352 : memref<1x125x80xi32, #tpu.memory_space<hbm>> -> memref<125x80xi32, #tpu.memory_space<hbm>>
      %dma_wait3A_354 = arith.constant 0 : i32
      %dma_wait3A_355 = arith.constant 0 : i32
      %dma_wait3A_356 = tpu.memref_slice %dma_wait3A_353[%dma_wait3A_354, %dma_wait3A_355] : memref<125x80xi32, #tpu.memory_space<hbm>> -> memref<32x80xi32, #tpu.memory_space<hbm>>
      %dma_wait3A_357 = arith.constant 0 : i32
      %dma_wait3A_358 = arith.constant 0 : i32
      %dma_wait3A_359 = tpu.memref_slice %arg5[%dma_wait3A_357, %dma_wait3A_358] : memref<32x80xi32, #tpu.memory_space<vmem>> -> memref<32x80xi32, #tpu.memory_space<vmem>>
      %dma_wait3A_360 = arith.constant 0 : i32
      %dma_wait3A_361 = arith.constant 0 : i32
      %dma_wait3A_362 = arith.constant 0 : i32
      %dma_wait3A_363 = tpu.memref_slice %arg3[%run_scoped3A, %dma_wait3A_360, %dma_wait3A_361, %dma_wait3A_362] : memref<2x32x125x80xi32, #tpu.memory_space<hbm>> -> memref<1x32x125x80xi32, #tpu.memory_space<hbm>>
      %dma_wait3A_364 = tpu.memref_squeeze %dma_wait3A_363 : memref<1x32x125x80xi32, #tpu.memory_space<hbm>> -> memref<32x125x80xi32, #tpu.memory_space<hbm>>
      %dma_wait3A_365 = arith.constant 0 : i32
      %dma_wait3A_366 = arith.constant 0 : i32
      %dma_wait3A_367 = tpu.memref_slice %dma_wait3A_364[%add3A, %dma_wait3A_365, %dma_wait3A_366] : memref<32x125x80xi32, #tpu.memory_space<hbm>> -> memref<1x125x80xi32, #tpu.memory_space<hbm>>
      %dma_wait3A_368 = tpu.memref_squeeze %dma_wait3A_367 : memref<1x125x80xi32, #tpu.memory_space<hbm>> -> memref<125x80xi32, #tpu.memory_space<hbm>>
      %dma_wait3A_369 = arith.constant 0 : i32
      %dma_wait3A_370 = arith.constant 0 : i32
      %dma_wait3A_371 = tpu.memref_slice %dma_wait3A_368[%dma_wait3A_369, %dma_wait3A_370] : memref<125x80xi32, #tpu.memory_space<hbm>> -> memref<32x80xi32, #tpu.memory_space<hbm>>
      tpu.wait_dma2 semaphore(%run_scoped3A_311 : memref<!tpu.dma_semaphore, #tpu.memory_space<semaphore_mem>>) src(%dma_wait3A_371 : memref<32x80xi32, #tpu.memory_space<hbm>>) dst(%dma_wait3A_359 : memref<32x80xi32, #tpu.memory_space<vmem>>)
      tpu.yield
    }) : () -> ()
    %run_scoped3A_78 = arith.constant 1 : i32
    "tpu.region"() ({
      %run_scoped3A_311 = tpu.sem_alloc : memref<!tpu.dma_semaphore, #tpu.memory_space<semaphore_mem>>
      %dma_start3A_312 = arith.constant 0 : i32
      %dma_start3A_313 = arith.constant 0 : i32
      %dma_start3A_314 = tpu.memref_slice %arg6[%dma_start3A_312, %dma_start3A_313] : memref<32x80xi32, #tpu.memory_space<vmem>> -> memref<32x80xi32, #tpu.memory_space<vmem>>
      %dma_start3A_315 = arith.constant 0 : i32
      %dma_start3A_316 = arith.constant 0 : i32
      %dma_start3A_317 = arith.constant 0 : i32
      %dma_start3A_318 = tpu.memref_slice %arg3[%run_scoped3A_78, %dma_start3A_315, %dma_start3A_316, %dma_start3A_317] : memref<2x32x125x80xi32, #tpu.memory_space<hbm>> -> memref<1x32x125x80xi32, #tpu.memory_space<hbm>>
      %dma_start3A_319 = tpu.memref_squeeze %dma_start3A_318 : memref<1x32x125x80xi32, #tpu.memory_space<hbm>> -> memref<32x125x80xi32, #tpu.memory_space<hbm>>
      %dma_start3A_320 = arith.constant 0 : i32
      %dma_start3A_321 = arith.constant 0 : i32
      %dma_start3A_322 = tpu.memref_slice %dma_start3A_319[%add3A, %dma_start3A_320, %dma_start3A_321] : memref<32x125x80xi32, #tpu.memory_space<hbm>> -> memref<1x125x80xi32, #tpu.memory_space<hbm>>
      %dma_start3A_323 = tpu.memref_squeeze %dma_start3A_322 : memref<1x125x80xi32, #tpu.memory_space<hbm>> -> memref<125x80xi32, #tpu.memory_space<hbm>>
      %dma_start3A_324 = arith.constant 0 : i32
      %dma_start3A_325 = arith.constant 0 : i32
      %dma_start3A_326 = tpu.memref_slice %dma_start3A_323[%dma_start3A_324, %dma_start3A_325] : memref<125x80xi32, #tpu.memory_space<hbm>> -> memref<32x80xi32, #tpu.memory_space<hbm>>
      %dma_start3A_327 = arith.constant 0 : i32
      %dma_start3A_328 = arith.constant 0 : i32
      %dma_start3A_329 = tpu.memref_slice %arg6[%dma_start3A_327, %dma_start3A_328] : memref<32x80xi32, #tpu.memory_space<vmem>> -> memref<32x80xi32, #tpu.memory_space<vmem>>
      %dma_start3A_330 = arith.constant 0 : i32
      %dma_start3A_331 = arith.constant 0 : i32
      %dma_start3A_332 = arith.constant 0 : i32
      %dma_start3A_333 = tpu.memref_slice %arg3[%run_scoped3A_78, %dma_start3A_330, %dma_start3A_331, %dma_start3A_332] : memref<2x32x125x80xi32, #tpu.memory_space<hbm>> -> memref<1x32x125x80xi32, #tpu.memory_space<hbm>>
      %dma_start3A_334 = tpu.memref_squeeze %dma_start3A_333 : memref<1x32x125x80xi32, #tpu.memory_space<hbm>> -> memref<32x125x80xi32, #tpu.memory_space<hbm>>
      %dma_start3A_335 = arith.constant 0 : i32
      %dma_start3A_336 = arith.constant 0 : i32
      %dma_start3A_337 = tpu.memref_slice %dma_start3A_334[%add3A, %dma_start3A_335, %dma_start3A_336] : memref<32x125x80xi32, #tpu.memory_space<hbm>> -> memref<1x125x80xi32, #tpu.memory_space<hbm>>
      %dma_start3A_338 = tpu.memref_squeeze %dma_start3A_337 : memref<1x125x80xi32, #tpu.memory_space<hbm>> -> memref<125x80xi32, #tpu.memory_space<hbm>>
      %dma_start3A_339 = arith.constant 0 : i32
      %dma_start3A_340 = arith.constant 0 : i32
      %dma_start3A_341 = tpu.memref_slice %dma_start3A_338[%dma_start3A_339, %dma_start3A_340] : memref<125x80xi32, #tpu.memory_space<hbm>> -> memref<32x80xi32, #tpu.memory_space<hbm>>
      tpu.enqueue_dma source(%dma_start3A_341 : memref<32x80xi32, #tpu.memory_space<hbm>>) target(%dma_start3A_329 : memref<32x80xi32, #tpu.memory_space<vmem>>) target_semaphore(%run_scoped3A_311 : memref<!tpu.dma_semaphore, #tpu.memory_space<semaphore_mem>>)
      %dma_wait3A_342 = arith.constant 0 : i32
      %dma_wait3A_343 = arith.constant 0 : i32
      %dma_wait3A_344 = tpu.memref_slice %arg6[%dma_wait3A_342, %dma_wait3A_343] : memref<32x80xi32, #tpu.memory_space<vmem>> -> memref<32x80xi32, #tpu.memory_space<vmem>>
      %dma_wait3A_345 = arith.constant 0 : i32
      %dma_wait3A_346 = arith.constant 0 : i32
      %dma_wait3A_347 = arith.constant 0 : i32
      %dma_wait3A_348 = tpu.memref_slice %arg3[%run_scoped3A_78, %dma_wait3A_345, %dma_wait3A_346, %dma_wait3A_347] : memref<2x32x125x80xi32, #tpu.memory_space<hbm>> -> memref<1x32x125x80xi32, #tpu.memory_space<hbm>>
      %dma_wait3A_349 = tpu.memref_squeeze %dma_wait3A_348 : memref<1x32x125x80xi32, #tpu.memory_space<hbm>> -> memref<32x125x80xi32, #tpu.memory_space<hbm>>
      %dma_wait3A_350 = arith.constant 0 : i32
      %dma_wait3A_351 = arith.constant 0 : i32
      %dma_wait3A_352 = tpu.memref_slice %dma_wait3A_349[%add3A, %dma_wait3A_350, %dma_wait3A_351] : memref<32x125x80xi32, #tpu.memory_space<hbm>> -> memref<1x125x80xi32, #tpu.memory_space<hbm>>
      %dma_wait3A_353 = tpu.memref_squeeze %dma_wait3A_352 : memref<1x125x80xi32, #tpu.memory_space<hbm>> -> memref<125x80xi32, #tpu.memory_space<hbm>>
      %dma_wait3A_354 = arith.constant 0 : i32
      %dma_wait3A_355 = arith.constant 0 : i32
      %dma_wait3A_356 = tpu.memref_slice %dma_wait3A_353[%dma_wait3A_354, %dma_wait3A_355] : memref<125x80xi32, #tpu.memory_space<hbm>> -> memref<32x80xi32, #tpu.memory_space<hbm>>
      %dma_wait3A_357 = arith.constant 0 : i32
      %dma_wait3A_358 = arith.constant 0 : i32
      %dma_wait3A_359 = tpu.memref_slice %arg6[%dma_wait3A_357, %dma_wait3A_358] : memref<32x80xi32, #tpu.memory_space<vmem>> -> memref<32x80xi32, #tpu.memory_space<vmem>>
      %dma_wait3A_360 = arith.constant 0 : i32
      %dma_wait3A_361 = arith.constant 0 : i32
      %dma_wait3A_362 = arith.constant 0 : i32
      %dma_wait3A_363 = tpu.memref_slice %arg3[%run_scoped3A_78, %dma_wait3A_360, %dma_wait3A_361, %dma_wait3A_362] : memref<2x32x125x80xi32, #tpu.memory_space<hbm>> -> memref<1x32x125x80xi32, #tpu.memory_space<hbm>>
      %dma_wait3A_364 = tpu.memref_squeeze %dma_wait3A_363 : memref<1x32x125x80xi32, #tpu.memory_space<hbm>> -> memref<32x125x80xi32, #tpu.memory_space<hbm>>
      %dma_wait3A_365 = arith.constant 0 : i32
      %dma_wait3A_366 = arith.constant 0 : i32
      %dma_wait3A_367 = tpu.memref_slice %dma_wait3A_364[%add3A, %dma_wait3A_365, %dma_wait3A_366] : memref<32x125x80xi32, #tpu.memory_space<hbm>> -> memref<1x125x80xi32, #tpu.memory_space<hbm>>
      %dma_wait3A_368 = tpu.memref_squeeze %dma_wait3A_367 : memref<1x125x80xi32, #tpu.memory_space<hbm>> -> memref<125x80xi32, #tpu.memory_space<hbm>>
      %dma_wait3A_369 = arith.constant 0 : i32
      %dma_wait3A_370 = arith.constant 0 : i32
      %dma_wait3A_371 = tpu.memref_slice %dma_wait3A_368[%dma_wait3A_369, %dma_wait3A_370] : memref<125x80xi32, #tpu.memory_space<hbm>> -> memref<32x80xi32, #tpu.memory_space<hbm>>
      tpu.wait_dma2 semaphore(%run_scoped3A_311 : memref<!tpu.dma_semaphore, #tpu.memory_space<semaphore_mem>>) src(%dma_wait3A_371 : memref<32x80xi32, #tpu.memory_space<hbm>>) dst(%dma_wait3A_359 : memref<32x80xi32, #tpu.memory_space<vmem>>)
      tpu.yield
    }) : () -> ()
    %mul3A_79 = arith.constant 624 : i32
    %mul3A_80 = arith.muli %arg1, %mul3A_79 : i32
    %add3A_81 = arith.constant 0 : i32
    %add3A_82 = arith.addi %mul3A_80, %add3A_81 : i32
    %dma_wait3A = arith.constant 0 : i32
    %dma_wait3A_83 = tpu.memref_slice %arg10[%add3A_82, %dma_wait3A] : memref<10000x128xf32, #tpu.memory_space<vmem_shared>> -> memref<80x128xf32, #tpu.memory_space<vmem_shared>>
    %dma_wait3A_84 = arith.constant 0 : i32
    %dma_wait3A_85 = tpu.memref_slice %arg10[%add3A_82, %dma_wait3A_84] : memref<10000x128xf32, #tpu.memory_space<vmem_shared>> -> memref<80x128xf32, #tpu.memory_space<vmem_shared>>
    tpu.wait_dma2 semaphore(%arg13 : memref<!tpu.dma_semaphore, #tpu.memory_space<semaphore_mem>>) src(%arg9 : memref<80x128xf32, #tpu.memory_space<vmem>>) dst(%dma_wait3A_85 : memref<80x128xf32, #tpu.memory_space<vmem_shared>>)
    %mul3A_86 = arith.constant 624 : i32
    %mul3A_87 = arith.muli %arg1, %mul3A_86 : i32
    %add3A_88 = arith.constant 80 : i32
    %add3A_89 = arith.addi %mul3A_87, %add3A_88 : i32
    %dma_wait3A_90 = arith.constant 0 : i32
    %dma_wait3A_91 = tpu.memref_slice %arg10[%add3A_89, %dma_wait3A_90] : memref<10000x128xf32, #tpu.memory_space<vmem_shared>> -> memref<80x128xf32, #tpu.memory_space<vmem_shared>>
    %dma_wait3A_92 = arith.constant 0 : i32
    %dma_wait3A_93 = tpu.memref_slice %arg10[%add3A_89, %dma_wait3A_92] : memref<10000x128xf32, #tpu.memory_space<vmem_shared>> -> memref<80x128xf32, #tpu.memory_space<vmem_shared>>
    tpu.wait_dma2 semaphore(%arg13 : memref<!tpu.dma_semaphore, #tpu.memory_space<semaphore_mem>>) src(%arg9 : memref<80x128xf32, #tpu.memory_space<vmem>>) dst(%dma_wait3A_93 : memref<80x128xf32, #tpu.memory_space<vmem_shared>>)
    %mul3A_94 = arith.constant 624 : i32
    %mul3A_95 = arith.muli %arg1, %mul3A_94 : i32
    %add3A_96 = arith.constant 160 : i32
    %add3A_97 = arith.addi %mul3A_95, %add3A_96 : i32
    %dma_wait3A_98 = arith.constant 0 : i32
    %dma_wait3A_99 = tpu.memref_slice %arg10[%add3A_97, %dma_wait3A_98] : memref<10000x128xf32, #tpu.memory_space<vmem_shared>> -> memref<80x128xf32, #tpu.memory_space<vmem_shared>>
    %dma_wait3A_100 = arith.constant 0 : i32
    %dma_wait3A_101 = tpu.memref_slice %arg10[%add3A_97, %dma_wait3A_100] : memref<10000x128xf32, #tpu.memory_space<vmem_shared>> -> memref<80x128xf32, #tpu.memory_space<vmem_shared>>
    tpu.wait_dma2 semaphore(%arg13 : memref<!tpu.dma_semaphore, #tpu.memory_space<semaphore_mem>>) src(%arg9 : memref<80x128xf32, #tpu.memory_space<vmem>>) dst(%dma_wait3A_101 : memref<80x128xf32, #tpu.memory_space<vmem_shared>>)
    %mul3A_102 = arith.constant 624 : i32
    %mul3A_103 = arith.muli %arg1, %mul3A_102 : i32
    %add3A_104 = arith.constant 240 : i32
    %add3A_105 = arith.addi %mul3A_103, %add3A_104 : i32
    %dma_wait3A_106 = arith.constant 0 : i32
    %dma_wait3A_107 = tpu.memref_slice %arg10[%add3A_105, %dma_wait3A_106] : memref<10000x128xf32, #tpu.memory_space<vmem_shared>> -> memref<80x128xf32, #tpu.memory_space<vmem_shared>>
    %dma_wait3A_108 = arith.constant 0 : i32
    %dma_wait3A_109 = tpu.memref_slice %arg10[%add3A_105, %dma_wait3A_108] : memref<10000x128xf32, #tpu.memory_space<vmem_shared>> -> memref<80x128xf32, #tpu.memory_space<vmem_shared>>
    tpu.wait_dma2 semaphore(%arg13 : memref<!tpu.dma_semaphore, #tpu.memory_space<semaphore_mem>>) src(%arg9 : memref<80x128xf32, #tpu.memory_space<vmem>>) dst(%dma_wait3A_109 : memref<80x128xf32, #tpu.memory_space<vmem_shared>>)
    %mul3A_110 = arith.constant 624 : i32
    %mul3A_111 = arith.muli %arg1, %mul3A_110 : i32
    %add3A_112 = arith.constant 320 : i32
    %add3A_113 = arith.addi %mul3A_111, %add3A_112 : i32
    %dma_wait3A_114 = arith.constant 0 : i32
    %dma_wait3A_115 = tpu.memref_slice %arg10[%add3A_113, %dma_wait3A_114] : memref<10000x128xf32, #tpu.memory_space<vmem_shared>> -> memref<80x128xf32, #tpu.memory_space<vmem_shared>>
    %dma_wait3A_116 = arith.constant 0 : i32
    %dma_wait3A_117 = tpu.memref_slice %arg10[%add3A_113, %dma_wait3A_116] : memref<10000x128xf32, #tpu.memory_space<vmem_shared>> -> memref<80x128xf32, #tpu.memory_space<vmem_shared>>
    tpu.wait_dma2 semaphore(%arg13 : memref<!tpu.dma_semaphore, #tpu.memory_space<semaphore_mem>>) src(%arg9 : memref<80x128xf32, #tpu.memory_space<vmem>>) dst(%dma_wait3A_117 : memref<80x128xf32, #tpu.memory_space<vmem_shared>>)
    %mul3A_118 = arith.constant 624 : i32
    %mul3A_119 = arith.muli %arg1, %mul3A_118 : i32
    %add3A_120 = arith.constant 400 : i32
    %add3A_121 = arith.addi %mul3A_119, %add3A_120 : i32
    %dma_wait3A_122 = arith.constant 0 : i32
    %dma_wait3A_123 = tpu.memref_slice %arg10[%add3A_121, %dma_wait3A_122] : memref<10000x128xf32, #tpu.memory_space<vmem_shared>> -> memref<80x128xf32, #tpu.memory_space<vmem_shared>>
    %dma_wait3A_124 = arith.constant 0 : i32
    %dma_wait3A_125 = tpu.memref_slice %arg10[%add3A_121, %dma_wait3A_124] : memref<10000x128xf32, #tpu.memory_space<vmem_shared>> -> memref<80x128xf32, #tpu.memory_space<vmem_shared>>
    tpu.wait_dma2 semaphore(%arg13 : memref<!tpu.dma_semaphore, #tpu.memory_space<semaphore_mem>>) src(%arg9 : memref<80x128xf32, #tpu.memory_space<vmem>>) dst(%dma_wait3A_125 : memref<80x128xf32, #tpu.memory_space<vmem_shared>>)
    %mul3A_126 = arith.constant 624 : i32
    %mul3A_127 = arith.muli %arg1, %mul3A_126 : i32
    %add3A_128 = arith.constant 480 : i32
    %add3A_129 = arith.addi %mul3A_127, %add3A_128 : i32
    %dma_wait3A_130 = arith.constant 0 : i32
    %dma_wait3A_131 = tpu.memref_slice %arg10[%add3A_129, %dma_wait3A_130] : memref<10000x128xf32, #tpu.memory_space<vmem_shared>> -> memref<80x128xf32, #tpu.memory_space<vmem_shared>>
    %dma_wait3A_132 = arith.constant 0 : i32
    %dma_wait3A_133 = tpu.memref_slice %arg10[%add3A_129, %dma_wait3A_132] : memref<10000x128xf32, #tpu.memory_space<vmem_shared>> -> memref<80x128xf32, #tpu.memory_space<vmem_shared>>
    tpu.wait_dma2 semaphore(%arg13 : memref<!tpu.dma_semaphore, #tpu.memory_space<semaphore_mem>>) src(%arg9 : memref<80x128xf32, #tpu.memory_space<vmem>>) dst(%dma_wait3A_133 : memref<80x128xf32, #tpu.memory_space<vmem_shared>>)
    %mul3A_134 = arith.constant 624 : i32
    %mul3A_135 = arith.muli %arg1, %mul3A_134 : i32
    %add3A_136 = arith.constant 624 : i32
    %add3A_137 = arith.addi %mul3A_135, %add3A_136 : i32
    %sub3A_138 = arith.constant 64 : i32
    %sub3A_139 = arith.subi %add3A_137, %sub3A_138 : i32
    %dma_wait3A_140 = arith.constant 0 : i32
    %dma_wait3A_141 = arith.constant 0 : i32
    %dma_wait3A_142 = tpu.memref_slice %arg9[%dma_wait3A_140, %dma_wait3A_141] : memref<80x128xf32, #tpu.memory_space<vmem>> -> memref<64x128xf32, #tpu.memory_space<vmem>>
    %dma_wait3A_143 = arith.constant 0 : i32
    %dma_wait3A_144 = tpu.memref_slice %arg10[%sub3A_139, %dma_wait3A_143] : memref<10000x128xf32, #tpu.memory_space<vmem_shared>> -> memref<64x128xf32, #tpu.memory_space<vmem_shared>>
    %dma_wait3A_145 = arith.constant 0 : i32
    %dma_wait3A_146 = tpu.memref_slice %arg10[%sub3A_139, %dma_wait3A_145] : memref<10000x128xf32, #tpu.memory_space<vmem_shared>> -> memref<64x128xf32, #tpu.memory_space<vmem_shared>>
    %dma_wait3A_147 = arith.constant 0 : i32
    %dma_wait3A_148 = arith.constant 0 : i32
    %dma_wait3A_149 = tpu.memref_slice %arg9[%dma_wait3A_147, %dma_wait3A_148] : memref<80x128xf32, #tpu.memory_space<vmem>> -> memref<64x128xf32, #tpu.memory_space<vmem>>
    tpu.wait_dma2 semaphore(%arg13 : memref<!tpu.dma_semaphore, #tpu.memory_space<semaphore_mem>>) src(%dma_wait3A_149 : memref<64x128xf32, #tpu.memory_space<vmem>>) dst(%dma_wait3A_146 : memref<64x128xf32, #tpu.memory_space<vmem_shared>>)
    %eq3A_150 = arith.constant 15 : i32
    %eq3A_151 = arith.cmpi eq, %arg1, %eq3A_150 : i32
    %convert_element_type3A_152 = arith.extui %eq3A_151 : i1 to i32
    %cond3A_153 = arith.constant 0 : i32
    %cond3A_154 = arith.cmpi ne, %convert_element_type3A_152, %cond3A_153 : i32
    scf.if %cond3A_154 {
      %dma_wait3A_311 = arith.constant 0 : i32
      %dma_wait3A_312 = arith.constant 0 : i32
      %dma_wait3A_313 = tpu.memref_slice %arg9[%dma_wait3A_311, %dma_wait3A_312] : memref<80x128xf32, #tpu.memory_space<vmem>> -> memref<16x128xf32, #tpu.memory_space<vmem>>
      %dma_wait3A_314 = arith.constant 9984 : i32
      %dma_wait3A_315 = arith.constant 0 : i32
      %dma_wait3A_316 = tpu.memref_slice %arg10[%dma_wait3A_314, %dma_wait3A_315] : memref<10000x128xf32, #tpu.memory_space<vmem_shared>> -> memref<16x128xf32, #tpu.memory_space<vmem_shared>>
      %dma_wait3A_317 = arith.constant 9984 : i32
      %dma_wait3A_318 = arith.constant 0 : i32
      %dma_wait3A_319 = tpu.memref_slice %arg10[%dma_wait3A_317, %dma_wait3A_318] : memref<10000x128xf32, #tpu.memory_space<vmem_shared>> -> memref<16x128xf32, #tpu.memory_space<vmem_shared>>
      %dma_wait3A_320 = arith.constant 0 : i32
      %dma_wait3A_321 = arith.constant 0 : i32
      %dma_wait3A_322 = tpu.memref_slice %arg9[%dma_wait3A_320, %dma_wait3A_321] : memref<80x128xf32, #tpu.memory_space<vmem>> -> memref<16x128xf32, #tpu.memory_space<vmem>>
      tpu.wait_dma2 semaphore(%arg13 : memref<!tpu.dma_semaphore, #tpu.memory_space<semaphore_mem>>) src(%dma_wait3A_322 : memref<16x128xf32, #tpu.memory_space<vmem>>) dst(%dma_wait3A_319 : memref<16x128xf32, #tpu.memory_space<vmem_shared>>)
    } else {
    }
    %barrier3A = arith.constant 0 : index
    tpu.barrier barrier_id(%barrier3A)
    %dma_start3A_155 = arith.constant 0 : i32
    %dma_start3A_156 = arith.constant 0 : i32
    %dma_start3A_157 = tpu.memref_slice %arg5[%dma_start3A_155, %dma_start3A_156] : memref<32x80xi32, #tpu.memory_space<vmem>> -> memref<1x80xi32, #tpu.memory_space<vmem>>
    %dma_start3A_158 = tpu.memref_squeeze %dma_start3A_157 : memref<1x80xi32, #tpu.memory_space<vmem>> -> memref<80xi32, #tpu.memory_space<vmem>>
    %dma_start3A_159 = arith.constant 0 : i32
    %dma_start3A_160 = arith.constant 0 : i32
    %dma_start3A_161 = tpu.memref_slice %arg2[%dma_start3A_159, %dma_start3A_160] : memref<10000x128xf32, #tpu.memory_space<hbm>> -> memref<10000x128xf32, #tpu.memory_space<hbm>>
    tpu.enqueue_indirect_dma source(%dma_start3A_161 : memref<10000x128xf32, #tpu.memory_space<hbm>>) target(%arg7 : memref<80x128xf32, #tpu.memory_space<vmem>>) offsets(%dma_start3A_158 : memref<80xi32, #tpu.memory_space<vmem>>) semaphore(%arg11 : memref<!tpu.dma_semaphore, #tpu.memory_space<semaphore_mem>>)
    %dma_start3A_162 = arith.constant 1 : i32
    %dma_start3A_163 = arith.constant 0 : i32
    %dma_start3A_164 = tpu.memref_slice %arg5[%dma_start3A_162, %dma_start3A_163] : memref<32x80xi32, #tpu.memory_space<vmem>> -> memref<1x80xi32, #tpu.memory_space<vmem>>
    %dma_start3A_165 = tpu.memref_squeeze %dma_start3A_164 : memref<1x80xi32, #tpu.memory_space<vmem>> -> memref<80xi32, #tpu.memory_space<vmem>>
    %dma_start3A_166 = arith.constant 0 : i32
    %dma_start3A_167 = arith.constant 0 : i32
    %dma_start3A_168 = tpu.memref_slice %arg2[%dma_start3A_166, %dma_start3A_167] : memref<10000x128xf32, #tpu.memory_space<hbm>> -> memref<10000x128xf32, #tpu.memory_space<hbm>>
    tpu.enqueue_indirect_dma source(%dma_start3A_168 : memref<10000x128xf32, #tpu.memory_space<hbm>>) target(%arg8 : memref<80x128xf32, #tpu.memory_space<vmem>>) offsets(%dma_start3A_165 : memref<80xi32, #tpu.memory_space<vmem>>) semaphore(%arg12 : memref<!tpu.dma_semaphore, #tpu.memory_space<semaphore_mem>>)
    %scan3A_169 = arith.constant 0 : i32
    %scan3A_170 = arith.constant 10 : i32
    %scan3A_171 = arith.addi %scan3A_169, %scan3A_170 : i32
    %scan3A_172 = arith.constant 1 : i32
    scf.for %scan3A_311 = %scan3A_169 to %scan3A_171 step %scan3A_172  : i32 {
      %mul3A_312 = arith.constant 1 : i32
      %mul3A_313 = arith.muli %scan3A_311, %mul3A_312 : i32
      %add3A_314 = arith.constant 0 : i32
      %add3A_315 = arith.addi %add3A_314, %mul3A_313 : i32
      %mul3A_316 = arith.constant 3 : i32
      %mul3A_317 = arith.muli %mul3A_316, %add3A_315 : i32
      %add3A_318 = arith.constant 0 : i32
      %add3A_319 = arith.addi %mul3A_317, %add3A_318 : i32
      %add3A_320 = arith.constant 3 : i32
      %add3A_321 = arith.addi %add3A_319, %add3A_320 : i32
      %sub3A_322 = arith.constant 1 : i32
      %sub3A_323 = arith.subi %add3A_321, %sub3A_322 : i32
      %dma_start3A_324 = arith.constant 0 : i32
      %dma_start3A_325 = tpu.memref_slice %arg5[%sub3A_323, %dma_start3A_324] : memref<32x80xi32, #tpu.memory_space<vmem>> -> memref<1x80xi32, #tpu.memory_space<vmem>>
      %dma_start3A_326 = tpu.memref_squeeze %dma_start3A_325 : memref<1x80xi32, #tpu.memory_space<vmem>> -> memref<80xi32, #tpu.memory_space<vmem>>
      %dma_start3A_327 = arith.constant 0 : i32
      %dma_start3A_328 = arith.constant 0 : i32
      %dma_start3A_329 = tpu.memref_slice %arg2[%dma_start3A_327, %dma_start3A_328] : memref<10000x128xf32, #tpu.memory_space<hbm>> -> memref<10000x128xf32, #tpu.memory_space<hbm>>
      tpu.enqueue_indirect_dma source(%dma_start3A_329 : memref<10000x128xf32, #tpu.memory_space<hbm>>) target(%arg9 : memref<80x128xf32, #tpu.memory_space<vmem>>) offsets(%dma_start3A_326 : memref<80xi32, #tpu.memory_space<vmem>>) semaphore(%arg13 : memref<!tpu.dma_semaphore, #tpu.memory_space<semaphore_mem>>)
      %dma_wait3A_330 = arith.constant 0 : i32
      %dma_wait3A_331 = arith.constant 0 : i32
      %dma_wait3A_332 = tpu.memref_slice %arg5[%dma_wait3A_330, %dma_wait3A_331] : memref<32x80xi32, #tpu.memory_space<vmem>> -> memref<1x80xi32, #tpu.memory_space<vmem>>
      %dma_wait3A_333 = tpu.memref_squeeze %dma_wait3A_332 : memref<1x80xi32, #tpu.memory_space<vmem>> -> memref<80xi32, #tpu.memory_space<vmem>>
      %dma_wait3A_334 = arith.constant 0 : i32
      %dma_wait3A_335 = arith.constant 0 : i32
      %dma_wait3A_336 = tpu.memref_slice %arg2[%dma_wait3A_334, %dma_wait3A_335] : memref<10000x128xf32, #tpu.memory_space<hbm>> -> memref<10000x128xf32, #tpu.memory_space<hbm>>
      tpu.wait_indirect_dma semaphore(%arg11 : memref<!tpu.dma_semaphore, #tpu.memory_space<semaphore_mem>>) src(%dma_wait3A_336 : memref<10000x128xf32, #tpu.memory_space<hbm>>) dst(%arg7 : memref<80x128xf32, #tpu.memory_space<vmem>>)
      %add3A_337 = arith.constant 0 : i32
      %add3A_338 = arith.addi %mul3A_317, %add3A_337 : i32
      "tpu.region"() ({
        %run_scoped3A_381 = tpu.sem_alloc : memref<!tpu.dma_semaphore, #tpu.memory_space<semaphore_mem>>
        %dma_start3A_382 = arith.constant 0 : i32
        %dma_start3A_383 = tpu.memref_slice %arg6[%add3A_338, %dma_start3A_382] : memref<32x80xi32, #tpu.memory_space<vmem>> -> memref<1x80xi32, #tpu.memory_space<vmem>>
        %dma_start3A_384 = tpu.memref_squeeze %dma_start3A_383 : memref<1x80xi32, #tpu.memory_space<vmem>> -> memref<80xi32, #tpu.memory_space<vmem>>
        %dma_start3A_385 = arith.constant 0 : i32
        %dma_start3A_386 = arith.constant 0 : i32
        %dma_start3A_387 = tpu.memref_slice %arg10[%dma_start3A_385, %dma_start3A_386] : memref<10000x128xf32, #tpu.memory_space<vmem_shared>> -> memref<10000x128xf32, #tpu.memory_space<vmem_shared>>
        tpu.enqueue_indirect_dma source(%arg7 : memref<80x128xf32, #tpu.memory_space<vmem>>) target(%dma_start3A_387 : memref<10000x128xf32, #tpu.memory_space<vmem_shared>>) offsets(%dma_start3A_384 : memref<80xi32, #tpu.memory_space<vmem>>) semaphore(%run_scoped3A_381 : memref<!tpu.dma_semaphore, #tpu.memory_space<semaphore_mem>>) {add = true}
        %dma_wait3A_388 = arith.constant 0 : i32
        %dma_wait3A_389 = tpu.memref_slice %arg6[%add3A_338, %dma_wait3A_388] : memref<32x80xi32, #tpu.memory_space<vmem>> -> memref<1x80xi32, #tpu.memory_space<vmem>>
        %dma_wait3A_390 = tpu.memref_squeeze %dma_wait3A_389 : memref<1x80xi32, #tpu.memory_space<vmem>> -> memref<80xi32, #tpu.memory_space<vmem>>
        %dma_wait3A_391 = arith.constant 0 : i32
        %dma_wait3A_392 = arith.constant 0 : i32
        %dma_wait3A_393 = tpu.memref_slice %arg10[%dma_wait3A_391, %dma_wait3A_392] : memref<10000x128xf32, #tpu.memory_space<vmem_shared>> -> memref<10000x128xf32, #tpu.memory_space<vmem_shared>>
        tpu.wait_indirect_dma semaphore(%run_scoped3A_381 : memref<!tpu.dma_semaphore, #tpu.memory_space<semaphore_mem>>) src(%arg7 : memref<80x128xf32, #tpu.memory_space<vmem>>) dst(%dma_wait3A_393 : memref<10000x128xf32, #tpu.memory_space<vmem_shared>>)
        tpu.yield
      }) : () -> ()
      %add3A_339 = arith.constant 1 : i32
      %add3A_340 = arith.addi %mul3A_317, %add3A_339 : i32
      %add3A_341 = arith.constant 3 : i32
      %add3A_342 = arith.addi %add3A_340, %add3A_341 : i32
      %sub3A_343 = arith.constant 1 : i32
      %sub3A_344 = arith.subi %add3A_342, %sub3A_343 : i32
      %dma_start3A_345 = arith.constant 0 : i32
      %dma_start3A_346 = tpu.memref_slice %arg5[%sub3A_344, %dma_start3A_345] : memref<32x80xi32, #tpu.memory_space<vmem>> -> memref<1x80xi32, #tpu.memory_space<vmem>>
      %dma_start3A_347 = tpu.memref_squeeze %dma_start3A_346 : memref<1x80xi32, #tpu.memory_space<vmem>> -> memref<80xi32, #tpu.memory_space<vmem>>
      %dma_start3A_348 = arith.constant 0 : i32
      %dma_start3A_349 = arith.constant 0 : i32
      %dma_start3A_350 = tpu.memref_slice %arg2[%dma_start3A_348, %dma_start3A_349] : memref<10000x128xf32, #tpu.memory_space<hbm>> -> memref<10000x128xf32, #tpu.memory_space<hbm>>
      tpu.enqueue_indirect_dma source(%dma_start3A_350 : memref<10000x128xf32, #tpu.memory_space<hbm>>) target(%arg7 : memref<80x128xf32, #tpu.memory_space<vmem>>) offsets(%dma_start3A_347 : memref<80xi32, #tpu.memory_space<vmem>>) semaphore(%arg11 : memref<!tpu.dma_semaphore, #tpu.memory_space<semaphore_mem>>)
      %dma_wait3A_351 = arith.constant 0 : i32
      %dma_wait3A_352 = arith.constant 0 : i32
      %dma_wait3A_353 = tpu.memref_slice %arg5[%dma_wait3A_351, %dma_wait3A_352] : memref<32x80xi32, #tpu.memory_space<vmem>> -> memref<1x80xi32, #tpu.memory_space<vmem>>
      %dma_wait3A_354 = tpu.memref_squeeze %dma_wait3A_353 : memref<1x80xi32, #tpu.memory_space<vmem>> -> memref<80xi32, #tpu.memory_space<vmem>>
      %dma_wait3A_355 = arith.constant 0 : i32
      %dma_wait3A_356 = arith.constant 0 : i32
      %dma_wait3A_357 = tpu.memref_slice %arg2[%dma_wait3A_355, %dma_wait3A_356] : memref<10000x128xf32, #tpu.memory_space<hbm>> -> memref<10000x128xf32, #tpu.memory_space<hbm>>
      tpu.wait_indirect_dma semaphore(%arg12 : memref<!tpu.dma_semaphore, #tpu.memory_space<semaphore_mem>>) src(%dma_wait3A_357 : memref<10000x128xf32, #tpu.memory_space<hbm>>) dst(%arg8 : memref<80x128xf32, #tpu.memory_space<vmem>>)
      %add3A_358 = arith.constant 1 : i32
      %add3A_359 = arith.addi %mul3A_317, %add3A_358 : i32
      "tpu.region"() ({
        %run_scoped3A_381 = tpu.sem_alloc : memref<!tpu.dma_semaphore, #tpu.memory_space<semaphore_mem>>
        %dma_start3A_382 = arith.constant 0 : i32
        %dma_start3A_383 = tpu.memref_slice %arg6[%add3A_359, %dma_start3A_382] : memref<32x80xi32, #tpu.memory_space<vmem>> -> memref<1x80xi32, #tpu.memory_space<vmem>>
        %dma_start3A_384 = tpu.memref_squeeze %dma_start3A_383 : memref<1x80xi32, #tpu.memory_space<vmem>> -> memref<80xi32, #tpu.memory_space<vmem>>
        %dma_start3A_385 = arith.constant 0 : i32
        %dma_start3A_386 = arith.constant 0 : i32
        %dma_start3A_387 = tpu.memref_slice %arg10[%dma_start3A_385, %dma_start3A_386] : memref<10000x128xf32, #tpu.memory_space<vmem_shared>> -> memref<10000x128xf32, #tpu.memory_space<vmem_shared>>
        tpu.enqueue_indirect_dma source(%arg8 : memref<80x128xf32, #tpu.memory_space<vmem>>) target(%dma_start3A_387 : memref<10000x128xf32, #tpu.memory_space<vmem_shared>>) offsets(%dma_start3A_384 : memref<80xi32, #tpu.memory_space<vmem>>) semaphore(%run_scoped3A_381 : memref<!tpu.dma_semaphore, #tpu.memory_space<semaphore_mem>>) {add = true}
        %dma_wait3A_388 = arith.constant 0 : i32
        %dma_wait3A_389 = tpu.memref_slice %arg6[%add3A_359, %dma_wait3A_388] : memref<32x80xi32, #tpu.memory_space<vmem>> -> memref<1x80xi32, #tpu.memory_space<vmem>>
        %dma_wait3A_390 = tpu.memref_squeeze %dma_wait3A_389 : memref<1x80xi32, #tpu.memory_space<vmem>> -> memref<80xi32, #tpu.memory_space<vmem>>
        %dma_wait3A_391 = arith.constant 0 : i32
        %dma_wait3A_392 = arith.constant 0 : i32
        %dma_wait3A_393 = tpu.memref_slice %arg10[%dma_wait3A_391, %dma_wait3A_392] : memref<10000x128xf32, #tpu.memory_space<vmem_shared>> -> memref<10000x128xf32, #tpu.memory_space<vmem_shared>>
        tpu.wait_indirect_dma semaphore(%run_scoped3A_381 : memref<!tpu.dma_semaphore, #tpu.memory_space<semaphore_mem>>) src(%arg8 : memref<80x128xf32, #tpu.memory_space<vmem>>) dst(%dma_wait3A_393 : memref<10000x128xf32, #tpu.memory_space<vmem_shared>>)
        tpu.yield
      }) : () -> ()
      %add3A_360 = arith.constant 2 : i32
      %add3A_361 = arith.addi %mul3A_317, %add3A_360 : i32
      %add3A_362 = arith.constant 3 : i32
      %add3A_363 = arith.addi %add3A_361, %add3A_362 : i32
      %sub3A_364 = arith.constant 1 : i32
      %sub3A_365 = arith.subi %add3A_363, %sub3A_364 : i32
      %dma_start3A_366 = arith.constant 0 : i32
      %dma_start3A_367 = tpu.memref_slice %arg5[%sub3A_365, %dma_start3A_366] : memref<32x80xi32, #tpu.memory_space<vmem>> -> memref<1x80xi32, #tpu.memory_space<vmem>>
      %dma_start3A_368 = tpu.memref_squeeze %dma_start3A_367 : memref<1x80xi32, #tpu.memory_space<vmem>> -> memref<80xi32, #tpu.memory_space<vmem>>
      %dma_start3A_369 = arith.constant 0 : i32
      %dma_start3A_370 = arith.constant 0 : i32
      %dma_start3A_371 = tpu.memref_slice %arg2[%dma_start3A_369, %dma_start3A_370] : memref<10000x128xf32, #tpu.memory_space<hbm>> -> memref<10000x128xf32, #tpu.memory_space<hbm>>
      tpu.enqueue_indirect_dma source(%dma_start3A_371 : memref<10000x128xf32, #tpu.memory_space<hbm>>) target(%arg8 : memref<80x128xf32, #tpu.memory_space<vmem>>) offsets(%dma_start3A_368 : memref<80xi32, #tpu.memory_space<vmem>>) semaphore(%arg12 : memref<!tpu.dma_semaphore, #tpu.memory_space<semaphore_mem>>)
      %dma_wait3A_372 = arith.constant 0 : i32
      %dma_wait3A_373 = arith.constant 0 : i32
      %dma_wait3A_374 = tpu.memref_slice %arg5[%dma_wait3A_372, %dma_wait3A_373] : memref<32x80xi32, #tpu.memory_space<vmem>> -> memref<1x80xi32, #tpu.memory_space<vmem>>
      %dma_wait3A_375 = tpu.memref_squeeze %dma_wait3A_374 : memref<1x80xi32, #tpu.memory_space<vmem>> -> memref<80xi32, #tpu.memory_space<vmem>>
      %dma_wait3A_376 = arith.constant 0 : i32
      %dma_wait3A_377 = arith.constant 0 : i32
      %dma_wait3A_378 = tpu.memref_slice %arg2[%dma_wait3A_376, %dma_wait3A_377] : memref<10000x128xf32, #tpu.memory_space<hbm>> -> memref<10000x128xf32, #tpu.memory_space<hbm>>
      tpu.wait_indirect_dma semaphore(%arg13 : memref<!tpu.dma_semaphore, #tpu.memory_space<semaphore_mem>>) src(%dma_wait3A_378 : memref<10000x128xf32, #tpu.memory_space<hbm>>) dst(%arg9 : memref<80x128xf32, #tpu.memory_space<vmem>>)
      %add3A_379 = arith.constant 2 : i32
      %add3A_380 = arith.addi %mul3A_317, %add3A_379 : i32
      "tpu.region"() ({
        %run_scoped3A_381 = tpu.sem_alloc : memref<!tpu.dma_semaphore, #tpu.memory_space<semaphore_mem>>
        %dma_start3A_382 = arith.constant 0 : i32
        %dma_start3A_383 = tpu.memref_slice %arg6[%add3A_380, %dma_start3A_382] : memref<32x80xi32, #tpu.memory_space<vmem>> -> memref<1x80xi32, #tpu.memory_space<vmem>>
        %dma_start3A_384 = tpu.memref_squeeze %dma_start3A_383 : memref<1x80xi32, #tpu.memory_space<vmem>> -> memref<80xi32, #tpu.memory_space<vmem>>
        %dma_start3A_385 = arith.constant 0 : i32
        %dma_start3A_386 = arith.constant 0 : i32
        %dma_start3A_387 = tpu.memref_slice %arg10[%dma_start3A_385, %dma_start3A_386] : memref<10000x128xf32, #tpu.memory_space<vmem_shared>> -> memref<10000x128xf32, #tpu.memory_space<vmem_shared>>
        tpu.enqueue_indirect_dma source(%arg9 : memref<80x128xf32, #tpu.memory_space<vmem>>) target(%dma_start3A_387 : memref<10000x128xf32, #tpu.memory_space<vmem_shared>>) offsets(%dma_start3A_384 : memref<80xi32, #tpu.memory_space<vmem>>) semaphore(%run_scoped3A_381 : memref<!tpu.dma_semaphore, #tpu.memory_space<semaphore_mem>>) {add = true}
        %dma_wait3A_388 = arith.constant 0 : i32
        %dma_wait3A_389 = tpu.memref_slice %arg6[%add3A_380, %dma_wait3A_388] : memref<32x80xi32, #tpu.memory_space<vmem>> -> memref<1x80xi32, #tpu.memory_space<vmem>>
        %dma_wait3A_390 = tpu.memref_squeeze %dma_wait3A_389 : memref<1x80xi32, #tpu.memory_space<vmem>> -> memref<80xi32, #tpu.memory_space<vmem>>
        %dma_wait3A_391 = arith.constant 0 : i32
        %dma_wait3A_392 = arith.constant 0 : i32
        %dma_wait3A_393 = tpu.memref_slice %arg10[%dma_wait3A_391, %dma_wait3A_392] : memref<10000x128xf32, #tpu.memory_space<vmem_shared>> -> memref<10000x128xf32, #tpu.memory_space<vmem_shared>>
        tpu.wait_indirect_dma semaphore(%run_scoped3A_381 : memref<!tpu.dma_semaphore, #tpu.memory_space<semaphore_mem>>) src(%arg9 : memref<80x128xf32, #tpu.memory_space<vmem>>) dst(%dma_wait3A_393 : memref<10000x128xf32, #tpu.memory_space<vmem_shared>>)
        tpu.yield
      }) : () -> ()
    }
    %scan3A_173 = arith.constant 10 : i32
    %dma_wait3A_174 = arith.constant 0 : i32
    %dma_wait3A_175 = arith.constant 0 : i32
    %dma_wait3A_176 = tpu.memref_slice %arg5[%dma_wait3A_174, %dma_wait3A_175] : memref<32x80xi32, #tpu.memory_space<vmem>> -> memref<1x80xi32, #tpu.memory_space<vmem>>
    %dma_wait3A_177 = tpu.memref_squeeze %dma_wait3A_176 : memref<1x80xi32, #tpu.memory_space<vmem>> -> memref<80xi32, #tpu.memory_space<vmem>>
    %dma_wait3A_178 = arith.constant 0 : i32
    %dma_wait3A_179 = arith.constant 0 : i32
    %dma_wait3A_180 = tpu.memref_slice %arg2[%dma_wait3A_178, %dma_wait3A_179] : memref<10000x128xf32, #tpu.memory_space<hbm>> -> memref<10000x128xf32, #tpu.memory_space<hbm>>
    tpu.wait_indirect_dma semaphore(%arg11 : memref<!tpu.dma_semaphore, #tpu.memory_space<semaphore_mem>>) src(%dma_wait3A_180 : memref<10000x128xf32, #tpu.memory_space<hbm>>) dst(%arg7 : memref<80x128xf32, #tpu.memory_space<vmem>>)
    %run_scoped3A_181 = arith.constant 30 : i32
    "tpu.region"() ({
      %run_scoped3A_311 = tpu.sem_alloc : memref<!tpu.dma_semaphore, #tpu.memory_space<semaphore_mem>>
      %dma_start3A_312 = arith.constant 0 : i32
      %dma_start3A_313 = tpu.memref_slice %arg6[%run_scoped3A_181, %dma_start3A_312] : memref<32x80xi32, #tpu.memory_space<vmem>> -> memref<1x80xi32, #tpu.memory_space<vmem>>
      %dma_start3A_314 = tpu.memref_squeeze %dma_start3A_313 : memref<1x80xi32, #tpu.memory_space<vmem>> -> memref<80xi32, #tpu.memory_space<vmem>>
      %dma_start3A_315 = arith.constant 0 : i32
      %dma_start3A_316 = arith.constant 0 : i32
      %dma_start3A_317 = tpu.memref_slice %arg10[%dma_start3A_315, %dma_start3A_316] : memref<10000x128xf32, #tpu.memory_space<vmem_shared>> -> memref<10000x128xf32, #tpu.memory_space<vmem_shared>>
      tpu.enqueue_indirect_dma source(%arg7 : memref<80x128xf32, #tpu.memory_space<vmem>>) target(%dma_start3A_317 : memref<10000x128xf32, #tpu.memory_space<vmem_shared>>) offsets(%dma_start3A_314 : memref<80xi32, #tpu.memory_space<vmem>>) semaphore(%run_scoped3A_311 : memref<!tpu.dma_semaphore, #tpu.memory_space<semaphore_mem>>) {add = true}
      %dma_wait3A_318 = arith.constant 0 : i32
      %dma_wait3A_319 = tpu.memref_slice %arg6[%run_scoped3A_181, %dma_wait3A_318] : memref<32x80xi32, #tpu.memory_space<vmem>> -> memref<1x80xi32, #tpu.memory_space<vmem>>
      %dma_wait3A_320 = tpu.memref_squeeze %dma_wait3A_319 : memref<1x80xi32, #tpu.memory_space<vmem>> -> memref<80xi32, #tpu.memory_space<vmem>>
      %dma_wait3A_321 = arith.constant 0 : i32
      %dma_wait3A_322 = arith.constant 0 : i32
      %dma_wait3A_323 = tpu.memref_slice %arg10[%dma_wait3A_321, %dma_wait3A_322] : memref<10000x128xf32, #tpu.memory_space<vmem_shared>> -> memref<10000x128xf32, #tpu.memory_space<vmem_shared>>
      tpu.wait_indirect_dma semaphore(%run_scoped3A_311 : memref<!tpu.dma_semaphore, #tpu.memory_space<semaphore_mem>>) src(%arg7 : memref<80x128xf32, #tpu.memory_space<vmem>>) dst(%dma_wait3A_323 : memref<10000x128xf32, #tpu.memory_space<vmem_shared>>)
      tpu.yield
    }) : () -> ()
    %dma_wait3A_182 = arith.constant 0 : i32
    %dma_wait3A_183 = arith.constant 0 : i32
    %dma_wait3A_184 = tpu.memref_slice %arg5[%dma_wait3A_182, %dma_wait3A_183] : memref<32x80xi32, #tpu.memory_space<vmem>> -> memref<1x80xi32, #tpu.memory_space<vmem>>
    %dma_wait3A_185 = tpu.memref_squeeze %dma_wait3A_184 : memref<1x80xi32, #tpu.memory_space<vmem>> -> memref<80xi32, #tpu.memory_space<vmem>>
    %dma_wait3A_186 = arith.constant 0 : i32
    %dma_wait3A_187 = arith.constant 0 : i32
    %dma_wait3A_188 = tpu.memref_slice %arg2[%dma_wait3A_186, %dma_wait3A_187] : memref<10000x128xf32, #tpu.memory_space<hbm>> -> memref<10000x128xf32, #tpu.memory_space<hbm>>
    tpu.wait_indirect_dma semaphore(%arg12 : memref<!tpu.dma_semaphore, #tpu.memory_space<semaphore_mem>>) src(%dma_wait3A_188 : memref<10000x128xf32, #tpu.memory_space<hbm>>) dst(%arg8 : memref<80x128xf32, #tpu.memory_space<vmem>>)
    %run_scoped3A_189 = arith.constant 31 : i32
    "tpu.region"() ({
      %run_scoped3A_311 = tpu.sem_alloc : memref<!tpu.dma_semaphore, #tpu.memory_space<semaphore_mem>>
      %dma_start3A_312 = arith.constant 0 : i32
      %dma_start3A_313 = tpu.memref_slice %arg6[%run_scoped3A_189, %dma_start3A_312] : memref<32x80xi32, #tpu.memory_space<vmem>> -> memref<1x80xi32, #tpu.memory_space<vmem>>
      %dma_start3A_314 = tpu.memref_squeeze %dma_start3A_313 : memref<1x80xi32, #tpu.memory_space<vmem>> -> memref<80xi32, #tpu.memory_space<vmem>>
      %dma_start3A_315 = arith.constant 0 : i32
      %dma_start3A_316 = arith.constant 0 : i32
      %dma_start3A_317 = tpu.memref_slice %arg10[%dma_start3A_315, %dma_start3A_316] : memref<10000x128xf32, #tpu.memory_space<vmem_shared>> -> memref<10000x128xf32, #tpu.memory_space<vmem_shared>>
      tpu.enqueue_indirect_dma source(%arg8 : memref<80x128xf32, #tpu.memory_space<vmem>>) target(%dma_start3A_317 : memref<10000x128xf32, #tpu.memory_space<vmem_shared>>) offsets(%dma_start3A_314 : memref<80xi32, #tpu.memory_space<vmem>>) semaphore(%run_scoped3A_311 : memref<!tpu.dma_semaphore, #tpu.memory_space<semaphore_mem>>) {add = true}
      %dma_wait3A_318 = arith.constant 0 : i32
      %dma_wait3A_319 = tpu.memref_slice %arg6[%run_scoped3A_189, %dma_wait3A_318] : memref<32x80xi32, #tpu.memory_space<vmem>> -> memref<1x80xi32, #tpu.memory_space<vmem>>
      %dma_wait3A_320 = tpu.memref_squeeze %dma_wait3A_319 : memref<1x80xi32, #tpu.memory_space<vmem>> -> memref<80xi32, #tpu.memory_space<vmem>>
      %dma_wait3A_321 = arith.constant 0 : i32
      %dma_wait3A_322 = arith.constant 0 : i32
      %dma_wait3A_323 = tpu.memref_slice %arg10[%dma_wait3A_321, %dma_wait3A_322] : memref<10000x128xf32, #tpu.memory_space<vmem_shared>> -> memref<10000x128xf32, #tpu.memory_space<vmem_shared>>
      tpu.wait_indirect_dma semaphore(%run_scoped3A_311 : memref<!tpu.dma_semaphore, #tpu.memory_space<semaphore_mem>>) src(%arg8 : memref<80x128xf32, #tpu.memory_space<vmem>>) dst(%dma_wait3A_323 : memref<10000x128xf32, #tpu.memory_space<vmem_shared>>)
      tpu.yield
    }) : () -> ()
    %run_scoped3A_190 = arith.constant 0 : i32
    "tpu.region"() ({
      %run_scoped3A_311 = tpu.sem_alloc : memref<!tpu.dma_semaphore, #tpu.memory_space<semaphore_mem>>
      %dma_start3A_312 = arith.constant 0 : i32
      %dma_start3A_313 = arith.constant 0 : i32
      %dma_start3A_314 = tpu.memref_slice %arg5[%dma_start3A_312, %dma_start3A_313] : memref<32x80xi32, #tpu.memory_space<vmem>> -> memref<32x80xi32, #tpu.memory_space<vmem>>
      %dma_start3A_315 = arith.constant 0 : i32
      %dma_start3A_316 = arith.constant 0 : i32
      %dma_start3A_317 = arith.constant 0 : i32
      %dma_start3A_318 = tpu.memref_slice %arg3[%run_scoped3A_190, %dma_start3A_315, %dma_start3A_316, %dma_start3A_317] : memref<2x32x125x80xi32, #tpu.memory_space<hbm>> -> memref<1x32x125x80xi32, #tpu.memory_space<hbm>>
      %dma_start3A_319 = tpu.memref_squeeze %dma_start3A_318 : memref<1x32x125x80xi32, #tpu.memory_space<hbm>> -> memref<32x125x80xi32, #tpu.memory_space<hbm>>
      %dma_start3A_320 = arith.constant 0 : i32
      %dma_start3A_321 = arith.constant 0 : i32
      %dma_start3A_322 = tpu.memref_slice %dma_start3A_319[%add3A, %dma_start3A_320, %dma_start3A_321] : memref<32x125x80xi32, #tpu.memory_space<hbm>> -> memref<1x125x80xi32, #tpu.memory_space<hbm>>
      %dma_start3A_323 = tpu.memref_squeeze %dma_start3A_322 : memref<1x125x80xi32, #tpu.memory_space<hbm>> -> memref<125x80xi32, #tpu.memory_space<hbm>>
      %dma_start3A_324 = arith.constant 32 : i32
      %dma_start3A_325 = arith.constant 0 : i32
      %dma_start3A_326 = tpu.memref_slice %dma_start3A_323[%dma_start3A_324, %dma_start3A_325] : memref<125x80xi32, #tpu.memory_space<hbm>> -> memref<32x80xi32, #tpu.memory_space<hbm>>
      %dma_start3A_327 = arith.constant 0 : i32
      %dma_start3A_328 = arith.constant 0 : i32
      %dma_start3A_329 = tpu.memref_slice %arg5[%dma_start3A_327, %dma_start3A_328] : memref<32x80xi32, #tpu.memory_space<vmem>> -> memref<32x80xi32, #tpu.memory_space<vmem>>
      %dma_start3A_330 = arith.constant 0 : i32
      %dma_start3A_331 = arith.constant 0 : i32
      %dma_start3A_332 = arith.constant 0 : i32
      %dma_start3A_333 = tpu.memref_slice %arg3[%run_scoped3A_190, %dma_start3A_330, %dma_start3A_331, %dma_start3A_332] : memref<2x32x125x80xi32, #tpu.memory_space<hbm>> -> memref<1x32x125x80xi32, #tpu.memory_space<hbm>>
      %dma_start3A_334 = tpu.memref_squeeze %dma_start3A_333 : memref<1x32x125x80xi32, #tpu.memory_space<hbm>> -> memref<32x125x80xi32, #tpu.memory_space<hbm>>
      %dma_start3A_335 = arith.constant 0 : i32
      %dma_start3A_336 = arith.constant 0 : i32
      %dma_start3A_337 = tpu.memref_slice %dma_start3A_334[%add3A, %dma_start3A_335, %dma_start3A_336] : memref<32x125x80xi32, #tpu.memory_space<hbm>> -> memref<1x125x80xi32, #tpu.memory_space<hbm>>
      %dma_start3A_338 = tpu.memref_squeeze %dma_start3A_337 : memref<1x125x80xi32, #tpu.memory_space<hbm>> -> memref<125x80xi32, #tpu.memory_space<hbm>>
      %dma_start3A_339 = arith.constant 32 : i32
      %dma_start3A_340 = arith.constant 0 : i32
      %dma_start3A_341 = tpu.memref_slice %dma_start3A_338[%dma_start3A_339, %dma_start3A_340] : memref<125x80xi32, #tpu.memory_space<hbm>> -> memref<32x80xi32, #tpu.memory_space<hbm>>
      tpu.enqueue_dma source(%dma_start3A_341 : memref<32x80xi32, #tpu.memory_space<hbm>>) target(%dma_start3A_329 : memref<32x80xi32, #tpu.memory_space<vmem>>) target_semaphore(%run_scoped3A_311 : memref<!tpu.dma_semaphore, #tpu.memory_space<semaphore_mem>>)
      %dma_wait3A_342 = arith.constant 0 : i32
      %dma_wait3A_343 = arith.constant 0 : i32
      %dma_wait3A_344 = tpu.memref_slice %arg5[%dma_wait3A_342, %dma_wait3A_343] : memref<32x80xi32, #tpu.memory_space<vmem>> -> memref<32x80xi32, #tpu.memory_space<vmem>>
      %dma_wait3A_345 = arith.constant 0 : i32
      %dma_wait3A_346 = arith.constant 0 : i32
      %dma_wait3A_347 = arith.constant 0 : i32
      %dma_wait3A_348 = tpu.memref_slice %arg3[%run_scoped3A_190, %dma_wait3A_345, %dma_wait3A_346, %dma_wait3A_347] : memref<2x32x125x80xi32, #tpu.memory_space<hbm>> -> memref<1x32x125x80xi32, #tpu.memory_space<hbm>>
      %dma_wait3A_349 = tpu.memref_squeeze %dma_wait3A_348 : memref<1x32x125x80xi32, #tpu.memory_space<hbm>> -> memref<32x125x80xi32, #tpu.memory_space<hbm>>
      %dma_wait3A_350 = arith.constant 0 : i32
      %dma_wait3A_351 = arith.constant 0 : i32
      %dma_wait3A_352 = tpu.memref_slice %dma_wait3A_349[%add3A, %dma_wait3A_350, %dma_wait3A_351] : memref<32x125x80xi32, #tpu.memory_space<hbm>> -> memref<1x125x80xi32, #tpu.memory_space<hbm>>
      %dma_wait3A_353 = tpu.memref_squeeze %dma_wait3A_352 : memref<1x125x80xi32, #tpu.memory_space<hbm>> -> memref<125x80xi32, #tpu.memory_space<hbm>>
      %dma_wait3A_354 = arith.constant 32 : i32
      %dma_wait3A_355 = arith.constant 0 : i32
      %dma_wait3A_356 = tpu.memref_slice %dma_wait3A_353[%dma_wait3A_354, %dma_wait3A_355] : memref<125x80xi32, #tpu.memory_space<hbm>> -> memref<32x80xi32, #tpu.memory_space<hbm>>
      %dma_wait3A_357 = arith.constant 0 : i32
      %dma_wait3A_358 = arith.constant 0 : i32
      %dma_wait3A_359 = tpu.memref_slice %arg5[%dma_wait3A_357, %dma_wait3A_358] : memref<32x80xi32, #tpu.memory_space<vmem>> -> memref<32x80xi32, #tpu.memory_space<vmem>>
      %dma_wait3A_360 = arith.constant 0 : i32
      %dma_wait3A_361 = arith.constant 0 : i32
      %dma_wait3A_362 = arith.constant 0 : i32
      %dma_wait3A_363 = tpu.memref_slice %arg3[%run_scoped3A_190, %dma_wait3A_360, %dma_wait3A_361, %dma_wait3A_362] : memref<2x32x125x80xi32, #tpu.memory_space<hbm>> -> memref<1x32x125x80xi32, #tpu.memory_space<hbm>>
      %dma_wait3A_364 = tpu.memref_squeeze %dma_wait3A_363 : memref<1x32x125x80xi32, #tpu.memory_space<hbm>> -> memref<32x125x80xi32, #tpu.memory_space<hbm>>
      %dma_wait3A_365 = arith.constant 0 : i32
      %dma_wait3A_366 = arith.constant 0 : i32
      %dma_wait3A_367 = tpu.memref_slice %dma_wait3A_364[%add3A, %dma_wait3A_365, %dma_wait3A_366] : memref<32x125x80xi32, #tpu.memory_space<hbm>> -> memref<1x125x80xi32, #tpu.memory_space<hbm>>
      %dma_wait3A_368 = tpu.memref_squeeze %dma_wait3A_367 : memref<1x125x80xi32, #tpu.memory_space<hbm>> -> memref<125x80xi32, #tpu.memory_space<hbm>>
      %dma_wait3A_369 = arith.constant 32 : i32
      %dma_wait3A_370 = arith.constant 0 : i32
      %dma_wait3A_371 = tpu.memref_slice %dma_wait3A_368[%dma_wait3A_369, %dma_wait3A_370] : memref<125x80xi32, #tpu.memory_space<hbm>> -> memref<32x80xi32, #tpu.memory_space<hbm>>
      tpu.wait_dma2 semaphore(%run_scoped3A_311 : memref<!tpu.dma_semaphore, #tpu.memory_space<semaphore_mem>>) src(%dma_wait3A_371 : memref<32x80xi32, #tpu.memory_space<hbm>>) dst(%dma_wait3A_359 : memref<32x80xi32, #tpu.memory_space<vmem>>)
      tpu.yield
    }) : () -> ()
    %run_scoped3A_191 = arith.constant 1 : i32
    "tpu.region"() ({
      %run_scoped3A_311 = tpu.sem_alloc : memref<!tpu.dma_semaphore, #tpu.memory_space<semaphore_mem>>
      %dma_start3A_312 = arith.constant 0 : i32
      %dma_start3A_313 = arith.constant 0 : i32
      %dma_start3A_314 = tpu.memref_slice %arg6[%dma_start3A_312, %dma_start3A_313] : memref<32x80xi32, #tpu.memory_space<vmem>> -> memref<32x80xi32, #tpu.memory_space<vmem>>
      %dma_start3A_315 = arith.constant 0 : i32
      %dma_start3A_316 = arith.constant 0 : i32
      %dma_start3A_317 = arith.constant 0 : i32
      %dma_start3A_318 = tpu.memref_slice %arg3[%run_scoped3A_191, %dma_start3A_315, %dma_start3A_316, %dma_start3A_317] : memref<2x32x125x80xi32, #tpu.memory_space<hbm>> -> memref<1x32x125x80xi32, #tpu.memory_space<hbm>>
      %dma_start3A_319 = tpu.memref_squeeze %dma_start3A_318 : memref<1x32x125x80xi32, #tpu.memory_space<hbm>> -> memref<32x125x80xi32, #tpu.memory_space<hbm>>
      %dma_start3A_320 = arith.constant 0 : i32
      %dma_start3A_321 = arith.constant 0 : i32
      %dma_start3A_322 = tpu.memref_slice %dma_start3A_319[%add3A, %dma_start3A_320, %dma_start3A_321] : memref<32x125x80xi32, #tpu.memory_space<hbm>> -> memref<1x125x80xi32, #tpu.memory_space<hbm>>
      %dma_start3A_323 = tpu.memref_squeeze %dma_start3A_322 : memref<1x125x80xi32, #tpu.memory_space<hbm>> -> memref<125x80xi32, #tpu.memory_space<hbm>>
      %dma_start3A_324 = arith.constant 32 : i32
      %dma_start3A_325 = arith.constant 0 : i32
      %dma_start3A_326 = tpu.memref_slice %dma_start3A_323[%dma_start3A_324, %dma_start3A_325] : memref<125x80xi32, #tpu.memory_space<hbm>> -> memref<32x80xi32, #tpu.memory_space<hbm>>
      %dma_start3A_327 = arith.constant 0 : i32
      %dma_start3A_328 = arith.constant 0 : i32
      %dma_start3A_329 = tpu.memref_slice %arg6[%dma_start3A_327, %dma_start3A_328] : memref<32x80xi32, #tpu.memory_space<vmem>> -> memref<32x80xi32, #tpu.memory_space<vmem>>
      %dma_start3A_330 = arith.constant 0 : i32
      %dma_start3A_331 = arith.constant 0 : i32
      %dma_start3A_332 = arith.constant 0 : i32
      %dma_start3A_333 = tpu.memref_slice %arg3[%run_scoped3A_191, %dma_start3A_330, %dma_start3A_331, %dma_start3A_332] : memref<2x32x125x80xi32, #tpu.memory_space<hbm>> -> memref<1x32x125x80xi32, #tpu.memory_space<hbm>>
      %dma_start3A_334 = tpu.memref_squeeze %dma_start3A_333 : memref<1x32x125x80xi32, #tpu.memory_space<hbm>> -> memref<32x125x80xi32, #tpu.memory_space<hbm>>
      %dma_start3A_335 = arith.constant 0 : i32
      %dma_start3A_336 = arith.constant 0 : i32
      %dma_start3A_337 = tpu.memref_slice %dma_start3A_334[%add3A, %dma_start3A_335, %dma_start3A_336] : memref<32x125x80xi32, #tpu.memory_space<hbm>> -> memref<1x125x80xi32, #tpu.memory_space<hbm>>
      %dma_start3A_338 = tpu.memref_squeeze %dma_start3A_337 : memref<1x125x80xi32, #tpu.memory_space<hbm>> -> memref<125x80xi32, #tpu.memory_space<hbm>>
      %dma_start3A_339 = arith.constant 32 : i32
      %dma_start3A_340 = arith.constant 0 : i32
      %dma_start3A_341 = tpu.memref_slice %dma_start3A_338[%dma_start3A_339, %dma_start3A_340] : memref<125x80xi32, #tpu.memory_space<hbm>> -> memref<32x80xi32, #tpu.memory_space<hbm>>
      tpu.enqueue_dma source(%dma_start3A_341 : memref<32x80xi32, #tpu.memory_space<hbm>>) target(%dma_start3A_329 : memref<32x80xi32, #tpu.memory_space<vmem>>) target_semaphore(%run_scoped3A_311 : memref<!tpu.dma_semaphore, #tpu.memory_space<semaphore_mem>>)
      %dma_wait3A_342 = arith.constant 0 : i32
      %dma_wait3A_343 = arith.constant 0 : i32
      %dma_wait3A_344 = tpu.memref_slice %arg6[%dma_wait3A_342, %dma_wait3A_343] : memref<32x80xi32, #tpu.memory_space<vmem>> -> memref<32x80xi32, #tpu.memory_space<vmem>>
      %dma_wait3A_345 = arith.constant 0 : i32
      %dma_wait3A_346 = arith.constant 0 : i32
      %dma_wait3A_347 = arith.constant 0 : i32
      %dma_wait3A_348 = tpu.memref_slice %arg3[%run_scoped3A_191, %dma_wait3A_345, %dma_wait3A_346, %dma_wait3A_347] : memref<2x32x125x80xi32, #tpu.memory_space<hbm>> -> memref<1x32x125x80xi32, #tpu.memory_space<hbm>>
      %dma_wait3A_349 = tpu.memref_squeeze %dma_wait3A_348 : memref<1x32x125x80xi32, #tpu.memory_space<hbm>> -> memref<32x125x80xi32, #tpu.memory_space<hbm>>
      %dma_wait3A_350 = arith.constant 0 : i32
      %dma_wait3A_351 = arith.constant 0 : i32
      %dma_wait3A_352 = tpu.memref_slice %dma_wait3A_349[%add3A, %dma_wait3A_350, %dma_wait3A_351] : memref<32x125x80xi32, #tpu.memory_space<hbm>> -> memref<1x125x80xi32, #tpu.memory_space<hbm>>
      %dma_wait3A_353 = tpu.memref_squeeze %dma_wait3A_352 : memref<1x125x80xi32, #tpu.memory_space<hbm>> -> memref<125x80xi32, #tpu.memory_space<hbm>>
      %dma_wait3A_354 = arith.constant 32 : i32
      %dma_wait3A_355 = arith.constant 0 : i32
      %dma_wait3A_356 = tpu.memref_slice %dma_wait3A_353[%dma_wait3A_354, %dma_wait3A_355] : memref<125x80xi32, #tpu.memory_space<hbm>> -> memref<32x80xi32, #tpu.memory_space<hbm>>
      %dma_wait3A_357 = arith.constant 0 : i32
      %dma_wait3A_358 = arith.constant 0 : i32
      %dma_wait3A_359 = tpu.memref_slice %arg6[%dma_wait3A_357, %dma_wait3A_358] : memref<32x80xi32, #tpu.memory_space<vmem>> -> memref<32x80xi32, #tpu.memory_space<vmem>>
      %dma_wait3A_360 = arith.constant 0 : i32
      %dma_wait3A_361 = arith.constant 0 : i32
      %dma_wait3A_362 = arith.constant 0 : i32
      %dma_wait3A_363 = tpu.memref_slice %arg3[%run_scoped3A_191, %dma_wait3A_360, %dma_wait3A_361, %dma_wait3A_362] : memref<2x32x125x80xi32, #tpu.memory_space<hbm>> -> memref<1x32x125x80xi32, #tpu.memory_space<hbm>>
      %dma_wait3A_364 = tpu.memref_squeeze %dma_wait3A_363 : memref<1x32x125x80xi32, #tpu.memory_space<hbm>> -> memref<32x125x80xi32, #tpu.memory_space<hbm>>
      %dma_wait3A_365 = arith.constant 0 : i32
      %dma_wait3A_366 = arith.constant 0 : i32
      %dma_wait3A_367 = tpu.memref_slice %dma_wait3A_364[%add3A, %dma_wait3A_365, %dma_wait3A_366] : memref<32x125x80xi32, #tpu.memory_space<hbm>> -> memref<1x125x80xi32, #tpu.memory_space<hbm>>
      %dma_wait3A_368 = tpu.memref_squeeze %dma_wait3A_367 : memref<1x125x80xi32, #tpu.memory_space<hbm>> -> memref<125x80xi32, #tpu.memory_space<hbm>>
      %dma_wait3A_369 = arith.constant 32 : i32
      %dma_wait3A_370 = arith.constant 0 : i32
      %dma_wait3A_371 = tpu.memref_slice %dma_wait3A_368[%dma_wait3A_369, %dma_wait3A_370] : memref<125x80xi32, #tpu.memory_space<hbm>> -> memref<32x80xi32, #tpu.memory_space<hbm>>
      tpu.wait_dma2 semaphore(%run_scoped3A_311 : memref<!tpu.dma_semaphore, #tpu.memory_space<semaphore_mem>>) src(%dma_wait3A_371 : memref<32x80xi32, #tpu.memory_space<hbm>>) dst(%dma_wait3A_359 : memref<32x80xi32, #tpu.memory_space<vmem>>)
      tpu.yield
    }) : () -> ()
    %dma_start3A_192 = arith.constant 0 : i32
    %dma_start3A_193 = arith.constant 0 : i32
    %dma_start3A_194 = tpu.memref_slice %arg5[%dma_start3A_192, %dma_start3A_193] : memref<32x80xi32, #tpu.memory_space<vmem>> -> memref<1x80xi32, #tpu.memory_space<vmem>>
    %dma_start3A_195 = tpu.memref_squeeze %dma_start3A_194 : memref<1x80xi32, #tpu.memory_space<vmem>> -> memref<80xi32, #tpu.memory_space<vmem>>
    %dma_start3A_196 = arith.constant 0 : i32
    %dma_start3A_197 = arith.constant 0 : i32
    %dma_start3A_198 = tpu.memref_slice %arg2[%dma_start3A_196, %dma_start3A_197] : memref<10000x128xf32, #tpu.memory_space<hbm>> -> memref<10000x128xf32, #tpu.memory_space<hbm>>
    tpu.enqueue_indirect_dma source(%dma_start3A_198 : memref<10000x128xf32, #tpu.memory_space<hbm>>) target(%arg7 : memref<80x128xf32, #tpu.memory_space<vmem>>) offsets(%dma_start3A_195 : memref<80xi32, #tpu.memory_space<vmem>>) semaphore(%arg11 : memref<!tpu.dma_semaphore, #tpu.memory_space<semaphore_mem>>)
    %dma_start3A_199 = arith.constant 1 : i32
    %dma_start3A_200 = arith.constant 0 : i32
    %dma_start3A_201 = tpu.memref_slice %arg5[%dma_start3A_199, %dma_start3A_200] : memref<32x80xi32, #tpu.memory_space<vmem>> -> memref<1x80xi32, #tpu.memory_space<vmem>>
    %dma_start3A_202 = tpu.memref_squeeze %dma_start3A_201 : memref<1x80xi32, #tpu.memory_space<vmem>> -> memref<80xi32, #tpu.memory_space<vmem>>
    %dma_start3A_203 = arith.constant 0 : i32
    %dma_start3A_204 = arith.constant 0 : i32
    %dma_start3A_205 = tpu.memref_slice %arg2[%dma_start3A_203, %dma_start3A_204] : memref<10000x128xf32, #tpu.memory_space<hbm>> -> memref<10000x128xf32, #tpu.memory_space<hbm>>
    tpu.enqueue_indirect_dma source(%dma_start3A_205 : memref<10000x128xf32, #tpu.memory_space<hbm>>) target(%arg8 : memref<80x128xf32, #tpu.memory_space<vmem>>) offsets(%dma_start3A_202 : memref<80xi32, #tpu.memory_space<vmem>>) semaphore(%arg12 : memref<!tpu.dma_semaphore, #tpu.memory_space<semaphore_mem>>)
    %scan3A_206 = arith.constant 0 : i32
    %scan3A_207 = arith.constant 10 : i32
    %scan3A_208 = arith.addi %scan3A_206, %scan3A_207 : i32
    %scan3A_209 = arith.constant 1 : i32
    scf.for %scan3A_311 = %scan3A_206 to %scan3A_208 step %scan3A_209  : i32 {
      %mul3A_312 = arith.constant 1 : i32
      %mul3A_313 = arith.muli %scan3A_311, %mul3A_312 : i32
      %add3A_314 = arith.constant 0 : i32
      %add3A_315 = arith.addi %add3A_314, %mul3A_313 : i32
      %mul3A_316 = arith.constant 3 : i32
      %mul3A_317 = arith.muli %mul3A_316, %add3A_315 : i32
      %add3A_318 = arith.constant 0 : i32
      %add3A_319 = arith.addi %mul3A_317, %add3A_318 : i32
      %add3A_320 = arith.constant 3 : i32
      %add3A_321 = arith.addi %add3A_319, %add3A_320 : i32
      %sub3A_322 = arith.constant 1 : i32
      %sub3A_323 = arith.subi %add3A_321, %sub3A_322 : i32
      %dma_start3A_324 = arith.constant 0 : i32
      %dma_start3A_325 = tpu.memref_slice %arg5[%sub3A_323, %dma_start3A_324] : memref<32x80xi32, #tpu.memory_space<vmem>> -> memref<1x80xi32, #tpu.memory_space<vmem>>
      %dma_start3A_326 = tpu.memref_squeeze %dma_start3A_325 : memref<1x80xi32, #tpu.memory_space<vmem>> -> memref<80xi32, #tpu.memory_space<vmem>>
      %dma_start3A_327 = arith.constant 0 : i32
      %dma_start3A_328 = arith.constant 0 : i32
      %dma_start3A_329 = tpu.memref_slice %arg2[%dma_start3A_327, %dma_start3A_328] : memref<10000x128xf32, #tpu.memory_space<hbm>> -> memref<10000x128xf32, #tpu.memory_space<hbm>>
      tpu.enqueue_indirect_dma source(%dma_start3A_329 : memref<10000x128xf32, #tpu.memory_space<hbm>>) target(%arg9 : memref<80x128xf32, #tpu.memory_space<vmem>>) offsets(%dma_start3A_326 : memref<80xi32, #tpu.memory_space<vmem>>) semaphore(%arg13 : memref<!tpu.dma_semaphore, #tpu.memory_space<semaphore_mem>>)
      %dma_wait3A_330 = arith.constant 0 : i32
      %dma_wait3A_331 = arith.constant 0 : i32
      %dma_wait3A_332 = tpu.memref_slice %arg5[%dma_wait3A_330, %dma_wait3A_331] : memref<32x80xi32, #tpu.memory_space<vmem>> -> memref<1x80xi32, #tpu.memory_space<vmem>>
      %dma_wait3A_333 = tpu.memref_squeeze %dma_wait3A_332 : memref<1x80xi32, #tpu.memory_space<vmem>> -> memref<80xi32, #tpu.memory_space<vmem>>
      %dma_wait3A_334 = arith.constant 0 : i32
      %dma_wait3A_335 = arith.constant 0 : i32
      %dma_wait3A_336 = tpu.memref_slice %arg2[%dma_wait3A_334, %dma_wait3A_335] : memref<10000x128xf32, #tpu.memory_space<hbm>> -> memref<10000x128xf32, #tpu.memory_space<hbm>>
      tpu.wait_indirect_dma semaphore(%arg11 : memref<!tpu.dma_semaphore, #tpu.memory_space<semaphore_mem>>) src(%dma_wait3A_336 : memref<10000x128xf32, #tpu.memory_space<hbm>>) dst(%arg7 : memref<80x128xf32, #tpu.memory_space<vmem>>)
      %add3A_337 = arith.constant 0 : i32
      %add3A_338 = arith.addi %mul3A_317, %add3A_337 : i32
      "tpu.region"() ({
        %run_scoped3A_381 = tpu.sem_alloc : memref<!tpu.dma_semaphore, #tpu.memory_space<semaphore_mem>>
        %dma_start3A_382 = arith.constant 0 : i32
        %dma_start3A_383 = tpu.memref_slice %arg6[%add3A_338, %dma_start3A_382] : memref<32x80xi32, #tpu.memory_space<vmem>> -> memref<1x80xi32, #tpu.memory_space<vmem>>
        %dma_start3A_384 = tpu.memref_squeeze %dma_start3A_383 : memref<1x80xi32, #tpu.memory_space<vmem>> -> memref<80xi32, #tpu.memory_space<vmem>>
        %dma_start3A_385 = arith.constant 0 : i32
        %dma_start3A_386 = arith.constant 0 : i32
        %dma_start3A_387 = tpu.memref_slice %arg10[%dma_start3A_385, %dma_start3A_386] : memref<10000x128xf32, #tpu.memory_space<vmem_shared>> -> memref<10000x128xf32, #tpu.memory_space<vmem_shared>>
        tpu.enqueue_indirect_dma source(%arg7 : memref<80x128xf32, #tpu.memory_space<vmem>>) target(%dma_start3A_387 : memref<10000x128xf32, #tpu.memory_space<vmem_shared>>) offsets(%dma_start3A_384 : memref<80xi32, #tpu.memory_space<vmem>>) semaphore(%run_scoped3A_381 : memref<!tpu.dma_semaphore, #tpu.memory_space<semaphore_mem>>) {add = true}
        %dma_wait3A_388 = arith.constant 0 : i32
        %dma_wait3A_389 = tpu.memref_slice %arg6[%add3A_338, %dma_wait3A_388] : memref<32x80xi32, #tpu.memory_space<vmem>> -> memref<1x80xi32, #tpu.memory_space<vmem>>
        %dma_wait3A_390 = tpu.memref_squeeze %dma_wait3A_389 : memref<1x80xi32, #tpu.memory_space<vmem>> -> memref<80xi32, #tpu.memory_space<vmem>>
        %dma_wait3A_391 = arith.constant 0 : i32
        %dma_wait3A_392 = arith.constant 0 : i32
        %dma_wait3A_393 = tpu.memref_slice %arg10[%dma_wait3A_391, %dma_wait3A_392] : memref<10000x128xf32, #tpu.memory_space<vmem_shared>> -> memref<10000x128xf32, #tpu.memory_space<vmem_shared>>
        tpu.wait_indirect_dma semaphore(%run_scoped3A_381 : memref<!tpu.dma_semaphore, #tpu.memory_space<semaphore_mem>>) src(%arg7 : memref<80x128xf32, #tpu.memory_space<vmem>>) dst(%dma_wait3A_393 : memref<10000x128xf32, #tpu.memory_space<vmem_shared>>)
        tpu.yield
      }) : () -> ()
      %add3A_339 = arith.constant 1 : i32
      %add3A_340 = arith.addi %mul3A_317, %add3A_339 : i32
      %add3A_341 = arith.constant 3 : i32
      %add3A_342 = arith.addi %add3A_340, %add3A_341 : i32
      %sub3A_343 = arith.constant 1 : i32
      %sub3A_344 = arith.subi %add3A_342, %sub3A_343 : i32
      %dma_start3A_345 = arith.constant 0 : i32
      %dma_start3A_346 = tpu.memref_slice %arg5[%sub3A_344, %dma_start3A_345] : memref<32x80xi32, #tpu.memory_space<vmem>> -> memref<1x80xi32, #tpu.memory_space<vmem>>
      %dma_start3A_347 = tpu.memref_squeeze %dma_start3A_346 : memref<1x80xi32, #tpu.memory_space<vmem>> -> memref<80xi32, #tpu.memory_space<vmem>>
      %dma_start3A_348 = arith.constant 0 : i32
      %dma_start3A_349 = arith.constant 0 : i32
      %dma_start3A_350 = tpu.memref_slice %arg2[%dma_start3A_348, %dma_start3A_349] : memref<10000x128xf32, #tpu.memory_space<hbm>> -> memref<10000x128xf32, #tpu.memory_space<hbm>>
      tpu.enqueue_indirect_dma source(%dma_start3A_350 : memref<10000x128xf32, #tpu.memory_space<hbm>>) target(%arg7 : memref<80x128xf32, #tpu.memory_space<vmem>>) offsets(%dma_start3A_347 : memref<80xi32, #tpu.memory_space<vmem>>) semaphore(%arg11 : memref<!tpu.dma_semaphore, #tpu.memory_space<semaphore_mem>>)
      %dma_wait3A_351 = arith.constant 0 : i32
      %dma_wait3A_352 = arith.constant 0 : i32
      %dma_wait3A_353 = tpu.memref_slice %arg5[%dma_wait3A_351, %dma_wait3A_352] : memref<32x80xi32, #tpu.memory_space<vmem>> -> memref<1x80xi32, #tpu.memory_space<vmem>>
      %dma_wait3A_354 = tpu.memref_squeeze %dma_wait3A_353 : memref<1x80xi32, #tpu.memory_space<vmem>> -> memref<80xi32, #tpu.memory_space<vmem>>
      %dma_wait3A_355 = arith.constant 0 : i32
      %dma_wait3A_356 = arith.constant 0 : i32
      %dma_wait3A_357 = tpu.memref_slice %arg2[%dma_wait3A_355, %dma_wait3A_356] : memref<10000x128xf32, #tpu.memory_space<hbm>> -> memref<10000x128xf32, #tpu.memory_space<hbm>>
      tpu.wait_indirect_dma semaphore(%arg12 : memref<!tpu.dma_semaphore, #tpu.memory_space<semaphore_mem>>) src(%dma_wait3A_357 : memref<10000x128xf32, #tpu.memory_space<hbm>>) dst(%arg8 : memref<80x128xf32, #tpu.memory_space<vmem>>)
      %add3A_358 = arith.constant 1 : i32
      %add3A_359 = arith.addi %mul3A_317, %add3A_358 : i32
      "tpu.region"() ({
        %run_scoped3A_381 = tpu.sem_alloc : memref<!tpu.dma_semaphore, #tpu.memory_space<semaphore_mem>>
        %dma_start3A_382 = arith.constant 0 : i32
        %dma_start3A_383 = tpu.memref_slice %arg6[%add3A_359, %dma_start3A_382] : memref<32x80xi32, #tpu.memory_space<vmem>> -> memref<1x80xi32, #tpu.memory_space<vmem>>
        %dma_start3A_384 = tpu.memref_squeeze %dma_start3A_383 : memref<1x80xi32, #tpu.memory_space<vmem>> -> memref<80xi32, #tpu.memory_space<vmem>>
        %dma_start3A_385 = arith.constant 0 : i32
        %dma_start3A_386 = arith.constant 0 : i32
        %dma_start3A_387 = tpu.memref_slice %arg10[%dma_start3A_385, %dma_start3A_386] : memref<10000x128xf32, #tpu.memory_space<vmem_shared>> -> memref<10000x128xf32, #tpu.memory_space<vmem_shared>>
        tpu.enqueue_indirect_dma source(%arg8 : memref<80x128xf32, #tpu.memory_space<vmem>>) target(%dma_start3A_387 : memref<10000x128xf32, #tpu.memory_space<vmem_shared>>) offsets(%dma_start3A_384 : memref<80xi32, #tpu.memory_space<vmem>>) semaphore(%run_scoped3A_381 : memref<!tpu.dma_semaphore, #tpu.memory_space<semaphore_mem>>) {add = true}
        %dma_wait3A_388 = arith.constant 0 : i32
        %dma_wait3A_389 = tpu.memref_slice %arg6[%add3A_359, %dma_wait3A_388] : memref<32x80xi32, #tpu.memory_space<vmem>> -> memref<1x80xi32, #tpu.memory_space<vmem>>
        %dma_wait3A_390 = tpu.memref_squeeze %dma_wait3A_389 : memref<1x80xi32, #tpu.memory_space<vmem>> -> memref<80xi32, #tpu.memory_space<vmem>>
        %dma_wait3A_391 = arith.constant 0 : i32
        %dma_wait3A_392 = arith.constant 0 : i32
        %dma_wait3A_393 = tpu.memref_slice %arg10[%dma_wait3A_391, %dma_wait3A_392] : memref<10000x128xf32, #tpu.memory_space<vmem_shared>> -> memref<10000x128xf32, #tpu.memory_space<vmem_shared>>
        tpu.wait_indirect_dma semaphore(%run_scoped3A_381 : memref<!tpu.dma_semaphore, #tpu.memory_space<semaphore_mem>>) src(%arg8 : memref<80x128xf32, #tpu.memory_space<vmem>>) dst(%dma_wait3A_393 : memref<10000x128xf32, #tpu.memory_space<vmem_shared>>)
        tpu.yield
      }) : () -> ()
      %add3A_360 = arith.constant 2 : i32
      %add3A_361 = arith.addi %mul3A_317, %add3A_360 : i32
      %add3A_362 = arith.constant 3 : i32
      %add3A_363 = arith.addi %add3A_361, %add3A_362 : i32
      %sub3A_364 = arith.constant 1 : i32
      %sub3A_365 = arith.subi %add3A_363, %sub3A_364 : i32
      %dma_start3A_366 = arith.constant 0 : i32
      %dma_start3A_367 = tpu.memref_slice %arg5[%sub3A_365, %dma_start3A_366] : memref<32x80xi32, #tpu.memory_space<vmem>> -> memref<1x80xi32, #tpu.memory_space<vmem>>
      %dma_start3A_368 = tpu.memref_squeeze %dma_start3A_367 : memref<1x80xi32, #tpu.memory_space<vmem>> -> memref<80xi32, #tpu.memory_space<vmem>>
      %dma_start3A_369 = arith.constant 0 : i32
      %dma_start3A_370 = arith.constant 0 : i32
      %dma_start3A_371 = tpu.memref_slice %arg2[%dma_start3A_369, %dma_start3A_370] : memref<10000x128xf32, #tpu.memory_space<hbm>> -> memref<10000x128xf32, #tpu.memory_space<hbm>>
      tpu.enqueue_indirect_dma source(%dma_start3A_371 : memref<10000x128xf32, #tpu.memory_space<hbm>>) target(%arg8 : memref<80x128xf32, #tpu.memory_space<vmem>>) offsets(%dma_start3A_368 : memref<80xi32, #tpu.memory_space<vmem>>) semaphore(%arg12 : memref<!tpu.dma_semaphore, #tpu.memory_space<semaphore_mem>>)
      %dma_wait3A_372 = arith.constant 0 : i32
      %dma_wait3A_373 = arith.constant 0 : i32
      %dma_wait3A_374 = tpu.memref_slice %arg5[%dma_wait3A_372, %dma_wait3A_373] : memref<32x80xi32, #tpu.memory_space<vmem>> -> memref<1x80xi32, #tpu.memory_space<vmem>>
      %dma_wait3A_375 = tpu.memref_squeeze %dma_wait3A_374 : memref<1x80xi32, #tpu.memory_space<vmem>> -> memref<80xi32, #tpu.memory_space<vmem>>
      %dma_wait3A_376 = arith.constant 0 : i32
      %dma_wait3A_377 = arith.constant 0 : i32
      %dma_wait3A_378 = tpu.memref_slice %arg2[%dma_wait3A_376, %dma_wait3A_377] : memref<10000x128xf32, #tpu.memory_space<hbm>> -> memref<10000x128xf32, #tpu.memory_space<hbm>>
      tpu.wait_indirect_dma semaphore(%arg13 : memref<!tpu.dma_semaphore, #tpu.memory_space<semaphore_mem>>) src(%dma_wait3A_378 : memref<10000x128xf32, #tpu.memory_space<hbm>>) dst(%arg9 : memref<80x128xf32, #tpu.memory_space<vmem>>)
      %add3A_379 = arith.constant 2 : i32
      %add3A_380 = arith.addi %mul3A_317, %add3A_379 : i32
      "tpu.region"() ({
        %run_scoped3A_381 = tpu.sem_alloc : memref<!tpu.dma_semaphore, #tpu.memory_space<semaphore_mem>>
        %dma_start3A_382 = arith.constant 0 : i32
        %dma_start3A_383 = tpu.memref_slice %arg6[%add3A_380, %dma_start3A_382] : memref<32x80xi32, #tpu.memory_space<vmem>> -> memref<1x80xi32, #tpu.memory_space<vmem>>
        %dma_start3A_384 = tpu.memref_squeeze %dma_start3A_383 : memref<1x80xi32, #tpu.memory_space<vmem>> -> memref<80xi32, #tpu.memory_space<vmem>>
        %dma_start3A_385 = arith.constant 0 : i32
        %dma_start3A_386 = arith.constant 0 : i32
        %dma_start3A_387 = tpu.memref_slice %arg10[%dma_start3A_385, %dma_start3A_386] : memref<10000x128xf32, #tpu.memory_space<vmem_shared>> -> memref<10000x128xf32, #tpu.memory_space<vmem_shared>>
        tpu.enqueue_indirect_dma source(%arg9 : memref<80x128xf32, #tpu.memory_space<vmem>>) target(%dma_start3A_387 : memref<10000x128xf32, #tpu.memory_space<vmem_shared>>) offsets(%dma_start3A_384 : memref<80xi32, #tpu.memory_space<vmem>>) semaphore(%run_scoped3A_381 : memref<!tpu.dma_semaphore, #tpu.memory_space<semaphore_mem>>) {add = true}
        %dma_wait3A_388 = arith.constant 0 : i32
        %dma_wait3A_389 = tpu.memref_slice %arg6[%add3A_380, %dma_wait3A_388] : memref<32x80xi32, #tpu.memory_space<vmem>> -> memref<1x80xi32, #tpu.memory_space<vmem>>
        %dma_wait3A_390 = tpu.memref_squeeze %dma_wait3A_389 : memref<1x80xi32, #tpu.memory_space<vmem>> -> memref<80xi32, #tpu.memory_space<vmem>>
        %dma_wait3A_391 = arith.constant 0 : i32
        %dma_wait3A_392 = arith.constant 0 : i32
        %dma_wait3A_393 = tpu.memref_slice %arg10[%dma_wait3A_391, %dma_wait3A_392] : memref<10000x128xf32, #tpu.memory_space<vmem_shared>> -> memref<10000x128xf32, #tpu.memory_space<vmem_shared>>
        tpu.wait_indirect_dma semaphore(%run_scoped3A_381 : memref<!tpu.dma_semaphore, #tpu.memory_space<semaphore_mem>>) src(%arg9 : memref<80x128xf32, #tpu.memory_space<vmem>>) dst(%dma_wait3A_393 : memref<10000x128xf32, #tpu.memory_space<vmem_shared>>)
        tpu.yield
      }) : () -> ()
    }
    %scan3A_210 = arith.constant 10 : i32
    %dma_wait3A_211 = arith.constant 0 : i32
    %dma_wait3A_212 = arith.constant 0 : i32
    %dma_wait3A_213 = tpu.memref_slice %arg5[%dma_wait3A_211, %dma_wait3A_212] : memref<32x80xi32, #tpu.memory_space<vmem>> -> memref<1x80xi32, #tpu.memory_space<vmem>>
    %dma_wait3A_214 = tpu.memref_squeeze %dma_wait3A_213 : memref<1x80xi32, #tpu.memory_space<vmem>> -> memref<80xi32, #tpu.memory_space<vmem>>
    %dma_wait3A_215 = arith.constant 0 : i32
    %dma_wait3A_216 = arith.constant 0 : i32
    %dma_wait3A_217 = tpu.memref_slice %arg2[%dma_wait3A_215, %dma_wait3A_216] : memref<10000x128xf32, #tpu.memory_space<hbm>> -> memref<10000x128xf32, #tpu.memory_space<hbm>>
    tpu.wait_indirect_dma semaphore(%arg11 : memref<!tpu.dma_semaphore, #tpu.memory_space<semaphore_mem>>) src(%dma_wait3A_217 : memref<10000x128xf32, #tpu.memory_space<hbm>>) dst(%arg7 : memref<80x128xf32, #tpu.memory_space<vmem>>)
    %run_scoped3A_218 = arith.constant 30 : i32
    "tpu.region"() ({
      %run_scoped3A_311 = tpu.sem_alloc : memref<!tpu.dma_semaphore, #tpu.memory_space<semaphore_mem>>
      %dma_start3A_312 = arith.constant 0 : i32
      %dma_start3A_313 = tpu.memref_slice %arg6[%run_scoped3A_218, %dma_start3A_312] : memref<32x80xi32, #tpu.memory_space<vmem>> -> memref<1x80xi32, #tpu.memory_space<vmem>>
      %dma_start3A_314 = tpu.memref_squeeze %dma_start3A_313 : memref<1x80xi32, #tpu.memory_space<vmem>> -> memref<80xi32, #tpu.memory_space<vmem>>
      %dma_start3A_315 = arith.constant 0 : i32
      %dma_start3A_316 = arith.constant 0 : i32
      %dma_start3A_317 = tpu.memref_slice %arg10[%dma_start3A_315, %dma_start3A_316] : memref<10000x128xf32, #tpu.memory_space<vmem_shared>> -> memref<10000x128xf32, #tpu.memory_space<vmem_shared>>
      tpu.enqueue_indirect_dma source(%arg7 : memref<80x128xf32, #tpu.memory_space<vmem>>) target(%dma_start3A_317 : memref<10000x128xf32, #tpu.memory_space<vmem_shared>>) offsets(%dma_start3A_314 : memref<80xi32, #tpu.memory_space<vmem>>) semaphore(%run_scoped3A_311 : memref<!tpu.dma_semaphore, #tpu.memory_space<semaphore_mem>>) {add = true}
      %dma_wait3A_318 = arith.constant 0 : i32
      %dma_wait3A_319 = tpu.memref_slice %arg6[%run_scoped3A_218, %dma_wait3A_318] : memref<32x80xi32, #tpu.memory_space<vmem>> -> memref<1x80xi32, #tpu.memory_space<vmem>>
      %dma_wait3A_320 = tpu.memref_squeeze %dma_wait3A_319 : memref<1x80xi32, #tpu.memory_space<vmem>> -> memref<80xi32, #tpu.memory_space<vmem>>
      %dma_wait3A_321 = arith.constant 0 : i32
      %dma_wait3A_322 = arith.constant 0 : i32
      %dma_wait3A_323 = tpu.memref_slice %arg10[%dma_wait3A_321, %dma_wait3A_322] : memref<10000x128xf32, #tpu.memory_space<vmem_shared>> -> memref<10000x128xf32, #tpu.memory_space<vmem_shared>>
      tpu.wait_indirect_dma semaphore(%run_scoped3A_311 : memref<!tpu.dma_semaphore, #tpu.memory_space<semaphore_mem>>) src(%arg7 : memref<80x128xf32, #tpu.memory_space<vmem>>) dst(%dma_wait3A_323 : memref<10000x128xf32, #tpu.memory_space<vmem_shared>>)
      tpu.yield
    }) : () -> ()
    %dma_wait3A_219 = arith.constant 0 : i32
    %dma_wait3A_220 = arith.constant 0 : i32
    %dma_wait3A_221 = tpu.memref_slice %arg5[%dma_wait3A_219, %dma_wait3A_220] : memref<32x80xi32, #tpu.memory_space<vmem>> -> memref<1x80xi32, #tpu.memory_space<vmem>>
    %dma_wait3A_222 = tpu.memref_squeeze %dma_wait3A_221 : memref<1x80xi32, #tpu.memory_space<vmem>> -> memref<80xi32, #tpu.memory_space<vmem>>
    %dma_wait3A_223 = arith.constant 0 : i32
    %dma_wait3A_224 = arith.constant 0 : i32
    %dma_wait3A_225 = tpu.memref_slice %arg2[%dma_wait3A_223, %dma_wait3A_224] : memref<10000x128xf32, #tpu.memory_space<hbm>> -> memref<10000x128xf32, #tpu.memory_space<hbm>>
    tpu.wait_indirect_dma semaphore(%arg12 : memref<!tpu.dma_semaphore, #tpu.memory_space<semaphore_mem>>) src(%dma_wait3A_225 : memref<10000x128xf32, #tpu.memory_space<hbm>>) dst(%arg8 : memref<80x128xf32, #tpu.memory_space<vmem>>)
    %run_scoped3A_226 = arith.constant 31 : i32
    "tpu.region"() ({
      %run_scoped3A_311 = tpu.sem_alloc : memref<!tpu.dma_semaphore, #tpu.memory_space<semaphore_mem>>
      %dma_start3A_312 = arith.constant 0 : i32
      %dma_start3A_313 = tpu.memref_slice %arg6[%run_scoped3A_226, %dma_start3A_312] : memref<32x80xi32, #tpu.memory_space<vmem>> -> memref<1x80xi32, #tpu.memory_space<vmem>>
      %dma_start3A_314 = tpu.memref_squeeze %dma_start3A_313 : memref<1x80xi32, #tpu.memory_space<vmem>> -> memref<80xi32, #tpu.memory_space<vmem>>
      %dma_start3A_315 = arith.constant 0 : i32
      %dma_start3A_316 = arith.constant 0 : i32
      %dma_start3A_317 = tpu.memref_slice %arg10[%dma_start3A_315, %dma_start3A_316] : memref<10000x128xf32, #tpu.memory_space<vmem_shared>> -> memref<10000x128xf32, #tpu.memory_space<vmem_shared>>
      tpu.enqueue_indirect_dma source(%arg8 : memref<80x128xf32, #tpu.memory_space<vmem>>) target(%dma_start3A_317 : memref<10000x128xf32, #tpu.memory_space<vmem_shared>>) offsets(%dma_start3A_314 : memref<80xi32, #tpu.memory_space<vmem>>) semaphore(%run_scoped3A_311 : memref<!tpu.dma_semaphore, #tpu.memory_space<semaphore_mem>>) {add = true}
      %dma_wait3A_318 = arith.constant 0 : i32
      %dma_wait3A_319 = tpu.memref_slice %arg6[%run_scoped3A_226, %dma_wait3A_318] : memref<32x80xi32, #tpu.memory_space<vmem>> -> memref<1x80xi32, #tpu.memory_space<vmem>>
      %dma_wait3A_320 = tpu.memref_squeeze %dma_wait3A_319 : memref<1x80xi32, #tpu.memory_space<vmem>> -> memref<80xi32, #tpu.memory_space<vmem>>
      %dma_wait3A_321 = arith.constant 0 : i32
      %dma_wait3A_322 = arith.constant 0 : i32
      %dma_wait3A_323 = tpu.memref_slice %arg10[%dma_wait3A_321, %dma_wait3A_322] : memref<10000x128xf32, #tpu.memory_space<vmem_shared>> -> memref<10000x128xf32, #tpu.memory_space<vmem_shared>>
      tpu.wait_indirect_dma semaphore(%run_scoped3A_311 : memref<!tpu.dma_semaphore, #tpu.memory_space<semaphore_mem>>) src(%arg8 : memref<80x128xf32, #tpu.memory_space<vmem>>) dst(%dma_wait3A_323 : memref<10000x128xf32, #tpu.memory_space<vmem_shared>>)
      tpu.yield
    }) : () -> ()
    %run_scoped3A_227 = arith.constant 0 : i32
    "tpu.region"() ({
      %run_scoped3A_311 = tpu.sem_alloc : memref<!tpu.dma_semaphore, #tpu.memory_space<semaphore_mem>>
      %dma_start3A_312 = arith.constant 0 : i32
      %dma_start3A_313 = arith.constant 0 : i32
      %dma_start3A_314 = tpu.memref_slice %arg5[%dma_start3A_312, %dma_start3A_313] : memref<32x80xi32, #tpu.memory_space<vmem>> -> memref<32x80xi32, #tpu.memory_space<vmem>>
      %dma_start3A_315 = arith.constant 0 : i32
      %dma_start3A_316 = arith.constant 0 : i32
      %dma_start3A_317 = arith.constant 0 : i32
      %dma_start3A_318 = tpu.memref_slice %arg3[%run_scoped3A_227, %dma_start3A_315, %dma_start3A_316, %dma_start3A_317] : memref<2x32x125x80xi32, #tpu.memory_space<hbm>> -> memref<1x32x125x80xi32, #tpu.memory_space<hbm>>
      %dma_start3A_319 = tpu.memref_squeeze %dma_start3A_318 : memref<1x32x125x80xi32, #tpu.memory_space<hbm>> -> memref<32x125x80xi32, #tpu.memory_space<hbm>>
      %dma_start3A_320 = arith.constant 0 : i32
      %dma_start3A_321 = arith.constant 0 : i32
      %dma_start3A_322 = tpu.memref_slice %dma_start3A_319[%add3A, %dma_start3A_320, %dma_start3A_321] : memref<32x125x80xi32, #tpu.memory_space<hbm>> -> memref<1x125x80xi32, #tpu.memory_space<hbm>>
      %dma_start3A_323 = tpu.memref_squeeze %dma_start3A_322 : memref<1x125x80xi32, #tpu.memory_space<hbm>> -> memref<125x80xi32, #tpu.memory_space<hbm>>
      %dma_start3A_324 = arith.constant 64 : i32
      %dma_start3A_325 = arith.constant 0 : i32
      %dma_start3A_326 = tpu.memref_slice %dma_start3A_323[%dma_start3A_324, %dma_start3A_325] : memref<125x80xi32, #tpu.memory_space<hbm>> -> memref<32x80xi32, #tpu.memory_space<hbm>>
      %dma_start3A_327 = arith.constant 0 : i32
      %dma_start3A_328 = arith.constant 0 : i32
      %dma_start3A_329 = tpu.memref_slice %arg5[%dma_start3A_327, %dma_start3A_328] : memref<32x80xi32, #tpu.memory_space<vmem>> -> memref<32x80xi32, #tpu.memory_space<vmem>>
      %dma_start3A_330 = arith.constant 0 : i32
      %dma_start3A_331 = arith.constant 0 : i32
      %dma_start3A_332 = arith.constant 0 : i32
      %dma_start3A_333 = tpu.memref_slice %arg3[%run_scoped3A_227, %dma_start3A_330, %dma_start3A_331, %dma_start3A_332] : memref<2x32x125x80xi32, #tpu.memory_space<hbm>> -> memref<1x32x125x80xi32, #tpu.memory_space<hbm>>
      %dma_start3A_334 = tpu.memref_squeeze %dma_start3A_333 : memref<1x32x125x80xi32, #tpu.memory_space<hbm>> -> memref<32x125x80xi32, #tpu.memory_space<hbm>>
      %dma_start3A_335 = arith.constant 0 : i32
      %dma_start3A_336 = arith.constant 0 : i32
      %dma_start3A_337 = tpu.memref_slice %dma_start3A_334[%add3A, %dma_start3A_335, %dma_start3A_336] : memref<32x125x80xi32, #tpu.memory_space<hbm>> -> memref<1x125x80xi32, #tpu.memory_space<hbm>>
      %dma_start3A_338 = tpu.memref_squeeze %dma_start3A_337 : memref<1x125x80xi32, #tpu.memory_space<hbm>> -> memref<125x80xi32, #tpu.memory_space<hbm>>
      %dma_start3A_339 = arith.constant 64 : i32
      %dma_start3A_340 = arith.constant 0 : i32
      %dma_start3A_341 = tpu.memref_slice %dma_start3A_338[%dma_start3A_339, %dma_start3A_340] : memref<125x80xi32, #tpu.memory_space<hbm>> -> memref<32x80xi32, #tpu.memory_space<hbm>>
      tpu.enqueue_dma source(%dma_start3A_341 : memref<32x80xi32, #tpu.memory_space<hbm>>) target(%dma_start3A_329 : memref<32x80xi32, #tpu.memory_space<vmem>>) target_semaphore(%run_scoped3A_311 : memref<!tpu.dma_semaphore, #tpu.memory_space<semaphore_mem>>)
      %dma_wait3A_342 = arith.constant 0 : i32
      %dma_wait3A_343 = arith.constant 0 : i32
      %dma_wait3A_344 = tpu.memref_slice %arg5[%dma_wait3A_342, %dma_wait3A_343] : memref<32x80xi32, #tpu.memory_space<vmem>> -> memref<32x80xi32, #tpu.memory_space<vmem>>
      %dma_wait3A_345 = arith.constant 0 : i32
      %dma_wait3A_346 = arith.constant 0 : i32
      %dma_wait3A_347 = arith.constant 0 : i32
      %dma_wait3A_348 = tpu.memref_slice %arg3[%run_scoped3A_227, %dma_wait3A_345, %dma_wait3A_346, %dma_wait3A_347] : memref<2x32x125x80xi32, #tpu.memory_space<hbm>> -> memref<1x32x125x80xi32, #tpu.memory_space<hbm>>
      %dma_wait3A_349 = tpu.memref_squeeze %dma_wait3A_348 : memref<1x32x125x80xi32, #tpu.memory_space<hbm>> -> memref<32x125x80xi32, #tpu.memory_space<hbm>>
      %dma_wait3A_350 = arith.constant 0 : i32
      %dma_wait3A_351 = arith.constant 0 : i32
      %dma_wait3A_352 = tpu.memref_slice %dma_wait3A_349[%add3A, %dma_wait3A_350, %dma_wait3A_351] : memref<32x125x80xi32, #tpu.memory_space<hbm>> -> memref<1x125x80xi32, #tpu.memory_space<hbm>>
      %dma_wait3A_353 = tpu.memref_squeeze %dma_wait3A_352 : memref<1x125x80xi32, #tpu.memory_space<hbm>> -> memref<125x80xi32, #tpu.memory_space<hbm>>
      %dma_wait3A_354 = arith.constant 64 : i32
      %dma_wait3A_355 = arith.constant 0 : i32
      %dma_wait3A_356 = tpu.memref_slice %dma_wait3A_353[%dma_wait3A_354, %dma_wait3A_355] : memref<125x80xi32, #tpu.memory_space<hbm>> -> memref<32x80xi32, #tpu.memory_space<hbm>>
      %dma_wait3A_357 = arith.constant 0 : i32
      %dma_wait3A_358 = arith.constant 0 : i32
      %dma_wait3A_359 = tpu.memref_slice %arg5[%dma_wait3A_357, %dma_wait3A_358] : memref<32x80xi32, #tpu.memory_space<vmem>> -> memref<32x80xi32, #tpu.memory_space<vmem>>
      %dma_wait3A_360 = arith.constant 0 : i32
      %dma_wait3A_361 = arith.constant 0 : i32
      %dma_wait3A_362 = arith.constant 0 : i32
      %dma_wait3A_363 = tpu.memref_slice %arg3[%run_scoped3A_227, %dma_wait3A_360, %dma_wait3A_361, %dma_wait3A_362] : memref<2x32x125x80xi32, #tpu.memory_space<hbm>> -> memref<1x32x125x80xi32, #tpu.memory_space<hbm>>
      %dma_wait3A_364 = tpu.memref_squeeze %dma_wait3A_363 : memref<1x32x125x80xi32, #tpu.memory_space<hbm>> -> memref<32x125x80xi32, #tpu.memory_space<hbm>>
      %dma_wait3A_365 = arith.constant 0 : i32
      %dma_wait3A_366 = arith.constant 0 : i32
      %dma_wait3A_367 = tpu.memref_slice %dma_wait3A_364[%add3A, %dma_wait3A_365, %dma_wait3A_366] : memref<32x125x80xi32, #tpu.memory_space<hbm>> -> memref<1x125x80xi32, #tpu.memory_space<hbm>>
      %dma_wait3A_368 = tpu.memref_squeeze %dma_wait3A_367 : memref<1x125x80xi32, #tpu.memory_space<hbm>> -> memref<125x80xi32, #tpu.memory_space<hbm>>
      %dma_wait3A_369 = arith.constant 64 : i32
      %dma_wait3A_370 = arith.constant 0 : i32
      %dma_wait3A_371 = tpu.memref_slice %dma_wait3A_368[%dma_wait3A_369, %dma_wait3A_370] : memref<125x80xi32, #tpu.memory_space<hbm>> -> memref<32x80xi32, #tpu.memory_space<hbm>>
      tpu.wait_dma2 semaphore(%run_scoped3A_311 : memref<!tpu.dma_semaphore, #tpu.memory_space<semaphore_mem>>) src(%dma_wait3A_371 : memref<32x80xi32, #tpu.memory_space<hbm>>) dst(%dma_wait3A_359 : memref<32x80xi32, #tpu.memory_space<vmem>>)
      tpu.yield
    }) : () -> ()
    %run_scoped3A_228 = arith.constant 1 : i32
    "tpu.region"() ({
      %run_scoped3A_311 = tpu.sem_alloc : memref<!tpu.dma_semaphore, #tpu.memory_space<semaphore_mem>>
      %dma_start3A_312 = arith.constant 0 : i32
      %dma_start3A_313 = arith.constant 0 : i32
      %dma_start3A_314 = tpu.memref_slice %arg6[%dma_start3A_312, %dma_start3A_313] : memref<32x80xi32, #tpu.memory_space<vmem>> -> memref<32x80xi32, #tpu.memory_space<vmem>>
      %dma_start3A_315 = arith.constant 0 : i32
      %dma_start3A_316 = arith.constant 0 : i32
      %dma_start3A_317 = arith.constant 0 : i32
      %dma_start3A_318 = tpu.memref_slice %arg3[%run_scoped3A_228, %dma_start3A_315, %dma_start3A_316, %dma_start3A_317] : memref<2x32x125x80xi32, #tpu.memory_space<hbm>> -> memref<1x32x125x80xi32, #tpu.memory_space<hbm>>
      %dma_start3A_319 = tpu.memref_squeeze %dma_start3A_318 : memref<1x32x125x80xi32, #tpu.memory_space<hbm>> -> memref<32x125x80xi32, #tpu.memory_space<hbm>>
      %dma_start3A_320 = arith.constant 0 : i32
      %dma_start3A_321 = arith.constant 0 : i32
      %dma_start3A_322 = tpu.memref_slice %dma_start3A_319[%add3A, %dma_start3A_320, %dma_start3A_321] : memref<32x125x80xi32, #tpu.memory_space<hbm>> -> memref<1x125x80xi32, #tpu.memory_space<hbm>>
      %dma_start3A_323 = tpu.memref_squeeze %dma_start3A_322 : memref<1x125x80xi32, #tpu.memory_space<hbm>> -> memref<125x80xi32, #tpu.memory_space<hbm>>
      %dma_start3A_324 = arith.constant 64 : i32
      %dma_start3A_325 = arith.constant 0 : i32
      %dma_start3A_326 = tpu.memref_slice %dma_start3A_323[%dma_start3A_324, %dma_start3A_325] : memref<125x80xi32, #tpu.memory_space<hbm>> -> memref<32x80xi32, #tpu.memory_space<hbm>>
      %dma_start3A_327 = arith.constant 0 : i32
      %dma_start3A_328 = arith.constant 0 : i32
      %dma_start3A_329 = tpu.memref_slice %arg6[%dma_start3A_327, %dma_start3A_328] : memref<32x80xi32, #tpu.memory_space<vmem>> -> memref<32x80xi32, #tpu.memory_space<vmem>>
      %dma_start3A_330 = arith.constant 0 : i32
      %dma_start3A_331 = arith.constant 0 : i32
      %dma_start3A_332 = arith.constant 0 : i32
      %dma_start3A_333 = tpu.memref_slice %arg3[%run_scoped3A_228, %dma_start3A_330, %dma_start3A_331, %dma_start3A_332] : memref<2x32x125x80xi32, #tpu.memory_space<hbm>> -> memref<1x32x125x80xi32, #tpu.memory_space<hbm>>
      %dma_start3A_334 = tpu.memref_squeeze %dma_start3A_333 : memref<1x32x125x80xi32, #tpu.memory_space<hbm>> -> memref<32x125x80xi32, #tpu.memory_space<hbm>>
      %dma_start3A_335 = arith.constant 0 : i32
      %dma_start3A_336 = arith.constant 0 : i32
      %dma_start3A_337 = tpu.memref_slice %dma_start3A_334[%add3A, %dma_start3A_335, %dma_start3A_336] : memref<32x125x80xi32, #tpu.memory_space<hbm>> -> memref<1x125x80xi32, #tpu.memory_space<hbm>>
      %dma_start3A_338 = tpu.memref_squeeze %dma_start3A_337 : memref<1x125x80xi32, #tpu.memory_space<hbm>> -> memref<125x80xi32, #tpu.memory_space<hbm>>
      %dma_start3A_339 = arith.constant 64 : i32
      %dma_start3A_340 = arith.constant 0 : i32
      %dma_start3A_341 = tpu.memref_slice %dma_start3A_338[%dma_start3A_339, %dma_start3A_340] : memref<125x80xi32, #tpu.memory_space<hbm>> -> memref<32x80xi32, #tpu.memory_space<hbm>>
      tpu.enqueue_dma source(%dma_start3A_341 : memref<32x80xi32, #tpu.memory_space<hbm>>) target(%dma_start3A_329 : memref<32x80xi32, #tpu.memory_space<vmem>>) target_semaphore(%run_scoped3A_311 : memref<!tpu.dma_semaphore, #tpu.memory_space<semaphore_mem>>)
      %dma_wait3A_342 = arith.constant 0 : i32
      %dma_wait3A_343 = arith.constant 0 : i32
      %dma_wait3A_344 = tpu.memref_slice %arg6[%dma_wait3A_342, %dma_wait3A_343] : memref<32x80xi32, #tpu.memory_space<vmem>> -> memref<32x80xi32, #tpu.memory_space<vmem>>
      %dma_wait3A_345 = arith.constant 0 : i32
      %dma_wait3A_346 = arith.constant 0 : i32
      %dma_wait3A_347 = arith.constant 0 : i32
      %dma_wait3A_348 = tpu.memref_slice %arg3[%run_scoped3A_228, %dma_wait3A_345, %dma_wait3A_346, %dma_wait3A_347] : memref<2x32x125x80xi32, #tpu.memory_space<hbm>> -> memref<1x32x125x80xi32, #tpu.memory_space<hbm>>
      %dma_wait3A_349 = tpu.memref_squeeze %dma_wait3A_348 : memref<1x32x125x80xi32, #tpu.memory_space<hbm>> -> memref<32x125x80xi32, #tpu.memory_space<hbm>>
      %dma_wait3A_350 = arith.constant 0 : i32
      %dma_wait3A_351 = arith.constant 0 : i32
      %dma_wait3A_352 = tpu.memref_slice %dma_wait3A_349[%add3A, %dma_wait3A_350, %dma_wait3A_351] : memref<32x125x80xi32, #tpu.memory_space<hbm>> -> memref<1x125x80xi32, #tpu.memory_space<hbm>>
      %dma_wait3A_353 = tpu.memref_squeeze %dma_wait3A_352 : memref<1x125x80xi32, #tpu.memory_space<hbm>> -> memref<125x80xi32, #tpu.memory_space<hbm>>
      %dma_wait3A_354 = arith.constant 64 : i32
      %dma_wait3A_355 = arith.constant 0 : i32
      %dma_wait3A_356 = tpu.memref_slice %dma_wait3A_353[%dma_wait3A_354, %dma_wait3A_355] : memref<125x80xi32, #tpu.memory_space<hbm>> -> memref<32x80xi32, #tpu.memory_space<hbm>>
      %dma_wait3A_357 = arith.constant 0 : i32
      %dma_wait3A_358 = arith.constant 0 : i32
      %dma_wait3A_359 = tpu.memref_slice %arg6[%dma_wait3A_357, %dma_wait3A_358] : memref<32x80xi32, #tpu.memory_space<vmem>> -> memref<32x80xi32, #tpu.memory_space<vmem>>
      %dma_wait3A_360 = arith.constant 0 : i32
      %dma_wait3A_361 = arith.constant 0 : i32
      %dma_wait3A_362 = arith.constant 0 : i32
      %dma_wait3A_363 = tpu.memref_slice %arg3[%run_scoped3A_228, %dma_wait3A_360, %dma_wait3A_361, %dma_wait3A_362] : memref<2x32x125x80xi32, #tpu.memory_space<hbm>> -> memref<1x32x125x80xi32, #tpu.memory_space<hbm>>
      %dma_wait3A_364 = tpu.memref_squeeze %dma_wait3A_363 : memref<1x32x125x80xi32, #tpu.memory_space<hbm>> -> memref<32x125x80xi32, #tpu.memory_space<hbm>>
      %dma_wait3A_365 = arith.constant 0 : i32
      %dma_wait3A_366 = arith.constant 0 : i32
      %dma_wait3A_367 = tpu.memref_slice %dma_wait3A_364[%add3A, %dma_wait3A_365, %dma_wait3A_366] : memref<32x125x80xi32, #tpu.memory_space<hbm>> -> memref<1x125x80xi32, #tpu.memory_space<hbm>>
      %dma_wait3A_368 = tpu.memref_squeeze %dma_wait3A_367 : memref<1x125x80xi32, #tpu.memory_space<hbm>> -> memref<125x80xi32, #tpu.memory_space<hbm>>
      %dma_wait3A_369 = arith.constant 64 : i32
      %dma_wait3A_370 = arith.constant 0 : i32
      %dma_wait3A_371 = tpu.memref_slice %dma_wait3A_368[%dma_wait3A_369, %dma_wait3A_370] : memref<125x80xi32, #tpu.memory_space<hbm>> -> memref<32x80xi32, #tpu.memory_space<hbm>>
      tpu.wait_dma2 semaphore(%run_scoped3A_311 : memref<!tpu.dma_semaphore, #tpu.memory_space<semaphore_mem>>) src(%dma_wait3A_371 : memref<32x80xi32, #tpu.memory_space<hbm>>) dst(%dma_wait3A_359 : memref<32x80xi32, #tpu.memory_space<vmem>>)
      tpu.yield
    }) : () -> ()
    %dma_start3A_229 = arith.constant 0 : i32
    %dma_start3A_230 = arith.constant 0 : i32
    %dma_start3A_231 = tpu.memref_slice %arg5[%dma_start3A_229, %dma_start3A_230] : memref<32x80xi32, #tpu.memory_space<vmem>> -> memref<1x80xi32, #tpu.memory_space<vmem>>
    %dma_start3A_232 = tpu.memref_squeeze %dma_start3A_231 : memref<1x80xi32, #tpu.memory_space<vmem>> -> memref<80xi32, #tpu.memory_space<vmem>>
    %dma_start3A_233 = arith.constant 0 : i32
    %dma_start3A_234 = arith.constant 0 : i32
    %dma_start3A_235 = tpu.memref_slice %arg2[%dma_start3A_233, %dma_start3A_234] : memref<10000x128xf32, #tpu.memory_space<hbm>> -> memref<10000x128xf32, #tpu.memory_space<hbm>>
    tpu.enqueue_indirect_dma source(%dma_start3A_235 : memref<10000x128xf32, #tpu.memory_space<hbm>>) target(%arg7 : memref<80x128xf32, #tpu.memory_space<vmem>>) offsets(%dma_start3A_232 : memref<80xi32, #tpu.memory_space<vmem>>) semaphore(%arg11 : memref<!tpu.dma_semaphore, #tpu.memory_space<semaphore_mem>>)
    %dma_start3A_236 = arith.constant 1 : i32
    %dma_start3A_237 = arith.constant 0 : i32
    %dma_start3A_238 = tpu.memref_slice %arg5[%dma_start3A_236, %dma_start3A_237] : memref<32x80xi32, #tpu.memory_space<vmem>> -> memref<1x80xi32, #tpu.memory_space<vmem>>
    %dma_start3A_239 = tpu.memref_squeeze %dma_start3A_238 : memref<1x80xi32, #tpu.memory_space<vmem>> -> memref<80xi32, #tpu.memory_space<vmem>>
    %dma_start3A_240 = arith.constant 0 : i32
    %dma_start3A_241 = arith.constant 0 : i32
    %dma_start3A_242 = tpu.memref_slice %arg2[%dma_start3A_240, %dma_start3A_241] : memref<10000x128xf32, #tpu.memory_space<hbm>> -> memref<10000x128xf32, #tpu.memory_space<hbm>>
    tpu.enqueue_indirect_dma source(%dma_start3A_242 : memref<10000x128xf32, #tpu.memory_space<hbm>>) target(%arg8 : memref<80x128xf32, #tpu.memory_space<vmem>>) offsets(%dma_start3A_239 : memref<80xi32, #tpu.memory_space<vmem>>) semaphore(%arg12 : memref<!tpu.dma_semaphore, #tpu.memory_space<semaphore_mem>>)
    %scan3A_243 = arith.constant 0 : i32
    %scan3A_244 = arith.constant 10 : i32
    %scan3A_245 = arith.addi %scan3A_243, %scan3A_244 : i32
    %scan3A_246 = arith.constant 1 : i32
    scf.for %scan3A_311 = %scan3A_243 to %scan3A_245 step %scan3A_246  : i32 {
      %mul3A_312 = arith.constant 1 : i32
      %mul3A_313 = arith.muli %scan3A_311, %mul3A_312 : i32
      %add3A_314 = arith.constant 0 : i32
      %add3A_315 = arith.addi %add3A_314, %mul3A_313 : i32
      %mul3A_316 = arith.constant 3 : i32
      %mul3A_317 = arith.muli %mul3A_316, %add3A_315 : i32
      %add3A_318 = arith.constant 0 : i32
      %add3A_319 = arith.addi %mul3A_317, %add3A_318 : i32
      %add3A_320 = arith.constant 3 : i32
      %add3A_321 = arith.addi %add3A_319, %add3A_320 : i32
      %sub3A_322 = arith.constant 1 : i32
      %sub3A_323 = arith.subi %add3A_321, %sub3A_322 : i32
      %dma_start3A_324 = arith.constant 0 : i32
      %dma_start3A_325 = tpu.memref_slice %arg5[%sub3A_323, %dma_start3A_324] : memref<32x80xi32, #tpu.memory_space<vmem>> -> memref<1x80xi32, #tpu.memory_space<vmem>>
      %dma_start3A_326 = tpu.memref_squeeze %dma_start3A_325 : memref<1x80xi32, #tpu.memory_space<vmem>> -> memref<80xi32, #tpu.memory_space<vmem>>
      %dma_start3A_327 = arith.constant 0 : i32
      %dma_start3A_328 = arith.constant 0 : i32
      %dma_start3A_329 = tpu.memref_slice %arg2[%dma_start3A_327, %dma_start3A_328] : memref<10000x128xf32, #tpu.memory_space<hbm>> -> memref<10000x128xf32, #tpu.memory_space<hbm>>
      tpu.enqueue_indirect_dma source(%dma_start3A_329 : memref<10000x128xf32, #tpu.memory_space<hbm>>) target(%arg9 : memref<80x128xf32, #tpu.memory_space<vmem>>) offsets(%dma_start3A_326 : memref<80xi32, #tpu.memory_space<vmem>>) semaphore(%arg13 : memref<!tpu.dma_semaphore, #tpu.memory_space<semaphore_mem>>)
      %dma_wait3A_330 = arith.constant 0 : i32
      %dma_wait3A_331 = arith.constant 0 : i32
      %dma_wait3A_332 = tpu.memref_slice %arg5[%dma_wait3A_330, %dma_wait3A_331] : memref<32x80xi32, #tpu.memory_space<vmem>> -> memref<1x80xi32, #tpu.memory_space<vmem>>
      %dma_wait3A_333 = tpu.memref_squeeze %dma_wait3A_332 : memref<1x80xi32, #tpu.memory_space<vmem>> -> memref<80xi32, #tpu.memory_space<vmem>>
      %dma_wait3A_334 = arith.constant 0 : i32
      %dma_wait3A_335 = arith.constant 0 : i32
      %dma_wait3A_336 = tpu.memref_slice %arg2[%dma_wait3A_334, %dma_wait3A_335] : memref<10000x128xf32, #tpu.memory_space<hbm>> -> memref<10000x128xf32, #tpu.memory_space<hbm>>
      tpu.wait_indirect_dma semaphore(%arg11 : memref<!tpu.dma_semaphore, #tpu.memory_space<semaphore_mem>>) src(%dma_wait3A_336 : memref<10000x128xf32, #tpu.memory_space<hbm>>) dst(%arg7 : memref<80x128xf32, #tpu.memory_space<vmem>>)
      %add3A_337 = arith.constant 0 : i32
      %add3A_338 = arith.addi %mul3A_317, %add3A_337 : i32
      "tpu.region"() ({
        %run_scoped3A_381 = tpu.sem_alloc : memref<!tpu.dma_semaphore, #tpu.memory_space<semaphore_mem>>
        %dma_start3A_382 = arith.constant 0 : i32
        %dma_start3A_383 = tpu.memref_slice %arg6[%add3A_338, %dma_start3A_382] : memref<32x80xi32, #tpu.memory_space<vmem>> -> memref<1x80xi32, #tpu.memory_space<vmem>>
        %dma_start3A_384 = tpu.memref_squeeze %dma_start3A_383 : memref<1x80xi32, #tpu.memory_space<vmem>> -> memref<80xi32, #tpu.memory_space<vmem>>
        %dma_start3A_385 = arith.constant 0 : i32
        %dma_start3A_386 = arith.constant 0 : i32
        %dma_start3A_387 = tpu.memref_slice %arg10[%dma_start3A_385, %dma_start3A_386] : memref<10000x128xf32, #tpu.memory_space<vmem_shared>> -> memref<10000x128xf32, #tpu.memory_space<vmem_shared>>
        tpu.enqueue_indirect_dma source(%arg7 : memref<80x128xf32, #tpu.memory_space<vmem>>) target(%dma_start3A_387 : memref<10000x128xf32, #tpu.memory_space<vmem_shared>>) offsets(%dma_start3A_384 : memref<80xi32, #tpu.memory_space<vmem>>) semaphore(%run_scoped3A_381 : memref<!tpu.dma_semaphore, #tpu.memory_space<semaphore_mem>>) {add = true}
        %dma_wait3A_388 = arith.constant 0 : i32
        %dma_wait3A_389 = tpu.memref_slice %arg6[%add3A_338, %dma_wait3A_388] : memref<32x80xi32, #tpu.memory_space<vmem>> -> memref<1x80xi32, #tpu.memory_space<vmem>>
        %dma_wait3A_390 = tpu.memref_squeeze %dma_wait3A_389 : memref<1x80xi32, #tpu.memory_space<vmem>> -> memref<80xi32, #tpu.memory_space<vmem>>
        %dma_wait3A_391 = arith.constant 0 : i32
        %dma_wait3A_392 = arith.constant 0 : i32
        %dma_wait3A_393 = tpu.memref_slice %arg10[%dma_wait3A_391, %dma_wait3A_392] : memref<10000x128xf32, #tpu.memory_space<vmem_shared>> -> memref<10000x128xf32, #tpu.memory_space<vmem_shared>>
        tpu.wait_indirect_dma semaphore(%run_scoped3A_381 : memref<!tpu.dma_semaphore, #tpu.memory_space<semaphore_mem>>) src(%arg7 : memref<80x128xf32, #tpu.memory_space<vmem>>) dst(%dma_wait3A_393 : memref<10000x128xf32, #tpu.memory_space<vmem_shared>>)
        tpu.yield
      }) : () -> ()
      %add3A_339 = arith.constant 1 : i32
      %add3A_340 = arith.addi %mul3A_317, %add3A_339 : i32
      %add3A_341 = arith.constant 3 : i32
      %add3A_342 = arith.addi %add3A_340, %add3A_341 : i32
      %sub3A_343 = arith.constant 1 : i32
      %sub3A_344 = arith.subi %add3A_342, %sub3A_343 : i32
      %dma_start3A_345 = arith.constant 0 : i32
      %dma_start3A_346 = tpu.memref_slice %arg5[%sub3A_344, %dma_start3A_345] : memref<32x80xi32, #tpu.memory_space<vmem>> -> memref<1x80xi32, #tpu.memory_space<vmem>>
      %dma_start3A_347 = tpu.memref_squeeze %dma_start3A_346 : memref<1x80xi32, #tpu.memory_space<vmem>> -> memref<80xi32, #tpu.memory_space<vmem>>
      %dma_start3A_348 = arith.constant 0 : i32
      %dma_start3A_349 = arith.constant 0 : i32
      %dma_start3A_350 = tpu.memref_slice %arg2[%dma_start3A_348, %dma_start3A_349] : memref<10000x128xf32, #tpu.memory_space<hbm>> -> memref<10000x128xf32, #tpu.memory_space<hbm>>
      tpu.enqueue_indirect_dma source(%dma_start3A_350 : memref<10000x128xf32, #tpu.memory_space<hbm>>) target(%arg7 : memref<80x128xf32, #tpu.memory_space<vmem>>) offsets(%dma_start3A_347 : memref<80xi32, #tpu.memory_space<vmem>>) semaphore(%arg11 : memref<!tpu.dma_semaphore, #tpu.memory_space<semaphore_mem>>)
      %dma_wait3A_351 = arith.constant 0 : i32
      %dma_wait3A_352 = arith.constant 0 : i32
      %dma_wait3A_353 = tpu.memref_slice %arg5[%dma_wait3A_351, %dma_wait3A_352] : memref<32x80xi32, #tpu.memory_space<vmem>> -> memref<1x80xi32, #tpu.memory_space<vmem>>
      %dma_wait3A_354 = tpu.memref_squeeze %dma_wait3A_353 : memref<1x80xi32, #tpu.memory_space<vmem>> -> memref<80xi32, #tpu.memory_space<vmem>>
      %dma_wait3A_355 = arith.constant 0 : i32
      %dma_wait3A_356 = arith.constant 0 : i32
      %dma_wait3A_357 = tpu.memref_slice %arg2[%dma_wait3A_355, %dma_wait3A_356] : memref<10000x128xf32, #tpu.memory_space<hbm>> -> memref<10000x128xf32, #tpu.memory_space<hbm>>
      tpu.wait_indirect_dma semaphore(%arg12 : memref<!tpu.dma_semaphore, #tpu.memory_space<semaphore_mem>>) src(%dma_wait3A_357 : memref<10000x128xf32, #tpu.memory_space<hbm>>) dst(%arg8 : memref<80x128xf32, #tpu.memory_space<vmem>>)
      %add3A_358 = arith.constant 1 : i32
      %add3A_359 = arith.addi %mul3A_317, %add3A_358 : i32
      "tpu.region"() ({
        %run_scoped3A_381 = tpu.sem_alloc : memref<!tpu.dma_semaphore, #tpu.memory_space<semaphore_mem>>
        %dma_start3A_382 = arith.constant 0 : i32
        %dma_start3A_383 = tpu.memref_slice %arg6[%add3A_359, %dma_start3A_382] : memref<32x80xi32, #tpu.memory_space<vmem>> -> memref<1x80xi32, #tpu.memory_space<vmem>>
        %dma_start3A_384 = tpu.memref_squeeze %dma_start3A_383 : memref<1x80xi32, #tpu.memory_space<vmem>> -> memref<80xi32, #tpu.memory_space<vmem>>
        %dma_start3A_385 = arith.constant 0 : i32
        %dma_start3A_386 = arith.constant 0 : i32
        %dma_start3A_387 = tpu.memref_slice %arg10[%dma_start3A_385, %dma_start3A_386] : memref<10000x128xf32, #tpu.memory_space<vmem_shared>> -> memref<10000x128xf32, #tpu.memory_space<vmem_shared>>
        tpu.enqueue_indirect_dma source(%arg8 : memref<80x128xf32, #tpu.memory_space<vmem>>) target(%dma_start3A_387 : memref<10000x128xf32, #tpu.memory_space<vmem_shared>>) offsets(%dma_start3A_384 : memref<80xi32, #tpu.memory_space<vmem>>) semaphore(%run_scoped3A_381 : memref<!tpu.dma_semaphore, #tpu.memory_space<semaphore_mem>>) {add = true}
        %dma_wait3A_388 = arith.constant 0 : i32
        %dma_wait3A_389 = tpu.memref_slice %arg6[%add3A_359, %dma_wait3A_388] : memref<32x80xi32, #tpu.memory_space<vmem>> -> memref<1x80xi32, #tpu.memory_space<vmem>>
        %dma_wait3A_390 = tpu.memref_squeeze %dma_wait3A_389 : memref<1x80xi32, #tpu.memory_space<vmem>> -> memref<80xi32, #tpu.memory_space<vmem>>
        %dma_wait3A_391 = arith.constant 0 : i32
        %dma_wait3A_392 = arith.constant 0 : i32
        %dma_wait3A_393 = tpu.memref_slice %arg10[%dma_wait3A_391, %dma_wait3A_392] : memref<10000x128xf32, #tpu.memory_space<vmem_shared>> -> memref<10000x128xf32, #tpu.memory_space<vmem_shared>>
        tpu.wait_indirect_dma semaphore(%run_scoped3A_381 : memref<!tpu.dma_semaphore, #tpu.memory_space<semaphore_mem>>) src(%arg8 : memref<80x128xf32, #tpu.memory_space<vmem>>) dst(%dma_wait3A_393 : memref<10000x128xf32, #tpu.memory_space<vmem_shared>>)
        tpu.yield
      }) : () -> ()
      %add3A_360 = arith.constant 2 : i32
      %add3A_361 = arith.addi %mul3A_317, %add3A_360 : i32
      %add3A_362 = arith.constant 3 : i32
      %add3A_363 = arith.addi %add3A_361, %add3A_362 : i32
      %sub3A_364 = arith.constant 1 : i32
      %sub3A_365 = arith.subi %add3A_363, %sub3A_364 : i32
      %dma_start3A_366 = arith.constant 0 : i32
      %dma_start3A_367 = tpu.memref_slice %arg5[%sub3A_365, %dma_start3A_366] : memref<32x80xi32, #tpu.memory_space<vmem>> -> memref<1x80xi32, #tpu.memory_space<vmem>>
      %dma_start3A_368 = tpu.memref_squeeze %dma_start3A_367 : memref<1x80xi32, #tpu.memory_space<vmem>> -> memref<80xi32, #tpu.memory_space<vmem>>
      %dma_start3A_369 = arith.constant 0 : i32
      %dma_start3A_370 = arith.constant 0 : i32
      %dma_start3A_371 = tpu.memref_slice %arg2[%dma_start3A_369, %dma_start3A_370] : memref<10000x128xf32, #tpu.memory_space<hbm>> -> memref<10000x128xf32, #tpu.memory_space<hbm>>
      tpu.enqueue_indirect_dma source(%dma_start3A_371 : memref<10000x128xf32, #tpu.memory_space<hbm>>) target(%arg8 : memref<80x128xf32, #tpu.memory_space<vmem>>) offsets(%dma_start3A_368 : memref<80xi32, #tpu.memory_space<vmem>>) semaphore(%arg12 : memref<!tpu.dma_semaphore, #tpu.memory_space<semaphore_mem>>)
      %dma_wait3A_372 = arith.constant 0 : i32
      %dma_wait3A_373 = arith.constant 0 : i32
      %dma_wait3A_374 = tpu.memref_slice %arg5[%dma_wait3A_372, %dma_wait3A_373] : memref<32x80xi32, #tpu.memory_space<vmem>> -> memref<1x80xi32, #tpu.memory_space<vmem>>
      %dma_wait3A_375 = tpu.memref_squeeze %dma_wait3A_374 : memref<1x80xi32, #tpu.memory_space<vmem>> -> memref<80xi32, #tpu.memory_space<vmem>>
      %dma_wait3A_376 = arith.constant 0 : i32
      %dma_wait3A_377 = arith.constant 0 : i32
      %dma_wait3A_378 = tpu.memref_slice %arg2[%dma_wait3A_376, %dma_wait3A_377] : memref<10000x128xf32, #tpu.memory_space<hbm>> -> memref<10000x128xf32, #tpu.memory_space<hbm>>
      tpu.wait_indirect_dma semaphore(%arg13 : memref<!tpu.dma_semaphore, #tpu.memory_space<semaphore_mem>>) src(%dma_wait3A_378 : memref<10000x128xf32, #tpu.memory_space<hbm>>) dst(%arg9 : memref<80x128xf32, #tpu.memory_space<vmem>>)
      %add3A_379 = arith.constant 2 : i32
      %add3A_380 = arith.addi %mul3A_317, %add3A_379 : i32
      "tpu.region"() ({
        %run_scoped3A_381 = tpu.sem_alloc : memref<!tpu.dma_semaphore, #tpu.memory_space<semaphore_mem>>
        %dma_start3A_382 = arith.constant 0 : i32
        %dma_start3A_383 = tpu.memref_slice %arg6[%add3A_380, %dma_start3A_382] : memref<32x80xi32, #tpu.memory_space<vmem>> -> memref<1x80xi32, #tpu.memory_space<vmem>>
        %dma_start3A_384 = tpu.memref_squeeze %dma_start3A_383 : memref<1x80xi32, #tpu.memory_space<vmem>> -> memref<80xi32, #tpu.memory_space<vmem>>
        %dma_start3A_385 = arith.constant 0 : i32
        %dma_start3A_386 = arith.constant 0 : i32
        %dma_start3A_387 = tpu.memref_slice %arg10[%dma_start3A_385, %dma_start3A_386] : memref<10000x128xf32, #tpu.memory_space<vmem_shared>> -> memref<10000x128xf32, #tpu.memory_space<vmem_shared>>
        tpu.enqueue_indirect_dma source(%arg9 : memref<80x128xf32, #tpu.memory_space<vmem>>) target(%dma_start3A_387 : memref<10000x128xf32, #tpu.memory_space<vmem_shared>>) offsets(%dma_start3A_384 : memref<80xi32, #tpu.memory_space<vmem>>) semaphore(%run_scoped3A_381 : memref<!tpu.dma_semaphore, #tpu.memory_space<semaphore_mem>>) {add = true}
        %dma_wait3A_388 = arith.constant 0 : i32
        %dma_wait3A_389 = tpu.memref_slice %arg6[%add3A_380, %dma_wait3A_388] : memref<32x80xi32, #tpu.memory_space<vmem>> -> memref<1x80xi32, #tpu.memory_space<vmem>>
        %dma_wait3A_390 = tpu.memref_squeeze %dma_wait3A_389 : memref<1x80xi32, #tpu.memory_space<vmem>> -> memref<80xi32, #tpu.memory_space<vmem>>
        %dma_wait3A_391 = arith.constant 0 : i32
        %dma_wait3A_392 = arith.constant 0 : i32
        %dma_wait3A_393 = tpu.memref_slice %arg10[%dma_wait3A_391, %dma_wait3A_392] : memref<10000x128xf32, #tpu.memory_space<vmem_shared>> -> memref<10000x128xf32, #tpu.memory_space<vmem_shared>>
        tpu.wait_indirect_dma semaphore(%run_scoped3A_381 : memref<!tpu.dma_semaphore, #tpu.memory_space<semaphore_mem>>) src(%arg9 : memref<80x128xf32, #tpu.memory_space<vmem>>) dst(%dma_wait3A_393 : memref<10000x128xf32, #tpu.memory_space<vmem_shared>>)
        tpu.yield
      }) : () -> ()
    }
    %scan3A_247 = arith.constant 10 : i32
    %dma_wait3A_248 = arith.constant 0 : i32
    %dma_wait3A_249 = arith.constant 0 : i32
    %dma_wait3A_250 = tpu.memref_slice %arg5[%dma_wait3A_248, %dma_wait3A_249] : memref<32x80xi32, #tpu.memory_space<vmem>> -> memref<1x80xi32, #tpu.memory_space<vmem>>
    %dma_wait3A_251 = tpu.memref_squeeze %dma_wait3A_250 : memref<1x80xi32, #tpu.memory_space<vmem>> -> memref<80xi32, #tpu.memory_space<vmem>>
    %dma_wait3A_252 = arith.constant 0 : i32
    %dma_wait3A_253 = arith.constant 0 : i32
    %dma_wait3A_254 = tpu.memref_slice %arg2[%dma_wait3A_252, %dma_wait3A_253] : memref<10000x128xf32, #tpu.memory_space<hbm>> -> memref<10000x128xf32, #tpu.memory_space<hbm>>
    tpu.wait_indirect_dma semaphore(%arg11 : memref<!tpu.dma_semaphore, #tpu.memory_space<semaphore_mem>>) src(%dma_wait3A_254 : memref<10000x128xf32, #tpu.memory_space<hbm>>) dst(%arg7 : memref<80x128xf32, #tpu.memory_space<vmem>>)
    %run_scoped3A_255 = arith.constant 30 : i32
    "tpu.region"() ({
      %run_scoped3A_311 = tpu.sem_alloc : memref<!tpu.dma_semaphore, #tpu.memory_space<semaphore_mem>>
      %dma_start3A_312 = arith.constant 0 : i32
      %dma_start3A_313 = tpu.memref_slice %arg6[%run_scoped3A_255, %dma_start3A_312] : memref<32x80xi32, #tpu.memory_space<vmem>> -> memref<1x80xi32, #tpu.memory_space<vmem>>
      %dma_start3A_314 = tpu.memref_squeeze %dma_start3A_313 : memref<1x80xi32, #tpu.memory_space<vmem>> -> memref<80xi32, #tpu.memory_space<vmem>>
      %dma_start3A_315 = arith.constant 0 : i32
      %dma_start3A_316 = arith.constant 0 : i32
      %dma_start3A_317 = tpu.memref_slice %arg10[%dma_start3A_315, %dma_start3A_316] : memref<10000x128xf32, #tpu.memory_space<vmem_shared>> -> memref<10000x128xf32, #tpu.memory_space<vmem_shared>>
      tpu.enqueue_indirect_dma source(%arg7 : memref<80x128xf32, #tpu.memory_space<vmem>>) target(%dma_start3A_317 : memref<10000x128xf32, #tpu.memory_space<vmem_shared>>) offsets(%dma_start3A_314 : memref<80xi32, #tpu.memory_space<vmem>>) semaphore(%run_scoped3A_311 : memref<!tpu.dma_semaphore, #tpu.memory_space<semaphore_mem>>) {add = true}
      %dma_wait3A_318 = arith.constant 0 : i32
      %dma_wait3A_319 = tpu.memref_slice %arg6[%run_scoped3A_255, %dma_wait3A_318] : memref<32x80xi32, #tpu.memory_space<vmem>> -> memref<1x80xi32, #tpu.memory_space<vmem>>
      %dma_wait3A_320 = tpu.memref_squeeze %dma_wait3A_319 : memref<1x80xi32, #tpu.memory_space<vmem>> -> memref<80xi32, #tpu.memory_space<vmem>>
      %dma_wait3A_321 = arith.constant 0 : i32
      %dma_wait3A_322 = arith.constant 0 : i32
      %dma_wait3A_323 = tpu.memref_slice %arg10[%dma_wait3A_321, %dma_wait3A_322] : memref<10000x128xf32, #tpu.memory_space<vmem_shared>> -> memref<10000x128xf32, #tpu.memory_space<vmem_shared>>
      tpu.wait_indirect_dma semaphore(%run_scoped3A_311 : memref<!tpu.dma_semaphore, #tpu.memory_space<semaphore_mem>>) src(%arg7 : memref<80x128xf32, #tpu.memory_space<vmem>>) dst(%dma_wait3A_323 : memref<10000x128xf32, #tpu.memory_space<vmem_shared>>)
      tpu.yield
    }) : () -> ()
    %dma_wait3A_256 = arith.constant 0 : i32
    %dma_wait3A_257 = arith.constant 0 : i32
    %dma_wait3A_258 = tpu.memref_slice %arg5[%dma_wait3A_256, %dma_wait3A_257] : memref<32x80xi32, #tpu.memory_space<vmem>> -> memref<1x80xi32, #tpu.memory_space<vmem>>
    %dma_wait3A_259 = tpu.memref_squeeze %dma_wait3A_258 : memref<1x80xi32, #tpu.memory_space<vmem>> -> memref<80xi32, #tpu.memory_space<vmem>>
    %dma_wait3A_260 = arith.constant 0 : i32
    %dma_wait3A_261 = arith.constant 0 : i32
    %dma_wait3A_262 = tpu.memref_slice %arg2[%dma_wait3A_260, %dma_wait3A_261] : memref<10000x128xf32, #tpu.memory_space<hbm>> -> memref<10000x128xf32, #tpu.memory_space<hbm>>
    tpu.wait_indirect_dma semaphore(%arg12 : memref<!tpu.dma_semaphore, #tpu.memory_space<semaphore_mem>>) src(%dma_wait3A_262 : memref<10000x128xf32, #tpu.memory_space<hbm>>) dst(%arg8 : memref<80x128xf32, #tpu.memory_space<vmem>>)
    %run_scoped3A_263 = arith.constant 31 : i32
    "tpu.region"() ({
      %run_scoped3A_311 = tpu.sem_alloc : memref<!tpu.dma_semaphore, #tpu.memory_space<semaphore_mem>>
      %dma_start3A_312 = arith.constant 0 : i32
      %dma_start3A_313 = tpu.memref_slice %arg6[%run_scoped3A_263, %dma_start3A_312] : memref<32x80xi32, #tpu.memory_space<vmem>> -> memref<1x80xi32, #tpu.memory_space<vmem>>
      %dma_start3A_314 = tpu.memref_squeeze %dma_start3A_313 : memref<1x80xi32, #tpu.memory_space<vmem>> -> memref<80xi32, #tpu.memory_space<vmem>>
      %dma_start3A_315 = arith.constant 0 : i32
      %dma_start3A_316 = arith.constant 0 : i32
      %dma_start3A_317 = tpu.memref_slice %arg10[%dma_start3A_315, %dma_start3A_316] : memref<10000x128xf32, #tpu.memory_space<vmem_shared>> -> memref<10000x128xf32, #tpu.memory_space<vmem_shared>>
      tpu.enqueue_indirect_dma source(%arg8 : memref<80x128xf32, #tpu.memory_space<vmem>>) target(%dma_start3A_317 : memref<10000x128xf32, #tpu.memory_space<vmem_shared>>) offsets(%dma_start3A_314 : memref<80xi32, #tpu.memory_space<vmem>>) semaphore(%run_scoped3A_311 : memref<!tpu.dma_semaphore, #tpu.memory_space<semaphore_mem>>) {add = true}
      %dma_wait3A_318 = arith.constant 0 : i32
      %dma_wait3A_319 = tpu.memref_slice %arg6[%run_scoped3A_263, %dma_wait3A_318] : memref<32x80xi32, #tpu.memory_space<vmem>> -> memref<1x80xi32, #tpu.memory_space<vmem>>
      %dma_wait3A_320 = tpu.memref_squeeze %dma_wait3A_319 : memref<1x80xi32, #tpu.memory_space<vmem>> -> memref<80xi32, #tpu.memory_space<vmem>>
      %dma_wait3A_321 = arith.constant 0 : i32
      %dma_wait3A_322 = arith.constant 0 : i32
      %dma_wait3A_323 = tpu.memref_slice %arg10[%dma_wait3A_321, %dma_wait3A_322] : memref<10000x128xf32, #tpu.memory_space<vmem_shared>> -> memref<10000x128xf32, #tpu.memory_space<vmem_shared>>
      tpu.wait_indirect_dma semaphore(%run_scoped3A_311 : memref<!tpu.dma_semaphore, #tpu.memory_space<semaphore_mem>>) src(%arg8 : memref<80x128xf32, #tpu.memory_space<vmem>>) dst(%dma_wait3A_323 : memref<10000x128xf32, #tpu.memory_space<vmem_shared>>)
      tpu.yield
    }) : () -> ()
    %run_scoped3A_264 = arith.constant 0 : i32
    "tpu.region"() ({
      %run_scoped3A_311 = tpu.sem_alloc : memref<!tpu.dma_semaphore, #tpu.memory_space<semaphore_mem>>
      %dma_start3A_312 = arith.constant 0 : i32
      %dma_start3A_313 = arith.constant 0 : i32
      %dma_start3A_314 = tpu.memref_slice %arg5[%dma_start3A_312, %dma_start3A_313] : memref<32x80xi32, #tpu.memory_space<vmem>> -> memref<29x80xi32, #tpu.memory_space<vmem>>
      %dma_start3A_315 = arith.constant 0 : i32
      %dma_start3A_316 = arith.constant 0 : i32
      %dma_start3A_317 = arith.constant 0 : i32
      %dma_start3A_318 = tpu.memref_slice %arg3[%run_scoped3A_264, %dma_start3A_315, %dma_start3A_316, %dma_start3A_317] : memref<2x32x125x80xi32, #tpu.memory_space<hbm>> -> memref<1x32x125x80xi32, #tpu.memory_space<hbm>>
      %dma_start3A_319 = tpu.memref_squeeze %dma_start3A_318 : memref<1x32x125x80xi32, #tpu.memory_space<hbm>> -> memref<32x125x80xi32, #tpu.memory_space<hbm>>
      %dma_start3A_320 = arith.constant 0 : i32
      %dma_start3A_321 = arith.constant 0 : i32
      %dma_start3A_322 = tpu.memref_slice %dma_start3A_319[%add3A, %dma_start3A_320, %dma_start3A_321] : memref<32x125x80xi32, #tpu.memory_space<hbm>> -> memref<1x125x80xi32, #tpu.memory_space<hbm>>
      %dma_start3A_323 = tpu.memref_squeeze %dma_start3A_322 : memref<1x125x80xi32, #tpu.memory_space<hbm>> -> memref<125x80xi32, #tpu.memory_space<hbm>>
      %dma_start3A_324 = arith.constant 96 : i32
      %dma_start3A_325 = arith.constant 0 : i32
      %dma_start3A_326 = tpu.memref_slice %dma_start3A_323[%dma_start3A_324, %dma_start3A_325] : memref<125x80xi32, #tpu.memory_space<hbm>> -> memref<29x80xi32, #tpu.memory_space<hbm>>
      %dma_start3A_327 = arith.constant 0 : i32
      %dma_start3A_328 = arith.constant 0 : i32
      %dma_start3A_329 = tpu.memref_slice %arg5[%dma_start3A_327, %dma_start3A_328] : memref<32x80xi32, #tpu.memory_space<vmem>> -> memref<29x80xi32, #tpu.memory_space<vmem>>
      %dma_start3A_330 = arith.constant 0 : i32
      %dma_start3A_331 = arith.constant 0 : i32
      %dma_start3A_332 = arith.constant 0 : i32
      %dma_start3A_333 = tpu.memref_slice %arg3[%run_scoped3A_264, %dma_start3A_330, %dma_start3A_331, %dma_start3A_332] : memref<2x32x125x80xi32, #tpu.memory_space<hbm>> -> memref<1x32x125x80xi32, #tpu.memory_space<hbm>>
      %dma_start3A_334 = tpu.memref_squeeze %dma_start3A_333 : memref<1x32x125x80xi32, #tpu.memory_space<hbm>> -> memref<32x125x80xi32, #tpu.memory_space<hbm>>
      %dma_start3A_335 = arith.constant 0 : i32
      %dma_start3A_336 = arith.constant 0 : i32
      %dma_start3A_337 = tpu.memref_slice %dma_start3A_334[%add3A, %dma_start3A_335, %dma_start3A_336] : memref<32x125x80xi32, #tpu.memory_space<hbm>> -> memref<1x125x80xi32, #tpu.memory_space<hbm>>
      %dma_start3A_338 = tpu.memref_squeeze %dma_start3A_337 : memref<1x125x80xi32, #tpu.memory_space<hbm>> -> memref<125x80xi32, #tpu.memory_space<hbm>>
      %dma_start3A_339 = arith.constant 96 : i32
      %dma_start3A_340 = arith.constant 0 : i32
      %dma_start3A_341 = tpu.memref_slice %dma_start3A_338[%dma_start3A_339, %dma_start3A_340] : memref<125x80xi32, #tpu.memory_space<hbm>> -> memref<29x80xi32, #tpu.memory_space<hbm>>
      tpu.enqueue_dma source(%dma_start3A_341 : memref<29x80xi32, #tpu.memory_space<hbm>>) target(%dma_start3A_329 : memref<29x80xi32, #tpu.memory_space<vmem>>) target_semaphore(%run_scoped3A_311 : memref<!tpu.dma_semaphore, #tpu.memory_space<semaphore_mem>>)
      %dma_wait3A_342 = arith.constant 0 : i32
      %dma_wait3A_343 = arith.constant 0 : i32
      %dma_wait3A_344 = tpu.memref_slice %arg5[%dma_wait3A_342, %dma_wait3A_343] : memref<32x80xi32, #tpu.memory_space<vmem>> -> memref<29x80xi32, #tpu.memory_space<vmem>>
      %dma_wait3A_345 = arith.constant 0 : i32
      %dma_wait3A_346 = arith.constant 0 : i32
      %dma_wait3A_347 = arith.constant 0 : i32
      %dma_wait3A_348 = tpu.memref_slice %arg3[%run_scoped3A_264, %dma_wait3A_345, %dma_wait3A_346, %dma_wait3A_347] : memref<2x32x125x80xi32, #tpu.memory_space<hbm>> -> memref<1x32x125x80xi32, #tpu.memory_space<hbm>>
      %dma_wait3A_349 = tpu.memref_squeeze %dma_wait3A_348 : memref<1x32x125x80xi32, #tpu.memory_space<hbm>> -> memref<32x125x80xi32, #tpu.memory_space<hbm>>
      %dma_wait3A_350 = arith.constant 0 : i32
      %dma_wait3A_351 = arith.constant 0 : i32
      %dma_wait3A_352 = tpu.memref_slice %dma_wait3A_349[%add3A, %dma_wait3A_350, %dma_wait3A_351] : memref<32x125x80xi32, #tpu.memory_space<hbm>> -> memref<1x125x80xi32, #tpu.memory_space<hbm>>
      %dma_wait3A_353 = tpu.memref_squeeze %dma_wait3A_352 : memref<1x125x80xi32, #tpu.memory_space<hbm>> -> memref<125x80xi32, #tpu.memory_space<hbm>>
      %dma_wait3A_354 = arith.constant 96 : i32
      %dma_wait3A_355 = arith.constant 0 : i32
      %dma_wait3A_356 = tpu.memref_slice %dma_wait3A_353[%dma_wait3A_354, %dma_wait3A_355] : memref<125x80xi32, #tpu.memory_space<hbm>> -> memref<29x80xi32, #tpu.memory_space<hbm>>
      %dma_wait3A_357 = arith.constant 0 : i32
      %dma_wait3A_358 = arith.constant 0 : i32
      %dma_wait3A_359 = tpu.memref_slice %arg5[%dma_wait3A_357, %dma_wait3A_358] : memref<32x80xi32, #tpu.memory_space<vmem>> -> memref<29x80xi32, #tpu.memory_space<vmem>>
      %dma_wait3A_360 = arith.constant 0 : i32
      %dma_wait3A_361 = arith.constant 0 : i32
      %dma_wait3A_362 = arith.constant 0 : i32
      %dma_wait3A_363 = tpu.memref_slice %arg3[%run_scoped3A_264, %dma_wait3A_360, %dma_wait3A_361, %dma_wait3A_362] : memref<2x32x125x80xi32, #tpu.memory_space<hbm>> -> memref<1x32x125x80xi32, #tpu.memory_space<hbm>>
      %dma_wait3A_364 = tpu.memref_squeeze %dma_wait3A_363 : memref<1x32x125x80xi32, #tpu.memory_space<hbm>> -> memref<32x125x80xi32, #tpu.memory_space<hbm>>
      %dma_wait3A_365 = arith.constant 0 : i32
      %dma_wait3A_366 = arith.constant 0 : i32
      %dma_wait3A_367 = tpu.memref_slice %dma_wait3A_364[%add3A, %dma_wait3A_365, %dma_wait3A_366] : memref<32x125x80xi32, #tpu.memory_space<hbm>> -> memref<1x125x80xi32, #tpu.memory_space<hbm>>
      %dma_wait3A_368 = tpu.memref_squeeze %dma_wait3A_367 : memref<1x125x80xi32, #tpu.memory_space<hbm>> -> memref<125x80xi32, #tpu.memory_space<hbm>>
      %dma_wait3A_369 = arith.constant 96 : i32
      %dma_wait3A_370 = arith.constant 0 : i32
      %dma_wait3A_371 = tpu.memref_slice %dma_wait3A_368[%dma_wait3A_369, %dma_wait3A_370] : memref<125x80xi32, #tpu.memory_space<hbm>> -> memref<29x80xi32, #tpu.memory_space<hbm>>
      tpu.wait_dma2 semaphore(%run_scoped3A_311 : memref<!tpu.dma_semaphore, #tpu.memory_space<semaphore_mem>>) src(%dma_wait3A_371 : memref<29x80xi32, #tpu.memory_space<hbm>>) dst(%dma_wait3A_359 : memref<29x80xi32, #tpu.memory_space<vmem>>)
      tpu.yield
    }) : () -> ()
    %run_scoped3A_265 = arith.constant 1 : i32
    "tpu.region"() ({
      %run_scoped3A_311 = tpu.sem_alloc : memref<!tpu.dma_semaphore, #tpu.memory_space<semaphore_mem>>
      %dma_start3A_312 = arith.constant 0 : i32
      %dma_start3A_313 = arith.constant 0 : i32
      %dma_start3A_314 = tpu.memref_slice %arg6[%dma_start3A_312, %dma_start3A_313] : memref<32x80xi32, #tpu.memory_space<vmem>> -> memref<29x80xi32, #tpu.memory_space<vmem>>
      %dma_start3A_315 = arith.constant 0 : i32
      %dma_start3A_316 = arith.constant 0 : i32
      %dma_start3A_317 = arith.constant 0 : i32
      %dma_start3A_318 = tpu.memref_slice %arg3[%run_scoped3A_265, %dma_start3A_315, %dma_start3A_316, %dma_start3A_317] : memref<2x32x125x80xi32, #tpu.memory_space<hbm>> -> memref<1x32x125x80xi32, #tpu.memory_space<hbm>>
      %dma_start3A_319 = tpu.memref_squeeze %dma_start3A_318 : memref<1x32x125x80xi32, #tpu.memory_space<hbm>> -> memref<32x125x80xi32, #tpu.memory_space<hbm>>
      %dma_start3A_320 = arith.constant 0 : i32
      %dma_start3A_321 = arith.constant 0 : i32
      %dma_start3A_322 = tpu.memref_slice %dma_start3A_319[%add3A, %dma_start3A_320, %dma_start3A_321] : memref<32x125x80xi32, #tpu.memory_space<hbm>> -> memref<1x125x80xi32, #tpu.memory_space<hbm>>
      %dma_start3A_323 = tpu.memref_squeeze %dma_start3A_322 : memref<1x125x80xi32, #tpu.memory_space<hbm>> -> memref<125x80xi32, #tpu.memory_space<hbm>>
      %dma_start3A_324 = arith.constant 96 : i32
      %dma_start3A_325 = arith.constant 0 : i32
      %dma_start3A_326 = tpu.memref_slice %dma_start3A_323[%dma_start3A_324, %dma_start3A_325] : memref<125x80xi32, #tpu.memory_space<hbm>> -> memref<29x80xi32, #tpu.memory_space<hbm>>
      %dma_start3A_327 = arith.constant 0 : i32
      %dma_start3A_328 = arith.constant 0 : i32
      %dma_start3A_329 = tpu.memref_slice %arg6[%dma_start3A_327, %dma_start3A_328] : memref<32x80xi32, #tpu.memory_space<vmem>> -> memref<29x80xi32, #tpu.memory_space<vmem>>
      %dma_start3A_330 = arith.constant 0 : i32
      %dma_start3A_331 = arith.constant 0 : i32
      %dma_start3A_332 = arith.constant 0 : i32
      %dma_start3A_333 = tpu.memref_slice %arg3[%run_scoped3A_265, %dma_start3A_330, %dma_start3A_331, %dma_start3A_332] : memref<2x32x125x80xi32, #tpu.memory_space<hbm>> -> memref<1x32x125x80xi32, #tpu.memory_space<hbm>>
      %dma_start3A_334 = tpu.memref_squeeze %dma_start3A_333 : memref<1x32x125x80xi32, #tpu.memory_space<hbm>> -> memref<32x125x80xi32, #tpu.memory_space<hbm>>
      %dma_start3A_335 = arith.constant 0 : i32
      %dma_start3A_336 = arith.constant 0 : i32
      %dma_start3A_337 = tpu.memref_slice %dma_start3A_334[%add3A, %dma_start3A_335, %dma_start3A_336] : memref<32x125x80xi32, #tpu.memory_space<hbm>> -> memref<1x125x80xi32, #tpu.memory_space<hbm>>
      %dma_start3A_338 = tpu.memref_squeeze %dma_start3A_337 : memref<1x125x80xi32, #tpu.memory_space<hbm>> -> memref<125x80xi32, #tpu.memory_space<hbm>>
      %dma_start3A_339 = arith.constant 96 : i32
      %dma_start3A_340 = arith.constant 0 : i32
      %dma_start3A_341 = tpu.memref_slice %dma_start3A_338[%dma_start3A_339, %dma_start3A_340] : memref<125x80xi32, #tpu.memory_space<hbm>> -> memref<29x80xi32, #tpu.memory_space<hbm>>
      tpu.enqueue_dma source(%dma_start3A_341 : memref<29x80xi32, #tpu.memory_space<hbm>>) target(%dma_start3A_329 : memref<29x80xi32, #tpu.memory_space<vmem>>) target_semaphore(%run_scoped3A_311 : memref<!tpu.dma_semaphore, #tpu.memory_space<semaphore_mem>>)
      %dma_wait3A_342 = arith.constant 0 : i32
      %dma_wait3A_343 = arith.constant 0 : i32
      %dma_wait3A_344 = tpu.memref_slice %arg6[%dma_wait3A_342, %dma_wait3A_343] : memref<32x80xi32, #tpu.memory_space<vmem>> -> memref<29x80xi32, #tpu.memory_space<vmem>>
      %dma_wait3A_345 = arith.constant 0 : i32
      %dma_wait3A_346 = arith.constant 0 : i32
      %dma_wait3A_347 = arith.constant 0 : i32
      %dma_wait3A_348 = tpu.memref_slice %arg3[%run_scoped3A_265, %dma_wait3A_345, %dma_wait3A_346, %dma_wait3A_347] : memref<2x32x125x80xi32, #tpu.memory_space<hbm>> -> memref<1x32x125x80xi32, #tpu.memory_space<hbm>>
      %dma_wait3A_349 = tpu.memref_squeeze %dma_wait3A_348 : memref<1x32x125x80xi32, #tpu.memory_space<hbm>> -> memref<32x125x80xi32, #tpu.memory_space<hbm>>
      %dma_wait3A_350 = arith.constant 0 : i32
      %dma_wait3A_351 = arith.constant 0 : i32
      %dma_wait3A_352 = tpu.memref_slice %dma_wait3A_349[%add3A, %dma_wait3A_350, %dma_wait3A_351] : memref<32x125x80xi32, #tpu.memory_space<hbm>> -> memref<1x125x80xi32, #tpu.memory_space<hbm>>
      %dma_wait3A_353 = tpu.memref_squeeze %dma_wait3A_352 : memref<1x125x80xi32, #tpu.memory_space<hbm>> -> memref<125x80xi32, #tpu.memory_space<hbm>>
      %dma_wait3A_354 = arith.constant 96 : i32
      %dma_wait3A_355 = arith.constant 0 : i32
      %dma_wait3A_356 = tpu.memref_slice %dma_wait3A_353[%dma_wait3A_354, %dma_wait3A_355] : memref<125x80xi32, #tpu.memory_space<hbm>> -> memref<29x80xi32, #tpu.memory_space<hbm>>
      %dma_wait3A_357 = arith.constant 0 : i32
      %dma_wait3A_358 = arith.constant 0 : i32
      %dma_wait3A_359 = tpu.memref_slice %arg6[%dma_wait3A_357, %dma_wait3A_358] : memref<32x80xi32, #tpu.memory_space<vmem>> -> memref<29x80xi32, #tpu.memory_space<vmem>>
      %dma_wait3A_360 = arith.constant 0 : i32
      %dma_wait3A_361 = arith.constant 0 : i32
      %dma_wait3A_362 = arith.constant 0 : i32
      %dma_wait3A_363 = tpu.memref_slice %arg3[%run_scoped3A_265, %dma_wait3A_360, %dma_wait3A_361, %dma_wait3A_362] : memref<2x32x125x80xi32, #tpu.memory_space<hbm>> -> memref<1x32x125x80xi32, #tpu.memory_space<hbm>>
      %dma_wait3A_364 = tpu.memref_squeeze %dma_wait3A_363 : memref<1x32x125x80xi32, #tpu.memory_space<hbm>> -> memref<32x125x80xi32, #tpu.memory_space<hbm>>
      %dma_wait3A_365 = arith.constant 0 : i32
      %dma_wait3A_366 = arith.constant 0 : i32
      %dma_wait3A_367 = tpu.memref_slice %dma_wait3A_364[%add3A, %dma_wait3A_365, %dma_wait3A_366] : memref<32x125x80xi32, #tpu.memory_space<hbm>> -> memref<1x125x80xi32, #tpu.memory_space<hbm>>
      %dma_wait3A_368 = tpu.memref_squeeze %dma_wait3A_367 : memref<1x125x80xi32, #tpu.memory_space<hbm>> -> memref<125x80xi32, #tpu.memory_space<hbm>>
      %dma_wait3A_369 = arith.constant 96 : i32
      %dma_wait3A_370 = arith.constant 0 : i32
      %dma_wait3A_371 = tpu.memref_slice %dma_wait3A_368[%dma_wait3A_369, %dma_wait3A_370] : memref<125x80xi32, #tpu.memory_space<hbm>> -> memref<29x80xi32, #tpu.memory_space<hbm>>
      tpu.wait_dma2 semaphore(%run_scoped3A_311 : memref<!tpu.dma_semaphore, #tpu.memory_space<semaphore_mem>>) src(%dma_wait3A_371 : memref<29x80xi32, #tpu.memory_space<hbm>>) dst(%dma_wait3A_359 : memref<29x80xi32, #tpu.memory_space<vmem>>)
      tpu.yield
    }) : () -> ()
    %dma_start3A_266 = arith.constant 0 : i32
    %dma_start3A_267 = arith.constant 0 : i32
    %dma_start3A_268 = tpu.memref_slice %arg5[%dma_start3A_266, %dma_start3A_267] : memref<32x80xi32, #tpu.memory_space<vmem>> -> memref<1x80xi32, #tpu.memory_space<vmem>>
    %dma_start3A_269 = tpu.memref_squeeze %dma_start3A_268 : memref<1x80xi32, #tpu.memory_space<vmem>> -> memref<80xi32, #tpu.memory_space<vmem>>
    %dma_start3A_270 = arith.constant 0 : i32
    %dma_start3A_271 = arith.constant 0 : i32
    %dma_start3A_272 = tpu.memref_slice %arg2[%dma_start3A_270, %dma_start3A_271] : memref<10000x128xf32, #tpu.memory_space<hbm>> -> memref<10000x128xf32, #tpu.memory_space<hbm>>
    tpu.enqueue_indirect_dma source(%dma_start3A_272 : memref<10000x128xf32, #tpu.memory_space<hbm>>) target(%arg7 : memref<80x128xf32, #tpu.memory_space<vmem>>) offsets(%dma_start3A_269 : memref<80xi32, #tpu.memory_space<vmem>>) semaphore(%arg11 : memref<!tpu.dma_semaphore, #tpu.memory_space<semaphore_mem>>)
    %dma_start3A_273 = arith.constant 1 : i32
    %dma_start3A_274 = arith.constant 0 : i32
    %dma_start3A_275 = tpu.memref_slice %arg5[%dma_start3A_273, %dma_start3A_274] : memref<32x80xi32, #tpu.memory_space<vmem>> -> memref<1x80xi32, #tpu.memory_space<vmem>>
    %dma_start3A_276 = tpu.memref_squeeze %dma_start3A_275 : memref<1x80xi32, #tpu.memory_space<vmem>> -> memref<80xi32, #tpu.memory_space<vmem>>
    %dma_start3A_277 = arith.constant 0 : i32
    %dma_start3A_278 = arith.constant 0 : i32
    %dma_start3A_279 = tpu.memref_slice %arg2[%dma_start3A_277, %dma_start3A_278] : memref<10000x128xf32, #tpu.memory_space<hbm>> -> memref<10000x128xf32, #tpu.memory_space<hbm>>
    tpu.enqueue_indirect_dma source(%dma_start3A_279 : memref<10000x128xf32, #tpu.memory_space<hbm>>) target(%arg8 : memref<80x128xf32, #tpu.memory_space<vmem>>) offsets(%dma_start3A_276 : memref<80xi32, #tpu.memory_space<vmem>>) semaphore(%arg12 : memref<!tpu.dma_semaphore, #tpu.memory_space<semaphore_mem>>)
    %scan3A_280 = arith.constant 0 : i32
    %scan3A_281 = arith.constant 9 : i32
    %scan3A_282 = arith.addi %scan3A_280, %scan3A_281 : i32
    %scan3A_283 = arith.constant 1 : i32
    scf.for %scan3A_311 = %scan3A_280 to %scan3A_282 step %scan3A_283  : i32 {
      %mul3A_312 = arith.constant 1 : i32
      %mul3A_313 = arith.muli %scan3A_311, %mul3A_312 : i32
      %add3A_314 = arith.constant 0 : i32
      %add3A_315 = arith.addi %add3A_314, %mul3A_313 : i32
      %mul3A_316 = arith.constant 3 : i32
      %mul3A_317 = arith.muli %mul3A_316, %add3A_315 : i32
      %add3A_318 = arith.constant 0 : i32
      %add3A_319 = arith.addi %mul3A_317, %add3A_318 : i32
      %add3A_320 = arith.constant 3 : i32
      %add3A_321 = arith.addi %add3A_319, %add3A_320 : i32
      %sub3A_322 = arith.constant 1 : i32
      %sub3A_323 = arith.subi %add3A_321, %sub3A_322 : i32
      %dma_start3A_324 = arith.constant 0 : i32
      %dma_start3A_325 = tpu.memref_slice %arg5[%sub3A_323, %dma_start3A_324] : memref<32x80xi32, #tpu.memory_space<vmem>> -> memref<1x80xi32, #tpu.memory_space<vmem>>
      %dma_start3A_326 = tpu.memref_squeeze %dma_start3A_325 : memref<1x80xi32, #tpu.memory_space<vmem>> -> memref<80xi32, #tpu.memory_space<vmem>>
      %dma_start3A_327 = arith.constant 0 : i32
      %dma_start3A_328 = arith.constant 0 : i32
      %dma_start3A_329 = tpu.memref_slice %arg2[%dma_start3A_327, %dma_start3A_328] : memref<10000x128xf32, #tpu.memory_space<hbm>> -> memref<10000x128xf32, #tpu.memory_space<hbm>>
      tpu.enqueue_indirect_dma source(%dma_start3A_329 : memref<10000x128xf32, #tpu.memory_space<hbm>>) target(%arg9 : memref<80x128xf32, #tpu.memory_space<vmem>>) offsets(%dma_start3A_326 : memref<80xi32, #tpu.memory_space<vmem>>) semaphore(%arg13 : memref<!tpu.dma_semaphore, #tpu.memory_space<semaphore_mem>>)
      %dma_wait3A_330 = arith.constant 0 : i32
      %dma_wait3A_331 = arith.constant 0 : i32
      %dma_wait3A_332 = tpu.memref_slice %arg5[%dma_wait3A_330, %dma_wait3A_331] : memref<32x80xi32, #tpu.memory_space<vmem>> -> memref<1x80xi32, #tpu.memory_space<vmem>>
      %dma_wait3A_333 = tpu.memref_squeeze %dma_wait3A_332 : memref<1x80xi32, #tpu.memory_space<vmem>> -> memref<80xi32, #tpu.memory_space<vmem>>
      %dma_wait3A_334 = arith.constant 0 : i32
      %dma_wait3A_335 = arith.constant 0 : i32
      %dma_wait3A_336 = tpu.memref_slice %arg2[%dma_wait3A_334, %dma_wait3A_335] : memref<10000x128xf32, #tpu.memory_space<hbm>> -> memref<10000x128xf32, #tpu.memory_space<hbm>>
      tpu.wait_indirect_dma semaphore(%arg11 : memref<!tpu.dma_semaphore, #tpu.memory_space<semaphore_mem>>) src(%dma_wait3A_336 : memref<10000x128xf32, #tpu.memory_space<hbm>>) dst(%arg7 : memref<80x128xf32, #tpu.memory_space<vmem>>)
      %add3A_337 = arith.constant 0 : i32
      %add3A_338 = arith.addi %mul3A_317, %add3A_337 : i32
      "tpu.region"() ({
        %run_scoped3A_381 = tpu.sem_alloc : memref<!tpu.dma_semaphore, #tpu.memory_space<semaphore_mem>>
        %dma_start3A_382 = arith.constant 0 : i32
        %dma_start3A_383 = tpu.memref_slice %arg6[%add3A_338, %dma_start3A_382] : memref<32x80xi32, #tpu.memory_space<vmem>> -> memref<1x80xi32, #tpu.memory_space<vmem>>
        %dma_start3A_384 = tpu.memref_squeeze %dma_start3A_383 : memref<1x80xi32, #tpu.memory_space<vmem>> -> memref<80xi32, #tpu.memory_space<vmem>>
        %dma_start3A_385 = arith.constant 0 : i32
        %dma_start3A_386 = arith.constant 0 : i32
        %dma_start3A_387 = tpu.memref_slice %arg10[%dma_start3A_385, %dma_start3A_386] : memref<10000x128xf32, #tpu.memory_space<vmem_shared>> -> memref<10000x128xf32, #tpu.memory_space<vmem_shared>>
        tpu.enqueue_indirect_dma source(%arg7 : memref<80x128xf32, #tpu.memory_space<vmem>>) target(%dma_start3A_387 : memref<10000x128xf32, #tpu.memory_space<vmem_shared>>) offsets(%dma_start3A_384 : memref<80xi32, #tpu.memory_space<vmem>>) semaphore(%run_scoped3A_381 : memref<!tpu.dma_semaphore, #tpu.memory_space<semaphore_mem>>) {add = true}
        %dma_wait3A_388 = arith.constant 0 : i32
        %dma_wait3A_389 = tpu.memref_slice %arg6[%add3A_338, %dma_wait3A_388] : memref<32x80xi32, #tpu.memory_space<vmem>> -> memref<1x80xi32, #tpu.memory_space<vmem>>
        %dma_wait3A_390 = tpu.memref_squeeze %dma_wait3A_389 : memref<1x80xi32, #tpu.memory_space<vmem>> -> memref<80xi32, #tpu.memory_space<vmem>>
        %dma_wait3A_391 = arith.constant 0 : i32
        %dma_wait3A_392 = arith.constant 0 : i32
        %dma_wait3A_393 = tpu.memref_slice %arg10[%dma_wait3A_391, %dma_wait3A_392] : memref<10000x128xf32, #tpu.memory_space<vmem_shared>> -> memref<10000x128xf32, #tpu.memory_space<vmem_shared>>
        tpu.wait_indirect_dma semaphore(%run_scoped3A_381 : memref<!tpu.dma_semaphore, #tpu.memory_space<semaphore_mem>>) src(%arg7 : memref<80x128xf32, #tpu.memory_space<vmem>>) dst(%dma_wait3A_393 : memref<10000x128xf32, #tpu.memory_space<vmem_shared>>)
        tpu.yield
      }) : () -> ()
      %add3A_339 = arith.constant 1 : i32
      %add3A_340 = arith.addi %mul3A_317, %add3A_339 : i32
      %add3A_341 = arith.constant 3 : i32
      %add3A_342 = arith.addi %add3A_340, %add3A_341 : i32
      %sub3A_343 = arith.constant 1 : i32
      %sub3A_344 = arith.subi %add3A_342, %sub3A_343 : i32
      %dma_start3A_345 = arith.constant 0 : i32
      %dma_start3A_346 = tpu.memref_slice %arg5[%sub3A_344, %dma_start3A_345] : memref<32x80xi32, #tpu.memory_space<vmem>> -> memref<1x80xi32, #tpu.memory_space<vmem>>
      %dma_start3A_347 = tpu.memref_squeeze %dma_start3A_346 : memref<1x80xi32, #tpu.memory_space<vmem>> -> memref<80xi32, #tpu.memory_space<vmem>>
      %dma_start3A_348 = arith.constant 0 : i32
      %dma_start3A_349 = arith.constant 0 : i32
      %dma_start3A_350 = tpu.memref_slice %arg2[%dma_start3A_348, %dma_start3A_349] : memref<10000x128xf32, #tpu.memory_space<hbm>> -> memref<10000x128xf32, #tpu.memory_space<hbm>>
      tpu.enqueue_indirect_dma source(%dma_start3A_350 : memref<10000x128xf32, #tpu.memory_space<hbm>>) target(%arg7 : memref<80x128xf32, #tpu.memory_space<vmem>>) offsets(%dma_start3A_347 : memref<80xi32, #tpu.memory_space<vmem>>) semaphore(%arg11 : memref<!tpu.dma_semaphore, #tpu.memory_space<semaphore_mem>>)
      %dma_wait3A_351 = arith.constant 0 : i32
      %dma_wait3A_352 = arith.constant 0 : i32
      %dma_wait3A_353 = tpu.memref_slice %arg5[%dma_wait3A_351, %dma_wait3A_352] : memref<32x80xi32, #tpu.memory_space<vmem>> -> memref<1x80xi32, #tpu.memory_space<vmem>>
      %dma_wait3A_354 = tpu.memref_squeeze %dma_wait3A_353 : memref<1x80xi32, #tpu.memory_space<vmem>> -> memref<80xi32, #tpu.memory_space<vmem>>
      %dma_wait3A_355 = arith.constant 0 : i32
      %dma_wait3A_356 = arith.constant 0 : i32
      %dma_wait3A_357 = tpu.memref_slice %arg2[%dma_wait3A_355, %dma_wait3A_356] : memref<10000x128xf32, #tpu.memory_space<hbm>> -> memref<10000x128xf32, #tpu.memory_space<hbm>>
      tpu.wait_indirect_dma semaphore(%arg12 : memref<!tpu.dma_semaphore, #tpu.memory_space<semaphore_mem>>) src(%dma_wait3A_357 : memref<10000x128xf32, #tpu.memory_space<hbm>>) dst(%arg8 : memref<80x128xf32, #tpu.memory_space<vmem>>)
      %add3A_358 = arith.constant 1 : i32
      %add3A_359 = arith.addi %mul3A_317, %add3A_358 : i32
      "tpu.region"() ({
        %run_scoped3A_381 = tpu.sem_alloc : memref<!tpu.dma_semaphore, #tpu.memory_space<semaphore_mem>>
        %dma_start3A_382 = arith.constant 0 : i32
        %dma_start3A_383 = tpu.memref_slice %arg6[%add3A_359, %dma_start3A_382] : memref<32x80xi32, #tpu.memory_space<vmem>> -> memref<1x80xi32, #tpu.memory_space<vmem>>
        %dma_start3A_384 = tpu.memref_squeeze %dma_start3A_383 : memref<1x80xi32, #tpu.memory_space<vmem>> -> memref<80xi32, #tpu.memory_space<vmem>>
        %dma_start3A_385 = arith.constant 0 : i32
        %dma_start3A_386 = arith.constant 0 : i32
        %dma_start3A_387 = tpu.memref_slice %arg10[%dma_start3A_385, %dma_start3A_386] : memref<10000x128xf32, #tpu.memory_space<vmem_shared>> -> memref<10000x128xf32, #tpu.memory_space<vmem_shared>>
        tpu.enqueue_indirect_dma source(%arg8 : memref<80x128xf32, #tpu.memory_space<vmem>>) target(%dma_start3A_387 : memref<10000x128xf32, #tpu.memory_space<vmem_shared>>) offsets(%dma_start3A_384 : memref<80xi32, #tpu.memory_space<vmem>>) semaphore(%run_scoped3A_381 : memref<!tpu.dma_semaphore, #tpu.memory_space<semaphore_mem>>) {add = true}
        %dma_wait3A_388 = arith.constant 0 : i32
        %dma_wait3A_389 = tpu.memref_slice %arg6[%add3A_359, %dma_wait3A_388] : memref<32x80xi32, #tpu.memory_space<vmem>> -> memref<1x80xi32, #tpu.memory_space<vmem>>
        %dma_wait3A_390 = tpu.memref_squeeze %dma_wait3A_389 : memref<1x80xi32, #tpu.memory_space<vmem>> -> memref<80xi32, #tpu.memory_space<vmem>>
        %dma_wait3A_391 = arith.constant 0 : i32
        %dma_wait3A_392 = arith.constant 0 : i32
        %dma_wait3A_393 = tpu.memref_slice %arg10[%dma_wait3A_391, %dma_wait3A_392] : memref<10000x128xf32, #tpu.memory_space<vmem_shared>> -> memref<10000x128xf32, #tpu.memory_space<vmem_shared>>
        tpu.wait_indirect_dma semaphore(%run_scoped3A_381 : memref<!tpu.dma_semaphore, #tpu.memory_space<semaphore_mem>>) src(%arg8 : memref<80x128xf32, #tpu.memory_space<vmem>>) dst(%dma_wait3A_393 : memref<10000x128xf32, #tpu.memory_space<vmem_shared>>)
        tpu.yield
      }) : () -> ()
      %add3A_360 = arith.constant 2 : i32
      %add3A_361 = arith.addi %mul3A_317, %add3A_360 : i32
      %add3A_362 = arith.constant 3 : i32
      %add3A_363 = arith.addi %add3A_361, %add3A_362 : i32
      %sub3A_364 = arith.constant 1 : i32
      %sub3A_365 = arith.subi %add3A_363, %sub3A_364 : i32
      %dma_start3A_366 = arith.constant 0 : i32
      %dma_start3A_367 = tpu.memref_slice %arg5[%sub3A_365, %dma_start3A_366] : memref<32x80xi32, #tpu.memory_space<vmem>> -> memref<1x80xi32, #tpu.memory_space<vmem>>
      %dma_start3A_368 = tpu.memref_squeeze %dma_start3A_367 : memref<1x80xi32, #tpu.memory_space<vmem>> -> memref<80xi32, #tpu.memory_space<vmem>>
      %dma_start3A_369 = arith.constant 0 : i32
      %dma_start3A_370 = arith.constant 0 : i32
      %dma_start3A_371 = tpu.memref_slice %arg2[%dma_start3A_369, %dma_start3A_370] : memref<10000x128xf32, #tpu.memory_space<hbm>> -> memref<10000x128xf32, #tpu.memory_space<hbm>>
      tpu.enqueue_indirect_dma source(%dma_start3A_371 : memref<10000x128xf32, #tpu.memory_space<hbm>>) target(%arg8 : memref<80x128xf32, #tpu.memory_space<vmem>>) offsets(%dma_start3A_368 : memref<80xi32, #tpu.memory_space<vmem>>) semaphore(%arg12 : memref<!tpu.dma_semaphore, #tpu.memory_space<semaphore_mem>>)
      %dma_wait3A_372 = arith.constant 0 : i32
      %dma_wait3A_373 = arith.constant 0 : i32
      %dma_wait3A_374 = tpu.memref_slice %arg5[%dma_wait3A_372, %dma_wait3A_373] : memref<32x80xi32, #tpu.memory_space<vmem>> -> memref<1x80xi32, #tpu.memory_space<vmem>>
      %dma_wait3A_375 = tpu.memref_squeeze %dma_wait3A_374 : memref<1x80xi32, #tpu.memory_space<vmem>> -> memref<80xi32, #tpu.memory_space<vmem>>
      %dma_wait3A_376 = arith.constant 0 : i32
      %dma_wait3A_377 = arith.constant 0 : i32
      %dma_wait3A_378 = tpu.memref_slice %arg2[%dma_wait3A_376, %dma_wait3A_377] : memref<10000x128xf32, #tpu.memory_space<hbm>> -> memref<10000x128xf32, #tpu.memory_space<hbm>>
      tpu.wait_indirect_dma semaphore(%arg13 : memref<!tpu.dma_semaphore, #tpu.memory_space<semaphore_mem>>) src(%dma_wait3A_378 : memref<10000x128xf32, #tpu.memory_space<hbm>>) dst(%arg9 : memref<80x128xf32, #tpu.memory_space<vmem>>)
      %add3A_379 = arith.constant 2 : i32
      %add3A_380 = arith.addi %mul3A_317, %add3A_379 : i32
      "tpu.region"() ({
        %run_scoped3A_381 = tpu.sem_alloc : memref<!tpu.dma_semaphore, #tpu.memory_space<semaphore_mem>>
        %dma_start3A_382 = arith.constant 0 : i32
        %dma_start3A_383 = tpu.memref_slice %arg6[%add3A_380, %dma_start3A_382] : memref<32x80xi32, #tpu.memory_space<vmem>> -> memref<1x80xi32, #tpu.memory_space<vmem>>
        %dma_start3A_384 = tpu.memref_squeeze %dma_start3A_383 : memref<1x80xi32, #tpu.memory_space<vmem>> -> memref<80xi32, #tpu.memory_space<vmem>>
        %dma_start3A_385 = arith.constant 0 : i32
        %dma_start3A_386 = arith.constant 0 : i32
        %dma_start3A_387 = tpu.memref_slice %arg10[%dma_start3A_385, %dma_start3A_386] : memref<10000x128xf32, #tpu.memory_space<vmem_shared>> -> memref<10000x128xf32, #tpu.memory_space<vmem_shared>>
        tpu.enqueue_indirect_dma source(%arg9 : memref<80x128xf32, #tpu.memory_space<vmem>>) target(%dma_start3A_387 : memref<10000x128xf32, #tpu.memory_space<vmem_shared>>) offsets(%dma_start3A_384 : memref<80xi32, #tpu.memory_space<vmem>>) semaphore(%run_scoped3A_381 : memref<!tpu.dma_semaphore, #tpu.memory_space<semaphore_mem>>) {add = true}
        %dma_wait3A_388 = arith.constant 0 : i32
        %dma_wait3A_389 = tpu.memref_slice %arg6[%add3A_380, %dma_wait3A_388] : memref<32x80xi32, #tpu.memory_space<vmem>> -> memref<1x80xi32, #tpu.memory_space<vmem>>
        %dma_wait3A_390 = tpu.memref_squeeze %dma_wait3A_389 : memref<1x80xi32, #tpu.memory_space<vmem>> -> memref<80xi32, #tpu.memory_space<vmem>>
        %dma_wait3A_391 = arith.constant 0 : i32
        %dma_wait3A_392 = arith.constant 0 : i32
        %dma_wait3A_393 = tpu.memref_slice %arg10[%dma_wait3A_391, %dma_wait3A_392] : memref<10000x128xf32, #tpu.memory_space<vmem_shared>> -> memref<10000x128xf32, #tpu.memory_space<vmem_shared>>
        tpu.wait_indirect_dma semaphore(%run_scoped3A_381 : memref<!tpu.dma_semaphore, #tpu.memory_space<semaphore_mem>>) src(%arg9 : memref<80x128xf32, #tpu.memory_space<vmem>>) dst(%dma_wait3A_393 : memref<10000x128xf32, #tpu.memory_space<vmem_shared>>)
        tpu.yield
      }) : () -> ()
    }
    %scan3A_284 = arith.constant 9 : i32
    %dma_wait3A_285 = arith.constant 0 : i32
    %dma_wait3A_286 = arith.constant 0 : i32
    %dma_wait3A_287 = tpu.memref_slice %arg5[%dma_wait3A_285, %dma_wait3A_286] : memref<32x80xi32, #tpu.memory_space<vmem>> -> memref<1x80xi32, #tpu.memory_space<vmem>>
    %dma_wait3A_288 = tpu.memref_squeeze %dma_wait3A_287 : memref<1x80xi32, #tpu.memory_space<vmem>> -> memref<80xi32, #tpu.memory_space<vmem>>
    %dma_wait3A_289 = arith.constant 0 : i32
    %dma_wait3A_290 = arith.constant 0 : i32
    %dma_wait3A_291 = tpu.memref_slice %arg2[%dma_wait3A_289, %dma_wait3A_290] : memref<10000x128xf32, #tpu.memory_space<hbm>> -> memref<10000x128xf32, #tpu.memory_space<hbm>>
    tpu.wait_indirect_dma semaphore(%arg11 : memref<!tpu.dma_semaphore, #tpu.memory_space<semaphore_mem>>) src(%dma_wait3A_291 : memref<10000x128xf32, #tpu.memory_space<hbm>>) dst(%arg7 : memref<80x128xf32, #tpu.memory_space<vmem>>)
    %run_scoped3A_292 = arith.constant 27 : i32
    "tpu.region"() ({
      %run_scoped3A_311 = tpu.sem_alloc : memref<!tpu.dma_semaphore, #tpu.memory_space<semaphore_mem>>
      %dma_start3A_312 = arith.constant 0 : i32
      %dma_start3A_313 = tpu.memref_slice %arg6[%run_scoped3A_292, %dma_start3A_312] : memref<32x80xi32, #tpu.memory_space<vmem>> -> memref<1x80xi32, #tpu.memory_space<vmem>>
      %dma_start3A_314 = tpu.memref_squeeze %dma_start3A_313 : memref<1x80xi32, #tpu.memory_space<vmem>> -> memref<80xi32, #tpu.memory_space<vmem>>
      %dma_start3A_315 = arith.constant 0 : i32
      %dma_start3A_316 = arith.constant 0 : i32
      %dma_start3A_317 = tpu.memref_slice %arg10[%dma_start3A_315, %dma_start3A_316] : memref<10000x128xf32, #tpu.memory_space<vmem_shared>> -> memref<10000x128xf32, #tpu.memory_space<vmem_shared>>
      tpu.enqueue_indirect_dma source(%arg7 : memref<80x128xf32, #tpu.memory_space<vmem>>) target(%dma_start3A_317 : memref<10000x128xf32, #tpu.memory_space<vmem_shared>>) offsets(%dma_start3A_314 : memref<80xi32, #tpu.memory_space<vmem>>) semaphore(%run_scoped3A_311 : memref<!tpu.dma_semaphore, #tpu.memory_space<semaphore_mem>>) {add = true}
      %dma_wait3A_318 = arith.constant 0 : i32
      %dma_wait3A_319 = tpu.memref_slice %arg6[%run_scoped3A_292, %dma_wait3A_318] : memref<32x80xi32, #tpu.memory_space<vmem>> -> memref<1x80xi32, #tpu.memory_space<vmem>>
      %dma_wait3A_320 = tpu.memref_squeeze %dma_wait3A_319 : memref<1x80xi32, #tpu.memory_space<vmem>> -> memref<80xi32, #tpu.memory_space<vmem>>
      %dma_wait3A_321 = arith.constant 0 : i32
      %dma_wait3A_322 = arith.constant 0 : i32
      %dma_wait3A_323 = tpu.memref_slice %arg10[%dma_wait3A_321, %dma_wait3A_322] : memref<10000x128xf32, #tpu.memory_space<vmem_shared>> -> memref<10000x128xf32, #tpu.memory_space<vmem_shared>>
      tpu.wait_indirect_dma semaphore(%run_scoped3A_311 : memref<!tpu.dma_semaphore, #tpu.memory_space<semaphore_mem>>) src(%arg7 : memref<80x128xf32, #tpu.memory_space<vmem>>) dst(%dma_wait3A_323 : memref<10000x128xf32, #tpu.memory_space<vmem_shared>>)
      tpu.yield
    }) : () -> ()
    %dma_wait3A_293 = arith.constant 0 : i32
    %dma_wait3A_294 = arith.constant 0 : i32
    %dma_wait3A_295 = tpu.memref_slice %arg5[%dma_wait3A_293, %dma_wait3A_294] : memref<32x80xi32, #tpu.memory_space<vmem>> -> memref<1x80xi32, #tpu.memory_space<vmem>>
    %dma_wait3A_296 = tpu.memref_squeeze %dma_wait3A_295 : memref<1x80xi32, #tpu.memory_space<vmem>> -> memref<80xi32, #tpu.memory_space<vmem>>
    %dma_wait3A_297 = arith.constant 0 : i32
    %dma_wait3A_298 = arith.constant 0 : i32
    %dma_wait3A_299 = tpu.memref_slice %arg2[%dma_wait3A_297, %dma_wait3A_298] : memref<10000x128xf32, #tpu.memory_space<hbm>> -> memref<10000x128xf32, #tpu.memory_space<hbm>>
    tpu.wait_indirect_dma semaphore(%arg12 : memref<!tpu.dma_semaphore, #tpu.memory_space<semaphore_mem>>) src(%dma_wait3A_299 : memref<10000x128xf32, #tpu.memory_space<hbm>>) dst(%arg8 : memref<80x128xf32, #tpu.memory_space<vmem>>)
    %run_scoped3A_300 = arith.constant 28 : i32
    "tpu.region"() ({
      %run_scoped3A_311 = tpu.sem_alloc : memref<!tpu.dma_semaphore, #tpu.memory_space<semaphore_mem>>
      %dma_start3A_312 = arith.constant 0 : i32
      %dma_start3A_313 = tpu.memref_slice %arg6[%run_scoped3A_300, %dma_start3A_312] : memref<32x80xi32, #tpu.memory_space<vmem>> -> memref<1x80xi32, #tpu.memory_space<vmem>>
      %dma_start3A_314 = tpu.memref_squeeze %dma_start3A_313 : memref<1x80xi32, #tpu.memory_space<vmem>> -> memref<80xi32, #tpu.memory_space<vmem>>
      %dma_start3A_315 = arith.constant 0 : i32
      %dma_start3A_316 = arith.constant 0 : i32
      %dma_start3A_317 = tpu.memref_slice %arg10[%dma_start3A_315, %dma_start3A_316] : memref<10000x128xf32, #tpu.memory_space<vmem_shared>> -> memref<10000x128xf32, #tpu.memory_space<vmem_shared>>
      tpu.enqueue_indirect_dma source(%arg8 : memref<80x128xf32, #tpu.memory_space<vmem>>) target(%dma_start3A_317 : memref<10000x128xf32, #tpu.memory_space<vmem_shared>>) offsets(%dma_start3A_314 : memref<80xi32, #tpu.memory_space<vmem>>) semaphore(%run_scoped3A_311 : memref<!tpu.dma_semaphore, #tpu.memory_space<semaphore_mem>>) {add = true}
      %dma_wait3A_318 = arith.constant 0 : i32
      %dma_wait3A_319 = tpu.memref_slice %arg6[%run_scoped3A_300, %dma_wait3A_318] : memref<32x80xi32, #tpu.memory_space<vmem>> -> memref<1x80xi32, #tpu.memory_space<vmem>>
      %dma_wait3A_320 = tpu.memref_squeeze %dma_wait3A_319 : memref<1x80xi32, #tpu.memory_space<vmem>> -> memref<80xi32, #tpu.memory_space<vmem>>
      %dma_wait3A_321 = arith.constant 0 : i32
      %dma_wait3A_322 = arith.constant 0 : i32
      %dma_wait3A_323 = tpu.memref_slice %arg10[%dma_wait3A_321, %dma_wait3A_322] : memref<10000x128xf32, #tpu.memory_space<vmem_shared>> -> memref<10000x128xf32, #tpu.memory_space<vmem_shared>>
      tpu.wait_indirect_dma semaphore(%run_scoped3A_311 : memref<!tpu.dma_semaphore, #tpu.memory_space<semaphore_mem>>) src(%arg8 : memref<80x128xf32, #tpu.memory_space<vmem>>) dst(%dma_wait3A_323 : memref<10000x128xf32, #tpu.memory_space<vmem_shared>>)
      tpu.yield
    }) : () -> ()
    %barrier3A_301 = arith.constant 0 : index
    tpu.barrier barrier_id(%barrier3A_301)
    %mul3A_302 = arith.constant 624 : i32
    %mul3A_303 = arith.muli %arg1, %mul3A_302 : i32
    %mul3A_304 = arith.constant 624 : i32
    %mul3A_305 = arith.muli %arg1, %mul3A_304 : i32
    "tpu.region"() ({
      %run_scoped3A_311 = tpu.sem_alloc : memref<!tpu.dma_semaphore, #tpu.memory_space<semaphore_mem>>
      %dma_start3A_312 = arith.constant 0 : i32
      %dma_start3A_313 = arith.constant 0 : i32
      %dma_start3A_314 = tpu.memref_slice %arg4[%arg0, %dma_start3A_312, %dma_start3A_313] : memref<2x10000x128xf32, #tpu.memory_space<hbm>> -> memref<1x10000x128xf32, #tpu.memory_space<hbm>>
      %dma_start3A_315 = tpu.memref_squeeze %dma_start3A_314 : memref<1x10000x128xf32, #tpu.memory_space<hbm>> -> memref<10000x128xf32, #tpu.memory_space<hbm>>
      %dma_start3A_316 = arith.constant 0 : i32
      %dma_start3A_317 = tpu.memref_slice %dma_start3A_315[%mul3A_305, %dma_start3A_316] : memref<10000x128xf32, #tpu.memory_space<hbm>> -> memref<624x128xf32, #tpu.memory_space<hbm>>
      %dma_start3A_318 = arith.constant 0 : i32
      %dma_start3A_319 = tpu.memref_slice %arg10[%mul3A_303, %dma_start3A_318] : memref<10000x128xf32, #tpu.memory_space<vmem_shared>> -> memref<624x128xf32, #tpu.memory_space<vmem_shared>>
      tpu.enqueue_dma source(%dma_start3A_319 : memref<624x128xf32, #tpu.memory_space<vmem_shared>>) target(%dma_start3A_317 : memref<624x128xf32, #tpu.memory_space<hbm>>) target_semaphore(%run_scoped3A_311 : memref<!tpu.dma_semaphore, #tpu.memory_space<semaphore_mem>>)
      %dma_wait3A_320 = arith.constant 0 : i32
      %dma_wait3A_321 = arith.constant 0 : i32
      %dma_wait3A_322 = tpu.memref_slice %arg4[%arg0, %dma_wait3A_320, %dma_wait3A_321] : memref<2x10000x128xf32, #tpu.memory_space<hbm>> -> memref<1x10000x128xf32, #tpu.memory_space<hbm>>
      %dma_wait3A_323 = tpu.memref_squeeze %dma_wait3A_322 : memref<1x10000x128xf32, #tpu.memory_space<hbm>> -> memref<10000x128xf32, #tpu.memory_space<hbm>>
      %dma_wait3A_324 = arith.constant 0 : i32
      %dma_wait3A_325 = tpu.memref_slice %dma_wait3A_323[%mul3A_305, %dma_wait3A_324] : memref<10000x128xf32, #tpu.memory_space<hbm>> -> memref<624x128xf32, #tpu.memory_space<hbm>>
      %dma_wait3A_326 = arith.constant 0 : i32
      %dma_wait3A_327 = tpu.memref_slice %arg10[%mul3A_303, %dma_wait3A_326] : memref<10000x128xf32, #tpu.memory_space<vmem_shared>> -> memref<624x128xf32, #tpu.memory_space<vmem_shared>>
      tpu.wait_dma2 semaphore(%run_scoped3A_311 : memref<!tpu.dma_semaphore, #tpu.memory_space<semaphore_mem>>) src(%dma_wait3A_327 : memref<624x128xf32, #tpu.memory_space<vmem_shared>>) dst(%dma_wait3A_325 : memref<624x128xf32, #tpu.memory_space<hbm>>)
      tpu.yield
    }) : () -> ()
    %eq3A_306 = arith.constant 15 : i32
    %eq3A_307 = arith.cmpi eq, %arg1, %eq3A_306 : i32
    %convert_element_type3A_308 = arith.extui %eq3A_307 : i1 to i32
    %cond3A_309 = arith.constant 0 : i32
    %cond3A_310 = arith.cmpi ne, %convert_element_type3A_308, %cond3A_309 : i32
    scf.if %cond3A_310 {
      "tpu.region"() ({
        %run_scoped3A_311 = tpu.sem_alloc : memref<!tpu.dma_semaphore, #tpu.memory_space<semaphore_mem>>
        %dma_start3A_312 = arith.constant 0 : i32
        %dma_start3A_313 = arith.constant 0 : i32
        %dma_start3A_314 = tpu.memref_slice %arg4[%arg0, %dma_start3A_312, %dma_start3A_313] : memref<2x10000x128xf32, #tpu.memory_space<hbm>> -> memref<1x10000x128xf32, #tpu.memory_space<hbm>>
        %dma_start3A_315 = tpu.memref_squeeze %dma_start3A_314 : memref<1x10000x128xf32, #tpu.memory_space<hbm>> -> memref<10000x128xf32, #tpu.memory_space<hbm>>
        %dma_start3A_316 = arith.constant 9984 : i32
        %dma_start3A_317 = arith.constant 0 : i32
        %dma_start3A_318 = tpu.memref_slice %dma_start3A_315[%dma_start3A_316, %dma_start3A_317] : memref<10000x128xf32, #tpu.memory_space<hbm>> -> memref<16x128xf32, #tpu.memory_space<hbm>>
        %dma_start3A_319 = arith.constant 9984 : i32
        %dma_start3A_320 = arith.constant 0 : i32
        %dma_start3A_321 = tpu.memref_slice %arg10[%dma_start3A_319, %dma_start3A_320] : memref<10000x128xf32, #tpu.memory_space<vmem_shared>> -> memref<16x128xf32, #tpu.memory_space<vmem_shared>>
        tpu.enqueue_dma source(%dma_start3A_321 : memref<16x128xf32, #tpu.memory_space<vmem_shared>>) target(%dma_start3A_318 : memref<16x128xf32, #tpu.memory_space<hbm>>) target_semaphore(%run_scoped3A_311 : memref<!tpu.dma_semaphore, #tpu.memory_space<semaphore_mem>>)
        %dma_wait3A_322 = arith.constant 0 : i32
        %dma_wait3A_323 = arith.constant 0 : i32
        %dma_wait3A_324 = tpu.memref_slice %arg4[%arg0, %dma_wait3A_322, %dma_wait3A_323] : memref<2x10000x128xf32, #tpu.memory_space<hbm>> -> memref<1x10000x128xf32, #tpu.memory_space<hbm>>
        %dma_wait3A_325 = tpu.memref_squeeze %dma_wait3A_324 : memref<1x10000x128xf32, #tpu.memory_space<hbm>> -> memref<10000x128xf32, #tpu.memory_space<hbm>>
        %dma_wait3A_326 = arith.constant 9984 : i32
        %dma_wait3A_327 = arith.constant 0 : i32
        %dma_wait3A_328 = tpu.memref_slice %dma_wait3A_325[%dma_wait3A_326, %dma_wait3A_327] : memref<10000x128xf32, #tpu.memory_space<hbm>> -> memref<16x128xf32, #tpu.memory_space<hbm>>
        %dma_wait3A_329 = arith.constant 9984 : i32
        %dma_wait3A_330 = arith.constant 0 : i32
        %dma_wait3A_331 = tpu.memref_slice %arg10[%dma_wait3A_329, %dma_wait3A_330] : memref<10000x128xf32, #tpu.memory_space<vmem_shared>> -> memref<16x128xf32, #tpu.memory_space<vmem_shared>>
        tpu.wait_dma2 semaphore(%run_scoped3A_311 : memref<!tpu.dma_semaphore, #tpu.memory_space<semaphore_mem>>) src(%dma_wait3A_331 : memref<16x128xf32, #tpu.memory_space<vmem_shared>>) dst(%dma_wait3A_328 : memref<16x128xf32, #tpu.memory_space<hbm>>)
        tpu.yield
      }) : () -> ()
    } else {
    }
    return
  }
}

#map = affine_map<(d0, d1) -> (0, 0)>
#map1 = affine_map<(d0, d1) -> (0, 0, 0, 0)>
#map2 = affine_map<(d0, d1) -> (0, 0, 0)>
module attributes {stable_mosaic.version = 14 : i64} {
  func.func @k(%arg0: i32, %arg1: i32, %arg2: memref<10000x128xf32, #tpu.memory_space<hbm>>, %arg3: memref<2x32x125x80xi32, #tpu.memory_space<hbm>>, %arg4: memref<2x10000x128xf32, #tpu.memory_space<hbm>>, %arg5: memref<32x80xi32, #tpu.memory_space<vmem>>, %arg6: memref<32x80xi32, #tpu.memory_space<vmem>>, %arg7: memref<80x128xf32, #tpu.memory_space<vmem>>, %arg8: memref<80x128xf32, #tpu.memory_space<vmem>>, %arg9: memref<80x128xf32, #tpu.memory_space<vmem>>, %arg10: memref<10000x128xf32, #tpu.memory_space<vmem_shared>>, %arg11: memref<!tpu.dma_semaphore, #tpu.memory_space<semaphore_mem>>, %arg12: memref<!tpu.dma_semaphore, #tpu.memory_space<semaphore_mem>>, %arg13: memref<!tpu.dma_semaphore, #tpu.memory_space<semaphore_mem>>) attributes {dimension_semantics = [#tpu.dimension_semantics<core_parallel>, #tpu.dimension_semantics<subcore_parallel>], iteration_bounds = array<i64: 2, 16>, scalar_prefetch = 0 : i64, scratch_operands = 9 : i64, tpu.core_type = #tpu.core_type<sc_vector_subcore>, window_params = [{transform_indices = #map}, {transform_indices = #map1}, {transform_indices = #map2}]} {
    %mul3A = arith.constant 16 : i32
    %mul3A_0 = arith.muli %arg0, %mul3A : i32
    %add3A = arith.addi %mul3A_0, %arg1 : i32
    %broadcast_in_dim3A = arith.constant 0.000000e+00 : f32
    %broadcast_in_dim3A_1 = vector.broadcast %broadcast_in_dim3A : f32 to vector<16xf32>
    %scan3A = arith.constant 0 : i32
    %scan3A_2 = arith.constant 80 : i32
    %scan3A_3 = arith.addi %scan3A, %scan3A_2 : i32
    %scan3A_4 = arith.constant 1 : i32
    scf.for %scan3A_311 = %scan3A to %scan3A_3 step %scan3A_4  : i32 {
      %mul3A_312 = arith.constant 1 : i32
      %mul3A_313 = arith.muli %scan3A_311, %mul3A_312 : i32
      %add3A_314 = arith.constant 0 : i32
      %add3A_315 = arith.addi %add3A_314, %mul3A_313 : i32
      %swap3A = arith.index_cast %add3A_315 : i32 to index
      %swap3A_316 = arith.constant 0 : index
      %swap3A_317 = tpu.vector_load %arg9[%swap3A, %swap3A_316] {strides = array<i32>} : memref<80x128xf32, #tpu.memory_space<vmem>>, vector<1x16xf32>,
      %swap3A_318 = vector.shape_cast %swap3A_317 : vector<1x16xf32> to vector<16xf32>
      %swap3A_319 = vector.shape_cast %broadcast_in_dim3A_1 : vector<16xf32> to vector<1x16xf32>
      tpu.vector_store %arg9[%swap3A, %swap3A_316], %swap3A_319 {strides = array<i32>} : memref<80x128xf32, #tpu.memory_space<vmem>>, vector<1x16xf32>,
      %swap3A_320 = arith.index_cast %add3A_315 : i32 to index
      %swap3A_321 = arith.constant 16 : index
      %swap3A_322 = tpu.vector_load %arg9[%swap3A_320, %swap3A_321] {strides = array<i32>} : memref<80x128xf32, #tpu.memory_space<vmem>>, vector<1x16xf32>,
      %swap3A_323 = vector.shape_cast %swap3A_322 : vector<1x16xf32> to vector<16xf32>
      %swap3A_324 = vector.shape_cast %broadcast_in_dim3A_1 : vector<16xf32> to vector<1x16xf32>
      tpu.vector_store %arg9[%swap3A_320, %swap3A_321], %swap3A_324 {strides = array<i32>} : memref<80x128xf32, #tpu.memory_space<vmem>>, vector<1x16xf32>,
      %swap3A_325 = arith.index_cast %add3A_315 : i32 to index
      %swap3A_326 = arith.constant 32 : index
      %swap3A_327 = tpu.vector_load %arg9[%swap3A_325, %swap3A_326] {strides = array<i32>} : memref<80x128xf32, #tpu.memory_space<vmem>>, vector<1x16xf32>,
      %swap3A_328 = vector.shape_cast %swap3A_327 : vector<1x16xf32> to vector<16xf32>
      %swap3A_329 = vector.shape_cast %broadcast_in_dim3A_1 : vector<16xf32> to vector<1x16xf32>
      tpu.vector_store %arg9[%swap3A_325, %swap3A_326], %swap3A_329 {strides = array<i32>} : memref<80x128xf32, #tpu.memory_space<vmem>>, vector<1x16xf32>,
      %swap3A_330 = arith.index_cast %add3A_315 : i32 to index
      %swap3A_331 = arith.constant 48 : index
      %swap3A_332 = tpu.vector_load %arg9[%swap3A_330, %swap3A_331] {strides = array<i32>} : memref<80x128xf32, #tpu.memory_space<vmem>>, vector<1x16xf32>,
      %swap3A_333 = vector.shape_cast %swap3A_332 : vector<1x16xf32> to vector<16xf32>
      %swap3A_334 = vector.shape_cast %broadcast_in_dim3A_1 : vector<16xf32> to vector<1x16xf32>
      tpu.vector_store %arg9[%swap3A_330, %swap3A_331], %swap3A_334 {strides = array<i32>} : memref<80x128xf32, #tpu.memory_space<vmem>>, vector<1x16xf32>,
      %swap3A_335 = arith.index_cast %add3A_315 : i32 to index
      %swap3A_336 = arith.constant 64 : index
      %swap3A_337 = tpu.vector_load %arg9[%swap3A_335, %swap3A_336] {strides = array<i32>} : memref<80x128xf32, #tpu.memory_space<vmem>>, vector<1x16xf32>,
      %swap3A_338 = vector.shape_cast %swap3A_337 : vector<1x16xf32> to vector<16xf32>
      %swap3A_339 = vector.shape_cast %broadcast_in_dim3A_1 : vector<16xf32> to vector<1x16xf32>
      tpu.vector_store %arg9[%swap3A_335, %swap3A_336], %swap3A_339 {strides = array<i32>} : memref<80x128xf32, #tpu.memory_space<vmem>>, vector<1x16xf32>,
      %swap3A_340 = arith.index_cast %add3A_315 : i32 to index
      %swap3A_341 = arith.constant 80 : index
      %swap3A_342 = tpu.vector_load %arg9[%swap3A_340, %swap3A_341] {strides = array<i32>} : memref<80x128xf32, #tpu.memory_space<vmem>>, vector<1x16xf32>,
      %swap3A_343 = vector.shape_cast %swap3A_342 : vector<1x16xf32> to vector<16xf32>
      %swap3A_344 = vector.shape_cast %broadcast_in_dim3A_1 : vector<16xf32> to vector<1x16xf32>
      tpu.vector_store %arg9[%swap3A_340, %swap3A_341], %swap3A_344 {strides = array<i32>} : memref<80x128xf32, #tpu.memory_space<vmem>>, vector<1x16xf32>,
      %swap3A_345 = arith.index_cast %add3A_315 : i32 to index
      %swap3A_346 = arith.constant 96 : index
      %swap3A_347 = tpu.vector_load %arg9[%swap3A_345, %swap3A_346] {strides = array<i32>} : memref<80x128xf32, #tpu.memory_space<vmem>>, vector<1x16xf32>,
      %swap3A_348 = vector.shape_cast %swap3A_347 : vector<1x16xf32> to vector<16xf32>
      %swap3A_349 = vector.shape_cast %broadcast_in_dim3A_1 : vector<16xf32> to vector<1x16xf32>
      tpu.vector_store %arg9[%swap3A_345, %swap3A_346], %swap3A_349 {strides = array<i32>} : memref<80x128xf32, #tpu.memory_space<vmem>>, vector<1x16xf32>,
      %swap3A_350 = arith.index_cast %add3A_315 : i32 to index
      %swap3A_351 = arith.constant 112 : index
      %swap3A_352 = tpu.vector_load %arg9[%swap3A_350, %swap3A_351] {strides = array<i32>} : memref<80x128xf32, #tpu.memory_space<vmem>>, vector<1x16xf32>,
      %swap3A_353 = vector.shape_cast %swap3A_352 : vector<1x16xf32> to vector<16xf32>
      %swap3A_354 = vector.shape_cast %broadcast_in_dim3A_1 : vector<16xf32> to vector<1x16xf32>
      tpu.vector_store %arg9[%swap3A_350, %swap3A_351], %swap3A_354 {strides = array<i32>} : memref<80x128xf32, #tpu.memory_space<vmem>>, vector<1x16xf32>,
    }
    %scan3A_5 = arith.constant 80 : i32
    %mul3A_6 = arith.constant 624 : i32
    %mul3A_7 = arith.muli %arg1, %mul3A_6 : i32
    %add3A_8 = arith.constant 0 : i32
    %add3A_9 = arith.addi %mul3A_7, %add3A_8 : i32
    %dma_start3A = arith.constant 0 : i32
    %dma_start3A_10 = tpu.memref_slice %arg10[%add3A_9, %dma_start3A] : memref<10000x128xf32, #tpu.memory_space<vmem_shared>> -> memref<80x128xf32, #tpu.memory_space<vmem_shared>>
    %dma_start3A_11 = arith.constant 0 : i32
    %dma_start3A_12 = tpu.memref_slice %arg10[%add3A_9, %dma_start3A_11] : memref<10000x128xf32, #tpu.memory_space<vmem_shared>> -> memref<80x128xf32, #tpu.memory_space<vmem_shared>>
    tpu.enqueue_dma source(%arg9 : memref<80x128xf32, #tpu.memory_space<vmem>>) target(%dma_start3A_12 : memref<80x128xf32, #tpu.memory_space<vmem_shared>>) target_semaphore(%arg13 : memref<!tpu.dma_semaphore, #tpu.memory_space<semaphore_mem>>)
    %mul3A_13 = arith.constant 624 : i32
    %mul3A_14 = arith.muli %arg1, %mul3A_13 : i32
    %add3A_15 = arith.constant 80 : i32
    %add3A_16 = arith.addi %mul3A_14, %add3A_15 : i32
    %dma_start3A_17 = arith.constant 0 : i32
    %dma_start3A_18 = tpu.memref_slice %arg10[%add3A_16, %dma_start3A_17] : memref<10000x128xf32, #tpu.memory_space<vmem_shared>> -> memref<80x128xf32, #tpu.memory_space<vmem_shared>>
    %dma_start3A_19 = arith.constant 0 : i32
    %dma_start3A_20 = tpu.memref_slice %arg10[%add3A_16, %dma_start3A_19] : memref<10000x128xf32, #tpu.memory_space<vmem_shared>> -> memref<80x128xf32, #tpu.memory_space<vmem_shared>>
    tpu.enqueue_dma source(%arg9 : memref<80x128xf32, #tpu.memory_space<vmem>>) target(%dma_start3A_20 : memref<80x128xf32, #tpu.memory_space<vmem_shared>>) target_semaphore(%arg13 : memref<!tpu.dma_semaphore, #tpu.memory_space<semaphore_mem>>)
    %mul3A_21 = arith.constant 624 : i32
    %mul3A_22 = arith.muli %arg1, %mul3A_21 : i32
    %add3A_23 = arith.constant 160 : i32
    %add3A_24 = arith.addi %mul3A_22, %add3A_23 : i32
    %dma_start3A_25 = arith.constant 0 : i32
    %dma_start3A_26 = tpu.memref_slice %arg10[%add3A_24, %dma_start3A_25] : memref<10000x128xf32, #tpu.memory_space<vmem_shared>> -> memref<80x128xf32, #tpu.memory_space<vmem_shared>>
    %dma_start3A_27 = arith.constant 0 : i32
    %dma_start3A_28 = tpu.memref_slice %arg10[%add3A_24, %dma_start3A_27] : memref<10000x128xf32, #tpu.memory_space<vmem_shared>> -> memref<80x128xf32, #tpu.memory_space<vmem_shared>>
    tpu.enqueue_dma source(%arg9 : memref<80x128xf32, #tpu.memory_space<vmem>>) target(%dma_start3A_28 : memref<80x128xf32, #tpu.memory_space<vmem_shared>>) target_semaphore(%arg13 : memref<!tpu.dma_semaphore, #tpu.memory_space<semaphore_mem>>)
    %mul3A_29 = arith.constant 624 : i32
    %mul3A_30 = arith.muli %arg1, %mul3A_29 : i32
    %add3A_31 = arith.constant 240 : i32
    %add3A_32 = arith.addi %mul3A_30, %add3A_31 : i32
    %dma_start3A_33 = arith.constant 0 : i32
    %dma_start3A_34 = tpu.memref_slice %arg10[%add3A_32, %dma_start3A_33] : memref<10000x128xf32, #tpu.memory_space<vmem_shared>> -> memref<80x128xf32, #tpu.memory_space<vmem_shared>>
    %dma_start3A_35 = arith.constant 0 : i32
    %dma_start3A_36 = tpu.memref_slice %arg10[%add3A_32, %dma_start3A_35] : memref<10000x128xf32, #tpu.memory_space<vmem_shared>> -> memref<80x128xf32, #tpu.memory_space<vmem_shared>>
    tpu.enqueue_dma source(%arg9 : memref<80x128xf32, #tpu.memory_space<vmem>>) target(%dma_start3A_36 : memref<80x128xf32, #tpu.memory_space<vmem_shared>>) target_semaphore(%arg13 : memref<!tpu.dma_semaphore, #tpu.memory_space<semaphore_mem>>)
    %mul3A_37 = arith.constant 624 : i32
    %mul3A_38 = arith.muli %arg1, %mul3A_37 : i32
    %add3A_39 = arith.constant 320 : i32
    %add3A_40 = arith.addi %mul3A_38, %add3A_39 : i32
    %dma_start3A_41 = arith.constant 0 : i32
    %dma_start3A_42 = tpu.memref_slice %arg10[%add3A_40, %dma_start3A_41] : memref<10000x128xf32, #tpu.memory_space<vmem_shared>> -> memref<80x128xf32, #tpu.memory_space<vmem_shared>>
    %dma_start3A_43 = arith.constant 0 : i32
    %dma_start3A_44 = tpu.memref_slice %arg10[%add3A_40, %dma_start3A_43] : memref<10000x128xf32, #tpu.memory_space<vmem_shared>> -> memref<80x128xf32, #tpu.memory_space<vmem_shared>>
    tpu.enqueue_dma source(%arg9 : memref<80x128xf32, #tpu.memory_space<vmem>>) target(%dma_start3A_44 : memref<80x128xf32, #tpu.memory_space<vmem_shared>>) target_semaphore(%arg13 : memref<!tpu.dma_semaphore, #tpu.memory_space<semaphore_mem>>)
    %mul3A_45 = arith.constant 624 : i32
    %mul3A_46 = arith.muli %arg1, %mul3A_45 : i32
    %add3A_47 = arith.constant 400 : i32
    %add3A_48 = arith.addi %mul3A_46, %add3A_47 : i32
    %dma_start3A_49 = arith.constant 0 : i32
    %dma_start3A_50 = tpu.memref_slice %arg10[%add3A_48, %dma_start3A_49] : memref<10000x128xf32, #tpu.memory_space<vmem_shared>> -> memref<80x128xf32, #tpu.memory_space<vmem_shared>>
    %dma_start3A_51 = arith.constant 0 : i32
    %dma_start3A_52 = tpu.memref_slice %arg10[%add3A_48, %dma_start3A_51] : memref<10000x128xf32, #tpu.memory_space<vmem_shared>> -> memref<80x128xf32, #tpu.memory_space<vmem_shared>>
    tpu.enqueue_dma source(%arg9 : memref<80x128xf32, #tpu.memory_space<vmem>>) target(%dma_start3A_52 : memref<80x128xf32, #tpu.memory_space<vmem_shared>>) target_semaphore(%arg13 : memref<!tpu.dma_semaphore, #tpu.memory_space<semaphore_mem>>)
    %mul3A_53 = arith.constant 624 : i32
    %mul3A_54 = arith.muli %arg1, %mul3A_53 : i32
    %add3A_55 = arith.constant 480 : i32
    %add3A_56 = arith.addi %mul3A_54, %add3A_55 : i32
    %dma_start3A_57 = arith.constant 0 : i32
    %dma_start3A_58 = tpu.memref_slice %arg10[%add3A_56, %dma_start3A_57] : memref<10000x128xf32, #tpu.memory_space<vmem_shared>> -> memref<80x128xf32, #tpu.memory_space<vmem_shared>>
    %dma_start3A_59 = arith.constant 0 : i32
    %dma_start3A_60 = tpu.memref_slice %arg10[%add3A_56, %dma_start3A_59] : memref<10000x128xf32, #tpu.memory_space<vmem_shared>> -> memref<80x128xf32, #tpu.memory_space<vmem_shared>>
    tpu.enqueue_dma source(%arg9 : memref<80x128xf32, #tpu.memory_space<vmem>>) target(%dma_start3A_60 : memref<80x128xf32, #tpu.memory_space<vmem_shared>>) target_semaphore(%arg13 : memref<!tpu.dma_semaphore, #tpu.memory_space<semaphore_mem>>)
    %mul3A_61 = arith.constant 624 : i32
    %mul3A_62 = arith.muli %arg1, %mul3A_61 : i32
    %add3A_63 = arith.constant 624 : i32
    %add3A_64 = arith.addi %mul3A_62, %add3A_63 : i32
    %sub3A = arith.constant 64 : i32
    %sub3A_65 = arith.subi %add3A_64, %sub3A : i32
    %dma_start3A_66 = arith.constant 0 : i32
    %dma_start3A_67 = arith.constant 0 : i32
    %dma_start3A_68 = tpu.memref_slice %arg9[%dma_start3A_66, %dma_start3A_67] : memref<80x128xf32, #tpu.memory_space<vmem>> -> memref<64x128xf32, #tpu.memory_space<vmem>>
    %dma_start3A_69 = arith.constant 0 : i32
    %dma_start3A_70 = tpu.memref_slice %arg10[%sub3A_65, %dma_start3A_69] : memref<10000x128xf32, #tpu.memory_space<vmem_shared>> -> memref<64x128xf32, #tpu.memory_space<vmem_shared>>
    %dma_start3A_71 = arith.constant 0 : i32
    %dma_start3A_72 = tpu.memref_slice %arg10[%sub3A_65, %dma_start3A_71] : memref<10000x128xf32, #tpu.memory_space<vmem_shared>> -> memref<64x128xf32, #tpu.memory_space<vmem_shared>>
    %dma_start3A_73 = arith.constant 0 : i32
    %dma_start3A_74 = arith.constant 0 : i32
    %dma_start3A_75 = tpu.memref_slice %arg9[%dma_start3A_73, %dma_start3A_74] : memref<80x128xf32, #tpu.memory_space<vmem>> -> memref<64x128xf32, #tpu.memory_space<vmem>>
    tpu.enqueue_dma source(%dma_start3A_75 : memref<64x128xf32, #tpu.memory_space<vmem>>) target(%dma_start3A_72 : memref<64x128xf32, #tpu.memory_space<vmem_shared>>) target_semaphore(%arg13 : memref<!tpu.dma_semaphore, #tpu.memory_space<semaphore_mem>>)
    %eq3A = arith.constant 15 : i32
    %eq3A_76 = arith.cmpi eq, %arg1, %eq3A : i32
    %convert_element_type3A = arith.extui %eq3A_76 : i1 to i32
    %cond3A = arith.constant 0 : i32
    %cond3A_77 = arith.cmpi ne, %convert_element_type3A, %cond3A : i32
    scf.if %cond3A_77 {
      %dma_start3A_311 = arith.constant 0 : i32
      %dma_start3A_312 = arith.constant 0 : i32
      %dma_start3A_313 = tpu.memref_slice %arg9[%dma_start3A_311, %dma_start3A_312] : memref<80x128xf32, #tpu.memory_space<vmem>> -> memref<16x128xf32, #tpu.memory_space<vmem>>
      %dma_start3A_314 = arith.constant 9984 : i32
      %dma_start3A_315 = arith.constant 0 : i32
      %dma_start3A_316 = tpu.memref_slice %arg10[%dma_start3A_314, %dma_start3A_315] : memref<10000x128xf32, #tpu.memory_space<vmem_shared>> -> memref<16x128xf32, #tpu.memory_space<vmem_shared>>
      %dma_start3A_317 = arith.constant 9984 : i32
      %dma_start3A_318 = arith.constant 0 : i32
      %dma_start3A_319 = tpu.memref_slice %arg10[%dma_start3A_317, %dma_start3A_318] : memref<10000x128xf32, #tpu.memory_space<vmem_shared>> -> memref<16x128xf32, #tpu.memory_space<vmem_shared>>
      %dma_start3A_320 = arith.constant 0 : i32
      %dma_start3A_321 = arith.constant 0 : i32
      %dma_start3A_322 = tpu.memref_slice %arg9[%dma_start3A_320, %dma_start3A_321] : memref<80x128xf32, #tpu.memory_space<vmem>> -> memref<16x128xf32, #tpu.memory_space<vmem>>
      tpu.enqueue_dma source(%dma_start3A_322 : memref<16x128xf32, #tpu.memory_space<vmem>>) target(%dma_start3A_319 : memref<16x128xf32, #tpu.memory_space<vmem_shared>>) target_semaphore(%arg13 : memref<!tpu.dma_semaphore, #tpu.memory_space<semaphore_mem>>)
    } else {
    }
    %run_scoped3A = arith.constant 0 : i32
    "tpu.region"() ({
      %run_scoped3A_311 = tpu.sem_alloc : memref<!tpu.dma_semaphore, #tpu.memory_space<semaphore_mem>>
      %dma_start3A_312 = arith.constant 0 : i32
      %dma_start3A_313 = arith.constant 0 : i32
      %dma_start3A_314 = tpu.memref_slice %arg5[%dma_start3A_312, %dma_start3A_313] : memref<32x80xi32, #tpu.memory_space<vmem>> -> memref<32x80xi32, #tpu.memory_space<vmem>>
      %dma_start3A_315 = arith.constant 0 : i32
      %dma_start3A_316 = arith.constant 0 : i32
      %dma_start3A_317 = arith.constant 0 : i32
      %dma_start3A_318 = tpu.memref_slice %arg3[%run_scoped3A, %dma_start3A_315, %dma_start3A_316, %dma_start3A_317] : memref<2x32x125x80xi32, #tpu.memory_space<hbm>> -> memref<1x32x125x80xi32, #tpu.memory_space<hbm>>
      %dma_start3A_319 = tpu.memref_squeeze %dma_start3A_318 : memref<1x32x125x80xi32, #tpu.memory_space<hbm>> -> memref<32x125x80xi32, #tpu.memory_space<hbm>>
      %dma_start3A_320 = arith.constant 0 : i32
      %dma_start3A_321 = arith.constant 0 : i32
      %dma_start3A_322 = tpu.memref_slice %dma_start3A_319[%add3A, %dma_start3A_320, %dma_start3A_321] : memref<32x125x80xi32, #tpu.memory_space<hbm>> -> memref<1x125x80xi32, #tpu.memory_space<hbm>>
      %dma_start3A_323 = tpu.memref_squeeze %dma_start3A_322 : memref<1x125x80xi32, #tpu.memory_space<hbm>> -> memref<125x80xi32, #tpu.memory_space<hbm>>
      %dma_start3A_324 = arith.constant 0 : i32
      %dma_start3A_325 = arith.constant 0 : i32
      %dma_start3A_326 = tpu.memref_slice %dma_start3A_323[%dma_start3A_324, %dma_start3A_325] : memref<125x80xi32, #tpu.memory_space<hbm>> -> memref<32x80xi32, #tpu.memory_space<hbm>>
      %dma_start3A_327 = arith.constant 0 : i32
      %dma_start3A_328 = arith.constant 0 : i32
      %dma_start3A_329 = tpu.memref_slice %arg5[%dma_start3A_327, %dma_start3A_328] : memref<32x80xi32, #tpu.memory_space<vmem>> -> memref<32x80xi32, #tpu.memory_space<vmem>>
      %dma_start3A_330 = arith.constant 0 : i32
      %dma_start3A_331 = arith.constant 0 : i32
      %dma_start3A_332 = arith.constant 0 : i32
      %dma_start3A_333 = tpu.memref_slice %arg3[%run_scoped3A, %dma_start3A_330, %dma_start3A_331, %dma_start3A_332] : memref<2x32x125x80xi32, #tpu.memory_space<hbm>> -> memref<1x32x125x80xi32, #tpu.memory_space<hbm>>
      %dma_start3A_334 = tpu.memref_squeeze %dma_start3A_333 : memref<1x32x125x80xi32, #tpu.memory_space<hbm>> -> memref<32x125x80xi32, #tpu.memory_space<hbm>>
      %dma_start3A_335 = arith.constant 0 : i32
      %dma_start3A_336 = arith.constant 0 : i32
      %dma_start3A_337 = tpu.memref_slice %dma_start3A_334[%add3A, %dma_start3A_335, %dma_start3A_336] : memref<32x125x80xi32, #tpu.memory_space<hbm>> -> memref<1x125x80xi32, #tpu.memory_space<hbm>>
      %dma_start3A_338 = tpu.memref_squeeze %dma_start3A_337 : memref<1x125x80xi32, #tpu.memory_space<hbm>> -> memref<125x80xi32, #tpu.memory_space<hbm>>
      %dma_start3A_339 = arith.constant 0 : i32
      %dma_start3A_340 = arith.constant 0 : i32
      %dma_start3A_341 = tpu.memref_slice %dma_start3A_338[%dma_start3A_339, %dma_start3A_340] : memref<125x80xi32, #tpu.memory_space<hbm>> -> memref<32x80xi32, #tpu.memory_space<hbm>>
      tpu.enqueue_dma source(%dma_start3A_341 : memref<32x80xi32, #tpu.memory_space<hbm>>) target(%dma_start3A_329 : memref<32x80xi32, #tpu.memory_space<vmem>>) target_semaphore(%run_scoped3A_311 : memref<!tpu.dma_semaphore, #tpu.memory_space<semaphore_mem>>)
      %dma_wait3A_342 = arith.constant 0 : i32
      %dma_wait3A_343 = arith.constant 0 : i32
      %dma_wait3A_344 = tpu.memref_slice %arg5[%dma_wait3A_342, %dma_wait3A_343] : memref<32x80xi32, #tpu.memory_space<vmem>> -> memref<32x80xi32, #tpu.memory_space<vmem>>
      %dma_wait3A_345 = arith.constant 0 : i32
      %dma_wait3A_346 = arith.constant 0 : i32
      %dma_wait3A_347 = arith.constant 0 : i32
      %dma_wait3A_348 = tpu.memref_slice %arg3[%run_scoped3A, %dma_wait3A_345, %dma_wait3A_346, %dma_wait3A_347] : memref<2x32x125x80xi32, #tpu.memory_space<hbm>> -> memref<1x32x125x80xi32, #tpu.memory_space<hbm>>
      %dma_wait3A_349 = tpu.memref_squeeze %dma_wait3A_348 : memref<1x32x125x80xi32, #tpu.memory_space<hbm>> -> memref<32x125x80xi32, #tpu.memory_space<hbm>>
      %dma_wait3A_350 = arith.constant 0 : i32
      %dma_wait3A_351 = arith.constant 0 : i32
      %dma_wait3A_352 = tpu.memref_slice %dma_wait3A_349[%add3A, %dma_wait3A_350, %dma_wait3A_351] : memref<32x125x80xi32, #tpu.memory_space<hbm>> -> memref<1x125x80xi32, #tpu.memory_space<hbm>>
      %dma_wait3A_353 = tpu.memref_squeeze %dma_wait3A_352 : memref<1x125x80xi32, #tpu.memory_space<hbm>> -> memref<125x80xi32, #tpu.memory_space<hbm>>
      %dma_wait3A_354 = arith.constant 0 : i32
      %dma_wait3A_355 = arith.constant 0 : i32
      %dma_wait3A_356 = tpu.memref_slice %dma_wait3A_353[%dma_wait3A_354, %dma_wait3A_355] : memref<125x80xi32, #tpu.memory_space<hbm>> -> memref<32x80xi32, #tpu.memory_space<hbm>>
      %dma_wait3A_357 = arith.constant 0 : i32
      %dma_wait3A_358 = arith.constant 0 : i32
      %dma_wait3A_359 = tpu.memref_slice %arg5[%dma_wait3A_357, %dma_wait3A_358] : memref<32x80xi32, #tpu.memory_space<vmem>> -> memref<32x80xi32, #tpu.memory_space<vmem>>
      %dma_wait3A_360 = arith.constant 0 : i32
      %dma_wait3A_361 = arith.constant 0 : i32
      %dma_wait3A_362 = arith.constant 0 : i32
      %dma_wait3A_363 = tpu.memref_slice %arg3[%run_scoped3A, %dma_wait3A_360, %dma_wait3A_361, %dma_wait3A_362] : memref<2x32x125x80xi32, #tpu.memory_space<hbm>> -> memref<1x32x125x80xi32, #tpu.memory_space<hbm>>
      %dma_wait3A_364 = tpu.memref_squeeze %dma_wait3A_363 : memref<1x32x125x80xi32, #tpu.memory_space<hbm>> -> memref<32x125x80xi32, #tpu.memory_space<hbm>>
      %dma_wait3A_365 = arith.constant 0 : i32
      %dma_wait3A_366 = arith.constant 0 : i32
      %dma_wait3A_367 = tpu.memref_slice %dma_wait3A_364[%add3A, %dma_wait3A_365, %dma_wait3A_366] : memref<32x125x80xi32, #tpu.memory_space<hbm>> -> memref<1x125x80xi32, #tpu.memory_space<hbm>>
      %dma_wait3A_368 = tpu.memref_squeeze %dma_wait3A_367 : memref<1x125x80xi32, #tpu.memory_space<hbm>> -> memref<125x80xi32, #tpu.memory_space<hbm>>
      %dma_wait3A_369 = arith.constant 0 : i32
      %dma_wait3A_370 = arith.constant 0 : i32
      %dma_wait3A_371 = tpu.memref_slice %dma_wait3A_368[%dma_wait3A_369, %dma_wait3A_370] : memref<125x80xi32, #tpu.memory_space<hbm>> -> memref<32x80xi32, #tpu.memory_space<hbm>>
      tpu.wait_dma2 semaphore(%run_scoped3A_311 : memref<!tpu.dma_semaphore, #tpu.memory_space<semaphore_mem>>) src(%dma_wait3A_371 : memref<32x80xi32, #tpu.memory_space<hbm>>) dst(%dma_wait3A_359 : memref<32x80xi32, #tpu.memory_space<vmem>>)
      tpu.yield
    }) : () -> ()
    %run_scoped3A_78 = arith.constant 1 : i32
    "tpu.region"() ({
      %run_scoped3A_311 = tpu.sem_alloc : memref<!tpu.dma_semaphore, #tpu.memory_space<semaphore_mem>>
      %dma_start3A_312 = arith.constant 0 : i32
      %dma_start3A_313 = arith.constant 0 : i32
      %dma_start3A_314 = tpu.memref_slice %arg6[%dma_start3A_312, %dma_start3A_313] : memref<32x80xi32, #tpu.memory_space<vmem>> -> memref<32x80xi32, #tpu.memory_space<vmem>>
      %dma_start3A_315 = arith.constant 0 : i32
      %dma_start3A_316 = arith.constant 0 : i32
      %dma_start3A_317 = arith.constant 0 : i32
      %dma_start3A_318 = tpu.memref_slice %arg3[%run_scoped3A_78, %dma_start3A_315, %dma_start3A_316, %dma_start3A_317] : memref<2x32x125x80xi32, #tpu.memory_space<hbm>> -> memref<1x32x125x80xi32, #tpu.memory_space<hbm>>
      %dma_start3A_319 = tpu.memref_squeeze %dma_start3A_318 : memref<1x32x125x80xi32, #tpu.memory_space<hbm>> -> memref<32x125x80xi32, #tpu.memory_space<hbm>>
      %dma_start3A_320 = arith.constant 0 : i32
      %dma_start3A_321 = arith.constant 0 : i32
      %dma_start3A_322 = tpu.memref_slice %dma_start3A_319[%add3A, %dma_start3A_320, %dma_start3A_321] : memref<32x125x80xi32, #tpu.memory_space<hbm>> -> memref<1x125x80xi32, #tpu.memory_space<hbm>>
      %dma_start3A_323 = tpu.memref_squeeze %dma_start3A_322 : memref<1x125x80xi32, #tpu.memory_space<hbm>> -> memref<125x80xi32, #tpu.memory_space<hbm>>
      %dma_start3A_324 = arith.constant 0 : i32
      %dma_start3A_325 = arith.constant 0 : i32
      %dma_start3A_326 = tpu.memref_slice %dma_start3A_323[%dma_start3A_324, %dma_start3A_325] : memref<125x80xi32, #tpu.memory_space<hbm>> -> memref<32x80xi32, #tpu.memory_space<hbm>>
      %dma_start3A_327 = arith.constant 0 : i32
      %dma_start3A_328 = arith.constant 0 : i32
      %dma_start3A_329 = tpu.memref_slice %arg6[%dma_start3A_327, %dma_start3A_328] : memref<32x80xi32, #tpu.memory_space<vmem>> -> memref<32x80xi32, #tpu.memory_space<vmem>>
      %dma_start3A_330 = arith.constant 0 : i32
      %dma_start3A_331 = arith.constant 0 : i32
      %dma_start3A_332 = arith.constant 0 : i32
      %dma_start3A_333 = tpu.memref_slice %arg3[%run_scoped3A_78, %dma_start3A_330, %dma_start3A_331, %dma_start3A_332] : memref<2x32x125x80xi32, #tpu.memory_space<hbm>> -> memref<1x32x125x80xi32, #tpu.memory_space<hbm>>
      %dma_start3A_334 = tpu.memref_squeeze %dma_start3A_333 : memref<1x32x125x80xi32, #tpu.memory_space<hbm>> -> memref<32x125x80xi32, #tpu.memory_space<hbm>>
      %dma_start3A_335 = arith.constant 0 : i32
      %dma_start3A_336 = arith.constant 0 : i32
      %dma_start3A_337 = tpu.memref_slice %dma_start3A_334[%add3A, %dma_start3A_335, %dma_start3A_336] : memref<32x125x80xi32, #tpu.memory_space<hbm>> -> memref<1x125x80xi32, #tpu.memory_space<hbm>>
      %dma_start3A_338 = tpu.memref_squeeze %dma_start3A_337 : memref<1x125x80xi32, #tpu.memory_space<hbm>> -> memref<125x80xi32, #tpu.memory_space<hbm>>
      %dma_start3A_339 = arith.constant 0 : i32
      %dma_start3A_340 = arith.constant 0 : i32
      %dma_start3A_341 = tpu.memref_slice %dma_start3A_338[%dma_start3A_339, %dma_start3A_340] : memref<125x80xi32, #tpu.memory_space<hbm>> -> memref<32x80xi32, #tpu.memory_space<hbm>>
      tpu.enqueue_dma source(%dma_start3A_341 : memref<32x80xi32, #tpu.memory_space<hbm>>) target(%dma_start3A_329 : memref<32x80xi32, #tpu.memory_space<vmem>>) target_semaphore(%run_scoped3A_311 : memref<!tpu.dma_semaphore, #tpu.memory_space<semaphore_mem>>)
      %dma_wait3A_342 = arith.constant 0 : i32
      %dma_wait3A_343 = arith.constant 0 : i32
      %dma_wait3A_344 = tpu.memref_slice %arg6[%dma_wait3A_342, %dma_wait3A_343] : memref<32x80xi32, #tpu.memory_space<vmem>> -> memref<32x80xi32, #tpu.memory_space<vmem>>
      %dma_wait3A_345 = arith.constant 0 : i32
      %dma_wait3A_346 = arith.constant 0 : i32
      %dma_wait3A_347 = arith.constant 0 : i32
      %dma_wait3A_348 = tpu.memref_slice %arg3[%run_scoped3A_78, %dma_wait3A_345, %dma_wait3A_346, %dma_wait3A_347] : memref<2x32x125x80xi32, #tpu.memory_space<hbm>> -> memref<1x32x125x80xi32, #tpu.memory_space<hbm>>
      %dma_wait3A_349 = tpu.memref_squeeze %dma_wait3A_348 : memref<1x32x125x80xi32, #tpu.memory_space<hbm>> -> memref<32x125x80xi32, #tpu.memory_space<hbm>>
      %dma_wait3A_350 = arith.constant 0 : i32
      %dma_wait3A_351 = arith.constant 0 : i32
      %dma_wait3A_352 = tpu.memref_slice %dma_wait3A_349[%add3A, %dma_wait3A_350, %dma_wait3A_351] : memref<32x125x80xi32, #tpu.memory_space<hbm>> -> memref<1x125x80xi32, #tpu.memory_space<hbm>>
      %dma_wait3A_353 = tpu.memref_squeeze %dma_wait3A_352 : memref<1x125x80xi32, #tpu.memory_space<hbm>> -> memref<125x80xi32, #tpu.memory_space<hbm>>
      %dma_wait3A_354 = arith.constant 0 : i32
      %dma_wait3A_355 = arith.constant 0 : i32
      %dma_wait3A_356 = tpu.memref_slice %dma_wait3A_353[%dma_wait3A_354, %dma_wait3A_355] : memref<125x80xi32, #tpu.memory_space<hbm>> -> memref<32x80xi32, #tpu.memory_space<hbm>>
      %dma_wait3A_357 = arith.constant 0 : i32
      %dma_wait3A_358 = arith.constant 0 : i32
      %dma_wait3A_359 = tpu.memref_slice %arg6[%dma_wait3A_357, %dma_wait3A_358] : memref<32x80xi32, #tpu.memory_space<vmem>> -> memref<32x80xi32, #tpu.memory_space<vmem>>
      %dma_wait3A_360 = arith.constant 0 : i32
      %dma_wait3A_361 = arith.constant 0 : i32
      %dma_wait3A_362 = arith.constant 0 : i32
      %dma_wait3A_363 = tpu.memref_slice %arg3[%run_scoped3A_78, %dma_wait3A_360, %dma_wait3A_361, %dma_wait3A_362] : memref<2x32x125x80xi32, #tpu.memory_space<hbm>> -> memref<1x32x125x80xi32, #tpu.memory_space<hbm>>
      %dma_wait3A_364 = tpu.memref_squeeze %dma_wait3A_363 : memref<1x32x125x80xi32, #tpu.memory_space<hbm>> -> memref<32x125x80xi32, #tpu.memory_space<hbm>>
      %dma_wait3A_365 = arith.constant 0 : i32
      %dma_wait3A_366 = arith.constant 0 : i32
      %dma_wait3A_367 = tpu.memref_slice %dma_wait3A_364[%add3A, %dma_wait3A_365, %dma_wait3A_366] : memref<32x125x80xi32, #tpu.memory_space<hbm>> -> memref<1x125x80xi32, #tpu.memory_space<hbm>>
      %dma_wait3A_368 = tpu.memref_squeeze %dma_wait3A_367 : memref<1x125x80xi32, #tpu.memory_space<hbm>> -> memref<125x80xi32, #tpu.memory_space<hbm>>
      %dma_wait3A_369 = arith.constant 0 : i32
      %dma_wait3A_370 = arith.constant 0 : i32
      %dma_wait3A_371 = tpu.memref_slice %dma_wait3A_368[%dma_wait3A_369, %dma_wait3A_370] : memref<125x80xi32, #tpu.memory_space<hbm>> -> memref<32x80xi32, #tpu.memory_space<hbm>>
      tpu.wait_dma2 semaphore(%run_scoped3A_311 : memref<!tpu.dma_semaphore, #tpu.memory_space<semaphore_mem>>) src(%dma_wait3A_371 : memref<32x80xi32, #tpu.memory_space<hbm>>) dst(%dma_wait3A_359 : memref<32x80xi32, #tpu.memory_space<vmem>>)
      tpu.yield
    }) : () -> ()
    %mul3A_79 = arith.constant 624 : i32
    %mul3A_80 = arith.muli %arg1, %mul3A_79 : i32
    %add3A_81 = arith.constant 0 : i32
    %add3A_82 = arith.addi %mul3A_80, %add3A_81 : i32
    %dma_wait3A = arith.constant 0 : i32
    %dma_wait3A_83 = tpu.memref_slice %arg10[%add3A_82, %dma_wait3A] : memref<10000x128xf32, #tpu.memory_space<vmem_shared>> -> memref<80x128xf32, #tpu.memory_space<vmem_shared>>
    %dma_wait3A_84 = arith.constant 0 : i32
    %dma_wait3A_85 = tpu.memref_slice %arg10[%add3A_82, %dma_wait3A_84] : memref<10000x128xf32, #tpu.memory_space<vmem_shared>> -> memref<80x128xf32, #tpu.memory_space<vmem_shared>>
    tpu.wait_dma2 semaphore(%arg13 : memref<!tpu.dma_semaphore, #tpu.memory_space<semaphore_mem>>) src(%arg9 : memref<80x128xf32, #tpu.memory_space<vmem>>) dst(%dma_wait3A_85 : memref<80x128xf32, #tpu.memory_space<vmem_shared>>)
    %mul3A_86 = arith.constant 624 : i32
    %mul3A_87 = arith.muli %arg1, %mul3A_86 : i32
    %add3A_88 = arith.constant 80 : i32
    %add3A_89 = arith.addi %mul3A_87, %add3A_88 : i32
    %dma_wait3A_90 = arith.constant 0 : i32
    %dma_wait3A_91 = tpu.memref_slice %arg10[%add3A_89, %dma_wait3A_90] : memref<10000x128xf32, #tpu.memory_space<vmem_shared>> -> memref<80x128xf32, #tpu.memory_space<vmem_shared>>
    %dma_wait3A_92 = arith.constant 0 : i32
    %dma_wait3A_93 = tpu.memref_slice %arg10[%add3A_89, %dma_wait3A_92] : memref<10000x128xf32, #tpu.memory_space<vmem_shared>> -> memref<80x128xf32, #tpu.memory_space<vmem_shared>>
    tpu.wait_dma2 semaphore(%arg13 : memref<!tpu.dma_semaphore, #tpu.memory_space<semaphore_mem>>) src(%arg9 : memref<80x128xf32, #tpu.memory_space<vmem>>) dst(%dma_wait3A_93 : memref<80x128xf32, #tpu.memory_space<vmem_shared>>)
    %mul3A_94 = arith.constant 624 : i32
    %mul3A_95 = arith.muli %arg1, %mul3A_94 : i32
    %add3A_96 = arith.constant 160 : i32
    %add3A_97 = arith.addi %mul3A_95, %add3A_96 : i32
    %dma_wait3A_98 = arith.constant 0 : i32
    %dma_wait3A_99 = tpu.memref_slice %arg10[%add3A_97, %dma_wait3A_98] : memref<10000x128xf32, #tpu.memory_space<vmem_shared>> -> memref<80x128xf32, #tpu.memory_space<vmem_shared>>
    %dma_wait3A_100 = arith.constant 0 : i32
    %dma_wait3A_101 = tpu.memref_slice %arg10[%add3A_97, %dma_wait3A_100] : memref<10000x128xf32, #tpu.memory_space<vmem_shared>> -> memref<80x128xf32, #tpu.memory_space<vmem_shared>>
    tpu.wait_dma2 semaphore(%arg13 : memref<!tpu.dma_semaphore, #tpu.memory_space<semaphore_mem>>) src(%arg9 : memref<80x128xf32, #tpu.memory_space<vmem>>) dst(%dma_wait3A_101 : memref<80x128xf32, #tpu.memory_space<vmem_shared>>)
    %mul3A_102 = arith.constant 624 : i32
    %mul3A_103 = arith.muli %arg1, %mul3A_102 : i32
    %add3A_104 = arith.constant 240 : i32
    %add3A_105 = arith.addi %mul3A_103, %add3A_104 : i32
    %dma_wait3A_106 = arith.constant 0 : i32
    %dma_wait3A_107 = tpu.memref_slice %arg10[%add3A_105, %dma_wait3A_106] : memref<10000x128xf32, #tpu.memory_space<vmem_shared>> -> memref<80x128xf32, #tpu.memory_space<vmem_shared>>
    %dma_wait3A_108 = arith.constant 0 : i32
    %dma_wait3A_109 = tpu.memref_slice %arg10[%add3A_105, %dma_wait3A_108] : memref<10000x128xf32, #tpu.memory_space<vmem_shared>> -> memref<80x128xf32, #tpu.memory_space<vmem_shared>>
    tpu.wait_dma2 semaphore(%arg13 : memref<!tpu.dma_semaphore, #tpu.memory_space<semaphore_mem>>) src(%arg9 : memref<80x128xf32, #tpu.memory_space<vmem>>) dst(%dma_wait3A_109 : memref<80x128xf32, #tpu.memory_space<vmem_shared>>)
    %mul3A_110 = arith.constant 624 : i32
    %mul3A_111 = arith.muli %arg1, %mul3A_110 : i32
    %add3A_112 = arith.constant 320 : i32
    %add3A_113 = arith.addi %mul3A_111, %add3A_112 : i32
    %dma_wait3A_114 = arith.constant 0 : i32
    %dma_wait3A_115 = tpu.memref_slice %arg10[%add3A_113, %dma_wait3A_114] : memref<10000x128xf32, #tpu.memory_space<vmem_shared>> -> memref<80x128xf32, #tpu.memory_space<vmem_shared>>
    %dma_wait3A_116 = arith.constant 0 : i32
    %dma_wait3A_117 = tpu.memref_slice %arg10[%add3A_113, %dma_wait3A_116] : memref<10000x128xf32, #tpu.memory_space<vmem_shared>> -> memref<80x128xf32, #tpu.memory_space<vmem_shared>>
    tpu.wait_dma2 semaphore(%arg13 : memref<!tpu.dma_semaphore, #tpu.memory_space<semaphore_mem>>) src(%arg9 : memref<80x128xf32, #tpu.memory_space<vmem>>) dst(%dma_wait3A_117 : memref<80x128xf32, #tpu.memory_space<vmem_shared>>)
    %mul3A_118 = arith.constant 624 : i32
    %mul3A_119 = arith.muli %arg1, %mul3A_118 : i32
    %add3A_120 = arith.constant 400 : i32
    %add3A_121 = arith.addi %mul3A_119, %add3A_120 : i32
    %dma_wait3A_122 = arith.constant 0 : i32
    %dma_wait3A_123 = tpu.memref_slice %arg10[%add3A_121, %dma_wait3A_122] : memref<10000x128xf32, #tpu.memory_space<vmem_shared>> -> memref<80x128xf32, #tpu.memory_space<vmem_shared>>
    %dma_wait3A_124 = arith.constant 0 : i32
    %dma_wait3A_125 = tpu.memref_slice %arg10[%add3A_121, %dma_wait3A_124] : memref<10000x128xf32, #tpu.memory_space<vmem_shared>> -> memref<80x128xf32, #tpu.memory_space<vmem_shared>>
    tpu.wait_dma2 semaphore(%arg13 : memref<!tpu.dma_semaphore, #tpu.memory_space<semaphore_mem>>) src(%arg9 : memref<80x128xf32, #tpu.memory_space<vmem>>) dst(%dma_wait3A_125 : memref<80x128xf32, #tpu.memory_space<vmem_shared>>)
    %mul3A_126 = arith.constant 624 : i32
    %mul3A_127 = arith.muli %arg1, %mul3A_126 : i32
    %add3A_128 = arith.constant 480 : i32
    %add3A_129 = arith.addi %mul3A_127, %add3A_128 : i32
    %dma_wait3A_130 = arith.constant 0 : i32
    %dma_wait3A_131 = tpu.memref_slice %arg10[%add3A_129, %dma_wait3A_130] : memref<10000x128xf32, #tpu.memory_space<vmem_shared>> -> memref<80x128xf32, #tpu.memory_space<vmem_shared>>
    %dma_wait3A_132 = arith.constant 0 : i32
    %dma_wait3A_133 = tpu.memref_slice %arg10[%add3A_129, %dma_wait3A_132] : memref<10000x128xf32, #tpu.memory_space<vmem_shared>> -> memref<80x128xf32, #tpu.memory_space<vmem_shared>>
    tpu.wait_dma2 semaphore(%arg13 : memref<!tpu.dma_semaphore, #tpu.memory_space<semaphore_mem>>) src(%arg9 : memref<80x128xf32, #tpu.memory_space<vmem>>) dst(%dma_wait3A_133 : memref<80x128xf32, #tpu.memory_space<vmem_shared>>)
    %mul3A_134 = arith.constant 624 : i32
    %mul3A_135 = arith.muli %arg1, %mul3A_134 : i32
    %add3A_136 = arith.constant 624 : i32
    %add3A_137 = arith.addi %mul3A_135, %add3A_136 : i32
    %sub3A_138 = arith.constant 64 : i32
    %sub3A_139 = arith.subi %add3A_137, %sub3A_138 : i32
    %dma_wait3A_140 = arith.constant 0 : i32
    %dma_wait3A_141 = arith.constant 0 : i32
    %dma_wait3A_142 = tpu.memref_slice %arg9[%dma_wait3A_140, %dma_wait3A_141] : memref<80x128xf32, #tpu.memory_space<vmem>> -> memref<64x128xf32, #tpu.memory_space<vmem>>
    %dma_wait3A_143 = arith.constant 0 : i32
    %dma_wait3A_144 = tpu.memref_slice %arg10[%sub3A_139, %dma_wait3A_143] : memref<10000x128xf32, #tpu.memory_space<vmem_shared>> -> memref<64x128xf32, #tpu.memory_space<vmem_shared>>
    %dma_wait3A_145 = arith.constant 0 : i32
    %dma_wait3A_146 = tpu.memref_slice %arg10[%sub3A_139, %dma_wait3A_145] : memref<10000x128xf32, #tpu.memory_space<vmem_shared>> -> memref<64x128xf32, #tpu.memory_space<vmem_shared>>
    %dma_wait3A_147 = arith.constant 0 : i32
    %dma_wait3A_148 = arith.constant 0 : i32
    %dma_wait3A_149 = tpu.memref_slice %arg9[%dma_wait3A_147, %dma_wait3A_148] : memref<80x128xf32, #tpu.memory_space<vmem>> -> memref<64x128xf32, #tpu.memory_space<vmem>>
    tpu.wait_dma2 semaphore(%arg13 : memref<!tpu.dma_semaphore, #tpu.memory_space<semaphore_mem>>) src(%dma_wait3A_149 : memref<64x128xf32, #tpu.memory_space<vmem>>) dst(%dma_wait3A_146 : memref<64x128xf32, #tpu.memory_space<vmem_shared>>)
    %eq3A_150 = arith.constant 15 : i32
    %eq3A_151 = arith.cmpi eq, %arg1, %eq3A_150 : i32
    %convert_element_type3A_152 = arith.extui %eq3A_151 : i1 to i32
    %cond3A_153 = arith.constant 0 : i32
    %cond3A_154 = arith.cmpi ne, %convert_element_type3A_152, %cond3A_153 : i32
    scf.if %cond3A_154 {
      %dma_wait3A_311 = arith.constant 0 : i32
      %dma_wait3A_312 = arith.constant 0 : i32
      %dma_wait3A_313 = tpu.memref_slice %arg9[%dma_wait3A_311, %dma_wait3A_312] : memref<80x128xf32, #tpu.memory_space<vmem>> -> memref<16x128xf32, #tpu.memory_space<vmem>>
      %dma_wait3A_314 = arith.constant 9984 : i32
      %dma_wait3A_315 = arith.constant 0 : i32
      %dma_wait3A_316 = tpu.memref_slice %arg10[%dma_wait3A_314, %dma_wait3A_315] : memref<10000x128xf32, #tpu.memory_space<vmem_shared>> -> memref<16x128xf32, #tpu.memory_space<vmem_shared>>
      %dma_wait3A_317 = arith.constant 9984 : i32
      %dma_wait3A_318 = arith.constant 0 : i32
      %dma_wait3A_319 = tpu.memref_slice %arg10[%dma_wait3A_317, %dma_wait3A_318] : memref<10000x128xf32, #tpu.memory_space<vmem_shared>> -> memref<16x128xf32, #tpu.memory_space<vmem_shared>>
      %dma_wait3A_320 = arith.constant 0 : i32
      %dma_wait3A_321 = arith.constant 0 : i32
      %dma_wait3A_322 = tpu.memref_slice %arg9[%dma_wait3A_320, %dma_wait3A_321] : memref<80x128xf32, #tpu.memory_space<vmem>> -> memref<16x128xf32, #tpu.memory_space<vmem>>
      tpu.wait_dma2 semaphore(%arg13 : memref<!tpu.dma_semaphore, #tpu.memory_space<semaphore_mem>>) src(%dma_wait3A_322 : memref<16x128xf32, #tpu.memory_space<vmem>>) dst(%dma_wait3A_319 : memref<16x128xf32, #tpu.memory_space<vmem_shared>>)
    } else {
    }
    %barrier3A = arith.constant 0 : index
    tpu.barrier barrier_id(%barrier3A)
    %dma_start3A_155 = arith.constant 0 : i32
    %dma_start3A_156 = arith.constant 0 : i32
    %dma_start3A_157 = tpu.memref_slice %arg5[%dma_start3A_155, %dma_start3A_156] : memref<32x80xi32, #tpu.memory_space<vmem>> -> memref<1x80xi32, #tpu.memory_space<vmem>>
    %dma_start3A_158 = tpu.memref_squeeze %dma_start3A_157 : memref<1x80xi32, #tpu.memory_space<vmem>> -> memref<80xi32, #tpu.memory_space<vmem>>
    %dma_start3A_159 = arith.constant 0 : i32
    %dma_start3A_160 = arith.constant 0 : i32
    %dma_start3A_161 = tpu.memref_slice %arg2[%dma_start3A_159, %dma_start3A_160] : memref<10000x128xf32, #tpu.memory_space<hbm>> -> memref<10000x128xf32, #tpu.memory_space<hbm>>
    tpu.enqueue_indirect_dma source(%dma_start3A_161 : memref<10000x128xf32, #tpu.memory_space<hbm>>) target(%arg7 : memref<80x128xf32, #tpu.memory_space<vmem>>) offsets(%dma_start3A_158 : memref<80xi32, #tpu.memory_space<vmem>>) semaphore(%arg11 : memref<!tpu.dma_semaphore, #tpu.memory_space<semaphore_mem>>)
    %dma_start3A_162 = arith.constant 1 : i32
    %dma_start3A_163 = arith.constant 0 : i32
    %dma_start3A_164 = tpu.memref_slice %arg5[%dma_start3A_162, %dma_start3A_163] : memref<32x80xi32, #tpu.memory_space<vmem>> -> memref<1x80xi32, #tpu.memory_space<vmem>>
    %dma_start3A_165 = tpu.memref_squeeze %dma_start3A_164 : memref<1x80xi32, #tpu.memory_space<vmem>> -> memref<80xi32, #tpu.memory_space<vmem>>
    %dma_start3A_166 = arith.constant 0 : i32
    %dma_start3A_167 = arith.constant 0 : i32
    %dma_start3A_168 = tpu.memref_slice %arg2[%dma_start3A_166, %dma_start3A_167] : memref<10000x128xf32, #tpu.memory_space<hbm>> -> memref<10000x128xf32, #tpu.memory_space<hbm>>
    tpu.enqueue_indirect_dma source(%dma_start3A_168 : memref<10000x128xf32, #tpu.memory_space<hbm>>) target(%arg8 : memref<80x128xf32, #tpu.memory_space<vmem>>) offsets(%dma_start3A_165 : memref<80xi32, #tpu.memory_space<vmem>>) semaphore(%arg12 : memref<!tpu.dma_semaphore, #tpu.memory_space<semaphore_mem>>)
    %scan3A_169 = arith.constant 0 : i32
    %scan3A_170 = arith.constant 10 : i32
    %scan3A_171 = arith.addi %scan3A_169, %scan3A_170 : i32
    %scan3A_172 = arith.constant 1 : i32
    scf.for %scan3A_311 = %scan3A_169 to %scan3A_171 step %scan3A_172  : i32 {
      %mul3A_312 = arith.constant 1 : i32
      %mul3A_313 = arith.muli %scan3A_311, %mul3A_312 : i32
      %add3A_314 = arith.constant 0 : i32
      %add3A_315 = arith.addi %add3A_314, %mul3A_313 : i32
      %mul3A_316 = arith.constant 3 : i32
      %mul3A_317 = arith.muli %mul3A_316, %add3A_315 : i32
      %add3A_318 = arith.constant 0 : i32
      %add3A_319 = arith.addi %mul3A_317, %add3A_318 : i32
      %add3A_320 = arith.constant 3 : i32
      %add3A_321 = arith.addi %add3A_319, %add3A_320 : i32
      %sub3A_322 = arith.constant 1 : i32
      %sub3A_323 = arith.subi %add3A_321, %sub3A_322 : i32
      %dma_start3A_324 = arith.constant 0 : i32
      %dma_start3A_325 = tpu.memref_slice %arg5[%sub3A_323, %dma_start3A_324] : memref<32x80xi32, #tpu.memory_space<vmem>> -> memref<1x80xi32, #tpu.memory_space<vmem>>
      %dma_start3A_326 = tpu.memref_squeeze %dma_start3A_325 : memref<1x80xi32, #tpu.memory_space<vmem>> -> memref<80xi32, #tpu.memory_space<vmem>>
      %dma_start3A_327 = arith.constant 0 : i32
      %dma_start3A_328 = arith.constant 0 : i32
      %dma_start3A_329 = tpu.memref_slice %arg2[%dma_start3A_327, %dma_start3A_328] : memref<10000x128xf32, #tpu.memory_space<hbm>> -> memref<10000x128xf32, #tpu.memory_space<hbm>>
      tpu.enqueue_indirect_dma source(%dma_start3A_329 : memref<10000x128xf32, #tpu.memory_space<hbm>>) target(%arg9 : memref<80x128xf32, #tpu.memory_space<vmem>>) offsets(%dma_start3A_326 : memref<80xi32, #tpu.memory_space<vmem>>) semaphore(%arg13 : memref<!tpu.dma_semaphore, #tpu.memory_space<semaphore_mem>>)
      %dma_wait3A_330 = arith.constant 0 : i32
      %dma_wait3A_331 = arith.constant 0 : i32
      %dma_wait3A_332 = tpu.memref_slice %arg5[%dma_wait3A_330, %dma_wait3A_331] : memref<32x80xi32, #tpu.memory_space<vmem>> -> memref<1x80xi32, #tpu.memory_space<vmem>>
      %dma_wait3A_333 = tpu.memref_squeeze %dma_wait3A_332 : memref<1x80xi32, #tpu.memory_space<vmem>> -> memref<80xi32, #tpu.memory_space<vmem>>
      %dma_wait3A_334 = arith.constant 0 : i32
      %dma_wait3A_335 = arith.constant 0 : i32
      %dma_wait3A_336 = tpu.memref_slice %arg2[%dma_wait3A_334, %dma_wait3A_335] : memref<10000x128xf32, #tpu.memory_space<hbm>> -> memref<10000x128xf32, #tpu.memory_space<hbm>>
      tpu.wait_indirect_dma semaphore(%arg11 : memref<!tpu.dma_semaphore, #tpu.memory_space<semaphore_mem>>) src(%dma_wait3A_336 : memref<10000x128xf32, #tpu.memory_space<hbm>>) dst(%arg7 : memref<80x128xf32, #tpu.memory_space<vmem>>)
      %add3A_337 = arith.constant 0 : i32
      %add3A_338 = arith.addi %mul3A_317, %add3A_337 : i32
      "tpu.region"() ({
        %run_scoped3A_381 = tpu.sem_alloc : memref<!tpu.dma_semaphore, #tpu.memory_space<semaphore_mem>>
        %dma_start3A_382 = arith.constant 0 : i32
        %dma_start3A_383 = tpu.memref_slice %arg6[%add3A_338, %dma_start3A_382] : memref<32x80xi32, #tpu.memory_space<vmem>> -> memref<1x80xi32, #tpu.memory_space<vmem>>
        %dma_start3A_384 = tpu.memref_squeeze %dma_start3A_383 : memref<1x80xi32, #tpu.memory_space<vmem>> -> memref<80xi32, #tpu.memory_space<vmem>>
        %dma_start3A_385 = arith.constant 0 : i32
        %dma_start3A_386 = arith.constant 0 : i32
        %dma_start3A_387 = tpu.memref_slice %arg10[%dma_start3A_385, %dma_start3A_386] : memref<10000x128xf32, #tpu.memory_space<vmem_shared>> -> memref<10000x128xf32, #tpu.memory_space<vmem_shared>>
        tpu.enqueue_indirect_dma source(%arg7 : memref<80x128xf32, #tpu.memory_space<vmem>>) target(%dma_start3A_387 : memref<10000x128xf32, #tpu.memory_space<vmem_shared>>) offsets(%dma_start3A_384 : memref<80xi32, #tpu.memory_space<vmem>>) semaphore(%run_scoped3A_381 : memref<!tpu.dma_semaphore, #tpu.memory_space<semaphore_mem>>) {add = true}
        %dma_wait3A_388 = arith.constant 0 : i32
        %dma_wait3A_389 = tpu.memref_slice %arg6[%add3A_338, %dma_wait3A_388] : memref<32x80xi32, #tpu.memory_space<vmem>> -> memref<1x80xi32, #tpu.memory_space<vmem>>
        %dma_wait3A_390 = tpu.memref_squeeze %dma_wait3A_389 : memref<1x80xi32, #tpu.memory_space<vmem>> -> memref<80xi32, #tpu.memory_space<vmem>>
        %dma_wait3A_391 = arith.constant 0 : i32
        %dma_wait3A_392 = arith.constant 0 : i32
        %dma_wait3A_393 = tpu.memref_slice %arg10[%dma_wait3A_391, %dma_wait3A_392] : memref<10000x128xf32, #tpu.memory_space<vmem_shared>> -> memref<10000x128xf32, #tpu.memory_space<vmem_shared>>
        tpu.wait_indirect_dma semaphore(%run_scoped3A_381 : memref<!tpu.dma_semaphore, #tpu.memory_space<semaphore_mem>>) src(%arg7 : memref<80x128xf32, #tpu.memory_space<vmem>>) dst(%dma_wait3A_393 : memref<10000x128xf32, #tpu.memory_space<vmem_shared>>)
        tpu.yield
      }) : () -> ()
      %add3A_339 = arith.constant 1 : i32
      %add3A_340 = arith.addi %mul3A_317, %add3A_339 : i32
      %add3A_341 = arith.constant 3 : i32
      %add3A_342 = arith.addi %add3A_340, %add3A_341 : i32
      %sub3A_343 = arith.constant 1 : i32
      %sub3A_344 = arith.subi %add3A_342, %sub3A_343 : i32
      %dma_start3A_345 = arith.constant 0 : i32
      %dma_start3A_346 = tpu.memref_slice %arg5[%sub3A_344, %dma_start3A_345] : memref<32x80xi32, #tpu.memory_space<vmem>> -> memref<1x80xi32, #tpu.memory_space<vmem>>
      %dma_start3A_347 = tpu.memref_squeeze %dma_start3A_346 : memref<1x80xi32, #tpu.memory_space<vmem>> -> memref<80xi32, #tpu.memory_space<vmem>>
      %dma_start3A_348 = arith.constant 0 : i32
      %dma_start3A_349 = arith.constant 0 : i32
      %dma_start3A_350 = tpu.memref_slice %arg2[%dma_start3A_348, %dma_start3A_349] : memref<10000x128xf32, #tpu.memory_space<hbm>> -> memref<10000x128xf32, #tpu.memory_space<hbm>>
      tpu.enqueue_indirect_dma source(%dma_start3A_350 : memref<10000x128xf32, #tpu.memory_space<hbm>>) target(%arg7 : memref<80x128xf32, #tpu.memory_space<vmem>>) offsets(%dma_start3A_347 : memref<80xi32, #tpu.memory_space<vmem>>) semaphore(%arg11 : memref<!tpu.dma_semaphore, #tpu.memory_space<semaphore_mem>>)
      %dma_wait3A_351 = arith.constant 0 : i32
      %dma_wait3A_352 = arith.constant 0 : i32
      %dma_wait3A_353 = tpu.memref_slice %arg5[%dma_wait3A_351, %dma_wait3A_352] : memref<32x80xi32, #tpu.memory_space<vmem>> -> memref<1x80xi32, #tpu.memory_space<vmem>>
      %dma_wait3A_354 = tpu.memref_squeeze %dma_wait3A_353 : memref<1x80xi32, #tpu.memory_space<vmem>> -> memref<80xi32, #tpu.memory_space<vmem>>
      %dma_wait3A_355 = arith.constant 0 : i32
      %dma_wait3A_356 = arith.constant 0 : i32
      %dma_wait3A_357 = tpu.memref_slice %arg2[%dma_wait3A_355, %dma_wait3A_356] : memref<10000x128xf32, #tpu.memory_space<hbm>> -> memref<10000x128xf32, #tpu.memory_space<hbm>>
      tpu.wait_indirect_dma semaphore(%arg12 : memref<!tpu.dma_semaphore, #tpu.memory_space<semaphore_mem>>) src(%dma_wait3A_357 : memref<10000x128xf32, #tpu.memory_space<hbm>>) dst(%arg8 : memref<80x128xf32, #tpu.memory_space<vmem>>)
      %add3A_358 = arith.constant 1 : i32
      %add3A_359 = arith.addi %mul3A_317, %add3A_358 : i32
      "tpu.region"() ({
        %run_scoped3A_381 = tpu.sem_alloc : memref<!tpu.dma_semaphore, #tpu.memory_space<semaphore_mem>>
        %dma_start3A_382 = arith.constant 0 : i32
        %dma_start3A_383 = tpu.memref_slice %arg6[%add3A_359, %dma_start3A_382] : memref<32x80xi32, #tpu.memory_space<vmem>> -> memref<1x80xi32, #tpu.memory_space<vmem>>
        %dma_start3A_384 = tpu.memref_squeeze %dma_start3A_383 : memref<1x80xi32, #tpu.memory_space<vmem>> -> memref<80xi32, #tpu.memory_space<vmem>>
        %dma_start3A_385 = arith.constant 0 : i32
        %dma_start3A_386 = arith.constant 0 : i32
        %dma_start3A_387 = tpu.memref_slice %arg10[%dma_start3A_385, %dma_start3A_386] : memref<10000x128xf32, #tpu.memory_space<vmem_shared>> -> memref<10000x128xf32, #tpu.memory_space<vmem_shared>>
        tpu.enqueue_indirect_dma source(%arg8 : memref<80x128xf32, #tpu.memory_space<vmem>>) target(%dma_start3A_387 : memref<10000x128xf32, #tpu.memory_space<vmem_shared>>) offsets(%dma_start3A_384 : memref<80xi32, #tpu.memory_space<vmem>>) semaphore(%run_scoped3A_381 : memref<!tpu.dma_semaphore, #tpu.memory_space<semaphore_mem>>) {add = true}
        %dma_wait3A_388 = arith.constant 0 : i32
        %dma_wait3A_389 = tpu.memref_slice %arg6[%add3A_359, %dma_wait3A_388] : memref<32x80xi32, #tpu.memory_space<vmem>> -> memref<1x80xi32, #tpu.memory_space<vmem>>
        %dma_wait3A_390 = tpu.memref_squeeze %dma_wait3A_389 : memref<1x80xi32, #tpu.memory_space<vmem>> -> memref<80xi32, #tpu.memory_space<vmem>>
        %dma_wait3A_391 = arith.constant 0 : i32
        %dma_wait3A_392 = arith.constant 0 : i32
        %dma_wait3A_393 = tpu.memref_slice %arg10[%dma_wait3A_391, %dma_wait3A_392] : memref<10000x128xf32, #tpu.memory_space<vmem_shared>> -> memref<10000x128xf32, #tpu.memory_space<vmem_shared>>
        tpu.wait_indirect_dma semaphore(%run_scoped3A_381 : memref<!tpu.dma_semaphore, #tpu.memory_space<semaphore_mem>>) src(%arg8 : memref<80x128xf32, #tpu.memory_space<vmem>>) dst(%dma_wait3A_393 : memref<10000x128xf32, #tpu.memory_space<vmem_shared>>)
        tpu.yield
      }) : () -> ()
      %add3A_360 = arith.constant 2 : i32
      %add3A_361 = arith.addi %mul3A_317, %add3A_360 : i32
      %add3A_362 = arith.constant 3 : i32
      %add3A_363 = arith.addi %add3A_361, %add3A_362 : i32
      %sub3A_364 = arith.constant 1 : i32
      %sub3A_365 = arith.subi %add3A_363, %sub3A_364 : i32
      %dma_start3A_366 = arith.constant 0 : i32
      %dma_start3A_367 = tpu.memref_slice %arg5[%sub3A_365, %dma_start3A_366] : memref<32x80xi32, #tpu.memory_space<vmem>> -> memref<1x80xi32, #tpu.memory_space<vmem>>
      %dma_start3A_368 = tpu.memref_squeeze %dma_start3A_367 : memref<1x80xi32, #tpu.memory_space<vmem>> -> memref<80xi32, #tpu.memory_space<vmem>>
      %dma_start3A_369 = arith.constant 0 : i32
      %dma_start3A_370 = arith.constant 0 : i32
      %dma_start3A_371 = tpu.memref_slice %arg2[%dma_start3A_369, %dma_start3A_370] : memref<10000x128xf32, #tpu.memory_space<hbm>> -> memref<10000x128xf32, #tpu.memory_space<hbm>>
      tpu.enqueue_indirect_dma source(%dma_start3A_371 : memref<10000x128xf32, #tpu.memory_space<hbm>>) target(%arg8 : memref<80x128xf32, #tpu.memory_space<vmem>>) offsets(%dma_start3A_368 : memref<80xi32, #tpu.memory_space<vmem>>) semaphore(%arg12 : memref<!tpu.dma_semaphore, #tpu.memory_space<semaphore_mem>>)
      %dma_wait3A_372 = arith.constant 0 : i32
      %dma_wait3A_373 = arith.constant 0 : i32
      %dma_wait3A_374 = tpu.memref_slice %arg5[%dma_wait3A_372, %dma_wait3A_373] : memref<32x80xi32, #tpu.memory_space<vmem>> -> memref<1x80xi32, #tpu.memory_space<vmem>>
      %dma_wait3A_375 = tpu.memref_squeeze %dma_wait3A_374 : memref<1x80xi32, #tpu.memory_space<vmem>> -> memref<80xi32, #tpu.memory_space<vmem>>
      %dma_wait3A_376 = arith.constant 0 : i32
      %dma_wait3A_377 = arith.constant 0 : i32
      %dma_wait3A_378 = tpu.memref_slice %arg2[%dma_wait3A_376, %dma_wait3A_377] : memref<10000x128xf32, #tpu.memory_space<hbm>> -> memref<10000x128xf32, #tpu.memory_space<hbm>>
      tpu.wait_indirect_dma semaphore(%arg13 : memref<!tpu.dma_semaphore, #tpu.memory_space<semaphore_mem>>) src(%dma_wait3A_378 : memref<10000x128xf32, #tpu.memory_space<hbm>>) dst(%arg9 : memref<80x128xf32, #tpu.memory_space<vmem>>)
      %add3A_379 = arith.constant 2 : i32
      %add3A_380 = arith.addi %mul3A_317, %add3A_379 : i32
      "tpu.region"() ({
        %run_scoped3A_381 = tpu.sem_alloc : memref<!tpu.dma_semaphore, #tpu.memory_space<semaphore_mem>>
        %dma_start3A_382 = arith.constant 0 : i32
        %dma_start3A_383 = tpu.memref_slice %arg6[%add3A_380, %dma_start3A_382] : memref<32x80xi32, #tpu.memory_space<vmem>> -> memref<1x80xi32, #tpu.memory_space<vmem>>
        %dma_start3A_384 = tpu.memref_squeeze %dma_start3A_383 : memref<1x80xi32, #tpu.memory_space<vmem>> -> memref<80xi32, #tpu.memory_space<vmem>>
        %dma_start3A_385 = arith.constant 0 : i32
        %dma_start3A_386 = arith.constant 0 : i32
        %dma_start3A_387 = tpu.memref_slice %arg10[%dma_start3A_385, %dma_start3A_386] : memref<10000x128xf32, #tpu.memory_space<vmem_shared>> -> memref<10000x128xf32, #tpu.memory_space<vmem_shared>>
        tpu.enqueue_indirect_dma source(%arg9 : memref<80x128xf32, #tpu.memory_space<vmem>>) target(%dma_start3A_387 : memref<10000x128xf32, #tpu.memory_space<vmem_shared>>) offsets(%dma_start3A_384 : memref<80xi32, #tpu.memory_space<vmem>>) semaphore(%run_scoped3A_381 : memref<!tpu.dma_semaphore, #tpu.memory_space<semaphore_mem>>) {add = true}
        %dma_wait3A_388 = arith.constant 0 : i32
        %dma_wait3A_389 = tpu.memref_slice %arg6[%add3A_380, %dma_wait3A_388] : memref<32x80xi32, #tpu.memory_space<vmem>> -> memref<1x80xi32, #tpu.memory_space<vmem>>
        %dma_wait3A_390 = tpu.memref_squeeze %dma_wait3A_389 : memref<1x80xi32, #tpu.memory_space<vmem>> -> memref<80xi32, #tpu.memory_space<vmem>>
        %dma_wait3A_391 = arith.constant 0 : i32
        %dma_wait3A_392 = arith.constant 0 : i32
        %dma_wait3A_393 = tpu.memref_slice %arg10[%dma_wait3A_391, %dma_wait3A_392] : memref<10000x128xf32, #tpu.memory_space<vmem_shared>> -> memref<10000x128xf32, #tpu.memory_space<vmem_shared>>
        tpu.wait_indirect_dma semaphore(%run_scoped3A_381 : memref<!tpu.dma_semaphore, #tpu.memory_space<semaphore_mem>>) src(%arg9 : memref<80x128xf32, #tpu.memory_space<vmem>>) dst(%dma_wait3A_393 : memref<10000x128xf32, #tpu.memory_space<vmem_shared>>)
        tpu.yield
      }) : () -> ()
    }
    %scan3A_173 = arith.constant 10 : i32
    %dma_wait3A_174 = arith.constant 0 : i32
    %dma_wait3A_175 = arith.constant 0 : i32
    %dma_wait3A_176 = tpu.memref_slice %arg5[%dma_wait3A_174, %dma_wait3A_175] : memref<32x80xi32, #tpu.memory_space<vmem>> -> memref<1x80xi32, #tpu.memory_space<vmem>>
    %dma_wait3A_177 = tpu.memref_squeeze %dma_wait3A_176 : memref<1x80xi32, #tpu.memory_space<vmem>> -> memref<80xi32, #tpu.memory_space<vmem>>
    %dma_wait3A_178 = arith.constant 0 : i32
    %dma_wait3A_179 = arith.constant 0 : i32
    %dma_wait3A_180 = tpu.memref_slice %arg2[%dma_wait3A_178, %dma_wait3A_179] : memref<10000x128xf32, #tpu.memory_space<hbm>> -> memref<10000x128xf32, #tpu.memory_space<hbm>>
    tpu.wait_indirect_dma semaphore(%arg11 : memref<!tpu.dma_semaphore, #tpu.memory_space<semaphore_mem>>) src(%dma_wait3A_180 : memref<10000x128xf32, #tpu.memory_space<hbm>>) dst(%arg7 : memref<80x128xf32, #tpu.memory_space<vmem>>)
    %run_scoped3A_181 = arith.constant 30 : i32
    "tpu.region"() ({
      %run_scoped3A_311 = tpu.sem_alloc : memref<!tpu.dma_semaphore, #tpu.memory_space<semaphore_mem>>
      %dma_start3A_312 = arith.constant 0 : i32
      %dma_start3A_313 = tpu.memref_slice %arg6[%run_scoped3A_181, %dma_start3A_312] : memref<32x80xi32, #tpu.memory_space<vmem>> -> memref<1x80xi32, #tpu.memory_space<vmem>>
      %dma_start3A_314 = tpu.memref_squeeze %dma_start3A_313 : memref<1x80xi32, #tpu.memory_space<vmem>> -> memref<80xi32, #tpu.memory_space<vmem>>
      %dma_start3A_315 = arith.constant 0 : i32
      %dma_start3A_316 = arith.constant 0 : i32
      %dma_start3A_317 = tpu.memref_slice %arg10[%dma_start3A_315, %dma_start3A_316] : memref<10000x128xf32, #tpu.memory_space<vmem_shared>> -> memref<10000x128xf32, #tpu.memory_space<vmem_shared>>
      tpu.enqueue_indirect_dma source(%arg7 : memref<80x128xf32, #tpu.memory_space<vmem>>) target(%dma_start3A_317 : memref<10000x128xf32, #tpu.memory_space<vmem_shared>>) offsets(%dma_start3A_314 : memref<80xi32, #tpu.memory_space<vmem>>) semaphore(%run_scoped3A_311 : memref<!tpu.dma_semaphore, #tpu.memory_space<semaphore_mem>>) {add = true}
      %dma_wait3A_318 = arith.constant 0 : i32
      %dma_wait3A_319 = tpu.memref_slice %arg6[%run_scoped3A_181, %dma_wait3A_318] : memref<32x80xi32, #tpu.memory_space<vmem>> -> memref<1x80xi32, #tpu.memory_space<vmem>>
      %dma_wait3A_320 = tpu.memref_squeeze %dma_wait3A_319 : memref<1x80xi32, #tpu.memory_space<vmem>> -> memref<80xi32, #tpu.memory_space<vmem>>
      %dma_wait3A_321 = arith.constant 0 : i32
      %dma_wait3A_322 = arith.constant 0 : i32
      %dma_wait3A_323 = tpu.memref_slice %arg10[%dma_wait3A_321, %dma_wait3A_322] : memref<10000x128xf32, #tpu.memory_space<vmem_shared>> -> memref<10000x128xf32, #tpu.memory_space<vmem_shared>>
      tpu.wait_indirect_dma semaphore(%run_scoped3A_311 : memref<!tpu.dma_semaphore, #tpu.memory_space<semaphore_mem>>) src(%arg7 : memref<80x128xf32, #tpu.memory_space<vmem>>) dst(%dma_wait3A_323 : memref<10000x128xf32, #tpu.memory_space<vmem_shared>>)
      tpu.yield
    }) : () -> ()
    %dma_wait3A_182 = arith.constant 0 : i32
    %dma_wait3A_183 = arith.constant 0 : i32
    %dma_wait3A_184 = tpu.memref_slice %arg5[%dma_wait3A_182, %dma_wait3A_183] : memref<32x80xi32, #tpu.memory_space<vmem>> -> memref<1x80xi32, #tpu.memory_space<vmem>>
    %dma_wait3A_185 = tpu.memref_squeeze %dma_wait3A_184 : memref<1x80xi32, #tpu.memory_space<vmem>> -> memref<80xi32, #tpu.memory_space<vmem>>
    %dma_wait3A_186 = arith.constant 0 : i32
    %dma_wait3A_187 = arith.constant 0 : i32
    %dma_wait3A_188 = tpu.memref_slice %arg2[%dma_wait3A_186, %dma_wait3A_187] : memref<10000x128xf32, #tpu.memory_space<hbm>> -> memref<10000x128xf32, #tpu.memory_space<hbm>>
    tpu.wait_indirect_dma semaphore(%arg12 : memref<!tpu.dma_semaphore, #tpu.memory_space<semaphore_mem>>) src(%dma_wait3A_188 : memref<10000x128xf32, #tpu.memory_space<hbm>>) dst(%arg8 : memref<80x128xf32, #tpu.memory_space<vmem>>)
    %run_scoped3A_189 = arith.constant 31 : i32
    "tpu.region"() ({
      %run_scoped3A_311 = tpu.sem_alloc : memref<!tpu.dma_semaphore, #tpu.memory_space<semaphore_mem>>
      %dma_start3A_312 = arith.constant 0 : i32
      %dma_start3A_313 = tpu.memref_slice %arg6[%run_scoped3A_189, %dma_start3A_312] : memref<32x80xi32, #tpu.memory_space<vmem>> -> memref<1x80xi32, #tpu.memory_space<vmem>>
      %dma_start3A_314 = tpu.memref_squeeze %dma_start3A_313 : memref<1x80xi32, #tpu.memory_space<vmem>> -> memref<80xi32, #tpu.memory_space<vmem>>
      %dma_start3A_315 = arith.constant 0 : i32
      %dma_start3A_316 = arith.constant 0 : i32
      %dma_start3A_317 = tpu.memref_slice %arg10[%dma_start3A_315, %dma_start3A_316] : memref<10000x128xf32, #tpu.memory_space<vmem_shared>> -> memref<10000x128xf32, #tpu.memory_space<vmem_shared>>
      tpu.enqueue_indirect_dma source(%arg8 : memref<80x128xf32, #tpu.memory_space<vmem>>) target(%dma_start3A_317 : memref<10000x128xf32, #tpu.memory_space<vmem_shared>>) offsets(%dma_start3A_314 : memref<80xi32, #tpu.memory_space<vmem>>) semaphore(%run_scoped3A_311 : memref<!tpu.dma_semaphore, #tpu.memory_space<semaphore_mem>>) {add = true}
      %dma_wait3A_318 = arith.constant 0 : i32
      %dma_wait3A_319 = tpu.memref_slice %arg6[%run_scoped3A_189, %dma_wait3A_318] : memref<32x80xi32, #tpu.memory_space<vmem>> -> memref<1x80xi32, #tpu.memory_space<vmem>>
      %dma_wait3A_320 = tpu.memref_squeeze %dma_wait3A_319 : memref<1x80xi32, #tpu.memory_space<vmem>> -> memref<80xi32, #tpu.memory_space<vmem>>
      %dma_wait3A_321 = arith.constant 0 : i32
      %dma_wait3A_322 = arith.constant 0 : i32
      %dma_wait3A_323 = tpu.memref_slice %arg10[%dma_wait3A_321, %dma_wait3A_322] : memref<10000x128xf32, #tpu.memory_space<vmem_shared>> -> memref<10000x128xf32, #tpu.memory_space<vmem_shared>>
      tpu.wait_indirect_dma semaphore(%run_scoped3A_311 : memref<!tpu.dma_semaphore, #tpu.memory_space<semaphore_mem>>) src(%arg8 : memref<80x128xf32, #tpu.memory_space<vmem>>) dst(%dma_wait3A_323 : memref<10000x128xf32, #tpu.memory_space<vmem_shared>>)
      tpu.yield
    }) : () -> ()
    %run_scoped3A_190 = arith.constant 0 : i32
    "tpu.region"() ({
      %run_scoped3A_311 = tpu.sem_alloc : memref<!tpu.dma_semaphore, #tpu.memory_space<semaphore_mem>>
      %dma_start3A_312 = arith.constant 0 : i32
      %dma_start3A_313 = arith.constant 0 : i32
      %dma_start3A_314 = tpu.memref_slice %arg5[%dma_start3A_312, %dma_start3A_313] : memref<32x80xi32, #tpu.memory_space<vmem>> -> memref<32x80xi32, #tpu.memory_space<vmem>>
      %dma_start3A_315 = arith.constant 0 : i32
      %dma_start3A_316 = arith.constant 0 : i32
      %dma_start3A_317 = arith.constant 0 : i32
      %dma_start3A_318 = tpu.memref_slice %arg3[%run_scoped3A_190, %dma_start3A_315, %dma_start3A_316, %dma_start3A_317] : memref<2x32x125x80xi32, #tpu.memory_space<hbm>> -> memref<1x32x125x80xi32, #tpu.memory_space<hbm>>
      %dma_start3A_319 = tpu.memref_squeeze %dma_start3A_318 : memref<1x32x125x80xi32, #tpu.memory_space<hbm>> -> memref<32x125x80xi32, #tpu.memory_space<hbm>>
      %dma_start3A_320 = arith.constant 0 : i32
      %dma_start3A_321 = arith.constant 0 : i32
      %dma_start3A_322 = tpu.memref_slice %dma_start3A_319[%add3A, %dma_start3A_320, %dma_start3A_321] : memref<32x125x80xi32, #tpu.memory_space<hbm>> -> memref<1x125x80xi32, #tpu.memory_space<hbm>>
      %dma_start3A_323 = tpu.memref_squeeze %dma_start3A_322 : memref<1x125x80xi32, #tpu.memory_space<hbm>> -> memref<125x80xi32, #tpu.memory_space<hbm>>
      %dma_start3A_324 = arith.constant 32 : i32
      %dma_start3A_325 = arith.constant 0 : i32
      %dma_start3A_326 = tpu.memref_slice %dma_start3A_323[%dma_start3A_324, %dma_start3A_325] : memref<125x80xi32, #tpu.memory_space<hbm>> -> memref<32x80xi32, #tpu.memory_space<hbm>>
      %dma_start3A_327 = arith.constant 0 : i32
      %dma_start3A_328 = arith.constant 0 : i32
      %dma_start3A_329 = tpu.memref_slice %arg5[%dma_start3A_327, %dma_start3A_328] : memref<32x80xi32, #tpu.memory_space<vmem>> -> memref<32x80xi32, #tpu.memory_space<vmem>>
      %dma_start3A_330 = arith.constant 0 : i32
      %dma_start3A_331 = arith.constant 0 : i32
      %dma_start3A_332 = arith.constant 0 : i32
      %dma_start3A_333 = tpu.memref_slice %arg3[%run_scoped3A_190, %dma_start3A_330, %dma_start3A_331, %dma_start3A_332] : memref<2x32x125x80xi32, #tpu.memory_space<hbm>> -> memref<1x32x125x80xi32, #tpu.memory_space<hbm>>
      %dma_start3A_334 = tpu.memref_squeeze %dma_start3A_333 : memref<1x32x125x80xi32, #tpu.memory_space<hbm>> -> memref<32x125x80xi32, #tpu.memory_space<hbm>>
      %dma_start3A_335 = arith.constant 0 : i32
      %dma_start3A_336 = arith.constant 0 : i32
      %dma_start3A_337 = tpu.memref_slice %dma_start3A_334[%add3A, %dma_start3A_335, %dma_start3A_336] : memref<32x125x80xi32, #tpu.memory_space<hbm>> -> memref<1x125x80xi32, #tpu.memory_space<hbm>>
      %dma_start3A_338 = tpu.memref_squeeze %dma_start3A_337 : memref<1x125x80xi32, #tpu.memory_space<hbm>> -> memref<125x80xi32, #tpu.memory_space<hbm>>
      %dma_start3A_339 = arith.constant 32 : i32
      %dma_start3A_340 = arith.constant 0 : i32
      %dma_start3A_341 = tpu.memref_slice %dma_start3A_338[%dma_start3A_339, %dma_start3A_340] : memref<125x80xi32, #tpu.memory_space<hbm>> -> memref<32x80xi32, #tpu.memory_space<hbm>>
      tpu.enqueue_dma source(%dma_start3A_341 : memref<32x80xi32, #tpu.memory_space<hbm>>) target(%dma_start3A_329 : memref<32x80xi32, #tpu.memory_space<vmem>>) target_semaphore(%run_scoped3A_311 : memref<!tpu.dma_semaphore, #tpu.memory_space<semaphore_mem>>)
      %dma_wait3A_342 = arith.constant 0 : i32
      %dma_wait3A_343 = arith.constant 0 : i32
      %dma_wait3A_344 = tpu.memref_slice %arg5[%dma_wait3A_342, %dma_wait3A_343] : memref<32x80xi32, #tpu.memory_space<vmem>> -> memref<32x80xi32, #tpu.memory_space<vmem>>
      %dma_wait3A_345 = arith.constant 0 : i32
      %dma_wait3A_346 = arith.constant 0 : i32
      %dma_wait3A_347 = arith.constant 0 : i32
      %dma_wait3A_348 = tpu.memref_slice %arg3[%run_scoped3A_190, %dma_wait3A_345, %dma_wait3A_346, %dma_wait3A_347] : memref<2x32x125x80xi32, #tpu.memory_space<hbm>> -> memref<1x32x125x80xi32, #tpu.memory_space<hbm>>
      %dma_wait3A_349 = tpu.memref_squeeze %dma_wait3A_348 : memref<1x32x125x80xi32, #tpu.memory_space<hbm>> -> memref<32x125x80xi32, #tpu.memory_space<hbm>>
      %dma_wait3A_350 = arith.constant 0 : i32
      %dma_wait3A_351 = arith.constant 0 : i32
      %dma_wait3A_352 = tpu.memref_slice %dma_wait3A_349[%add3A, %dma_wait3A_350, %dma_wait3A_351] : memref<32x125x80xi32, #tpu.memory_space<hbm>> -> memref<1x125x80xi32, #tpu.memory_space<hbm>>
      %dma_wait3A_353 = tpu.memref_squeeze %dma_wait3A_352 : memref<1x125x80xi32, #tpu.memory_space<hbm>> -> memref<125x80xi32, #tpu.memory_space<hbm>>
      %dma_wait3A_354 = arith.constant 32 : i32
      %dma_wait3A_355 = arith.constant 0 : i32
      %dma_wait3A_356 = tpu.memref_slice %dma_wait3A_353[%dma_wait3A_354, %dma_wait3A_355] : memref<125x80xi32, #tpu.memory_space<hbm>> -> memref<32x80xi32, #tpu.memory_space<hbm>>
      %dma_wait3A_357 = arith.constant 0 : i32
      %dma_wait3A_358 = arith.constant 0 : i32
      %dma_wait3A_359 = tpu.memref_slice %arg5[%dma_wait3A_357, %dma_wait3A_358] : memref<32x80xi32, #tpu.memory_space<vmem>> -> memref<32x80xi32, #tpu.memory_space<vmem>>
      %dma_wait3A_360 = arith.constant 0 : i32
      %dma_wait3A_361 = arith.constant 0 : i32
      %dma_wait3A_362 = arith.constant 0 : i32
      %dma_wait3A_363 = tpu.memref_slice %arg3[%run_scoped3A_190, %dma_wait3A_360, %dma_wait3A_361, %dma_wait3A_362] : memref<2x32x125x80xi32, #tpu.memory_space<hbm>> -> memref<1x32x125x80xi32, #tpu.memory_space<hbm>>
      %dma_wait3A_364 = tpu.memref_squeeze %dma_wait3A_363 : memref<1x32x125x80xi32, #tpu.memory_space<hbm>> -> memref<32x125x80xi32, #tpu.memory_space<hbm>>
      %dma_wait3A_365 = arith.constant 0 : i32
      %dma_wait3A_366 = arith.constant 0 : i32
      %dma_wait3A_367 = tpu.memref_slice %dma_wait3A_364[%add3A, %dma_wait3A_365, %dma_wait3A_366] : memref<32x125x80xi32, #tpu.memory_space<hbm>> -> memref<1x125x80xi32, #tpu.memory_space<hbm>>
      %dma_wait3A_368 = tpu.memref_squeeze %dma_wait3A_367 : memref<1x125x80xi32, #tpu.memory_space<hbm>> -> memref<125x80xi32, #tpu.memory_space<hbm>>
      %dma_wait3A_369 = arith.constant 32 : i32
      %dma_wait3A_370 = arith.constant 0 : i32
      %dma_wait3A_371 = tpu.memref_slice %dma_wait3A_368[%dma_wait3A_369, %dma_wait3A_370] : memref<125x80xi32, #tpu.memory_space<hbm>> -> memref<32x80xi32, #tpu.memory_space<hbm>>
      tpu.wait_dma2 semaphore(%run_scoped3A_311 : memref<!tpu.dma_semaphore, #tpu.memory_space<semaphore_mem>>) src(%dma_wait3A_371 : memref<32x80xi32, #tpu.memory_space<hbm>>) dst(%dma_wait3A_359 : memref<32x80xi32, #tpu.memory_space<vmem>>)
      tpu.yield
    }) : () -> ()
    %run_scoped3A_191 = arith.constant 1 : i32
    "tpu.region"() ({
      %run_scoped3A_311 = tpu.sem_alloc : memref<!tpu.dma_semaphore, #tpu.memory_space<semaphore_mem>>
      %dma_start3A_312 = arith.constant 0 : i32
      %dma_start3A_313 = arith.constant 0 : i32
      %dma_start3A_314 = tpu.memref_slice %arg6[%dma_start3A_312, %dma_start3A_313] : memref<32x80xi32, #tpu.memory_space<vmem>> -> memref<32x80xi32, #tpu.memory_space<vmem>>
      %dma_start3A_315 = arith.constant 0 : i32
      %dma_start3A_316 = arith.constant 0 : i32
      %dma_start3A_317 = arith.constant 0 : i32
      %dma_start3A_318 = tpu.memref_slice %arg3[%run_scoped3A_191, %dma_start3A_315, %dma_start3A_316, %dma_start3A_317] : memref<2x32x125x80xi32, #tpu.memory_space<hbm>> -> memref<1x32x125x80xi32, #tpu.memory_space<hbm>>
      %dma_start3A_319 = tpu.memref_squeeze %dma_start3A_318 : memref<1x32x125x80xi32, #tpu.memory_space<hbm>> -> memref<32x125x80xi32, #tpu.memory_space<hbm>>
      %dma_start3A_320 = arith.constant 0 : i32
      %dma_start3A_321 = arith.constant 0 : i32
      %dma_start3A_322 = tpu.memref_slice %dma_start3A_319[%add3A, %dma_start3A_320, %dma_start3A_321] : memref<32x125x80xi32, #tpu.memory_space<hbm>> -> memref<1x125x80xi32, #tpu.memory_space<hbm>>
      %dma_start3A_323 = tpu.memref_squeeze %dma_start3A_322 : memref<1x125x80xi32, #tpu.memory_space<hbm>> -> memref<125x80xi32, #tpu.memory_space<hbm>>
      %dma_start3A_324 = arith.constant 32 : i32
      %dma_start3A_325 = arith.constant 0 : i32
      %dma_start3A_326 = tpu.memref_slice %dma_start3A_323[%dma_start3A_324, %dma_start3A_325] : memref<125x80xi32, #tpu.memory_space<hbm>> -> memref<32x80xi32, #tpu.memory_space<hbm>>
      %dma_start3A_327 = arith.constant 0 : i32
      %dma_start3A_328 = arith.constant 0 : i32
      %dma_start3A_329 = tpu.memref_slice %arg6[%dma_start3A_327, %dma_start3A_328] : memref<32x80xi32, #tpu.memory_space<vmem>> -> memref<32x80xi32, #tpu.memory_space<vmem>>
      %dma_start3A_330 = arith.constant 0 : i32
      %dma_start3A_331 = arith.constant 0 : i32
      %dma_start3A_332 = arith.constant 0 : i32
      %dma_start3A_333 = tpu.memref_slice %arg3[%run_scoped3A_191, %dma_start3A_330, %dma_start3A_331, %dma_start3A_332] : memref<2x32x125x80xi32, #tpu.memory_space<hbm>> -> memref<1x32x125x80xi32, #tpu.memory_space<hbm>>
      %dma_start3A_334 = tpu.memref_squeeze %dma_start3A_333 : memref<1x32x125x80xi32, #tpu.memory_space<hbm>> -> memref<32x125x80xi32, #tpu.memory_space<hbm>>
      %dma_start3A_335 = arith.constant 0 : i32
      %dma_start3A_336 = arith.constant 0 : i32
      %dma_start3A_337 = tpu.memref_slice %dma_start3A_334[%add3A, %dma_start3A_335, %dma_start3A_336] : memref<32x125x80xi32, #tpu.memory_space<hbm>> -> memref<1x125x80xi32, #tpu.memory_space<hbm>>
      %dma_start3A_338 = tpu.memref_squeeze %dma_start3A_337 : memref<1x125x80xi32, #tpu.memory_space<hbm>> -> memref<125x80xi32, #tpu.memory_space<hbm>>
      %dma_start3A_339 = arith.constant 32 : i32
      %dma_start3A_340 = arith.constant 0 : i32
      %dma_start3A_341 = tpu.memref_slice %dma_start3A_338[%dma_start3A_339, %dma_start3A_340] : memref<125x80xi32, #tpu.memory_space<hbm>> -> memref<32x80xi32, #tpu.memory_space<hbm>>
      tpu.enqueue_dma source(%dma_start3A_341 : memref<32x80xi32, #tpu.memory_space<hbm>>) target(%dma_start3A_329 : memref<32x80xi32, #tpu.memory_space<vmem>>) target_semaphore(%run_scoped3A_311 : memref<!tpu.dma_semaphore, #tpu.memory_space<semaphore_mem>>)
      %dma_wait3A_342 = arith.constant 0 : i32
      %dma_wait3A_343 = arith.constant 0 : i32
      %dma_wait3A_344 = tpu.memref_slice %arg6[%dma_wait3A_342, %dma_wait3A_343] : memref<32x80xi32, #tpu.memory_space<vmem>> -> memref<32x80xi32, #tpu.memory_space<vmem>>
      %dma_wait3A_345 = arith.constant 0 : i32
      %dma_wait3A_346 = arith.constant 0 : i32
      %dma_wait3A_347 = arith.constant 0 : i32
      %dma_wait3A_348 = tpu.memref_slice %arg3[%run_scoped3A_191, %dma_wait3A_345, %dma_wait3A_346, %dma_wait3A_347] : memref<2x32x125x80xi32, #tpu.memory_space<hbm>> -> memref<1x32x125x80xi32, #tpu.memory_space<hbm>>
      %dma_wait3A_349 = tpu.memref_squeeze %dma_wait3A_348 : memref<1x32x125x80xi32, #tpu.memory_space<hbm>> -> memref<32x125x80xi32, #tpu.memory_space<hbm>>
      %dma_wait3A_350 = arith.constant 0 : i32
      %dma_wait3A_351 = arith.constant 0 : i32
      %dma_wait3A_352 = tpu.memref_slice %dma_wait3A_349[%add3A, %dma_wait3A_350, %dma_wait3A_351] : memref<32x125x80xi32, #tpu.memory_space<hbm>> -> memref<1x125x80xi32, #tpu.memory_space<hbm>>
      %dma_wait3A_353 = tpu.memref_squeeze %dma_wait3A_352 : memref<1x125x80xi32, #tpu.memory_space<hbm>> -> memref<125x80xi32, #tpu.memory_space<hbm>>
      %dma_wait3A_354 = arith.constant 32 : i32
      %dma_wait3A_355 = arith.constant 0 : i32
      %dma_wait3A_356 = tpu.memref_slice %dma_wait3A_353[%dma_wait3A_354, %dma_wait3A_355] : memref<125x80xi32, #tpu.memory_space<hbm>> -> memref<32x80xi32, #tpu.memory_space<hbm>>
      %dma_wait3A_357 = arith.constant 0 : i32
      %dma_wait3A_358 = arith.constant 0 : i32
      %dma_wait3A_359 = tpu.memref_slice %arg6[%dma_wait3A_357, %dma_wait3A_358] : memref<32x80xi32, #tpu.memory_space<vmem>> -> memref<32x80xi32, #tpu.memory_space<vmem>>
      %dma_wait3A_360 = arith.constant 0 : i32
      %dma_wait3A_361 = arith.constant 0 : i32
      %dma_wait3A_362 = arith.constant 0 : i32
      %dma_wait3A_363 = tpu.memref_slice %arg3[%run_scoped3A_191, %dma_wait3A_360, %dma_wait3A_361, %dma_wait3A_362] : memref<2x32x125x80xi32, #tpu.memory_space<hbm>> -> memref<1x32x125x80xi32, #tpu.memory_space<hbm>>
      %dma_wait3A_364 = tpu.memref_squeeze %dma_wait3A_363 : memref<1x32x125x80xi32, #tpu.memory_space<hbm>> -> memref<32x125x80xi32, #tpu.memory_space<hbm>>
      %dma_wait3A_365 = arith.constant 0 : i32
      %dma_wait3A_366 = arith.constant 0 : i32
      %dma_wait3A_367 = tpu.memref_slice %dma_wait3A_364[%add3A, %dma_wait3A_365, %dma_wait3A_366] : memref<32x125x80xi32, #tpu.memory_space<hbm>> -> memref<1x125x80xi32, #tpu.memory_space<hbm>>
      %dma_wait3A_368 = tpu.memref_squeeze %dma_wait3A_367 : memref<1x125x80xi32, #tpu.memory_space<hbm>> -> memref<125x80xi32, #tpu.memory_space<hbm>>
      %dma_wait3A_369 = arith.constant 32 : i32
      %dma_wait3A_370 = arith.constant 0 : i32
      %dma_wait3A_371 = tpu.memref_slice %dma_wait3A_368[%dma_wait3A_369, %dma_wait3A_370] : memref<125x80xi32, #tpu.memory_space<hbm>> -> memref<32x80xi32, #tpu.memory_space<hbm>>
      tpu.wait_dma2 semaphore(%run_scoped3A_311 : memref<!tpu.dma_semaphore, #tpu.memory_space<semaphore_mem>>) src(%dma_wait3A_371 : memref<32x80xi32, #tpu.memory_space<hbm>>) dst(%dma_wait3A_359 : memref<32x80xi32, #tpu.memory_space<vmem>>)
      tpu.yield
    }) : () -> ()
    %dma_start3A_192 = arith.constant 0 : i32
    %dma_start3A_193 = arith.constant 0 : i32
    %dma_start3A_194 = tpu.memref_slice %arg5[%dma_start3A_192, %dma_start3A_193] : memref<32x80xi32, #tpu.memory_space<vmem>> -> memref<1x80xi32, #tpu.memory_space<vmem>>
    %dma_start3A_195 = tpu.memref_squeeze %dma_start3A_194 : memref<1x80xi32, #tpu.memory_space<vmem>> -> memref<80xi32, #tpu.memory_space<vmem>>
    %dma_start3A_196 = arith.constant 0 : i32
    %dma_start3A_197 = arith.constant 0 : i32
    %dma_start3A_198 = tpu.memref_slice %arg2[%dma_start3A_196, %dma_start3A_197] : memref<10000x128xf32, #tpu.memory_space<hbm>> -> memref<10000x128xf32, #tpu.memory_space<hbm>>
    tpu.enqueue_indirect_dma source(%dma_start3A_198 : memref<10000x128xf32, #tpu.memory_space<hbm>>) target(%arg7 : memref<80x128xf32, #tpu.memory_space<vmem>>) offsets(%dma_start3A_195 : memref<80xi32, #tpu.memory_space<vmem>>) semaphore(%arg11 : memref<!tpu.dma_semaphore, #tpu.memory_space<semaphore_mem>>)
    %dma_start3A_199 = arith.constant 1 : i32
    %dma_start3A_200 = arith.constant 0 : i32
    %dma_start3A_201 = tpu.memref_slice %arg5[%dma_start3A_199, %dma_start3A_200] : memref<32x80xi32, #tpu.memory_space<vmem>> -> memref<1x80xi32, #tpu.memory_space<vmem>>
    %dma_start3A_202 = tpu.memref_squeeze %dma_start3A_201 : memref<1x80xi32, #tpu.memory_space<vmem>> -> memref<80xi32, #tpu.memory_space<vmem>>
    %dma_start3A_203 = arith.constant 0 : i32
    %dma_start3A_204 = arith.constant 0 : i32
    %dma_start3A_205 = tpu.memref_slice %arg2[%dma_start3A_203, %dma_start3A_204] : memref<10000x128xf32, #tpu.memory_space<hbm>> -> memref<10000x128xf32, #tpu.memory_space<hbm>>
    tpu.enqueue_indirect_dma source(%dma_start3A_205 : memref<10000x128xf32, #tpu.memory_space<hbm>>) target(%arg8 : memref<80x128xf32, #tpu.memory_space<vmem>>) offsets(%dma_start3A_202 : memref<80xi32, #tpu.memory_space<vmem>>) semaphore(%arg12 : memref<!tpu.dma_semaphore, #tpu.memory_space<semaphore_mem>>)
    %scan3A_206 = arith.constant 0 : i32
    %scan3A_207 = arith.constant 10 : i32
    %scan3A_208 = arith.addi %scan3A_206, %scan3A_207 : i32
    %scan3A_209 = arith.constant 1 : i32
    scf.for %scan3A_311 = %scan3A_206 to %scan3A_208 step %scan3A_209  : i32 {
      %mul3A_312 = arith.constant 1 : i32
      %mul3A_313 = arith.muli %scan3A_311, %mul3A_312 : i32
      %add3A_314 = arith.constant 0 : i32
      %add3A_315 = arith.addi %add3A_314, %mul3A_313 : i32
      %mul3A_316 = arith.constant 3 : i32
      %mul3A_317 = arith.muli %mul3A_316, %add3A_315 : i32
      %add3A_318 = arith.constant 0 : i32
      %add3A_319 = arith.addi %mul3A_317, %add3A_318 : i32
      %add3A_320 = arith.constant 3 : i32
      %add3A_321 = arith.addi %add3A_319, %add3A_320 : i32
      %sub3A_322 = arith.constant 1 : i32
      %sub3A_323 = arith.subi %add3A_321, %sub3A_322 : i32
      %dma_start3A_324 = arith.constant 0 : i32
      %dma_start3A_325 = tpu.memref_slice %arg5[%sub3A_323, %dma_start3A_324] : memref<32x80xi32, #tpu.memory_space<vmem>> -> memref<1x80xi32, #tpu.memory_space<vmem>>
      %dma_start3A_326 = tpu.memref_squeeze %dma_start3A_325 : memref<1x80xi32, #tpu.memory_space<vmem>> -> memref<80xi32, #tpu.memory_space<vmem>>
      %dma_start3A_327 = arith.constant 0 : i32
      %dma_start3A_328 = arith.constant 0 : i32
      %dma_start3A_329 = tpu.memref_slice %arg2[%dma_start3A_327, %dma_start3A_328] : memref<10000x128xf32, #tpu.memory_space<hbm>> -> memref<10000x128xf32, #tpu.memory_space<hbm>>
      tpu.enqueue_indirect_dma source(%dma_start3A_329 : memref<10000x128xf32, #tpu.memory_space<hbm>>) target(%arg9 : memref<80x128xf32, #tpu.memory_space<vmem>>) offsets(%dma_start3A_326 : memref<80xi32, #tpu.memory_space<vmem>>) semaphore(%arg13 : memref<!tpu.dma_semaphore, #tpu.memory_space<semaphore_mem>>)
      %dma_wait3A_330 = arith.constant 0 : i32
      %dma_wait3A_331 = arith.constant 0 : i32
      %dma_wait3A_332 = tpu.memref_slice %arg5[%dma_wait3A_330, %dma_wait3A_331] : memref<32x80xi32, #tpu.memory_space<vmem>> -> memref<1x80xi32, #tpu.memory_space<vmem>>
      %dma_wait3A_333 = tpu.memref_squeeze %dma_wait3A_332 : memref<1x80xi32, #tpu.memory_space<vmem>> -> memref<80xi32, #tpu.memory_space<vmem>>
      %dma_wait3A_334 = arith.constant 0 : i32
      %dma_wait3A_335 = arith.constant 0 : i32
      %dma_wait3A_336 = tpu.memref_slice %arg2[%dma_wait3A_334, %dma_wait3A_335] : memref<10000x128xf32, #tpu.memory_space<hbm>> -> memref<10000x128xf32, #tpu.memory_space<hbm>>
      tpu.wait_indirect_dma semaphore(%arg11 : memref<!tpu.dma_semaphore, #tpu.memory_space<semaphore_mem>>) src(%dma_wait3A_336 : memref<10000x128xf32, #tpu.memory_space<hbm>>) dst(%arg7 : memref<80x128xf32, #tpu.memory_space<vmem>>)
      %add3A_337 = arith.constant 0 : i32
      %add3A_338 = arith.addi %mul3A_317, %add3A_337 : i32
      "tpu.region"() ({
        %run_scoped3A_381 = tpu.sem_alloc : memref<!tpu.dma_semaphore, #tpu.memory_space<semaphore_mem>>
        %dma_start3A_382 = arith.constant 0 : i32
        %dma_start3A_383 = tpu.memref_slice %arg6[%add3A_338, %dma_start3A_382] : memref<32x80xi32, #tpu.memory_space<vmem>> -> memref<1x80xi32, #tpu.memory_space<vmem>>
        %dma_start3A_384 = tpu.memref_squeeze %dma_start3A_383 : memref<1x80xi32, #tpu.memory_space<vmem>> -> memref<80xi32, #tpu.memory_space<vmem>>
        %dma_start3A_385 = arith.constant 0 : i32
        %dma_start3A_386 = arith.constant 0 : i32
        %dma_start3A_387 = tpu.memref_slice %arg10[%dma_start3A_385, %dma_start3A_386] : memref<10000x128xf32, #tpu.memory_space<vmem_shared>> -> memref<10000x128xf32, #tpu.memory_space<vmem_shared>>
        tpu.enqueue_indirect_dma source(%arg7 : memref<80x128xf32, #tpu.memory_space<vmem>>) target(%dma_start3A_387 : memref<10000x128xf32, #tpu.memory_space<vmem_shared>>) offsets(%dma_start3A_384 : memref<80xi32, #tpu.memory_space<vmem>>) semaphore(%run_scoped3A_381 : memref<!tpu.dma_semaphore, #tpu.memory_space<semaphore_mem>>) {add = true}
        %dma_wait3A_388 = arith.constant 0 : i32
        %dma_wait3A_389 = tpu.memref_slice %arg6[%add3A_338, %dma_wait3A_388] : memref<32x80xi32, #tpu.memory_space<vmem>> -> memref<1x80xi32, #tpu.memory_space<vmem>>
        %dma_wait3A_390 = tpu.memref_squeeze %dma_wait3A_389 : memref<1x80xi32, #tpu.memory_space<vmem>> -> memref<80xi32, #tpu.memory_space<vmem>>
        %dma_wait3A_391 = arith.constant 0 : i32
        %dma_wait3A_392 = arith.constant 0 : i32
        %dma_wait3A_393 = tpu.memref_slice %arg10[%dma_wait3A_391, %dma_wait3A_392] : memref<10000x128xf32, #tpu.memory_space<vmem_shared>> -> memref<10000x128xf32, #tpu.memory_space<vmem_shared>>
        tpu.wait_indirect_dma semaphore(%run_scoped3A_381 : memref<!tpu.dma_semaphore, #tpu.memory_space<semaphore_mem>>) src(%arg7 : memref<80x128xf32, #tpu.memory_space<vmem>>) dst(%dma_wait3A_393 : memref<10000x128xf32, #tpu.memory_space<vmem_shared>>)
        tpu.yield
      }) : () -> ()
      %add3A_339 = arith.constant 1 : i32
      %add3A_340 = arith.addi %mul3A_317, %add3A_339 : i32
      %add3A_341 = arith.constant 3 : i32
      %add3A_342 = arith.addi %add3A_340, %add3A_341 : i32
      %sub3A_343 = arith.constant 1 : i32
      %sub3A_344 = arith.subi %add3A_342, %sub3A_343 : i32
      %dma_start3A_345 = arith.constant 0 : i32
      %dma_start3A_346 = tpu.memref_slice %arg5[%sub3A_344, %dma_start3A_345] : memref<32x80xi32, #tpu.memory_space<vmem>> -> memref<1x80xi32, #tpu.memory_space<vmem>>
      %dma_start3A_347 = tpu.memref_squeeze %dma_start3A_346 : memref<1x80xi32, #tpu.memory_space<vmem>> -> memref<80xi32, #tpu.memory_space<vmem>>
      %dma_start3A_348 = arith.constant 0 : i32
      %dma_start3A_349 = arith.constant 0 : i32
      %dma_start3A_350 = tpu.memref_slice %arg2[%dma_start3A_348, %dma_start3A_349] : memref<10000x128xf32, #tpu.memory_space<hbm>> -> memref<10000x128xf32, #tpu.memory_space<hbm>>
      tpu.enqueue_indirect_dma source(%dma_start3A_350 : memref<10000x128xf32, #tpu.memory_space<hbm>>) target(%arg7 : memref<80x128xf32, #tpu.memory_space<vmem>>) offsets(%dma_start3A_347 : memref<80xi32, #tpu.memory_space<vmem>>) semaphore(%arg11 : memref<!tpu.dma_semaphore, #tpu.memory_space<semaphore_mem>>)
      %dma_wait3A_351 = arith.constant 0 : i32
      %dma_wait3A_352 = arith.constant 0 : i32
      %dma_wait3A_353 = tpu.memref_slice %arg5[%dma_wait3A_351, %dma_wait3A_352] : memref<32x80xi32, #tpu.memory_space<vmem>> -> memref<1x80xi32, #tpu.memory_space<vmem>>
      %dma_wait3A_354 = tpu.memref_squeeze %dma_wait3A_353 : memref<1x80xi32, #tpu.memory_space<vmem>> -> memref<80xi32, #tpu.memory_space<vmem>>
      %dma_wait3A_355 = arith.constant 0 : i32
      %dma_wait3A_356 = arith.constant 0 : i32
      %dma_wait3A_357 = tpu.memref_slice %arg2[%dma_wait3A_355, %dma_wait3A_356] : memref<10000x128xf32, #tpu.memory_space<hbm>> -> memref<10000x128xf32, #tpu.memory_space<hbm>>
      tpu.wait_indirect_dma semaphore(%arg12 : memref<!tpu.dma_semaphore, #tpu.memory_space<semaphore_mem>>) src(%dma_wait3A_357 : memref<10000x128xf32, #tpu.memory_space<hbm>>) dst(%arg8 : memref<80x128xf32, #tpu.memory_space<vmem>>)
      %add3A_358 = arith.constant 1 : i32
      %add3A_359 = arith.addi %mul3A_317, %add3A_358 : i32
      "tpu.region"() ({
        %run_scoped3A_381 = tpu.sem_alloc : memref<!tpu.dma_semaphore, #tpu.memory_space<semaphore_mem>>
        %dma_start3A_382 = arith.constant 0 : i32
        %dma_start3A_383 = tpu.memref_slice %arg6[%add3A_359, %dma_start3A_382] : memref<32x80xi32, #tpu.memory_space<vmem>> -> memref<1x80xi32, #tpu.memory_space<vmem>>
        %dma_start3A_384 = tpu.memref_squeeze %dma_start3A_383 : memref<1x80xi32, #tpu.memory_space<vmem>> -> memref<80xi32, #tpu.memory_space<vmem>>
        %dma_start3A_385 = arith.constant 0 : i32
        %dma_start3A_386 = arith.constant 0 : i32
        %dma_start3A_387 = tpu.memref_slice %arg10[%dma_start3A_385, %dma_start3A_386] : memref<10000x128xf32, #tpu.memory_space<vmem_shared>> -> memref<10000x128xf32, #tpu.memory_space<vmem_shared>>
        tpu.enqueue_indirect_dma source(%arg8 : memref<80x128xf32, #tpu.memory_space<vmem>>) target(%dma_start3A_387 : memref<10000x128xf32, #tpu.memory_space<vmem_shared>>) offsets(%dma_start3A_384 : memref<80xi32, #tpu.memory_space<vmem>>) semaphore(%run_scoped3A_381 : memref<!tpu.dma_semaphore, #tpu.memory_space<semaphore_mem>>) {add = true}
        %dma_wait3A_388 = arith.constant 0 : i32
        %dma_wait3A_389 = tpu.memref_slice %arg6[%add3A_359, %dma_wait3A_388] : memref<32x80xi32, #tpu.memory_space<vmem>> -> memref<1x80xi32, #tpu.memory_space<vmem>>
        %dma_wait3A_390 = tpu.memref_squeeze %dma_wait3A_389 : memref<1x80xi32, #tpu.memory_space<vmem>> -> memref<80xi32, #tpu.memory_space<vmem>>
        %dma_wait3A_391 = arith.constant 0 : i32
        %dma_wait3A_392 = arith.constant 0 : i32
        %dma_wait3A_393 = tpu.memref_slice %arg10[%dma_wait3A_391, %dma_wait3A_392] : memref<10000x128xf32, #tpu.memory_space<vmem_shared>> -> memref<10000x128xf32, #tpu.memory_space<vmem_shared>>
        tpu.wait_indirect_dma semaphore(%run_scoped3A_381 : memref<!tpu.dma_semaphore, #tpu.memory_space<semaphore_mem>>) src(%arg8 : memref<80x128xf32, #tpu.memory_space<vmem>>) dst(%dma_wait3A_393 : memref<10000x128xf32, #tpu.memory_space<vmem_shared>>)
        tpu.yield
      }) : () -> ()
      %add3A_360 = arith.constant 2 : i32
      %add3A_361 = arith.addi %mul3A_317, %add3A_360 : i32
      %add3A_362 = arith.constant 3 : i32
      %add3A_363 = arith.addi %add3A_361, %add3A_362 : i32
      %sub3A_364 = arith.constant 1 : i32
      %sub3A_365 = arith.subi %add3A_363, %sub3A_364 : i32
      %dma_start3A_366 = arith.constant 0 : i32
      %dma_start3A_367 = tpu.memref_slice %arg5[%sub3A_365, %dma_start3A_366] : memref<32x80xi32, #tpu.memory_space<vmem>> -> memref<1x80xi32, #tpu.memory_space<vmem>>
      %dma_start3A_368 = tpu.memref_squeeze %dma_start3A_367 : memref<1x80xi32, #tpu.memory_space<vmem>> -> memref<80xi32, #tpu.memory_space<vmem>>
      %dma_start3A_369 = arith.constant 0 : i32
      %dma_start3A_370 = arith.constant 0 : i32
      %dma_start3A_371 = tpu.memref_slice %arg2[%dma_start3A_369, %dma_start3A_370] : memref<10000x128xf32, #tpu.memory_space<hbm>> -> memref<10000x128xf32, #tpu.memory_space<hbm>>
      tpu.enqueue_indirect_dma source(%dma_start3A_371 : memref<10000x128xf32, #tpu.memory_space<hbm>>) target(%arg8 : memref<80x128xf32, #tpu.memory_space<vmem>>) offsets(%dma_start3A_368 : memref<80xi32, #tpu.memory_space<vmem>>) semaphore(%arg12 : memref<!tpu.dma_semaphore, #tpu.memory_space<semaphore_mem>>)
      %dma_wait3A_372 = arith.constant 0 : i32
      %dma_wait3A_373 = arith.constant 0 : i32
      %dma_wait3A_374 = tpu.memref_slice %arg5[%dma_wait3A_372, %dma_wait3A_373] : memref<32x80xi32, #tpu.memory_space<vmem>> -> memref<1x80xi32, #tpu.memory_space<vmem>>
      %dma_wait3A_375 = tpu.memref_squeeze %dma_wait3A_374 : memref<1x80xi32, #tpu.memory_space<vmem>> -> memref<80xi32, #tpu.memory_space<vmem>>
      %dma_wait3A_376 = arith.constant 0 : i32
      %dma_wait3A_377 = arith.constant 0 : i32
      %dma_wait3A_378 = tpu.memref_slice %arg2[%dma_wait3A_376, %dma_wait3A_377] : memref<10000x128xf32, #tpu.memory_space<hbm>> -> memref<10000x128xf32, #tpu.memory_space<hbm>>
      tpu.wait_indirect_dma semaphore(%arg13 : memref<!tpu.dma_semaphore, #tpu.memory_space<semaphore_mem>>) src(%dma_wait3A_378 : memref<10000x128xf32, #tpu.memory_space<hbm>>) dst(%arg9 : memref<80x128xf32, #tpu.memory_space<vmem>>)
      %add3A_379 = arith.constant 2 : i32
      %add3A_380 = arith.addi %mul3A_317, %add3A_379 : i32
      "tpu.region"() ({
        %run_scoped3A_381 = tpu.sem_alloc : memref<!tpu.dma_semaphore, #tpu.memory_space<semaphore_mem>>
        %dma_start3A_382 = arith.constant 0 : i32
        %dma_start3A_383 = tpu.memref_slice %arg6[%add3A_380, %dma_start3A_382] : memref<32x80xi32, #tpu.memory_space<vmem>> -> memref<1x80xi32, #tpu.memory_space<vmem>>
        %dma_start3A_384 = tpu.memref_squeeze %dma_start3A_383 : memref<1x80xi32, #tpu.memory_space<vmem>> -> memref<80xi32, #tpu.memory_space<vmem>>
        %dma_start3A_385 = arith.constant 0 : i32
        %dma_start3A_386 = arith.constant 0 : i32
        %dma_start3A_387 = tpu.memref_slice %arg10[%dma_start3A_385, %dma_start3A_386] : memref<10000x128xf32, #tpu.memory_space<vmem_shared>> -> memref<10000x128xf32, #tpu.memory_space<vmem_shared>>
        tpu.enqueue_indirect_dma source(%arg9 : memref<80x128xf32, #tpu.memory_space<vmem>>) target(%dma_start3A_387 : memref<10000x128xf32, #tpu.memory_space<vmem_shared>>) offsets(%dma_start3A_384 : memref<80xi32, #tpu.memory_space<vmem>>) semaphore(%run_scoped3A_381 : memref<!tpu.dma_semaphore, #tpu.memory_space<semaphore_mem>>) {add = true}
        %dma_wait3A_388 = arith.constant 0 : i32
        %dma_wait3A_389 = tpu.memref_slice %arg6[%add3A_380, %dma_wait3A_388] : memref<32x80xi32, #tpu.memory_space<vmem>> -> memref<1x80xi32, #tpu.memory_space<vmem>>
        %dma_wait3A_390 = tpu.memref_squeeze %dma_wait3A_389 : memref<1x80xi32, #tpu.memory_space<vmem>> -> memref<80xi32, #tpu.memory_space<vmem>>
        %dma_wait3A_391 = arith.constant 0 : i32
        %dma_wait3A_392 = arith.constant 0 : i32
        %dma_wait3A_393 = tpu.memref_slice %arg10[%dma_wait3A_391, %dma_wait3A_392] : memref<10000x128xf32, #tpu.memory_space<vmem_shared>> -> memref<10000x128xf32, #tpu.memory_space<vmem_shared>>
        tpu.wait_indirect_dma semaphore(%run_scoped3A_381 : memref<!tpu.dma_semaphore, #tpu.memory_space<semaphore_mem>>) src(%arg9 : memref<80x128xf32, #tpu.memory_space<vmem>>) dst(%dma_wait3A_393 : memref<10000x128xf32, #tpu.memory_space<vmem_shared>>)
        tpu.yield
      }) : () -> ()
    }
    %scan3A_210 = arith.constant 10 : i32
    %dma_wait3A_211 = arith.constant 0 : i32
    %dma_wait3A_212 = arith.constant 0 : i32
    %dma_wait3A_213 = tpu.memref_slice %arg5[%dma_wait3A_211, %dma_wait3A_212] : memref<32x80xi32, #tpu.memory_space<vmem>> -> memref<1x80xi32, #tpu.memory_space<vmem>>
    %dma_wait3A_214 = tpu.memref_squeeze %dma_wait3A_213 : memref<1x80xi32, #tpu.memory_space<vmem>> -> memref<80xi32, #tpu.memory_space<vmem>>
    %dma_wait3A_215 = arith.constant 0 : i32
    %dma_wait3A_216 = arith.constant 0 : i32
    %dma_wait3A_217 = tpu.memref_slice %arg2[%dma_wait3A_215, %dma_wait3A_216] : memref<10000x128xf32, #tpu.memory_space<hbm>> -> memref<10000x128xf32, #tpu.memory_space<hbm>>
    tpu.wait_indirect_dma semaphore(%arg11 : memref<!tpu.dma_semaphore, #tpu.memory_space<semaphore_mem>>) src(%dma_wait3A_217 : memref<10000x128xf32, #tpu.memory_space<hbm>>) dst(%arg7 : memref<80x128xf32, #tpu.memory_space<vmem>>)
    %run_scoped3A_218 = arith.constant 30 : i32
    "tpu.region"() ({
      %run_scoped3A_311 = tpu.sem_alloc : memref<!tpu.dma_semaphore, #tpu.memory_space<semaphore_mem>>
      %dma_start3A_312 = arith.constant 0 : i32
      %dma_start3A_313 = tpu.memref_slice %arg6[%run_scoped3A_218, %dma_start3A_312] : memref<32x80xi32, #tpu.memory_space<vmem>> -> memref<1x80xi32, #tpu.memory_space<vmem>>
      %dma_start3A_314 = tpu.memref_squeeze %dma_start3A_313 : memref<1x80xi32, #tpu.memory_space<vmem>> -> memref<80xi32, #tpu.memory_space<vmem>>
      %dma_start3A_315 = arith.constant 0 : i32
      %dma_start3A_316 = arith.constant 0 : i32
      %dma_start3A_317 = tpu.memref_slice %arg10[%dma_start3A_315, %dma_start3A_316] : memref<10000x128xf32, #tpu.memory_space<vmem_shared>> -> memref<10000x128xf32, #tpu.memory_space<vmem_shared>>
      tpu.enqueue_indirect_dma source(%arg7 : memref<80x128xf32, #tpu.memory_space<vmem>>) target(%dma_start3A_317 : memref<10000x128xf32, #tpu.memory_space<vmem_shared>>) offsets(%dma_start3A_314 : memref<80xi32, #tpu.memory_space<vmem>>) semaphore(%run_scoped3A_311 : memref<!tpu.dma_semaphore, #tpu.memory_space<semaphore_mem>>) {add = true}
      %dma_wait3A_318 = arith.constant 0 : i32
      %dma_wait3A_319 = tpu.memref_slice %arg6[%run_scoped3A_218, %dma_wait3A_318] : memref<32x80xi32, #tpu.memory_space<vmem>> -> memref<1x80xi32, #tpu.memory_space<vmem>>
      %dma_wait3A_320 = tpu.memref_squeeze %dma_wait3A_319 : memref<1x80xi32, #tpu.memory_space<vmem>> -> memref<80xi32, #tpu.memory_space<vmem>>
      %dma_wait3A_321 = arith.constant 0 : i32
      %dma_wait3A_322 = arith.constant 0 : i32
      %dma_wait3A_323 = tpu.memref_slice %arg10[%dma_wait3A_321, %dma_wait3A_322] : memref<10000x128xf32, #tpu.memory_space<vmem_shared>> -> memref<10000x128xf32, #tpu.memory_space<vmem_shared>>
      tpu.wait_indirect_dma semaphore(%run_scoped3A_311 : memref<!tpu.dma_semaphore, #tpu.memory_space<semaphore_mem>>) src(%arg7 : memref<80x128xf32, #tpu.memory_space<vmem>>) dst(%dma_wait3A_323 : memref<10000x128xf32, #tpu.memory_space<vmem_shared>>)
      tpu.yield
    }) : () -> ()
    %dma_wait3A_219 = arith.constant 0 : i32
    %dma_wait3A_220 = arith.constant 0 : i32
    %dma_wait3A_221 = tpu.memref_slice %arg5[%dma_wait3A_219, %dma_wait3A_220] : memref<32x80xi32, #tpu.memory_space<vmem>> -> memref<1x80xi32, #tpu.memory_space<vmem>>
    %dma_wait3A_222 = tpu.memref_squeeze %dma_wait3A_221 : memref<1x80xi32, #tpu.memory_space<vmem>> -> memref<80xi32, #tpu.memory_space<vmem>>
    %dma_wait3A_223 = arith.constant 0 : i32
    %dma_wait3A_224 = arith.constant 0 : i32
    %dma_wait3A_225 = tpu.memref_slice %arg2[%dma_wait3A_223, %dma_wait3A_224] : memref<10000x128xf32, #tpu.memory_space<hbm>> -> memref<10000x128xf32, #tpu.memory_space<hbm>>
    tpu.wait_indirect_dma semaphore(%arg12 : memref<!tpu.dma_semaphore, #tpu.memory_space<semaphore_mem>>) src(%dma_wait3A_225 : memref<10000x128xf32, #tpu.memory_space<hbm>>) dst(%arg8 : memref<80x128xf32, #tpu.memory_space<vmem>>)
    %run_scoped3A_226 = arith.constant 31 : i32
    "tpu.region"() ({
      %run_scoped3A_311 = tpu.sem_alloc : memref<!tpu.dma_semaphore, #tpu.memory_space<semaphore_mem>>
      %dma_start3A_312 = arith.constant 0 : i32
      %dma_start3A_313 = tpu.memref_slice %arg6[%run_scoped3A_226, %dma_start3A_312] : memref<32x80xi32, #tpu.memory_space<vmem>> -> memref<1x80xi32, #tpu.memory_space<vmem>>
      %dma_start3A_314 = tpu.memref_squeeze %dma_start3A_313 : memref<1x80xi32, #tpu.memory_space<vmem>> -> memref<80xi32, #tpu.memory_space<vmem>>
      %dma_start3A_315 = arith.constant 0 : i32
      %dma_start3A_316 = arith.constant 0 : i32
      %dma_start3A_317 = tpu.memref_slice %arg10[%dma_start3A_315, %dma_start3A_316] : memref<10000x128xf32, #tpu.memory_space<vmem_shared>> -> memref<10000x128xf32, #tpu.memory_space<vmem_shared>>
      tpu.enqueue_indirect_dma source(%arg8 : memref<80x128xf32, #tpu.memory_space<vmem>>) target(%dma_start3A_317 : memref<10000x128xf32, #tpu.memory_space<vmem_shared>>) offsets(%dma_start3A_314 : memref<80xi32, #tpu.memory_space<vmem>>) semaphore(%run_scoped3A_311 : memref<!tpu.dma_semaphore, #tpu.memory_space<semaphore_mem>>) {add = true}
      %dma_wait3A_318 = arith.constant 0 : i32
      %dma_wait3A_319 = tpu.memref_slice %arg6[%run_scoped3A_226, %dma_wait3A_318] : memref<32x80xi32, #tpu.memory_space<vmem>> -> memref<1x80xi32, #tpu.memory_space<vmem>>
      %dma_wait3A_320 = tpu.memref_squeeze %dma_wait3A_319 : memref<1x80xi32, #tpu.memory_space<vmem>> -> memref<80xi32, #tpu.memory_space<vmem>>
      %dma_wait3A_321 = arith.constant 0 : i32
      %dma_wait3A_322 = arith.constant 0 : i32
      %dma_wait3A_323 = tpu.memref_slice %arg10[%dma_wait3A_321, %dma_wait3A_322] : memref<10000x128xf32, #tpu.memory_space<vmem_shared>> -> memref<10000x128xf32, #tpu.memory_space<vmem_shared>>
      tpu.wait_indirect_dma semaphore(%run_scoped3A_311 : memref<!tpu.dma_semaphore, #tpu.memory_space<semaphore_mem>>) src(%arg8 : memref<80x128xf32, #tpu.memory_space<vmem>>) dst(%dma_wait3A_323 : memref<10000x128xf32, #tpu.memory_space<vmem_shared>>)
      tpu.yield
    }) : () -> ()
    %run_scoped3A_227 = arith.constant 0 : i32
    "tpu.region"() ({
      %run_scoped3A_311 = tpu.sem_alloc : memref<!tpu.dma_semaphore, #tpu.memory_space<semaphore_mem>>
      %dma_start3A_312 = arith.constant 0 : i32
      %dma_start3A_313 = arith.constant 0 : i32
      %dma_start3A_314 = tpu.memref_slice %arg5[%dma_start3A_312, %dma_start3A_313] : memref<32x80xi32, #tpu.memory_space<vmem>> -> memref<32x80xi32, #tpu.memory_space<vmem>>
      %dma_start3A_315 = arith.constant 0 : i32
      %dma_start3A_316 = arith.constant 0 : i32
      %dma_start3A_317 = arith.constant 0 : i32
      %dma_start3A_318 = tpu.memref_slice %arg3[%run_scoped3A_227, %dma_start3A_315, %dma_start3A_316, %dma_start3A_317] : memref<2x32x125x80xi32, #tpu.memory_space<hbm>> -> memref<1x32x125x80xi32, #tpu.memory_space<hbm>>
      %dma_start3A_319 = tpu.memref_squeeze %dma_start3A_318 : memref<1x32x125x80xi32, #tpu.memory_space<hbm>> -> memref<32x125x80xi32, #tpu.memory_space<hbm>>
      %dma_start3A_320 = arith.constant 0 : i32
      %dma_start3A_321 = arith.constant 0 : i32
      %dma_start3A_322 = tpu.memref_slice %dma_start3A_319[%add3A, %dma_start3A_320, %dma_start3A_321] : memref<32x125x80xi32, #tpu.memory_space<hbm>> -> memref<1x125x80xi32, #tpu.memory_space<hbm>>
      %dma_start3A_323 = tpu.memref_squeeze %dma_start3A_322 : memref<1x125x80xi32, #tpu.memory_space<hbm>> -> memref<125x80xi32, #tpu.memory_space<hbm>>
      %dma_start3A_324 = arith.constant 64 : i32
      %dma_start3A_325 = arith.constant 0 : i32
      %dma_start3A_326 = tpu.memref_slice %dma_start3A_323[%dma_start3A_324, %dma_start3A_325] : memref<125x80xi32, #tpu.memory_space<hbm>> -> memref<32x80xi32, #tpu.memory_space<hbm>>
      %dma_start3A_327 = arith.constant 0 : i32
      %dma_start3A_328 = arith.constant 0 : i32
      %dma_start3A_329 = tpu.memref_slice %arg5[%dma_start3A_327, %dma_start3A_328] : memref<32x80xi32, #tpu.memory_space<vmem>> -> memref<32x80xi32, #tpu.memory_space<vmem>>
      %dma_start3A_330 = arith.constant 0 : i32
      %dma_start3A_331 = arith.constant 0 : i32
      %dma_start3A_332 = arith.constant 0 : i32
      %dma_start3A_333 = tpu.memref_slice %arg3[%run_scoped3A_227, %dma_start3A_330, %dma_start3A_331, %dma_start3A_332] : memref<2x32x125x80xi32, #tpu.memory_space<hbm>> -> memref<1x32x125x80xi32, #tpu.memory_space<hbm>>
      %dma_start3A_334 = tpu.memref_squeeze %dma_start3A_333 : memref<1x32x125x80xi32, #tpu.memory_space<hbm>> -> memref<32x125x80xi32, #tpu.memory_space<hbm>>
      %dma_start3A_335 = arith.constant 0 : i32
      %dma_start3A_336 = arith.constant 0 : i32
      %dma_start3A_337 = tpu.memref_slice %dma_start3A_334[%add3A, %dma_start3A_335, %dma_start3A_336] : memref<32x125x80xi32, #tpu.memory_space<hbm>> -> memref<1x125x80xi32, #tpu.memory_space<hbm>>
      %dma_start3A_338 = tpu.memref_squeeze %dma_start3A_337 : memref<1x125x80xi32, #tpu.memory_space<hbm>> -> memref<125x80xi32, #tpu.memory_space<hbm>>
      %dma_start3A_339 = arith.constant 64 : i32
      %dma_start3A_340 = arith.constant 0 : i32
      %dma_start3A_341 = tpu.memref_slice %dma_start3A_338[%dma_start3A_339, %dma_start3A_340] : memref<125x80xi32, #tpu.memory_space<hbm>> -> memref<32x80xi32, #tpu.memory_space<hbm>>
      tpu.enqueue_dma source(%dma_start3A_341 : memref<32x80xi32, #tpu.memory_space<hbm>>) target(%dma_start3A_329 : memref<32x80xi32, #tpu.memory_space<vmem>>) target_semaphore(%run_scoped3A_311 : memref<!tpu.dma_semaphore, #tpu.memory_space<semaphore_mem>>)
      %dma_wait3A_342 = arith.constant 0 : i32
      %dma_wait3A_343 = arith.constant 0 : i32
      %dma_wait3A_344 = tpu.memref_slice %arg5[%dma_wait3A_342, %dma_wait3A_343] : memref<32x80xi32, #tpu.memory_space<vmem>> -> memref<32x80xi32, #tpu.memory_space<vmem>>
      %dma_wait3A_345 = arith.constant 0 : i32
      %dma_wait3A_346 = arith.constant 0 : i32
      %dma_wait3A_347 = arith.constant 0 : i32
      %dma_wait3A_348 = tpu.memref_slice %arg3[%run_scoped3A_227, %dma_wait3A_345, %dma_wait3A_346, %dma_wait3A_347] : memref<2x32x125x80xi32, #tpu.memory_space<hbm>> -> memref<1x32x125x80xi32, #tpu.memory_space<hbm>>
      %dma_wait3A_349 = tpu.memref_squeeze %dma_wait3A_348 : memref<1x32x125x80xi32, #tpu.memory_space<hbm>> -> memref<32x125x80xi32, #tpu.memory_space<hbm>>
      %dma_wait3A_350 = arith.constant 0 : i32
      %dma_wait3A_351 = arith.constant 0 : i32
      %dma_wait3A_352 = tpu.memref_slice %dma_wait3A_349[%add3A, %dma_wait3A_350, %dma_wait3A_351] : memref<32x125x80xi32, #tpu.memory_space<hbm>> -> memref<1x125x80xi32, #tpu.memory_space<hbm>>
      %dma_wait3A_353 = tpu.memref_squeeze %dma_wait3A_352 : memref<1x125x80xi32, #tpu.memory_space<hbm>> -> memref<125x80xi32, #tpu.memory_space<hbm>>
      %dma_wait3A_354 = arith.constant 64 : i32
      %dma_wait3A_355 = arith.constant 0 : i32
      %dma_wait3A_356 = tpu.memref_slice %dma_wait3A_353[%dma_wait3A_354, %dma_wait3A_355] : memref<125x80xi32, #tpu.memory_space<hbm>> -> memref<32x80xi32, #tpu.memory_space<hbm>>
      %dma_wait3A_357 = arith.constant 0 : i32
      %dma_wait3A_358 = arith.constant 0 : i32
      %dma_wait3A_359 = tpu.memref_slice %arg5[%dma_wait3A_357, %dma_wait3A_358] : memref<32x80xi32, #tpu.memory_space<vmem>> -> memref<32x80xi32, #tpu.memory_space<vmem>>
      %dma_wait3A_360 = arith.constant 0 : i32
      %dma_wait3A_361 = arith.constant 0 : i32
      %dma_wait3A_362 = arith.constant 0 : i32
      %dma_wait3A_363 = tpu.memref_slice %arg3[%run_scoped3A_227, %dma_wait3A_360, %dma_wait3A_361, %dma_wait3A_362] : memref<2x32x125x80xi32, #tpu.memory_space<hbm>> -> memref<1x32x125x80xi32, #tpu.memory_space<hbm>>
      %dma_wait3A_364 = tpu.memref_squeeze %dma_wait3A_363 : memref<1x32x125x80xi32, #tpu.memory_space<hbm>> -> memref<32x125x80xi32, #tpu.memory_space<hbm>>
      %dma_wait3A_365 = arith.constant 0 : i32
      %dma_wait3A_366 = arith.constant 0 : i32
      %dma_wait3A_367 = tpu.memref_slice %dma_wait3A_364[%add3A, %dma_wait3A_365, %dma_wait3A_366] : memref<32x125x80xi32, #tpu.memory_space<hbm>> -> memref<1x125x80xi32, #tpu.memory_space<hbm>>
      %dma_wait3A_368 = tpu.memref_squeeze %dma_wait3A_367 : memref<1x125x80xi32, #tpu.memory_space<hbm>> -> memref<125x80xi32, #tpu.memory_space<hbm>>
      %dma_wait3A_369 = arith.constant 64 : i32
      %dma_wait3A_370 = arith.constant 0 : i32
      %dma_wait3A_371 = tpu.memref_slice %dma_wait3A_368[%dma_wait3A_369, %dma_wait3A_370] : memref<125x80xi32, #tpu.memory_space<hbm>> -> memref<32x80xi32, #tpu.memory_space<hbm>>
      tpu.wait_dma2 semaphore(%run_scoped3A_311 : memref<!tpu.dma_semaphore, #tpu.memory_space<semaphore_mem>>) src(%dma_wait3A_371 : memref<32x80xi32, #tpu.memory_space<hbm>>) dst(%dma_wait3A_359 : memref<32x80xi32, #tpu.memory_space<vmem>>)
      tpu.yield
    }) : () -> ()
    %run_scoped3A_228 = arith.constant 1 : i32
    "tpu.region"() ({
      %run_scoped3A_311 = tpu.sem_alloc : memref<!tpu.dma_semaphore, #tpu.memory_space<semaphore_mem>>
      %dma_start3A_312 = arith.constant 0 : i32
      %dma_start3A_313 = arith.constant 0 : i32
      %dma_start3A_314 = tpu.memref_slice %arg6[%dma_start3A_312, %dma_start3A_313] : memref<32x80xi32, #tpu.memory_space<vmem>> -> memref<32x80xi32, #tpu.memory_space<vmem>>
      %dma_start3A_315 = arith.constant 0 : i32
      %dma_start3A_316 = arith.constant 0 : i32
      %dma_start3A_317 = arith.constant 0 : i32
      %dma_start3A_318 = tpu.memref_slice %arg3[%run_scoped3A_228, %dma_start3A_315, %dma_start3A_316, %dma_start3A_317] : memref<2x32x125x80xi32, #tpu.memory_space<hbm>> -> memref<1x32x125x80xi32, #tpu.memory_space<hbm>>
      %dma_start3A_319 = tpu.memref_squeeze %dma_start3A_318 : memref<1x32x125x80xi32, #tpu.memory_space<hbm>> -> memref<32x125x80xi32, #tpu.memory_space<hbm>>
      %dma_start3A_320 = arith.constant 0 : i32
      %dma_start3A_321 = arith.constant 0 : i32
      %dma_start3A_322 = tpu.memref_slice %dma_start3A_319[%add3A, %dma_start3A_320, %dma_start3A_321] : memref<32x125x80xi32, #tpu.memory_space<hbm>> -> memref<1x125x80xi32, #tpu.memory_space<hbm>>
      %dma_start3A_323 = tpu.memref_squeeze %dma_start3A_322 : memref<1x125x80xi32, #tpu.memory_space<hbm>> -> memref<125x80xi32, #tpu.memory_space<hbm>>
      %dma_start3A_324 = arith.constant 64 : i32
      %dma_start3A_325 = arith.constant 0 : i32
      %dma_start3A_326 = tpu.memref_slice %dma_start3A_323[%dma_start3A_324, %dma_start3A_325] : memref<125x80xi32, #tpu.memory_space<hbm>> -> memref<32x80xi32, #tpu.memory_space<hbm>>
      %dma_start3A_327 = arith.constant 0 : i32
      %dma_start3A_328 = arith.constant 0 : i32
      %dma_start3A_329 = tpu.memref_slice %arg6[%dma_start3A_327, %dma_start3A_328] : memref<32x80xi32, #tpu.memory_space<vmem>> -> memref<32x80xi32, #tpu.memory_space<vmem>>
      %dma_start3A_330 = arith.constant 0 : i32
      %dma_start3A_331 = arith.constant 0 : i32
      %dma_start3A_332 = arith.constant 0 : i32
      %dma_start3A_333 = tpu.memref_slice %arg3[%run_scoped3A_228, %dma_start3A_330, %dma_start3A_331, %dma_start3A_332] : memref<2x32x125x80xi32, #tpu.memory_space<hbm>> -> memref<1x32x125x80xi32, #tpu.memory_space<hbm>>
      %dma_start3A_334 = tpu.memref_squeeze %dma_start3A_333 : memref<1x32x125x80xi32, #tpu.memory_space<hbm>> -> memref<32x125x80xi32, #tpu.memory_space<hbm>>
      %dma_start3A_335 = arith.constant 0 : i32
      %dma_start3A_336 = arith.constant 0 : i32
      %dma_start3A_337 = tpu.memref_slice %dma_start3A_334[%add3A, %dma_start3A_335, %dma_start3A_336] : memref<32x125x80xi32, #tpu.memory_space<hbm>> -> memref<1x125x80xi32, #tpu.memory_space<hbm>>
      %dma_start3A_338 = tpu.memref_squeeze %dma_start3A_337 : memref<1x125x80xi32, #tpu.memory_space<hbm>> -> memref<125x80xi32, #tpu.memory_space<hbm>>
      %dma_start3A_339 = arith.constant 64 : i32
      %dma_start3A_340 = arith.constant 0 : i32
      %dma_start3A_341 = tpu.memref_slice %dma_start3A_338[%dma_start3A_339, %dma_start3A_340] : memref<125x80xi32, #tpu.memory_space<hbm>> -> memref<32x80xi32, #tpu.memory_space<hbm>>
      tpu.enqueue_dma source(%dma_start3A_341 : memref<32x80xi32, #tpu.memory_space<hbm>>) target(%dma_start3A_329 : memref<32x80xi32, #tpu.memory_space<vmem>>) target_semaphore(%run_scoped3A_311 : memref<!tpu.dma_semaphore, #tpu.memory_space<semaphore_mem>>)
      %dma_wait3A_342 = arith.constant 0 : i32
      %dma_wait3A_343 = arith.constant 0 : i32
      %dma_wait3A_344 = tpu.memref_slice %arg6[%dma_wait3A_342, %dma_wait3A_343] : memref<32x80xi32, #tpu.memory_space<vmem>> -> memref<32x80xi32, #tpu.memory_space<vmem>>
      %dma_wait3A_345 = arith.constant 0 : i32
      %dma_wait3A_346 = arith.constant 0 : i32
      %dma_wait3A_347 = arith.constant 0 : i32
      %dma_wait3A_348 = tpu.memref_slice %arg3[%run_scoped3A_228, %dma_wait3A_345, %dma_wait3A_346, %dma_wait3A_347] : memref<2x32x125x80xi32, #tpu.memory_space<hbm>> -> memref<1x32x125x80xi32, #tpu.memory_space<hbm>>
      %dma_wait3A_349 = tpu.memref_squeeze %dma_wait3A_348 : memref<1x32x125x80xi32, #tpu.memory_space<hbm>> -> memref<32x125x80xi32, #tpu.memory_space<hbm>>
      %dma_wait3A_350 = arith.constant 0 : i32
      %dma_wait3A_351 = arith.constant 0 : i32
      %dma_wait3A_352 = tpu.memref_slice %dma_wait3A_349[%add3A, %dma_wait3A_350, %dma_wait3A_351] : memref<32x125x80xi32, #tpu.memory_space<hbm>> -> memref<1x125x80xi32, #tpu.memory_space<hbm>>
      %dma_wait3A_353 = tpu.memref_squeeze %dma_wait3A_352 : memref<1x125x80xi32, #tpu.memory_space<hbm>> -> memref<125x80xi32, #tpu.memory_space<hbm>>
      %dma_wait3A_354 = arith.constant 64 : i32
      %dma_wait3A_355 = arith.constant 0 : i32
      %dma_wait3A_356 = tpu.memref_slice %dma_wait3A_353[%dma_wait3A_354, %dma_wait3A_355] : memref<125x80xi32, #tpu.memory_space<hbm>> -> memref<32x80xi32, #tpu.memory_space<hbm>>
      %dma_wait3A_357 = arith.constant 0 : i32
      %dma_wait3A_358 = arith.constant 0 : i32
      %dma_wait3A_359 = tpu.memref_slice %arg6[%dma_wait3A_357, %dma_wait3A_358] : memref<32x80xi32, #tpu.memory_space<vmem>> -> memref<32x80xi32, #tpu.memory_space<vmem>>
      %dma_wait3A_360 = arith.constant 0 : i32
      %dma_wait3A_361 = arith.constant 0 : i32
      %dma_wait3A_362 = arith.constant 0 : i32
      %dma_wait3A_363 = tpu.memref_slice %arg3[%run_scoped3A_228, %dma_wait3A_360, %dma_wait3A_361, %dma_wait3A_362] : memref<2x32x125x80xi32, #tpu.memory_space<hbm>> -> memref<1x32x125x80xi32, #tpu.memory_space<hbm>>
      %dma_wait3A_364 = tpu.memref_squeeze %dma_wait3A_363 : memref<1x32x125x80xi32, #tpu.memory_space<hbm>> -> memref<32x125x80xi32, #tpu.memory_space<hbm>>
      %dma_wait3A_365 = arith.constant 0 : i32
      %dma_wait3A_366 = arith.constant 0 : i32
      %dma_wait3A_367 = tpu.memref_slice %dma_wait3A_364[%add3A, %dma_wait3A_365, %dma_wait3A_366] : memref<32x125x80xi32, #tpu.memory_space<hbm>> -> memref<1x125x80xi32, #tpu.memory_space<hbm>>
      %dma_wait3A_368 = tpu.memref_squeeze %dma_wait3A_367 : memref<1x125x80xi32, #tpu.memory_space<hbm>> -> memref<125x80xi32, #tpu.memory_space<hbm>>
      %dma_wait3A_369 = arith.constant 64 : i32
      %dma_wait3A_370 = arith.constant 0 : i32
      %dma_wait3A_371 = tpu.memref_slice %dma_wait3A_368[%dma_wait3A_369, %dma_wait3A_370] : memref<125x80xi32, #tpu.memory_space<hbm>> -> memref<32x80xi32, #tpu.memory_space<hbm>>
      tpu.wait_dma2 semaphore(%run_scoped3A_311 : memref<!tpu.dma_semaphore, #tpu.memory_space<semaphore_mem>>) src(%dma_wait3A_371 : memref<32x80xi32, #tpu.memory_space<hbm>>) dst(%dma_wait3A_359 : memref<32x80xi32, #tpu.memory_space<vmem>>)
      tpu.yield
    }) : () -> ()
    %dma_start3A_229 = arith.constant 0 : i32
    %dma_start3A_230 = arith.constant 0 : i32
    %dma_start3A_231 = tpu.memref_slice %arg5[%dma_start3A_229, %dma_start3A_230] : memref<32x80xi32, #tpu.memory_space<vmem>> -> memref<1x80xi32, #tpu.memory_space<vmem>>
    %dma_start3A_232 = tpu.memref_squeeze %dma_start3A_231 : memref<1x80xi32, #tpu.memory_space<vmem>> -> memref<80xi32, #tpu.memory_space<vmem>>
    %dma_start3A_233 = arith.constant 0 : i32
    %dma_start3A_234 = arith.constant 0 : i32
    %dma_start3A_235 = tpu.memref_slice %arg2[%dma_start3A_233, %dma_start3A_234] : memref<10000x128xf32, #tpu.memory_space<hbm>> -> memref<10000x128xf32, #tpu.memory_space<hbm>>
    tpu.enqueue_indirect_dma source(%dma_start3A_235 : memref<10000x128xf32, #tpu.memory_space<hbm>>) target(%arg7 : memref<80x128xf32, #tpu.memory_space<vmem>>) offsets(%dma_start3A_232 : memref<80xi32, #tpu.memory_space<vmem>>) semaphore(%arg11 : memref<!tpu.dma_semaphore, #tpu.memory_space<semaphore_mem>>)
    %dma_start3A_236 = arith.constant 1 : i32
    %dma_start3A_237 = arith.constant 0 : i32
    %dma_start3A_238 = tpu.memref_slice %arg5[%dma_start3A_236, %dma_start3A_237] : memref<32x80xi32, #tpu.memory_space<vmem>> -> memref<1x80xi32, #tpu.memory_space<vmem>>
    %dma_start3A_239 = tpu.memref_squeeze %dma_start3A_238 : memref<1x80xi32, #tpu.memory_space<vmem>> -> memref<80xi32, #tpu.memory_space<vmem>>
    %dma_start3A_240 = arith.constant 0 : i32
    %dma_start3A_241 = arith.constant 0 : i32
    %dma_start3A_242 = tpu.memref_slice %arg2[%dma_start3A_240, %dma_start3A_241] : memref<10000x128xf32, #tpu.memory_space<hbm>> -> memref<10000x128xf32, #tpu.memory_space<hbm>>
    tpu.enqueue_indirect_dma source(%dma_start3A_242 : memref<10000x128xf32, #tpu.memory_space<hbm>>) target(%arg8 : memref<80x128xf32, #tpu.memory_space<vmem>>) offsets(%dma_start3A_239 : memref<80xi32, #tpu.memory_space<vmem>>) semaphore(%arg12 : memref<!tpu.dma_semaphore, #tpu.memory_space<semaphore_mem>>)
    %scan3A_243 = arith.constant 0 : i32
    %scan3A_244 = arith.constant 10 : i32
    %scan3A_245 = arith.addi %scan3A_243, %scan3A_244 : i32
    %scan3A_246 = arith.constant 1 : i32
    scf.for %scan3A_311 = %scan3A_243 to %scan3A_245 step %scan3A_246  : i32 {
      %mul3A_312 = arith.constant 1 : i32
      %mul3A_313 = arith.muli %scan3A_311, %mul3A_312 : i32
      %add3A_314 = arith.constant 0 : i32
      %add3A_315 = arith.addi %add3A_314, %mul3A_313 : i32
      %mul3A_316 = arith.constant 3 : i32
      %mul3A_317 = arith.muli %mul3A_316, %add3A_315 : i32
      %add3A_318 = arith.constant 0 : i32
      %add3A_319 = arith.addi %mul3A_317, %add3A_318 : i32
      %add3A_320 = arith.constant 3 : i32
      %add3A_321 = arith.addi %add3A_319, %add3A_320 : i32
      %sub3A_322 = arith.constant 1 : i32
      %sub3A_323 = arith.subi %add3A_321, %sub3A_322 : i32
      %dma_start3A_324 = arith.constant 0 : i32
      %dma_start3A_325 = tpu.memref_slice %arg5[%sub3A_323, %dma_start3A_324] : memref<32x80xi32, #tpu.memory_space<vmem>> -> memref<1x80xi32, #tpu.memory_space<vmem>>
      %dma_start3A_326 = tpu.memref_squeeze %dma_start3A_325 : memref<1x80xi32, #tpu.memory_space<vmem>> -> memref<80xi32, #tpu.memory_space<vmem>>
      %dma_start3A_327 = arith.constant 0 : i32
      %dma_start3A_328 = arith.constant 0 : i32
      %dma_start3A_329 = tpu.memref_slice %arg2[%dma_start3A_327, %dma_start3A_328] : memref<10000x128xf32, #tpu.memory_space<hbm>> -> memref<10000x128xf32, #tpu.memory_space<hbm>>
      tpu.enqueue_indirect_dma source(%dma_start3A_329 : memref<10000x128xf32, #tpu.memory_space<hbm>>) target(%arg9 : memref<80x128xf32, #tpu.memory_space<vmem>>) offsets(%dma_start3A_326 : memref<80xi32, #tpu.memory_space<vmem>>) semaphore(%arg13 : memref<!tpu.dma_semaphore, #tpu.memory_space<semaphore_mem>>)
      %dma_wait3A_330 = arith.constant 0 : i32
      %dma_wait3A_331 = arith.constant 0 : i32
      %dma_wait3A_332 = tpu.memref_slice %arg5[%dma_wait3A_330, %dma_wait3A_331] : memref<32x80xi32, #tpu.memory_space<vmem>> -> memref<1x80xi32, #tpu.memory_space<vmem>>
      %dma_wait3A_333 = tpu.memref_squeeze %dma_wait3A_332 : memref<1x80xi32, #tpu.memory_space<vmem>> -> memref<80xi32, #tpu.memory_space<vmem>>
      %dma_wait3A_334 = arith.constant 0 : i32
      %dma_wait3A_335 = arith.constant 0 : i32
      %dma_wait3A_336 = tpu.memref_slice %arg2[%dma_wait3A_334, %dma_wait3A_335] : memref<10000x128xf32, #tpu.memory_space<hbm>> -> memref<10000x128xf32, #tpu.memory_space<hbm>>
      tpu.wait_indirect_dma semaphore(%arg11 : memref<!tpu.dma_semaphore, #tpu.memory_space<semaphore_mem>>) src(%dma_wait3A_336 : memref<10000x128xf32, #tpu.memory_space<hbm>>) dst(%arg7 : memref<80x128xf32, #tpu.memory_space<vmem>>)
      %add3A_337 = arith.constant 0 : i32
      %add3A_338 = arith.addi %mul3A_317, %add3A_337 : i32
      "tpu.region"() ({
        %run_scoped3A_381 = tpu.sem_alloc : memref<!tpu.dma_semaphore, #tpu.memory_space<semaphore_mem>>
        %dma_start3A_382 = arith.constant 0 : i32
        %dma_start3A_383 = tpu.memref_slice %arg6[%add3A_338, %dma_start3A_382] : memref<32x80xi32, #tpu.memory_space<vmem>> -> memref<1x80xi32, #tpu.memory_space<vmem>>
        %dma_start3A_384 = tpu.memref_squeeze %dma_start3A_383 : memref<1x80xi32, #tpu.memory_space<vmem>> -> memref<80xi32, #tpu.memory_space<vmem>>
        %dma_start3A_385 = arith.constant 0 : i32
        %dma_start3A_386 = arith.constant 0 : i32
        %dma_start3A_387 = tpu.memref_slice %arg10[%dma_start3A_385, %dma_start3A_386] : memref<10000x128xf32, #tpu.memory_space<vmem_shared>> -> memref<10000x128xf32, #tpu.memory_space<vmem_shared>>
        tpu.enqueue_indirect_dma source(%arg7 : memref<80x128xf32, #tpu.memory_space<vmem>>) target(%dma_start3A_387 : memref<10000x128xf32, #tpu.memory_space<vmem_shared>>) offsets(%dma_start3A_384 : memref<80xi32, #tpu.memory_space<vmem>>) semaphore(%run_scoped3A_381 : memref<!tpu.dma_semaphore, #tpu.memory_space<semaphore_mem>>) {add = true}
        %dma_wait3A_388 = arith.constant 0 : i32
        %dma_wait3A_389 = tpu.memref_slice %arg6[%add3A_338, %dma_wait3A_388] : memref<32x80xi32, #tpu.memory_space<vmem>> -> memref<1x80xi32, #tpu.memory_space<vmem>>
        %dma_wait3A_390 = tpu.memref_squeeze %dma_wait3A_389 : memref<1x80xi32, #tpu.memory_space<vmem>> -> memref<80xi32, #tpu.memory_space<vmem>>
        %dma_wait3A_391 = arith.constant 0 : i32
        %dma_wait3A_392 = arith.constant 0 : i32
        %dma_wait3A_393 = tpu.memref_slice %arg10[%dma_wait3A_391, %dma_wait3A_392] : memref<10000x128xf32, #tpu.memory_space<vmem_shared>> -> memref<10000x128xf32, #tpu.memory_space<vmem_shared>>
        tpu.wait_indirect_dma semaphore(%run_scoped3A_381 : memref<!tpu.dma_semaphore, #tpu.memory_space<semaphore_mem>>) src(%arg7 : memref<80x128xf32, #tpu.memory_space<vmem>>) dst(%dma_wait3A_393 : memref<10000x128xf32, #tpu.memory_space<vmem_shared>>)
        tpu.yield
      }) : () -> ()
      %add3A_339 = arith.constant 1 : i32
      %add3A_340 = arith.addi %mul3A_317, %add3A_339 : i32
      %add3A_341 = arith.constant 3 : i32
      %add3A_342 = arith.addi %add3A_340, %add3A_341 : i32
      %sub3A_343 = arith.constant 1 : i32
      %sub3A_344 = arith.subi %add3A_342, %sub3A_343 : i32
      %dma_start3A_345 = arith.constant 0 : i32
      %dma_start3A_346 = tpu.memref_slice %arg5[%sub3A_344, %dma_start3A_345] : memref<32x80xi32, #tpu.memory_space<vmem>> -> memref<1x80xi32, #tpu.memory_space<vmem>>
      %dma_start3A_347 = tpu.memref_squeeze %dma_start3A_346 : memref<1x80xi32, #tpu.memory_space<vmem>> -> memref<80xi32, #tpu.memory_space<vmem>>
      %dma_start3A_348 = arith.constant 0 : i32
      %dma_start3A_349 = arith.constant 0 : i32
      %dma_start3A_350 = tpu.memref_slice %arg2[%dma_start3A_348, %dma_start3A_349] : memref<10000x128xf32, #tpu.memory_space<hbm>> -> memref<10000x128xf32, #tpu.memory_space<hbm>>
      tpu.enqueue_indirect_dma source(%dma_start3A_350 : memref<10000x128xf32, #tpu.memory_space<hbm>>) target(%arg7 : memref<80x128xf32, #tpu.memory_space<vmem>>) offsets(%dma_start3A_347 : memref<80xi32, #tpu.memory_space<vmem>>) semaphore(%arg11 : memref<!tpu.dma_semaphore, #tpu.memory_space<semaphore_mem>>)
      %dma_wait3A_351 = arith.constant 0 : i32
      %dma_wait3A_352 = arith.constant 0 : i32
      %dma_wait3A_353 = tpu.memref_slice %arg5[%dma_wait3A_351, %dma_wait3A_352] : memref<32x80xi32, #tpu.memory_space<vmem>> -> memref<1x80xi32, #tpu.memory_space<vmem>>
      %dma_wait3A_354 = tpu.memref_squeeze %dma_wait3A_353 : memref<1x80xi32, #tpu.memory_space<vmem>> -> memref<80xi32, #tpu.memory_space<vmem>>
      %dma_wait3A_355 = arith.constant 0 : i32
      %dma_wait3A_356 = arith.constant 0 : i32
      %dma_wait3A_357 = tpu.memref_slice %arg2[%dma_wait3A_355, %dma_wait3A_356] : memref<10000x128xf32, #tpu.memory_space<hbm>> -> memref<10000x128xf32, #tpu.memory_space<hbm>>
      tpu.wait_indirect_dma semaphore(%arg12 : memref<!tpu.dma_semaphore, #tpu.memory_space<semaphore_mem>>) src(%dma_wait3A_357 : memref<10000x128xf32, #tpu.memory_space<hbm>>) dst(%arg8 : memref<80x128xf32, #tpu.memory_space<vmem>>)
      %add3A_358 = arith.constant 1 : i32
      %add3A_359 = arith.addi %mul3A_317, %add3A_358 : i32
      "tpu.region"() ({
        %run_scoped3A_381 = tpu.sem_alloc : memref<!tpu.dma_semaphore, #tpu.memory_space<semaphore_mem>>
        %dma_start3A_382 = arith.constant 0 : i32
        %dma_start3A_383 = tpu.memref_slice %arg6[%add3A_359, %dma_start3A_382] : memref<32x80xi32, #tpu.memory_space<vmem>> -> memref<1x80xi32, #tpu.memory_space<vmem>>
        %dma_start3A_384 = tpu.memref_squeeze %dma_start3A_383 : memref<1x80xi32, #tpu.memory_space<vmem>> -> memref<80xi32, #tpu.memory_space<vmem>>
        %dma_start3A_385 = arith.constant 0 : i32
        %dma_start3A_386 = arith.constant 0 : i32
        %dma_start3A_387 = tpu.memref_slice %arg10[%dma_start3A_385, %dma_start3A_386] : memref<10000x128xf32, #tpu.memory_space<vmem_shared>> -> memref<10000x128xf32, #tpu.memory_space<vmem_shared>>
        tpu.enqueue_indirect_dma source(%arg8 : memref<80x128xf32, #tpu.memory_space<vmem>>) target(%dma_start3A_387 : memref<10000x128xf32, #tpu.memory_space<vmem_shared>>) offsets(%dma_start3A_384 : memref<80xi32, #tpu.memory_space<vmem>>) semaphore(%run_scoped3A_381 : memref<!tpu.dma_semaphore, #tpu.memory_space<semaphore_mem>>) {add = true}
        %dma_wait3A_388 = arith.constant 0 : i32
        %dma_wait3A_389 = tpu.memref_slice %arg6[%add3A_359, %dma_wait3A_388] : memref<32x80xi32, #tpu.memory_space<vmem>> -> memref<1x80xi32, #tpu.memory_space<vmem>>
        %dma_wait3A_390 = tpu.memref_squeeze %dma_wait3A_389 : memref<1x80xi32, #tpu.memory_space<vmem>> -> memref<80xi32, #tpu.memory_space<vmem>>
        %dma_wait3A_391 = arith.constant 0 : i32
        %dma_wait3A_392 = arith.constant 0 : i32
        %dma_wait3A_393 = tpu.memref_slice %arg10[%dma_wait3A_391, %dma_wait3A_392] : memref<10000x128xf32, #tpu.memory_space<vmem_shared>> -> memref<10000x128xf32, #tpu.memory_space<vmem_shared>>
        tpu.wait_indirect_dma semaphore(%run_scoped3A_381 : memref<!tpu.dma_semaphore, #tpu.memory_space<semaphore_mem>>) src(%arg8 : memref<80x128xf32, #tpu.memory_space<vmem>>) dst(%dma_wait3A_393 : memref<10000x128xf32, #tpu.memory_space<vmem_shared>>)
        tpu.yield
      }) : () -> ()
      %add3A_360 = arith.constant 2 : i32
      %add3A_361 = arith.addi %mul3A_317, %add3A_360 : i32
      %add3A_362 = arith.constant 3 : i32
      %add3A_363 = arith.addi %add3A_361, %add3A_362 : i32
      %sub3A_364 = arith.constant 1 : i32
      %sub3A_365 = arith.subi %add3A_363, %sub3A_364 : i32
      %dma_start3A_366 = arith.constant 0 : i32
      %dma_start3A_367 = tpu.memref_slice %arg5[%sub3A_365, %dma_start3A_366] : memref<32x80xi32, #tpu.memory_space<vmem>> -> memref<1x80xi32, #tpu.memory_space<vmem>>
      %dma_start3A_368 = tpu.memref_squeeze %dma_start3A_367 : memref<1x80xi32, #tpu.memory_space<vmem>> -> memref<80xi32, #tpu.memory_space<vmem>>
      %dma_start3A_369 = arith.constant 0 : i32
      %dma_start3A_370 = arith.constant 0 : i32
      %dma_start3A_371 = tpu.memref_slice %arg2[%dma_start3A_369, %dma_start3A_370] : memref<10000x128xf32, #tpu.memory_space<hbm>> -> memref<10000x128xf32, #tpu.memory_space<hbm>>
      tpu.enqueue_indirect_dma source(%dma_start3A_371 : memref<10000x128xf32, #tpu.memory_space<hbm>>) target(%arg8 : memref<80x128xf32, #tpu.memory_space<vmem>>) offsets(%dma_start3A_368 : memref<80xi32, #tpu.memory_space<vmem>>) semaphore(%arg12 : memref<!tpu.dma_semaphore, #tpu.memory_space<semaphore_mem>>)
      %dma_wait3A_372 = arith.constant 0 : i32
      %dma_wait3A_373 = arith.constant 0 : i32
      %dma_wait3A_374 = tpu.memref_slice %arg5[%dma_wait3A_372, %dma_wait3A_373] : memref<32x80xi32, #tpu.memory_space<vmem>> -> memref<1x80xi32, #tpu.memory_space<vmem>>
      %dma_wait3A_375 = tpu.memref_squeeze %dma_wait3A_374 : memref<1x80xi32, #tpu.memory_space<vmem>> -> memref<80xi32, #tpu.memory_space<vmem>>
      %dma_wait3A_376 = arith.constant 0 : i32
      %dma_wait3A_377 = arith.constant 0 : i32
      %dma_wait3A_378 = tpu.memref_slice %arg2[%dma_wait3A_376, %dma_wait3A_377] : memref<10000x128xf32, #tpu.memory_space<hbm>> -> memref<10000x128xf32, #tpu.memory_space<hbm>>
      tpu.wait_indirect_dma semaphore(%arg13 : memref<!tpu.dma_semaphore, #tpu.memory_space<semaphore_mem>>) src(%dma_wait3A_378 : memref<10000x128xf32, #tpu.memory_space<hbm>>) dst(%arg9 : memref<80x128xf32, #tpu.memory_space<vmem>>)
      %add3A_379 = arith.constant 2 : i32
      %add3A_380 = arith.addi %mul3A_317, %add3A_379 : i32
      "tpu.region"() ({
        %run_scoped3A_381 = tpu.sem_alloc : memref<!tpu.dma_semaphore, #tpu.memory_space<semaphore_mem>>
        %dma_start3A_382 = arith.constant 0 : i32
        %dma_start3A_383 = tpu.memref_slice %arg6[%add3A_380, %dma_start3A_382] : memref<32x80xi32, #tpu.memory_space<vmem>> -> memref<1x80xi32, #tpu.memory_space<vmem>>
        %dma_start3A_384 = tpu.memref_squeeze %dma_start3A_383 : memref<1x80xi32, #tpu.memory_space<vmem>> -> memref<80xi32, #tpu.memory_space<vmem>>
        %dma_start3A_385 = arith.constant 0 : i32
        %dma_start3A_386 = arith.constant 0 : i32
        %dma_start3A_387 = tpu.memref_slice %arg10[%dma_start3A_385, %dma_start3A_386] : memref<10000x128xf32, #tpu.memory_space<vmem_shared>> -> memref<10000x128xf32, #tpu.memory_space<vmem_shared>>
        tpu.enqueue_indirect_dma source(%arg9 : memref<80x128xf32, #tpu.memory_space<vmem>>) target(%dma_start3A_387 : memref<10000x128xf32, #tpu.memory_space<vmem_shared>>) offsets(%dma_start3A_384 : memref<80xi32, #tpu.memory_space<vmem>>) semaphore(%run_scoped3A_381 : memref<!tpu.dma_semaphore, #tpu.memory_space<semaphore_mem>>) {add = true}
        %dma_wait3A_388 = arith.constant 0 : i32
        %dma_wait3A_389 = tpu.memref_slice %arg6[%add3A_380, %dma_wait3A_388] : memref<32x80xi32, #tpu.memory_space<vmem>> -> memref<1x80xi32, #tpu.memory_space<vmem>>
        %dma_wait3A_390 = tpu.memref_squeeze %dma_wait3A_389 : memref<1x80xi32, #tpu.memory_space<vmem>> -> memref<80xi32, #tpu.memory_space<vmem>>
        %dma_wait3A_391 = arith.constant 0 : i32
        %dma_wait3A_392 = arith.constant 0 : i32
        %dma_wait3A_393 = tpu.memref_slice %arg10[%dma_wait3A_391, %dma_wait3A_392] : memref<10000x128xf32, #tpu.memory_space<vmem_shared>> -> memref<10000x128xf32, #tpu.memory_space<vmem_shared>>
        tpu.wait_indirect_dma semaphore(%run_scoped3A_381 : memref<!tpu.dma_semaphore, #tpu.memory_space<semaphore_mem>>) src(%arg9 : memref<80x128xf32, #tpu.memory_space<vmem>>) dst(%dma_wait3A_393 : memref<10000x128xf32, #tpu.memory_space<vmem_shared>>)
        tpu.yield
      }) : () -> ()
    }
    %scan3A_247 = arith.constant 10 : i32
    %dma_wait3A_248 = arith.constant 0 : i32
    %dma_wait3A_249 = arith.constant 0 : i32
    %dma_wait3A_250 = tpu.memref_slice %arg5[%dma_wait3A_248, %dma_wait3A_249] : memref<32x80xi32, #tpu.memory_space<vmem>> -> memref<1x80xi32, #tpu.memory_space<vmem>>
    %dma_wait3A_251 = tpu.memref_squeeze %dma_wait3A_250 : memref<1x80xi32, #tpu.memory_space<vmem>> -> memref<80xi32, #tpu.memory_space<vmem>>
    %dma_wait3A_252 = arith.constant 0 : i32
    %dma_wait3A_253 = arith.constant 0 : i32
    %dma_wait3A_254 = tpu.memref_slice %arg2[%dma_wait3A_252, %dma_wait3A_253] : memref<10000x128xf32, #tpu.memory_space<hbm>> -> memref<10000x128xf32, #tpu.memory_space<hbm>>
    tpu.wait_indirect_dma semaphore(%arg11 : memref<!tpu.dma_semaphore, #tpu.memory_space<semaphore_mem>>) src(%dma_wait3A_254 : memref<10000x128xf32, #tpu.memory_space<hbm>>) dst(%arg7 : memref<80x128xf32, #tpu.memory_space<vmem>>)
    %run_scoped3A_255 = arith.constant 30 : i32
    "tpu.region"() ({
      %run_scoped3A_311 = tpu.sem_alloc : memref<!tpu.dma_semaphore, #tpu.memory_space<semaphore_mem>>
      %dma_start3A_312 = arith.constant 0 : i32
      %dma_start3A_313 = tpu.memref_slice %arg6[%run_scoped3A_255, %dma_start3A_312] : memref<32x80xi32, #tpu.memory_space<vmem>> -> memref<1x80xi32, #tpu.memory_space<vmem>>
      %dma_start3A_314 = tpu.memref_squeeze %dma_start3A_313 : memref<1x80xi32, #tpu.memory_space<vmem>> -> memref<80xi32, #tpu.memory_space<vmem>>
      %dma_start3A_315 = arith.constant 0 : i32
      %dma_start3A_316 = arith.constant 0 : i32
      %dma_start3A_317 = tpu.memref_slice %arg10[%dma_start3A_315, %dma_start3A_316] : memref<10000x128xf32, #tpu.memory_space<vmem_shared>> -> memref<10000x128xf32, #tpu.memory_space<vmem_shared>>
      tpu.enqueue_indirect_dma source(%arg7 : memref<80x128xf32, #tpu.memory_space<vmem>>) target(%dma_start3A_317 : memref<10000x128xf32, #tpu.memory_space<vmem_shared>>) offsets(%dma_start3A_314 : memref<80xi32, #tpu.memory_space<vmem>>) semaphore(%run_scoped3A_311 : memref<!tpu.dma_semaphore, #tpu.memory_space<semaphore_mem>>) {add = true}
      %dma_wait3A_318 = arith.constant 0 : i32
      %dma_wait3A_319 = tpu.memref_slice %arg6[%run_scoped3A_255, %dma_wait3A_318] : memref<32x80xi32, #tpu.memory_space<vmem>> -> memref<1x80xi32, #tpu.memory_space<vmem>>
      %dma_wait3A_320 = tpu.memref_squeeze %dma_wait3A_319 : memref<1x80xi32, #tpu.memory_space<vmem>> -> memref<80xi32, #tpu.memory_space<vmem>>
      %dma_wait3A_321 = arith.constant 0 : i32
      %dma_wait3A_322 = arith.constant 0 : i32
      %dma_wait3A_323 = tpu.memref_slice %arg10[%dma_wait3A_321, %dma_wait3A_322] : memref<10000x128xf32, #tpu.memory_space<vmem_shared>> -> memref<10000x128xf32, #tpu.memory_space<vmem_shared>>
      tpu.wait_indirect_dma semaphore(%run_scoped3A_311 : memref<!tpu.dma_semaphore, #tpu.memory_space<semaphore_mem>>) src(%arg7 : memref<80x128xf32, #tpu.memory_space<vmem>>) dst(%dma_wait3A_323 : memref<10000x128xf32, #tpu.memory_space<vmem_shared>>)
      tpu.yield
    }) : () -> ()
    %dma_wait3A_256 = arith.constant 0 : i32
    %dma_wait3A_257 = arith.constant 0 : i32
    %dma_wait3A_258 = tpu.memref_slice %arg5[%dma_wait3A_256, %dma_wait3A_257] : memref<32x80xi32, #tpu.memory_space<vmem>> -> memref<1x80xi32, #tpu.memory_space<vmem>>
    %dma_wait3A_259 = tpu.memref_squeeze %dma_wait3A_258 : memref<1x80xi32, #tpu.memory_space<vmem>> -> memref<80xi32, #tpu.memory_space<vmem>>
    %dma_wait3A_260 = arith.constant 0 : i32
    %dma_wait3A_261 = arith.constant 0 : i32
    %dma_wait3A_262 = tpu.memref_slice %arg2[%dma_wait3A_260, %dma_wait3A_261] : memref<10000x128xf32, #tpu.memory_space<hbm>> -> memref<10000x128xf32, #tpu.memory_space<hbm>>
    tpu.wait_indirect_dma semaphore(%arg12 : memref<!tpu.dma_semaphore, #tpu.memory_space<semaphore_mem>>) src(%dma_wait3A_262 : memref<10000x128xf32, #tpu.memory_space<hbm>>) dst(%arg8 : memref<80x128xf32, #tpu.memory_space<vmem>>)
    %run_scoped3A_263 = arith.constant 31 : i32
    "tpu.region"() ({
      %run_scoped3A_311 = tpu.sem_alloc : memref<!tpu.dma_semaphore, #tpu.memory_space<semaphore_mem>>
      %dma_start3A_312 = arith.constant 0 : i32
      %dma_start3A_313 = tpu.memref_slice %arg6[%run_scoped3A_263, %dma_start3A_312] : memref<32x80xi32, #tpu.memory_space<vmem>> -> memref<1x80xi32, #tpu.memory_space<vmem>>
      %dma_start3A_314 = tpu.memref_squeeze %dma_start3A_313 : memref<1x80xi32, #tpu.memory_space<vmem>> -> memref<80xi32, #tpu.memory_space<vmem>>
      %dma_start3A_315 = arith.constant 0 : i32
      %dma_start3A_316 = arith.constant 0 : i32
      %dma_start3A_317 = tpu.memref_slice %arg10[%dma_start3A_315, %dma_start3A_316] : memref<10000x128xf32, #tpu.memory_space<vmem_shared>> -> memref<10000x128xf32, #tpu.memory_space<vmem_shared>>
      tpu.enqueue_indirect_dma source(%arg8 : memref<80x128xf32, #tpu.memory_space<vmem>>) target(%dma_start3A_317 : memref<10000x128xf32, #tpu.memory_space<vmem_shared>>) offsets(%dma_start3A_314 : memref<80xi32, #tpu.memory_space<vmem>>) semaphore(%run_scoped3A_311 : memref<!tpu.dma_semaphore, #tpu.memory_space<semaphore_mem>>) {add = true}
      %dma_wait3A_318 = arith.constant 0 : i32
      %dma_wait3A_319 = tpu.memref_slice %arg6[%run_scoped3A_263, %dma_wait3A_318] : memref<32x80xi32, #tpu.memory_space<vmem>> -> memref<1x80xi32, #tpu.memory_space<vmem>>
      %dma_wait3A_320 = tpu.memref_squeeze %dma_wait3A_319 : memref<1x80xi32, #tpu.memory_space<vmem>> -> memref<80xi32, #tpu.memory_space<vmem>>
      %dma_wait3A_321 = arith.constant 0 : i32
      %dma_wait3A_322 = arith.constant 0 : i32
      %dma_wait3A_323 = tpu.memref_slice %arg10[%dma_wait3A_321, %dma_wait3A_322] : memref<10000x128xf32, #tpu.memory_space<vmem_shared>> -> memref<10000x128xf32, #tpu.memory_space<vmem_shared>>
      tpu.wait_indirect_dma semaphore(%run_scoped3A_311 : memref<!tpu.dma_semaphore, #tpu.memory_space<semaphore_mem>>) src(%arg8 : memref<80x128xf32, #tpu.memory_space<vmem>>) dst(%dma_wait3A_323 : memref<10000x128xf32, #tpu.memory_space<vmem_shared>>)
      tpu.yield
    }) : () -> ()
    %run_scoped3A_264 = arith.constant 0 : i32
    "tpu.region"() ({
      %run_scoped3A_311 = tpu.sem_alloc : memref<!tpu.dma_semaphore, #tpu.memory_space<semaphore_mem>>
      %dma_start3A_312 = arith.constant 0 : i32
      %dma_start3A_313 = arith.constant 0 : i32
      %dma_start3A_314 = tpu.memref_slice %arg5[%dma_start3A_312, %dma_start3A_313] : memref<32x80xi32, #tpu.memory_space<vmem>> -> memref<29x80xi32, #tpu.memory_space<vmem>>
      %dma_start3A_315 = arith.constant 0 : i32
      %dma_start3A_316 = arith.constant 0 : i32
      %dma_start3A_317 = arith.constant 0 : i32
      %dma_start3A_318 = tpu.memref_slice %arg3[%run_scoped3A_264, %dma_start3A_315, %dma_start3A_316, %dma_start3A_317] : memref<2x32x125x80xi32, #tpu.memory_space<hbm>> -> memref<1x32x125x80xi32, #tpu.memory_space<hbm>>
      %dma_start3A_319 = tpu.memref_squeeze %dma_start3A_318 : memref<1x32x125x80xi32, #tpu.memory_space<hbm>> -> memref<32x125x80xi32, #tpu.memory_space<hbm>>
      %dma_start3A_320 = arith.constant 0 : i32
      %dma_start3A_321 = arith.constant 0 : i32
      %dma_start3A_322 = tpu.memref_slice %dma_start3A_319[%add3A, %dma_start3A_320, %dma_start3A_321] : memref<32x125x80xi32, #tpu.memory_space<hbm>> -> memref<1x125x80xi32, #tpu.memory_space<hbm>>
      %dma_start3A_323 = tpu.memref_squeeze %dma_start3A_322 : memref<1x125x80xi32, #tpu.memory_space<hbm>> -> memref<125x80xi32, #tpu.memory_space<hbm>>
      %dma_start3A_324 = arith.constant 96 : i32
      %dma_start3A_325 = arith.constant 0 : i32
      %dma_start3A_326 = tpu.memref_slice %dma_start3A_323[%dma_start3A_324, %dma_start3A_325] : memref<125x80xi32, #tpu.memory_space<hbm>> -> memref<29x80xi32, #tpu.memory_space<hbm>>
      %dma_start3A_327 = arith.constant 0 : i32
      %dma_start3A_328 = arith.constant 0 : i32
      %dma_start3A_329 = tpu.memref_slice %arg5[%dma_start3A_327, %dma_start3A_328] : memref<32x80xi32, #tpu.memory_space<vmem>> -> memref<29x80xi32, #tpu.memory_space<vmem>>
      %dma_start3A_330 = arith.constant 0 : i32
      %dma_start3A_331 = arith.constant 0 : i32
      %dma_start3A_332 = arith.constant 0 : i32
      %dma_start3A_333 = tpu.memref_slice %arg3[%run_scoped3A_264, %dma_start3A_330, %dma_start3A_331, %dma_start3A_332] : memref<2x32x125x80xi32, #tpu.memory_space<hbm>> -> memref<1x32x125x80xi32, #tpu.memory_space<hbm>>
      %dma_start3A_334 = tpu.memref_squeeze %dma_start3A_333 : memref<1x32x125x80xi32, #tpu.memory_space<hbm>> -> memref<32x125x80xi32, #tpu.memory_space<hbm>>
      %dma_start3A_335 = arith.constant 0 : i32
      %dma_start3A_336 = arith.constant 0 : i32
      %dma_start3A_337 = tpu.memref_slice %dma_start3A_334[%add3A, %dma_start3A_335, %dma_start3A_336] : memref<32x125x80xi32, #tpu.memory_space<hbm>> -> memref<1x125x80xi32, #tpu.memory_space<hbm>>
      %dma_start3A_338 = tpu.memref_squeeze %dma_start3A_337 : memref<1x125x80xi32, #tpu.memory_space<hbm>> -> memref<125x80xi32, #tpu.memory_space<hbm>>
      %dma_start3A_339 = arith.constant 96 : i32
      %dma_start3A_340 = arith.constant 0 : i32
      %dma_start3A_341 = tpu.memref_slice %dma_start3A_338[%dma_start3A_339, %dma_start3A_340] : memref<125x80xi32, #tpu.memory_space<hbm>> -> memref<29x80xi32, #tpu.memory_space<hbm>>
      tpu.enqueue_dma source(%dma_start3A_341 : memref<29x80xi32, #tpu.memory_space<hbm>>) target(%dma_start3A_329 : memref<29x80xi32, #tpu.memory_space<vmem>>) target_semaphore(%run_scoped3A_311 : memref<!tpu.dma_semaphore, #tpu.memory_space<semaphore_mem>>)
      %dma_wait3A_342 = arith.constant 0 : i32
      %dma_wait3A_343 = arith.constant 0 : i32
      %dma_wait3A_344 = tpu.memref_slice %arg5[%dma_wait3A_342, %dma_wait3A_343] : memref<32x80xi32, #tpu.memory_space<vmem>> -> memref<29x80xi32, #tpu.memory_space<vmem>>
      %dma_wait3A_345 = arith.constant 0 : i32
      %dma_wait3A_346 = arith.constant 0 : i32
      %dma_wait3A_347 = arith.constant 0 : i32
      %dma_wait3A_348 = tpu.memref_slice %arg3[%run_scoped3A_264, %dma_wait3A_345, %dma_wait3A_346, %dma_wait3A_347] : memref<2x32x125x80xi32, #tpu.memory_space<hbm>> -> memref<1x32x125x80xi32, #tpu.memory_space<hbm>>
      %dma_wait3A_349 = tpu.memref_squeeze %dma_wait3A_348 : memref<1x32x125x80xi32, #tpu.memory_space<hbm>> -> memref<32x125x80xi32, #tpu.memory_space<hbm>>
      %dma_wait3A_350 = arith.constant 0 : i32
      %dma_wait3A_351 = arith.constant 0 : i32
      %dma_wait3A_352 = tpu.memref_slice %dma_wait3A_349[%add3A, %dma_wait3A_350, %dma_wait3A_351] : memref<32x125x80xi32, #tpu.memory_space<hbm>> -> memref<1x125x80xi32, #tpu.memory_space<hbm>>
      %dma_wait3A_353 = tpu.memref_squeeze %dma_wait3A_352 : memref<1x125x80xi32, #tpu.memory_space<hbm>> -> memref<125x80xi32, #tpu.memory_space<hbm>>
      %dma_wait3A_354 = arith.constant 96 : i32
      %dma_wait3A_355 = arith.constant 0 : i32
      %dma_wait3A_356 = tpu.memref_slice %dma_wait3A_353[%dma_wait3A_354, %dma_wait3A_355] : memref<125x80xi32, #tpu.memory_space<hbm>> -> memref<29x80xi32, #tpu.memory_space<hbm>>
      %dma_wait3A_357 = arith.constant 0 : i32
      %dma_wait3A_358 = arith.constant 0 : i32
      %dma_wait3A_359 = tpu.memref_slice %arg5[%dma_wait3A_357, %dma_wait3A_358] : memref<32x80xi32, #tpu.memory_space<vmem>> -> memref<29x80xi32, #tpu.memory_space<vmem>>
      %dma_wait3A_360 = arith.constant 0 : i32
      %dma_wait3A_361 = arith.constant 0 : i32
      %dma_wait3A_362 = arith.constant 0 : i32
      %dma_wait3A_363 = tpu.memref_slice %arg3[%run_scoped3A_264, %dma_wait3A_360, %dma_wait3A_361, %dma_wait3A_362] : memref<2x32x125x80xi32, #tpu.memory_space<hbm>> -> memref<1x32x125x80xi32, #tpu.memory_space<hbm>>
      %dma_wait3A_364 = tpu.memref_squeeze %dma_wait3A_363 : memref<1x32x125x80xi32, #tpu.memory_space<hbm>> -> memref<32x125x80xi32, #tpu.memory_space<hbm>>
      %dma_wait3A_365 = arith.constant 0 : i32
      %dma_wait3A_366 = arith.constant 0 : i32
      %dma_wait3A_367 = tpu.memref_slice %dma_wait3A_364[%add3A, %dma_wait3A_365, %dma_wait3A_366] : memref<32x125x80xi32, #tpu.memory_space<hbm>> -> memref<1x125x80xi32, #tpu.memory_space<hbm>>
      %dma_wait3A_368 = tpu.memref_squeeze %dma_wait3A_367 : memref<1x125x80xi32, #tpu.memory_space<hbm>> -> memref<125x80xi32, #tpu.memory_space<hbm>>
      %dma_wait3A_369 = arith.constant 96 : i32
      %dma_wait3A_370 = arith.constant 0 : i32
      %dma_wait3A_371 = tpu.memref_slice %dma_wait3A_368[%dma_wait3A_369, %dma_wait3A_370] : memref<125x80xi32, #tpu.memory_space<hbm>> -> memref<29x80xi32, #tpu.memory_space<hbm>>
      tpu.wait_dma2 semaphore(%run_scoped3A_311 : memref<!tpu.dma_semaphore, #tpu.memory_space<semaphore_mem>>) src(%dma_wait3A_371 : memref<29x80xi32, #tpu.memory_space<hbm>>) dst(%dma_wait3A_359 : memref<29x80xi32, #tpu.memory_space<vmem>>)
      tpu.yield
    }) : () -> ()
    %run_scoped3A_265 = arith.constant 1 : i32
    "tpu.region"() ({
      %run_scoped3A_311 = tpu.sem_alloc : memref<!tpu.dma_semaphore, #tpu.memory_space<semaphore_mem>>
      %dma_start3A_312 = arith.constant 0 : i32
      %dma_start3A_313 = arith.constant 0 : i32
      %dma_start3A_314 = tpu.memref_slice %arg6[%dma_start3A_312, %dma_start3A_313] : memref<32x80xi32, #tpu.memory_space<vmem>> -> memref<29x80xi32, #tpu.memory_space<vmem>>
      %dma_start3A_315 = arith.constant 0 : i32
      %dma_start3A_316 = arith.constant 0 : i32
      %dma_start3A_317 = arith.constant 0 : i32
      %dma_start3A_318 = tpu.memref_slice %arg3[%run_scoped3A_265, %dma_start3A_315, %dma_start3A_316, %dma_start3A_317] : memref<2x32x125x80xi32, #tpu.memory_space<hbm>> -> memref<1x32x125x80xi32, #tpu.memory_space<hbm>>
      %dma_start3A_319 = tpu.memref_squeeze %dma_start3A_318 : memref<1x32x125x80xi32, #tpu.memory_space<hbm>> -> memref<32x125x80xi32, #tpu.memory_space<hbm>>
      %dma_start3A_320 = arith.constant 0 : i32
      %dma_start3A_321 = arith.constant 0 : i32
      %dma_start3A_322 = tpu.memref_slice %dma_start3A_319[%add3A, %dma_start3A_320, %dma_start3A_321] : memref<32x125x80xi32, #tpu.memory_space<hbm>> -> memref<1x125x80xi32, #tpu.memory_space<hbm>>
      %dma_start3A_323 = tpu.memref_squeeze %dma_start3A_322 : memref<1x125x80xi32, #tpu.memory_space<hbm>> -> memref<125x80xi32, #tpu.memory_space<hbm>>
      %dma_start3A_324 = arith.constant 96 : i32
      %dma_start3A_325 = arith.constant 0 : i32
      %dma_start3A_326 = tpu.memref_slice %dma_start3A_323[%dma_start3A_324, %dma_start3A_325] : memref<125x80xi32, #tpu.memory_space<hbm>> -> memref<29x80xi32, #tpu.memory_space<hbm>>
      %dma_start3A_327 = arith.constant 0 : i32
      %dma_start3A_328 = arith.constant 0 : i32
      %dma_start3A_329 = tpu.memref_slice %arg6[%dma_start3A_327, %dma_start3A_328] : memref<32x80xi32, #tpu.memory_space<vmem>> -> memref<29x80xi32, #tpu.memory_space<vmem>>
      %dma_start3A_330 = arith.constant 0 : i32
      %dma_start3A_331 = arith.constant 0 : i32
      %dma_start3A_332 = arith.constant 0 : i32
      %dma_start3A_333 = tpu.memref_slice %arg3[%run_scoped3A_265, %dma_start3A_330, %dma_start3A_331, %dma_start3A_332] : memref<2x32x125x80xi32, #tpu.memory_space<hbm>> -> memref<1x32x125x80xi32, #tpu.memory_space<hbm>>
      %dma_start3A_334 = tpu.memref_squeeze %dma_start3A_333 : memref<1x32x125x80xi32, #tpu.memory_space<hbm>> -> memref<32x125x80xi32, #tpu.memory_space<hbm>>
      %dma_start3A_335 = arith.constant 0 : i32
      %dma_start3A_336 = arith.constant 0 : i32
      %dma_start3A_337 = tpu.memref_slice %dma_start3A_334[%add3A, %dma_start3A_335, %dma_start3A_336] : memref<32x125x80xi32, #tpu.memory_space<hbm>> -> memref<1x125x80xi32, #tpu.memory_space<hbm>>
      %dma_start3A_338 = tpu.memref_squeeze %dma_start3A_337 : memref<1x125x80xi32, #tpu.memory_space<hbm>> -> memref<125x80xi32, #tpu.memory_space<hbm>>
      %dma_start3A_339 = arith.constant 96 : i32
      %dma_start3A_340 = arith.constant 0 : i32
      %dma_start3A_341 = tpu.memref_slice %dma_start3A_338[%dma_start3A_339, %dma_start3A_340] : memref<125x80xi32, #tpu.memory_space<hbm>> -> memref<29x80xi32, #tpu.memory_space<hbm>>
      tpu.enqueue_dma source(%dma_start3A_341 : memref<29x80xi32, #tpu.memory_space<hbm>>) target(%dma_start3A_329 : memref<29x80xi32, #tpu.memory_space<vmem>>) target_semaphore(%run_scoped3A_311 : memref<!tpu.dma_semaphore, #tpu.memory_space<semaphore_mem>>)
      %dma_wait3A_342 = arith.constant 0 : i32
      %dma_wait3A_343 = arith.constant 0 : i32
      %dma_wait3A_344 = tpu.memref_slice %arg6[%dma_wait3A_342, %dma_wait3A_343] : memref<32x80xi32, #tpu.memory_space<vmem>> -> memref<29x80xi32, #tpu.memory_space<vmem>>
      %dma_wait3A_345 = arith.constant 0 : i32
      %dma_wait3A_346 = arith.constant 0 : i32
      %dma_wait3A_347 = arith.constant 0 : i32
      %dma_wait3A_348 = tpu.memref_slice %arg3[%run_scoped3A_265, %dma_wait3A_345, %dma_wait3A_346, %dma_wait3A_347] : memref<2x32x125x80xi32, #tpu.memory_space<hbm>> -> memref<1x32x125x80xi32, #tpu.memory_space<hbm>>
      %dma_wait3A_349 = tpu.memref_squeeze %dma_wait3A_348 : memref<1x32x125x80xi32, #tpu.memory_space<hbm>> -> memref<32x125x80xi32, #tpu.memory_space<hbm>>
      %dma_wait3A_350 = arith.constant 0 : i32
      %dma_wait3A_351 = arith.constant 0 : i32
      %dma_wait3A_352 = tpu.memref_slice %dma_wait3A_349[%add3A, %dma_wait3A_350, %dma_wait3A_351] : memref<32x125x80xi32, #tpu.memory_space<hbm>> -> memref<1x125x80xi32, #tpu.memory_space<hbm>>
      %dma_wait3A_353 = tpu.memref_squeeze %dma_wait3A_352 : memref<1x125x80xi32, #tpu.memory_space<hbm>> -> memref<125x80xi32, #tpu.memory_space<hbm>>
      %dma_wait3A_354 = arith.constant 96 : i32
      %dma_wait3A_355 = arith.constant 0 : i32
      %dma_wait3A_356 = tpu.memref_slice %dma_wait3A_353[%dma_wait3A_354, %dma_wait3A_355] : memref<125x80xi32, #tpu.memory_space<hbm>> -> memref<29x80xi32, #tpu.memory_space<hbm>>
      %dma_wait3A_357 = arith.constant 0 : i32
      %dma_wait3A_358 = arith.constant 0 : i32
      %dma_wait3A_359 = tpu.memref_slice %arg6[%dma_wait3A_357, %dma_wait3A_358] : memref<32x80xi32, #tpu.memory_space<vmem>> -> memref<29x80xi32, #tpu.memory_space<vmem>>
      %dma_wait3A_360 = arith.constant 0 : i32
      %dma_wait3A_361 = arith.constant 0 : i32
      %dma_wait3A_362 = arith.constant 0 : i32
      %dma_wait3A_363 = tpu.memref_slice %arg3[%run_scoped3A_265, %dma_wait3A_360, %dma_wait3A_361, %dma_wait3A_362] : memref<2x32x125x80xi32, #tpu.memory_space<hbm>> -> memref<1x32x125x80xi32, #tpu.memory_space<hbm>>
      %dma_wait3A_364 = tpu.memref_squeeze %dma_wait3A_363 : memref<1x32x125x80xi32, #tpu.memory_space<hbm>> -> memref<32x125x80xi32, #tpu.memory_space<hbm>>
      %dma_wait3A_365 = arith.constant 0 : i32
      %dma_wait3A_366 = arith.constant 0 : i32
      %dma_wait3A_367 = tpu.memref_slice %dma_wait3A_364[%add3A, %dma_wait3A_365, %dma_wait3A_366] : memref<32x125x80xi32, #tpu.memory_space<hbm>> -> memref<1x125x80xi32, #tpu.memory_space<hbm>>
      %dma_wait3A_368 = tpu.memref_squeeze %dma_wait3A_367 : memref<1x125x80xi32, #tpu.memory_space<hbm>> -> memref<125x80xi32, #tpu.memory_space<hbm>>
      %dma_wait3A_369 = arith.constant 96 : i32
      %dma_wait3A_370 = arith.constant 0 : i32
      %dma_wait3A_371 = tpu.memref_slice %dma_wait3A_368[%dma_wait3A_369, %dma_wait3A_370] : memref<125x80xi32, #tpu.memory_space<hbm>> -> memref<29x80xi32, #tpu.memory_space<hbm>>
      tpu.wait_dma2 semaphore(%run_scoped3A_311 : memref<!tpu.dma_semaphore, #tpu.memory_space<semaphore_mem>>) src(%dma_wait3A_371 : memref<29x80xi32, #tpu.memory_space<hbm>>) dst(%dma_wait3A_359 : memref<29x80xi32, #tpu.memory_space<vmem>>)
      tpu.yield
    }) : () -> ()
    %dma_start3A_266 = arith.constant 0 : i32
    %dma_start3A_267 = arith.constant 0 : i32
    %dma_start3A_268 = tpu.memref_slice %arg5[%dma_start3A_266, %dma_start3A_267] : memref<32x80xi32, #tpu.memory_space<vmem>> -> memref<1x80xi32, #tpu.memory_space<vmem>>
    %dma_start3A_269 = tpu.memref_squeeze %dma_start3A_268 : memref<1x80xi32, #tpu.memory_space<vmem>> -> memref<80xi32, #tpu.memory_space<vmem>>
    %dma_start3A_270 = arith.constant 0 : i32
    %dma_start3A_271 = arith.constant 0 : i32
    %dma_start3A_272 = tpu.memref_slice %arg2[%dma_start3A_270, %dma_start3A_271] : memref<10000x128xf32, #tpu.memory_space<hbm>> -> memref<10000x128xf32, #tpu.memory_space<hbm>>
    tpu.enqueue_indirect_dma source(%dma_start3A_272 : memref<10000x128xf32, #tpu.memory_space<hbm>>) target(%arg7 : memref<80x128xf32, #tpu.memory_space<vmem>>) offsets(%dma_start3A_269 : memref<80xi32, #tpu.memory_space<vmem>>) semaphore(%arg11 : memref<!tpu.dma_semaphore, #tpu.memory_space<semaphore_mem>>)
    %dma_start3A_273 = arith.constant 1 : i32
    %dma_start3A_274 = arith.constant 0 : i32
    %dma_start3A_275 = tpu.memref_slice %arg5[%dma_start3A_273, %dma_start3A_274] : memref<32x80xi32, #tpu.memory_space<vmem>> -> memref<1x80xi32, #tpu.memory_space<vmem>>
    %dma_start3A_276 = tpu.memref_squeeze %dma_start3A_275 : memref<1x80xi32, #tpu.memory_space<vmem>> -> memref<80xi32, #tpu.memory_space<vmem>>
    %dma_start3A_277 = arith.constant 0 : i32
    %dma_start3A_278 = arith.constant 0 : i32
    %dma_start3A_279 = tpu.memref_slice %arg2[%dma_start3A_277, %dma_start3A_278] : memref<10000x128xf32, #tpu.memory_space<hbm>> -> memref<10000x128xf32, #tpu.memory_space<hbm>>
    tpu.enqueue_indirect_dma source(%dma_start3A_279 : memref<10000x128xf32, #tpu.memory_space<hbm>>) target(%arg8 : memref<80x128xf32, #tpu.memory_space<vmem>>) offsets(%dma_start3A_276 : memref<80xi32, #tpu.memory_space<vmem>>) semaphore(%arg12 : memref<!tpu.dma_semaphore, #tpu.memory_space<semaphore_mem>>)
    %scan3A_280 = arith.constant 0 : i32
    %scan3A_281 = arith.constant 9 : i32
    %scan3A_282 = arith.addi %scan3A_280, %scan3A_281 : i32
    %scan3A_283 = arith.constant 1 : i32
    scf.for %scan3A_311 = %scan3A_280 to %scan3A_282 step %scan3A_283  : i32 {
      %mul3A_312 = arith.constant 1 : i32
      %mul3A_313 = arith.muli %scan3A_311, %mul3A_312 : i32
      %add3A_314 = arith.constant 0 : i32
      %add3A_315 = arith.addi %add3A_314, %mul3A_313 : i32
      %mul3A_316 = arith.constant 3 : i32
      %mul3A_317 = arith.muli %mul3A_316, %add3A_315 : i32
      %add3A_318 = arith.constant 0 : i32
      %add3A_319 = arith.addi %mul3A_317, %add3A_318 : i32
      %add3A_320 = arith.constant 3 : i32
      %add3A_321 = arith.addi %add3A_319, %add3A_320 : i32
      %sub3A_322 = arith.constant 1 : i32
      %sub3A_323 = arith.subi %add3A_321, %sub3A_322 : i32
      %dma_start3A_324 = arith.constant 0 : i32
      %dma_start3A_325 = tpu.memref_slice %arg5[%sub3A_323, %dma_start3A_324] : memref<32x80xi32, #tpu.memory_space<vmem>> -> memref<1x80xi32, #tpu.memory_space<vmem>>
      %dma_start3A_326 = tpu.memref_squeeze %dma_start3A_325 : memref<1x80xi32, #tpu.memory_space<vmem>> -> memref<80xi32, #tpu.memory_space<vmem>>
      %dma_start3A_327 = arith.constant 0 : i32
      %dma_start3A_328 = arith.constant 0 : i32
      %dma_start3A_329 = tpu.memref_slice %arg2[%dma_start3A_327, %dma_start3A_328] : memref<10000x128xf32, #tpu.memory_space<hbm>> -> memref<10000x128xf32, #tpu.memory_space<hbm>>
      tpu.enqueue_indirect_dma source(%dma_start3A_329 : memref<10000x128xf32, #tpu.memory_space<hbm>>) target(%arg9 : memref<80x128xf32, #tpu.memory_space<vmem>>) offsets(%dma_start3A_326 : memref<80xi32, #tpu.memory_space<vmem>>) semaphore(%arg13 : memref<!tpu.dma_semaphore, #tpu.memory_space<semaphore_mem>>)
      %dma_wait3A_330 = arith.constant 0 : i32
      %dma_wait3A_331 = arith.constant 0 : i32
      %dma_wait3A_332 = tpu.memref_slice %arg5[%dma_wait3A_330, %dma_wait3A_331] : memref<32x80xi32, #tpu.memory_space<vmem>> -> memref<1x80xi32, #tpu.memory_space<vmem>>
      %dma_wait3A_333 = tpu.memref_squeeze %dma_wait3A_332 : memref<1x80xi32, #tpu.memory_space<vmem>> -> memref<80xi32, #tpu.memory_space<vmem>>
      %dma_wait3A_334 = arith.constant 0 : i32
      %dma_wait3A_335 = arith.constant 0 : i32
      %dma_wait3A_336 = tpu.memref_slice %arg2[%dma_wait3A_334, %dma_wait3A_335] : memref<10000x128xf32, #tpu.memory_space<hbm>> -> memref<10000x128xf32, #tpu.memory_space<hbm>>
      tpu.wait_indirect_dma semaphore(%arg11 : memref<!tpu.dma_semaphore, #tpu.memory_space<semaphore_mem>>) src(%dma_wait3A_336 : memref<10000x128xf32, #tpu.memory_space<hbm>>) dst(%arg7 : memref<80x128xf32, #tpu.memory_space<vmem>>)
      %add3A_337 = arith.constant 0 : i32
      %add3A_338 = arith.addi %mul3A_317, %add3A_337 : i32
      "tpu.region"() ({
        %run_scoped3A_381 = tpu.sem_alloc : memref<!tpu.dma_semaphore, #tpu.memory_space<semaphore_mem>>
        %dma_start3A_382 = arith.constant 0 : i32
        %dma_start3A_383 = tpu.memref_slice %arg6[%add3A_338, %dma_start3A_382] : memref<32x80xi32, #tpu.memory_space<vmem>> -> memref<1x80xi32, #tpu.memory_space<vmem>>
        %dma_start3A_384 = tpu.memref_squeeze %dma_start3A_383 : memref<1x80xi32, #tpu.memory_space<vmem>> -> memref<80xi32, #tpu.memory_space<vmem>>
        %dma_start3A_385 = arith.constant 0 : i32
        %dma_start3A_386 = arith.constant 0 : i32
        %dma_start3A_387 = tpu.memref_slice %arg10[%dma_start3A_385, %dma_start3A_386] : memref<10000x128xf32, #tpu.memory_space<vmem_shared>> -> memref<10000x128xf32, #tpu.memory_space<vmem_shared>>
        tpu.enqueue_indirect_dma source(%arg7 : memref<80x128xf32, #tpu.memory_space<vmem>>) target(%dma_start3A_387 : memref<10000x128xf32, #tpu.memory_space<vmem_shared>>) offsets(%dma_start3A_384 : memref<80xi32, #tpu.memory_space<vmem>>) semaphore(%run_scoped3A_381 : memref<!tpu.dma_semaphore, #tpu.memory_space<semaphore_mem>>) {add = true}
        %dma_wait3A_388 = arith.constant 0 : i32
        %dma_wait3A_389 = tpu.memref_slice %arg6[%add3A_338, %dma_wait3A_388] : memref<32x80xi32, #tpu.memory_space<vmem>> -> memref<1x80xi32, #tpu.memory_space<vmem>>
        %dma_wait3A_390 = tpu.memref_squeeze %dma_wait3A_389 : memref<1x80xi32, #tpu.memory_space<vmem>> -> memref<80xi32, #tpu.memory_space<vmem>>
        %dma_wait3A_391 = arith.constant 0 : i32
        %dma_wait3A_392 = arith.constant 0 : i32
        %dma_wait3A_393 = tpu.memref_slice %arg10[%dma_wait3A_391, %dma_wait3A_392] : memref<10000x128xf32, #tpu.memory_space<vmem_shared>> -> memref<10000x128xf32, #tpu.memory_space<vmem_shared>>
        tpu.wait_indirect_dma semaphore(%run_scoped3A_381 : memref<!tpu.dma_semaphore, #tpu.memory_space<semaphore_mem>>) src(%arg7 : memref<80x128xf32, #tpu.memory_space<vmem>>) dst(%dma_wait3A_393 : memref<10000x128xf32, #tpu.memory_space<vmem_shared>>)
        tpu.yield
      }) : () -> ()
      %add3A_339 = arith.constant 1 : i32
      %add3A_340 = arith.addi %mul3A_317, %add3A_339 : i32
      %add3A_341 = arith.constant 3 : i32
      %add3A_342 = arith.addi %add3A_340, %add3A_341 : i32
      %sub3A_343 = arith.constant 1 : i32
      %sub3A_344 = arith.subi %add3A_342, %sub3A_343 : i32
      %dma_start3A_345 = arith.constant 0 : i32
      %dma_start3A_346 = tpu.memref_slice %arg5[%sub3A_344, %dma_start3A_345] : memref<32x80xi32, #tpu.memory_space<vmem>> -> memref<1x80xi32, #tpu.memory_space<vmem>>
      %dma_start3A_347 = tpu.memref_squeeze %dma_start3A_346 : memref<1x80xi32, #tpu.memory_space<vmem>> -> memref<80xi32, #tpu.memory_space<vmem>>
      %dma_start3A_348 = arith.constant 0 : i32
      %dma_start3A_349 = arith.constant 0 : i32
      %dma_start3A_350 = tpu.memref_slice %arg2[%dma_start3A_348, %dma_start3A_349] : memref<10000x128xf32, #tpu.memory_space<hbm>> -> memref<10000x128xf32, #tpu.memory_space<hbm>>
      tpu.enqueue_indirect_dma source(%dma_start3A_350 : memref<10000x128xf32, #tpu.memory_space<hbm>>) target(%arg7 : memref<80x128xf32, #tpu.memory_space<vmem>>) offsets(%dma_start3A_347 : memref<80xi32, #tpu.memory_space<vmem>>) semaphore(%arg11 : memref<!tpu.dma_semaphore, #tpu.memory_space<semaphore_mem>>)
      %dma_wait3A_351 = arith.constant 0 : i32
      %dma_wait3A_352 = arith.constant 0 : i32
      %dma_wait3A_353 = tpu.memref_slice %arg5[%dma_wait3A_351, %dma_wait3A_352] : memref<32x80xi32, #tpu.memory_space<vmem>> -> memref<1x80xi32, #tpu.memory_space<vmem>>
      %dma_wait3A_354 = tpu.memref_squeeze %dma_wait3A_353 : memref<1x80xi32, #tpu.memory_space<vmem>> -> memref<80xi32, #tpu.memory_space<vmem>>
      %dma_wait3A_355 = arith.constant 0 : i32
      %dma_wait3A_356 = arith.constant 0 : i32
      %dma_wait3A_357 = tpu.memref_slice %arg2[%dma_wait3A_355, %dma_wait3A_356] : memref<10000x128xf32, #tpu.memory_space<hbm>> -> memref<10000x128xf32, #tpu.memory_space<hbm>>
      tpu.wait_indirect_dma semaphore(%arg12 : memref<!tpu.dma_semaphore, #tpu.memory_space<semaphore_mem>>) src(%dma_wait3A_357 : memref<10000x128xf32, #tpu.memory_space<hbm>>) dst(%arg8 : memref<80x128xf32, #tpu.memory_space<vmem>>)
      %add3A_358 = arith.constant 1 : i32
      %add3A_359 = arith.addi %mul3A_317, %add3A_358 : i32
      "tpu.region"() ({
        %run_scoped3A_381 = tpu.sem_alloc : memref<!tpu.dma_semaphore, #tpu.memory_space<semaphore_mem>>
        %dma_start3A_382 = arith.constant 0 : i32
        %dma_start3A_383 = tpu.memref_slice %arg6[%add3A_359, %dma_start3A_382] : memref<32x80xi32, #tpu.memory_space<vmem>> -> memref<1x80xi32, #tpu.memory_space<vmem>>
        %dma_start3A_384 = tpu.memref_squeeze %dma_start3A_383 : memref<1x80xi32, #tpu.memory_space<vmem>> -> memref<80xi32, #tpu.memory_space<vmem>>
        %dma_start3A_385 = arith.constant 0 : i32
        %dma_start3A_386 = arith.constant 0 : i32
        %dma_start3A_387 = tpu.memref_slice %arg10[%dma_start3A_385, %dma_start3A_386] : memref<10000x128xf32, #tpu.memory_space<vmem_shared>> -> memref<10000x128xf32, #tpu.memory_space<vmem_shared>>
        tpu.enqueue_indirect_dma source(%arg8 : memref<80x128xf32, #tpu.memory_space<vmem>>) target(%dma_start3A_387 : memref<10000x128xf32, #tpu.memory_space<vmem_shared>>) offsets(%dma_start3A_384 : memref<80xi32, #tpu.memory_space<vmem>>) semaphore(%run_scoped3A_381 : memref<!tpu.dma_semaphore, #tpu.memory_space<semaphore_mem>>) {add = true}
        %dma_wait3A_388 = arith.constant 0 : i32
        %dma_wait3A_389 = tpu.memref_slice %arg6[%add3A_359, %dma_wait3A_388] : memref<32x80xi32, #tpu.memory_space<vmem>> -> memref<1x80xi32, #tpu.memory_space<vmem>>
        %dma_wait3A_390 = tpu.memref_squeeze %dma_wait3A_389 : memref<1x80xi32, #tpu.memory_space<vmem>> -> memref<80xi32, #tpu.memory_space<vmem>>
        %dma_wait3A_391 = arith.constant 0 : i32
        %dma_wait3A_392 = arith.constant 0 : i32
        %dma_wait3A_393 = tpu.memref_slice %arg10[%dma_wait3A_391, %dma_wait3A_392] : memref<10000x128xf32, #tpu.memory_space<vmem_shared>> -> memref<10000x128xf32, #tpu.memory_space<vmem_shared>>
        tpu.wait_indirect_dma semaphore(%run_scoped3A_381 : memref<!tpu.dma_semaphore, #tpu.memory_space<semaphore_mem>>) src(%arg8 : memref<80x128xf32, #tpu.memory_space<vmem>>) dst(%dma_wait3A_393 : memref<10000x128xf32, #tpu.memory_space<vmem_shared>>)
        tpu.yield
      }) : () -> ()
      %add3A_360 = arith.constant 2 : i32
      %add3A_361 = arith.addi %mul3A_317, %add3A_360 : i32
      %add3A_362 = arith.constant 3 : i32
      %add3A_363 = arith.addi %add3A_361, %add3A_362 : i32
      %sub3A_364 = arith.constant 1 : i32
      %sub3A_365 = arith.subi %add3A_363, %sub3A_364 : i32
      %dma_start3A_366 = arith.constant 0 : i32
      %dma_start3A_367 = tpu.memref_slice %arg5[%sub3A_365, %dma_start3A_366] : memref<32x80xi32, #tpu.memory_space<vmem>> -> memref<1x80xi32, #tpu.memory_space<vmem>>
      %dma_start3A_368 = tpu.memref_squeeze %dma_start3A_367 : memref<1x80xi32, #tpu.memory_space<vmem>> -> memref<80xi32, #tpu.memory_space<vmem>>
      %dma_start3A_369 = arith.constant 0 : i32
      %dma_start3A_370 = arith.constant 0 : i32
      %dma_start3A_371 = tpu.memref_slice %arg2[%dma_start3A_369, %dma_start3A_370] : memref<10000x128xf32, #tpu.memory_space<hbm>> -> memref<10000x128xf32, #tpu.memory_space<hbm>>
      tpu.enqueue_indirect_dma source(%dma_start3A_371 : memref<10000x128xf32, #tpu.memory_space<hbm>>) target(%arg8 : memref<80x128xf32, #tpu.memory_space<vmem>>) offsets(%dma_start3A_368 : memref<80xi32, #tpu.memory_space<vmem>>) semaphore(%arg12 : memref<!tpu.dma_semaphore, #tpu.memory_space<semaphore_mem>>)
      %dma_wait3A_372 = arith.constant 0 : i32
      %dma_wait3A_373 = arith.constant 0 : i32
      %dma_wait3A_374 = tpu.memref_slice %arg5[%dma_wait3A_372, %dma_wait3A_373] : memref<32x80xi32, #tpu.memory_space<vmem>> -> memref<1x80xi32, #tpu.memory_space<vmem>>
      %dma_wait3A_375 = tpu.memref_squeeze %dma_wait3A_374 : memref<1x80xi32, #tpu.memory_space<vmem>> -> memref<80xi32, #tpu.memory_space<vmem>>
      %dma_wait3A_376 = arith.constant 0 : i32
      %dma_wait3A_377 = arith.constant 0 : i32
      %dma_wait3A_378 = tpu.memref_slice %arg2[%dma_wait3A_376, %dma_wait3A_377] : memref<10000x128xf32, #tpu.memory_space<hbm>> -> memref<10000x128xf32, #tpu.memory_space<hbm>>
      tpu.wait_indirect_dma semaphore(%arg13 : memref<!tpu.dma_semaphore, #tpu.memory_space<semaphore_mem>>) src(%dma_wait3A_378 : memref<10000x128xf32, #tpu.memory_space<hbm>>) dst(%arg9 : memref<80x128xf32, #tpu.memory_space<vmem>>)
      %add3A_379 = arith.constant 2 : i32
      %add3A_380 = arith.addi %mul3A_317, %add3A_379 : i32
      "tpu.region"() ({
        %run_scoped3A_381 = tpu.sem_alloc : memref<!tpu.dma_semaphore, #tpu.memory_space<semaphore_mem>>
        %dma_start3A_382 = arith.constant 0 : i32
        %dma_start3A_383 = tpu.memref_slice %arg6[%add3A_380, %dma_start3A_382] : memref<32x80xi32, #tpu.memory_space<vmem>> -> memref<1x80xi32, #tpu.memory_space<vmem>>
        %dma_start3A_384 = tpu.memref_squeeze %dma_start3A_383 : memref<1x80xi32, #tpu.memory_space<vmem>> -> memref<80xi32, #tpu.memory_space<vmem>>
        %dma_start3A_385 = arith.constant 0 : i32
        %dma_start3A_386 = arith.constant 0 : i32
        %dma_start3A_387 = tpu.memref_slice %arg10[%dma_start3A_385, %dma_start3A_386] : memref<10000x128xf32, #tpu.memory_space<vmem_shared>> -> memref<10000x128xf32, #tpu.memory_space<vmem_shared>>
        tpu.enqueue_indirect_dma source(%arg9 : memref<80x128xf32, #tpu.memory_space<vmem>>) target(%dma_start3A_387 : memref<10000x128xf32, #tpu.memory_space<vmem_shared>>) offsets(%dma_start3A_384 : memref<80xi32, #tpu.memory_space<vmem>>) semaphore(%run_scoped3A_381 : memref<!tpu.dma_semaphore, #tpu.memory_space<semaphore_mem>>) {add = true}
        %dma_wait3A_388 = arith.constant 0 : i32
        %dma_wait3A_389 = tpu.memref_slice %arg6[%add3A_380, %dma_wait3A_388] : memref<32x80xi32, #tpu.memory_space<vmem>> -> memref<1x80xi32, #tpu.memory_space<vmem>>
        %dma_wait3A_390 = tpu.memref_squeeze %dma_wait3A_389 : memref<1x80xi32, #tpu.memory_space<vmem>> -> memref<80xi32, #tpu.memory_space<vmem>>
        %dma_wait3A_391 = arith.constant 0 : i32
        %dma_wait3A_392 = arith.constant 0 : i32
        %dma_wait3A_393 = tpu.memref_slice %arg10[%dma_wait3A_391, %dma_wait3A_392] : memref<10000x128xf32, #tpu.memory_space<vmem_shared>> -> memref<10000x128xf32, #tpu.memory_space<vmem_shared>>
        tpu.wait_indirect_dma semaphore(%run_scoped3A_381 : memref<!tpu.dma_semaphore, #tpu.memory_space<semaphore_mem>>) src(%arg9 : memref<80x128xf32, #tpu.memory_space<vmem>>) dst(%dma_wait3A_393 : memref<10000x128xf32, #tpu.memory_space<vmem_shared>>)
        tpu.yield
      }) : () -> ()
    }
    %scan3A_284 = arith.constant 9 : i32
    %dma_wait3A_285 = arith.constant 0 : i32
    %dma_wait3A_286 = arith.constant 0 : i32
    %dma_wait3A_287 = tpu.memref_slice %arg5[%dma_wait3A_285, %dma_wait3A_286] : memref<32x80xi32, #tpu.memory_space<vmem>> -> memref<1x80xi32, #tpu.memory_space<vmem>>
    %dma_wait3A_288 = tpu.memref_squeeze %dma_wait3A_287 : memref<1x80xi32, #tpu.memory_space<vmem>> -> memref<80xi32, #tpu.memory_space<vmem>>
    %dma_wait3A_289 = arith.constant 0 : i32
    %dma_wait3A_290 = arith.constant 0 : i32
    %dma_wait3A_291 = tpu.memref_slice %arg2[%dma_wait3A_289, %dma_wait3A_290] : memref<10000x128xf32, #tpu.memory_space<hbm>> -> memref<10000x128xf32, #tpu.memory_space<hbm>>
    tpu.wait_indirect_dma semaphore(%arg11 : memref<!tpu.dma_semaphore, #tpu.memory_space<semaphore_mem>>) src(%dma_wait3A_291 : memref<10000x128xf32, #tpu.memory_space<hbm>>) dst(%arg7 : memref<80x128xf32, #tpu.memory_space<vmem>>)
    %run_scoped3A_292 = arith.constant 27 : i32
    "tpu.region"() ({
      %run_scoped3A_311 = tpu.sem_alloc : memref<!tpu.dma_semaphore, #tpu.memory_space<semaphore_mem>>
      %dma_start3A_312 = arith.constant 0 : i32
      %dma_start3A_313 = tpu.memref_slice %arg6[%run_scoped3A_292, %dma_start3A_312] : memref<32x80xi32, #tpu.memory_space<vmem>> -> memref<1x80xi32, #tpu.memory_space<vmem>>
      %dma_start3A_314 = tpu.memref_squeeze %dma_start3A_313 : memref<1x80xi32, #tpu.memory_space<vmem>> -> memref<80xi32, #tpu.memory_space<vmem>>
      %dma_start3A_315 = arith.constant 0 : i32
      %dma_start3A_316 = arith.constant 0 : i32
      %dma_start3A_317 = tpu.memref_slice %arg10[%dma_start3A_315, %dma_start3A_316] : memref<10000x128xf32, #tpu.memory_space<vmem_shared>> -> memref<10000x128xf32, #tpu.memory_space<vmem_shared>>
      tpu.enqueue_indirect_dma source(%arg7 : memref<80x128xf32, #tpu.memory_space<vmem>>) target(%dma_start3A_317 : memref<10000x128xf32, #tpu.memory_space<vmem_shared>>) offsets(%dma_start3A_314 : memref<80xi32, #tpu.memory_space<vmem>>) semaphore(%run_scoped3A_311 : memref<!tpu.dma_semaphore, #tpu.memory_space<semaphore_mem>>) {add = true}
      %dma_wait3A_318 = arith.constant 0 : i32
      %dma_wait3A_319 = tpu.memref_slice %arg6[%run_scoped3A_292, %dma_wait3A_318] : memref<32x80xi32, #tpu.memory_space<vmem>> -> memref<1x80xi32, #tpu.memory_space<vmem>>
      %dma_wait3A_320 = tpu.memref_squeeze %dma_wait3A_319 : memref<1x80xi32, #tpu.memory_space<vmem>> -> memref<80xi32, #tpu.memory_space<vmem>>
      %dma_wait3A_321 = arith.constant 0 : i32
      %dma_wait3A_322 = arith.constant 0 : i32
      %dma_wait3A_323 = tpu.memref_slice %arg10[%dma_wait3A_321, %dma_wait3A_322] : memref<10000x128xf32, #tpu.memory_space<vmem_shared>> -> memref<10000x128xf32, #tpu.memory_space<vmem_shared>>
      tpu.wait_indirect_dma semaphore(%run_scoped3A_311 : memref<!tpu.dma_semaphore, #tpu.memory_space<semaphore_mem>>) src(%arg7 : memref<80x128xf32, #tpu.memory_space<vmem>>) dst(%dma_wait3A_323 : memref<10000x128xf32, #tpu.memory_space<vmem_shared>>)
      tpu.yield
    }) : () -> ()
    %dma_wait3A_293 = arith.constant 0 : i32
    %dma_wait3A_294 = arith.constant 0 : i32
    %dma_wait3A_295 = tpu.memref_slice %arg5[%dma_wait3A_293, %dma_wait3A_294] : memref<32x80xi32, #tpu.memory_space<vmem>> -> memref<1x80xi32, #tpu.memory_space<vmem>>
    %dma_wait3A_296 = tpu.memref_squeeze %dma_wait3A_295 : memref<1x80xi32, #tpu.memory_space<vmem>> -> memref<80xi32, #tpu.memory_space<vmem>>
    %dma_wait3A_297 = arith.constant 0 : i32
    %dma_wait3A_298 = arith.constant 0 : i32
    %dma_wait3A_299 = tpu.memref_slice %arg2[%dma_wait3A_297, %dma_wait3A_298] : memref<10000x128xf32, #tpu.memory_space<hbm>> -> memref<10000x128xf32, #tpu.memory_space<hbm>>
    tpu.wait_indirect_dma semaphore(%arg12 : memref<!tpu.dma_semaphore, #tpu.memory_space<semaphore_mem>>) src(%dma_wait3A_299 : memref<10000x128xf32, #tpu.memory_space<hbm>>) dst(%arg8 : memref<80x128xf32, #tpu.memory_space<vmem>>)
    %run_scoped3A_300 = arith.constant 28 : i32
    "tpu.region"() ({
      %run_scoped3A_311 = tpu.sem_alloc : memref<!tpu.dma_semaphore, #tpu.memory_space<semaphore_mem>>
      %dma_start3A_312 = arith.constant 0 : i32
      %dma_start3A_313 = tpu.memref_slice %arg6[%run_scoped3A_300, %dma_start3A_312] : memref<32x80xi32, #tpu.memory_space<vmem>> -> memref<1x80xi32, #tpu.memory_space<vmem>>
      %dma_start3A_314 = tpu.memref_squeeze %dma_start3A_313 : memref<1x80xi32, #tpu.memory_space<vmem>> -> memref<80xi32, #tpu.memory_space<vmem>>
      %dma_start3A_315 = arith.constant 0 : i32
      %dma_start3A_316 = arith.constant 0 : i32
      %dma_start3A_317 = tpu.memref_slice %arg10[%dma_start3A_315, %dma_start3A_316] : memref<10000x128xf32, #tpu.memory_space<vmem_shared>> -> memref<10000x128xf32, #tpu.memory_space<vmem_shared>>
      tpu.enqueue_indirect_dma source(%arg8 : memref<80x128xf32, #tpu.memory_space<vmem>>) target(%dma_start3A_317 : memref<10000x128xf32, #tpu.memory_space<vmem_shared>>) offsets(%dma_start3A_314 : memref<80xi32, #tpu.memory_space<vmem>>) semaphore(%run_scoped3A_311 : memref<!tpu.dma_semaphore, #tpu.memory_space<semaphore_mem>>) {add = true}
      %dma_wait3A_318 = arith.constant 0 : i32
      %dma_wait3A_319 = tpu.memref_slice %arg6[%run_scoped3A_300, %dma_wait3A_318] : memref<32x80xi32, #tpu.memory_space<vmem>> -> memref<1x80xi32, #tpu.memory_space<vmem>>
      %dma_wait3A_320 = tpu.memref_squeeze %dma_wait3A_319 : memref<1x80xi32, #tpu.memory_space<vmem>> -> memref<80xi32, #tpu.memory_space<vmem>>
      %dma_wait3A_321 = arith.constant 0 : i32
      %dma_wait3A_322 = arith.constant 0 : i32
      %dma_wait3A_323 = tpu.memref_slice %arg10[%dma_wait3A_321, %dma_wait3A_322] : memref<10000x128xf32, #tpu.memory_space<vmem_shared>> -> memref<10000x128xf32, #tpu.memory_space<vmem_shared>>
      tpu.wait_indirect_dma semaphore(%run_scoped3A_311 : memref<!tpu.dma_semaphore, #tpu.memory_space<semaphore_mem>>) src(%arg8 : memref<80x128xf32, #tpu.memory_space<vmem>>) dst(%dma_wait3A_323 : memref<10000x128xf32, #tpu.memory_space<vmem_shared>>)
      tpu.yield
    }) : () -> ()
    %barrier3A_301 = arith.constant 0 : index
    tpu.barrier barrier_id(%barrier3A_301)
    %mul3A_302 = arith.constant 624 : i32
    %mul3A_303 = arith.muli %arg1, %mul3A_302 : i32
    %mul3A_304 = arith.constant 624 : i32
    %mul3A_305 = arith.muli %arg1, %mul3A_304 : i32
    "tpu.region"() ({
      %run_scoped3A_311 = tpu.sem_alloc : memref<!tpu.dma_semaphore, #tpu.memory_space<semaphore_mem>>
      %dma_start3A_312 = arith.constant 0 : i32
      %dma_start3A_313 = arith.constant 0 : i32
      %dma_start3A_314 = tpu.memref_slice %arg4[%arg0, %dma_start3A_312, %dma_start3A_313] : memref<2x10000x128xf32, #tpu.memory_space<hbm>> -> memref<1x10000x128xf32, #tpu.memory_space<hbm>>
      %dma_start3A_315 = tpu.memref_squeeze %dma_start3A_314 : memref<1x10000x128xf32, #tpu.memory_space<hbm>> -> memref<10000x128xf32, #tpu.memory_space<hbm>>
      %dma_start3A_316 = arith.constant 0 : i32
      %dma_start3A_317 = tpu.memref_slice %dma_start3A_315[%mul3A_305, %dma_start3A_316] : memref<10000x128xf32, #tpu.memory_space<hbm>> -> memref<624x128xf32, #tpu.memory_space<hbm>>
      %dma_start3A_318 = arith.constant 0 : i32
      %dma_start3A_319 = tpu.memref_slice %arg10[%mul3A_303, %dma_start3A_318] : memref<10000x128xf32, #tpu.memory_space<vmem_shared>> -> memref<624x128xf32, #tpu.memory_space<vmem_shared>>
      tpu.enqueue_dma source(%dma_start3A_319 : memref<624x128xf32, #tpu.memory_space<vmem_shared>>) target(%dma_start3A_317 : memref<624x128xf32, #tpu.memory_space<hbm>>) target_semaphore(%run_scoped3A_311 : memref<!tpu.dma_semaphore, #tpu.memory_space<semaphore_mem>>)
      %dma_wait3A_320 = arith.constant 0 : i32
      %dma_wait3A_321 = arith.constant 0 : i32
      %dma_wait3A_322 = tpu.memref_slice %arg4[%arg0, %dma_wait3A_320, %dma_wait3A_321] : memref<2x10000x128xf32, #tpu.memory_space<hbm>> -> memref<1x10000x128xf32, #tpu.memory_space<hbm>>
      %dma_wait3A_323 = tpu.memref_squeeze %dma_wait3A_322 : memref<1x10000x128xf32, #tpu.memory_space<hbm>> -> memref<10000x128xf32, #tpu.memory_space<hbm>>
      %dma_wait3A_324 = arith.constant 0 : i32
      %dma_wait3A_325 = tpu.memref_slice %dma_wait3A_323[%mul3A_305, %dma_wait3A_324] : memref<10000x128xf32, #tpu.memory_space<hbm>> -> memref<624x128xf32, #tpu.memory_space<hbm>>
      %dma_wait3A_326 = arith.constant 0 : i32
      %dma_wait3A_327 = tpu.memref_slice %arg10[%mul3A_303, %dma_wait3A_326] : memref<10000x128xf32, #tpu.memory_space<vmem_shared>> -> memref<624x128xf32, #tpu.memory_space<vmem_shared>>
      tpu.wait_dma2 semaphore(%run_scoped3A_311 : memref<!tpu.dma_semaphore, #tpu.memory_space<semaphore_mem>>) src(%dma_wait3A_327 : memref<624x128xf32, #tpu.memory_space<vmem_shared>>) dst(%dma_wait3A_325 : memref<624x128xf32, #tpu.memory_space<hbm>>)
      tpu.yield
    }) : () -> ()
    %eq3A_306 = arith.constant 15 : i32
    %eq3A_307 = arith.cmpi eq, %arg1, %eq3A_306 : i32
    %convert_element_type3A_308 = arith.extui %eq3A_307 : i1 to i32
    %cond3A_309 = arith.constant 0 : i32
    %cond3A_310 = arith.cmpi ne, %convert_element_type3A_308, %cond3A_309 : i32
    scf.if %cond3A_310 {
      "tpu.region"() ({
        %run_scoped3A_311 = tpu.sem_alloc : memref<!tpu.dma_semaphore, #tpu.memory_space<semaphore_mem>>
        %dma_start3A_312 = arith.constant 0 : i32
        %dma_start3A_313 = arith.constant 0 : i32
        %dma_start3A_314 = tpu.memref_slice %arg4[%arg0, %dma_start3A_312, %dma_start3A_313] : memref<2x10000x128xf32, #tpu.memory_space<hbm>> -> memref<1x10000x128xf32, #tpu.memory_space<hbm>>
        %dma_start3A_315 = tpu.memref_squeeze %dma_start3A_314 : memref<1x10000x128xf32, #tpu.memory_space<hbm>> -> memref<10000x128xf32, #tpu.memory_space<hbm>>
        %dma_start3A_316 = arith.constant 9984 : i32
        %dma_start3A_317 = arith.constant 0 : i32
        %dma_start3A_318 = tpu.memref_slice %dma_start3A_315[%dma_start3A_316, %dma_start3A_317] : memref<10000x128xf32, #tpu.memory_space<hbm>> -> memref<16x128xf32, #tpu.memory_space<hbm>>
        %dma_start3A_319 = arith.constant 9984 : i32
        %dma_start3A_320 = arith.constant 0 : i32
        %dma_start3A_321 = tpu.memref_slice %arg10[%dma_start3A_319, %dma_start3A_320] : memref<10000x128xf32, #tpu.memory_space<vmem_shared>> -> memref<16x128xf32, #tpu.memory_space<vmem_shared>>
        tpu.enqueue_dma source(%dma_start3A_321 : memref<16x128xf32, #tpu.memory_space<vmem_shared>>) target(%dma_start3A_318 : memref<16x128xf32, #tpu.memory_space<hbm>>) target_semaphore(%run_scoped3A_311 : memref<!tpu.dma_semaphore, #tpu.memory_space<semaphore_mem>>)
        %dma_wait3A_322 = arith.constant 0 : i32
        %dma_wait3A_323 = arith.constant 0 : i32
        %dma_wait3A_324 = tpu.memref_slice %arg4[%arg0, %dma_wait3A_322, %dma_wait3A_323] : memref<2x10000x128xf32, #tpu.memory_space<hbm>> -> memref<1x10000x128xf32, #tpu.memory_space<hbm>>
        %dma_wait3A_325 = tpu.memref_squeeze %dma_wait3A_324 : memref<1x10000x128xf32, #tpu.memory_space<hbm>> -> memref<10000x128xf32, #tpu.memory_space<hbm>>
        %dma_wait3A_326 = arith.constant 9984 : i32
        %dma_wait3A_327 = arith.constant 0 : i32
        %dma_wait3A_328 = tpu.memref_slice %dma_wait3A_325[%dma_wait3A_326, %dma_wait3A_327] : memref<10000x128xf32, #tpu.memory_space<hbm>> -> memref<16x128xf32, #tpu.memory_space<hbm>>
        %dma_wait3A_329 = arith.constant 9984 : i32
        %dma_wait3A_330 = arith.constant 0 : i32
        %dma_wait3A_331 = tpu.memref_slice %arg10[%dma_wait3A_329, %dma_wait3A_330] : memref<10000x128xf32, #tpu.memory_space<vmem_shared>> -> memref<16x128xf32, #tpu.memory_space<vmem_shared>>
        tpu.wait_dma2 semaphore(%run_scoped3A_311 : memref<!tpu.dma_semaphore, #tpu.memory_space<semaphore_mem>>) src(%dma_wait3A_331 : memref<16x128xf32, #tpu.memory_space<vmem_shared>>) dst(%dma_wait3A_328 : memref<16x128xf32, #tpu.memory_space<hbm>>)
        tpu.yield
      }) : () -> ()
    } else {
    }
    return
  }
}

module attributes {stable_mosaic.version = 14 : i64} {
  func.func @body(%arg0: memref<10000x128xf32, #tpu.memory_space<vmem>>, %arg1: memref<2x10000x128xf32, #tpu.memory_space<vmem>>, %arg2: memref<128x128xf32, #tpu.memory_space<vmem>>, %arg3: memref<1x128xf32, #tpu.memory_space<vmem>>, %arg4: memref<1x128xf32, #tpu.memory_space<vmem>>, %arg5: memref<1x128xf32, #tpu.memory_space<vmem>>, %arg6: memref<128x128xf32, #tpu.memory_space<vmem>>, %arg7: memref<1x128xf32, #tpu.memory_space<vmem>>, %arg8: memref<1x128xf32, #tpu.memory_space<vmem>>, %arg9: memref<1x128xf32, #tpu.memory_space<vmem>>, %arg10: memref<1x10000xi32, #tpu.memory_space<vmem>>, %arg11: memref<128x64xf32, #tpu.memory_space<vmem>>, %arg12: memref<1x64xf32, #tpu.memory_space<vmem>>, %arg13: memref<64x64xf32, #tpu.memory_space<vmem>>) attributes {dimension_semantics = [], scalar_prefetch = 0 : i64, scratch_operands = 0 : i64, tpu.core_type = #tpu.core_type<tc>} {
    %get3A = arith.constant 0 : index
    %get3A_0 = arith.constant 0 : index
    %get3A_1 = vector.load %arg0[%get3A, %get3A_0] : memref<10000x128xf32, #tpu.memory_space<vmem>>, vector<10000x128xf32>
    %get3A_2 = arith.constant 0 : index
    %get3A_3 = arith.constant 0 : index
    %get3A_4 = arith.constant 0 : index
    %get3A_5 = vector.load %arg1[%get3A_2, %get3A_3, %get3A_4] : memref<2x10000x128xf32, #tpu.memory_space<vmem>>, vector<1x10000x128xf32>
    %get3A_6 = vector.shape_cast %get3A_5 : vector<1x10000x128xf32> to vector<10000x128xf32>
    %add3A = arith.addf %get3A_1, %get3A_6 : vector<10000x128xf32>
    %get3A_7 = arith.constant 1 : index
    %get3A_8 = arith.constant 0 : index
    %get3A_9 = arith.constant 0 : index
    %get3A_10 = vector.load %arg1[%get3A_7, %get3A_8, %get3A_9] : memref<2x10000x128xf32, #tpu.memory_space<vmem>>, vector<1x10000x128xf32>
    %get3A_11 = vector.shape_cast %get3A_10 : vector<1x10000x128xf32> to vector<10000x128xf32>
    %add3A_12 = arith.addf %add3A, %get3A_11 : vector<10000x128xf32>
    %get3A_13 = arith.constant 0 : index
    %get3A_14 = arith.constant 0 : index
    %get3A_15 = vector.load %arg2[%get3A_13, %get3A_14] : memref<128x128xf32, #tpu.memory_space<vmem>>, vector<128x128xf32>
    %convert_element_type3A = arith.truncf %add3A_12 : vector<10000x128xf32> to vector<10000x128xbf16>
    %convert_element_type3A_16 = arith.truncf %get3A_15 : vector<128x128xf32> to vector<128x128xbf16>
    %dot_general3A = arith.constant dense<0.000000e+00> : vector<10000x128xf32>
    %dot_general3A_17 = tpu.matmul %convert_element_type3A, %convert_element_type3A_16, %dot_general3A {dimension_numbers = #tpu.dot_dimension_numbers<[1], [0], [0], [1], [0, 0, 1, 1], [], []>, transpose_lhs_hint = false} : vector<10000x128xbf16>, vector<128x128xbf16>, vector<10000x128xf32> -> vector<10000x128xf32>
    %get3A_18 = arith.constant 0 : index
    %get3A_19 = arith.constant 0 : index
    %get3A_20 = vector.load %arg3[%get3A_18, %get3A_19] : memref<1x128xf32, #tpu.memory_space<vmem>>, vector<1x128xf32>
    %add3A_21 = vector.broadcast %get3A_20 : vector<1x128xf32> to vector<10000x128xf32>
    %add3A_22 = arith.addf %dot_general3A_17, %add3A_21 : vector<10000x128xf32>
    %get3A_23 = arith.constant 0 : index
    %get3A_24 = arith.constant 0 : index
    %get3A_25 = vector.load %arg4[%get3A_23, %get3A_24] : memref<1x128xf32, #tpu.memory_space<vmem>>, vector<1x128xf32>
    %get3A_26 = arith.constant 0 : index
    %get3A_27 = arith.constant 0 : index
    %get3A_28 = vector.load %arg5[%get3A_26, %get3A_27] : memref<1x128xf32, #tpu.memory_space<vmem>>, vector<1x128xf32>
    %reduce_sum3A = arith.constant dense<0.000000e+00> : vector<128xf32>
    %reduce_sum3A_29 = vector.multi_reduction <add>, %add3A_22, %reduce_sum3A [0] : vector<10000x128xf32> to vector<128xf32>
    %broadcast_in_dim3A = vector.shape_cast %reduce_sum3A_29 : vector<128xf32> to vector<1x128xf32>
    %div3A = arith.constant 1.000000e+04 : f32
    %div3A_30 = vector.broadcast %div3A : f32 to vector<1x128xf32>
    %div3A_31 = arith.divf %broadcast_in_dim3A, %div3A_30 : vector<1x128xf32>
    %sub3A = vector.broadcast %div3A_31 : vector<1x128xf32> to vector<10000x128xf32>
    %sub3A_32 = arith.subf %add3A_22, %sub3A : vector<10000x128xf32>
    %mul3A = arith.mulf %sub3A_32, %sub3A_32 : vector<10000x128xf32>
    %reduce_sum3A_33 = arith.constant dense<0.000000e+00> : vector<128xf32>
    %reduce_sum3A_34 = vector.multi_reduction <add>, %mul3A, %reduce_sum3A_33 [0] : vector<10000x128xf32> to vector<128xf32>
    %broadcast_in_dim3A_35 = vector.shape_cast %reduce_sum3A_34 : vector<128xf32> to vector<1x128xf32>
    %div3A_36 = arith.constant 1.000000e+04 : f32
    %div3A_37 = vector.broadcast %div3A_36 : f32 to vector<1x128xf32>
    %div3A_38 = arith.divf %broadcast_in_dim3A_35, %div3A_37 : vector<1x128xf32>
    %add3A_39 = arith.constant 9.99999974E-6 : f32
    %add3A_40 = vector.broadcast %add3A_39 : f32 to vector<1x128xf32>
    %add3A_41 = arith.addf %div3A_38, %add3A_40 : vector<1x128xf32>
    %rsqrt3A = math.rsqrt %add3A_41 : vector<1x128xf32>
    %mul3A_42 = vector.broadcast %rsqrt3A : vector<1x128xf32> to vector<10000x128xf32>
    %mul3A_43 = arith.mulf %sub3A_32, %mul3A_42 : vector<10000x128xf32>
    %mul3A_44 = vector.broadcast %get3A_25 : vector<1x128xf32> to vector<10000x128xf32>
    %mul3A_45 = arith.mulf %mul3A_43, %mul3A_44 : vector<10000x128xf32>
    %add3A_46 = vector.broadcast %get3A_28 : vector<1x128xf32> to vector<10000x128xf32>
    %add3A_47 = arith.addf %mul3A_45, %add3A_46 : vector<10000x128xf32>
    %max3A = arith.constant 0.000000e+00 : f32
    %max3A_48 = vector.broadcast %max3A : f32 to vector<10000x128xf32>
    %max3A_49 = arith.maximumf %add3A_47, %max3A_48 : vector<10000x128xf32>
    %get3A_50 = arith.constant 0 : index
    %get3A_51 = arith.constant 0 : index
    %get3A_52 = vector.load %arg6[%get3A_50, %get3A_51] : memref<128x128xf32, #tpu.memory_space<vmem>>, vector<128x128xf32>
    %convert_element_type3A_53 = arith.truncf %max3A_49 : vector<10000x128xf32> to vector<10000x128xbf16>
    %convert_element_type3A_54 = arith.truncf %get3A_52 : vector<128x128xf32> to vector<128x128xbf16>
    %dot_general3A_55 = arith.constant dense<0.000000e+00> : vector<10000x128xf32>
    %dot_general3A_56 = tpu.matmul %convert_element_type3A_53, %convert_element_type3A_54, %dot_general3A_55 {dimension_numbers = #tpu.dot_dimension_numbers<[1], [0], [0], [1], [0, 0, 1, 1], [], []>, transpose_lhs_hint = false} : vector<10000x128xbf16>, vector<128x128xbf16>, vector<10000x128xf32> -> vector<10000x128xf32>
    %get3A_57 = arith.constant 0 : index
    %get3A_58 = arith.constant 0 : index
    %get3A_59 = vector.load %arg7[%get3A_57, %get3A_58] : memref<1x128xf32, #tpu.memory_space<vmem>>, vector<1x128xf32>
    %add3A_60 = vector.broadcast %get3A_59 : vector<1x128xf32> to vector<10000x128xf32>
    %add3A_61 = arith.addf %dot_general3A_56, %add3A_60 : vector<10000x128xf32>
    %get3A_62 = arith.constant 0 : index
    %get3A_63 = arith.constant 0 : index
    %get3A_64 = vector.load %arg8[%get3A_62, %get3A_63] : memref<1x128xf32, #tpu.memory_space<vmem>>, vector<1x128xf32>
    %get3A_65 = arith.constant 0 : index
    %get3A_66 = arith.constant 0 : index
    %get3A_67 = vector.load %arg9[%get3A_65, %get3A_66] : memref<1x128xf32, #tpu.memory_space<vmem>>, vector<1x128xf32>
    %reduce_sum3A_68 = arith.constant dense<0.000000e+00> : vector<128xf32>
    %reduce_sum3A_69 = vector.multi_reduction <add>, %add3A_61, %reduce_sum3A_68 [0] : vector<10000x128xf32> to vector<128xf32>
    %broadcast_in_dim3A_70 = vector.shape_cast %reduce_sum3A_69 : vector<128xf32> to vector<1x128xf32>
    %div3A_71 = arith.constant 1.000000e+04 : f32
    %div3A_72 = vector.broadcast %div3A_71 : f32 to vector<1x128xf32>
    %div3A_73 = arith.divf %broadcast_in_dim3A_70, %div3A_72 : vector<1x128xf32>
    %sub3A_74 = vector.broadcast %div3A_73 : vector<1x128xf32> to vector<10000x128xf32>
    %sub3A_75 = arith.subf %add3A_61, %sub3A_74 : vector<10000x128xf32>
    %mul3A_76 = arith.mulf %sub3A_75, %sub3A_75 : vector<10000x128xf32>
    %reduce_sum3A_77 = arith.constant dense<0.000000e+00> : vector<128xf32>
    %reduce_sum3A_78 = vector.multi_reduction <add>, %mul3A_76, %reduce_sum3A_77 [0] : vector<10000x128xf32> to vector<128xf32>
    %broadcast_in_dim3A_79 = vector.shape_cast %reduce_sum3A_78 : vector<128xf32> to vector<1x128xf32>
    %div3A_80 = arith.constant 1.000000e+04 : f32
    %div3A_81 = vector.broadcast %div3A_80 : f32 to vector<1x128xf32>
    %div3A_82 = arith.divf %broadcast_in_dim3A_79, %div3A_81 : vector<1x128xf32>
    %add3A_83 = arith.constant 9.99999974E-6 : f32
    %add3A_84 = vector.broadcast %add3A_83 : f32 to vector<1x128xf32>
    %add3A_85 = arith.addf %div3A_82, %add3A_84 : vector<1x128xf32>
    %rsqrt3A_86 = math.rsqrt %add3A_85 : vector<1x128xf32>
    %mul3A_87 = vector.broadcast %rsqrt3A_86 : vector<1x128xf32> to vector<10000x128xf32>
    %mul3A_88 = arith.mulf %sub3A_75, %mul3A_87 : vector<10000x128xf32>
    %mul3A_89 = vector.broadcast %get3A_64 : vector<1x128xf32> to vector<10000x128xf32>
    %mul3A_90 = arith.mulf %mul3A_88, %mul3A_89 : vector<10000x128xf32>
    %add3A_91 = vector.broadcast %get3A_67 : vector<1x128xf32> to vector<10000x128xf32>
    %add3A_92 = arith.addf %mul3A_90, %add3A_91 : vector<10000x128xf32>
    %max3A_93 = arith.constant 0.000000e+00 : f32
    %max3A_94 = vector.broadcast %max3A_93 : f32 to vector<10000x128xf32>
    %max3A_95 = arith.maximumf %add3A_92, %max3A_94 : vector<10000x128xf32>
    %iota3A = tpu.iota {dimensions = array<i32: 0>} : vector<64x10000xi32>
    %get3A_96 = arith.constant 0 : index
    %get3A_97 = arith.constant 0 : index
    %get3A_98 = vector.load %arg10[%get3A_96, %get3A_97] : memref<1x10000xi32, #tpu.memory_space<vmem>>, vector<1x10000xi32>
    %eq3A = vector.broadcast %get3A_98 : vector<1x10000xi32> to vector<64x10000xi32>
    %eq3A_99 = arith.cmpi eq, %eq3A, %iota3A : vector<64x10000xi32>
    %convert_element_type3A_100 = arith.extui %eq3A_99 : vector<64x10000xi1> to vector<64x10000xi32>
    %convert_element_type3A_101 = arith.sitofp %convert_element_type3A_100 : vector<64x10000xi32> to vector<64x10000xf32>
    %convert_element_type3A_102 = arith.truncf %convert_element_type3A_101 : vector<64x10000xf32> to vector<64x10000xbf16>
    %convert_element_type3A_103 = arith.truncf %max3A_95 : vector<10000x128xf32> to vector<10000x128xbf16>
    %dot_general3A_104 = arith.constant dense<0.000000e+00> : vector<64x128xf32>
    %dot_general3A_105 = tpu.matmul %convert_element_type3A_102, %convert_element_type3A_103, %dot_general3A_104 {dimension_numbers = #tpu.dot_dimension_numbers<[1], [0], [0], [1], [0, 0, 1, 1], [], []>, transpose_lhs_hint = false} : vector<64x10000xbf16>, vector<10000x128xbf16>, vector<64x128xf32> -> vector<64x128xf32>
    %reduce_sum3A_106 = arith.constant dense<0.000000e+00> : vector<64xf32>
    %reduce_sum3A_107 = vector.multi_reduction <add>, %convert_element_type3A_101, %reduce_sum3A_106 [1] : vector<64x10000xf32> to vector<64xf32>
    %broadcast_in_dim3A_108 = vector.shape_cast %reduce_sum3A_107 : vector<64xf32> to vector<64x1xf32>
    %max3A_109 = arith.constant 1.000000e+00 : f32
    %max3A_110 = vector.broadcast %max3A_109 : f32 to vector<64x1xf32>
    %max3A_111 = arith.maximumf %broadcast_in_dim3A_108, %max3A_110 : vector<64x1xf32>
    %div3A_112 = vector.broadcast %max3A_111 : vector<64x1xf32> to vector<64x128xf32>
    %div3A_113 = arith.divf %dot_general3A_105, %div3A_112 : vector<64x128xf32>
    %get3A_114 = arith.constant 0 : index
    %get3A_115 = arith.constant 0 : index
    %get3A_116 = vector.load %arg11[%get3A_114, %get3A_115] : memref<128x64xf32, #tpu.memory_space<vmem>>, vector<128x64xf32>
    %convert_element_type3A_117 = arith.truncf %div3A_113 : vector<64x128xf32> to vector<64x128xbf16>
    %convert_element_type3A_118 = arith.truncf %get3A_116 : vector<128x64xf32> to vector<128x64xbf16>
    %dot_general3A_119 = arith.constant dense<0.000000e+00> : vector<64x64xf32>
    %dot_general3A_120 = tpu.matmul %convert_element_type3A_117, %convert_element_type3A_118, %dot_general3A_119 {dimension_numbers = #tpu.dot_dimension_numbers<[1], [0], [0], [1], [0, 0, 1, 1], [], []>, transpose_lhs_hint = false} : vector<64x128xbf16>, vector<128x64xbf16>, vector<64x64xf32> -> vector<64x64xf32>
    %get3A_121 = arith.constant 0 : index
    %get3A_122 = arith.constant 0 : index
    %get3A_123 = vector.load %arg12[%get3A_121, %get3A_122] : memref<1x64xf32, #tpu.memory_space<vmem>>, vector<1x64xf32>
    %add3A_124 = vector.broadcast %get3A_123 : vector<1x64xf32> to vector<64x64xf32>
    %add3A_125 = arith.addf %dot_general3A_120, %add3A_124 : vector<64x64xf32>
    %reduce_max3A = arith.constant dense<0xFF800000> : vector<64xf32>
    %reduce_max3A_126 = vector.multi_reduction <maximumf>, %add3A_125, %reduce_max3A [1] : vector<64x64xf32> to vector<64xf32>
    %broadcast_in_dim3A_127 = vector.shape_cast %reduce_max3A_126 : vector<64xf32> to vector<64x1xf32>
    %sub3A_128 = vector.broadcast %broadcast_in_dim3A_127 : vector<64x1xf32> to vector<64x64xf32>
    %sub3A_129 = arith.subf %add3A_125, %sub3A_128 : vector<64x64xf32>
    %exp3A = math.exp %sub3A_129 : vector<64x64xf32>
    %reduce_sum3A_130 = arith.constant dense<0.000000e+00> : vector<64xf32>
    %reduce_sum3A_131 = vector.multi_reduction <add>, %exp3A, %reduce_sum3A_130 [1] : vector<64x64xf32> to vector<64xf32>
    %broadcast_in_dim3A_132 = vector.shape_cast %reduce_sum3A_131 : vector<64xf32> to vector<64x1xf32>
    %log3A = math.log %broadcast_in_dim3A_132 : vector<64x1xf32>
    %sub3A_133 = vector.broadcast %log3A : vector<64x1xf32> to vector<64x64xf32>
    %sub3A_134 = arith.subf %sub3A_129, %sub3A_133 : vector<64x64xf32>
    %swap3A = arith.constant 0 : index
    %swap3A_135 = arith.constant 0 : index
    %swap3A_136 = vector.load %arg13[%swap3A, %swap3A_135] : memref<64x64xf32, #tpu.memory_space<vmem>>, vector<64x64xf32>
    tpu.vector_store %arg13[%swap3A, %swap3A_135], %sub3A_134 {strides = array<i32>} : memref<64x64xf32, #tpu.memory_space<vmem>>, vector<64x64xf32>,
    return
  }
}

module attributes {stable_mosaic.version = 14 : i64} {
  func.func @body(%arg0: memref<10000x128xf32, #tpu.memory_space<vmem>>, %arg1: memref<2x10000x128xf32, #tpu.memory_space<vmem>>, %arg2: memref<128x128xf32, #tpu.memory_space<vmem>>, %arg3: memref<1x128xf32, #tpu.memory_space<vmem>>, %arg4: memref<1x128xf32, #tpu.memory_space<vmem>>, %arg5: memref<1x128xf32, #tpu.memory_space<vmem>>, %arg6: memref<128x128xf32, #tpu.memory_space<vmem>>, %arg7: memref<1x128xf32, #tpu.memory_space<vmem>>, %arg8: memref<1x128xf32, #tpu.memory_space<vmem>>, %arg9: memref<1x128xf32, #tpu.memory_space<vmem>>, %arg10: memref<10000x128xf32, #tpu.memory_space<vmem>>) attributes {dimension_semantics = [], scalar_prefetch = 0 : i64, scratch_operands = 0 : i64, tpu.core_type = #tpu.core_type<tc>} {
    %get3A = arith.constant 0 : index
    %get3A_0 = arith.constant 0 : index
    %get3A_1 = vector.load %arg0[%get3A, %get3A_0] : memref<10000x128xf32, #tpu.memory_space<vmem>>, vector<10000x128xf32>
    %get3A_2 = arith.constant 0 : index
    %get3A_3 = arith.constant 0 : index
    %get3A_4 = arith.constant 0 : index
    %get3A_5 = vector.load %arg1[%get3A_2, %get3A_3, %get3A_4] : memref<2x10000x128xf32, #tpu.memory_space<vmem>>, vector<1x10000x128xf32>
    %get3A_6 = vector.shape_cast %get3A_5 : vector<1x10000x128xf32> to vector<10000x128xf32>
    %add3A = arith.addf %get3A_1, %get3A_6 : vector<10000x128xf32>
    %get3A_7 = arith.constant 1 : index
    %get3A_8 = arith.constant 0 : index
    %get3A_9 = arith.constant 0 : index
    %get3A_10 = vector.load %arg1[%get3A_7, %get3A_8, %get3A_9] : memref<2x10000x128xf32, #tpu.memory_space<vmem>>, vector<1x10000x128xf32>
    %get3A_11 = vector.shape_cast %get3A_10 : vector<1x10000x128xf32> to vector<10000x128xf32>
    %add3A_12 = arith.addf %add3A, %get3A_11 : vector<10000x128xf32>
    %get3A_13 = arith.constant 0 : index
    %get3A_14 = arith.constant 0 : index
    %get3A_15 = vector.load %arg2[%get3A_13, %get3A_14] : memref<128x128xf32, #tpu.memory_space<vmem>>, vector<128x128xf32>
    %convert_element_type3A = arith.truncf %add3A_12 : vector<10000x128xf32> to vector<10000x128xbf16>
    %convert_element_type3A_16 = arith.truncf %get3A_15 : vector<128x128xf32> to vector<128x128xbf16>
    %dot_general3A = arith.constant dense<0.000000e+00> : vector<10000x128xf32>
    %dot_general3A_17 = tpu.matmul %convert_element_type3A, %convert_element_type3A_16, %dot_general3A {dimension_numbers = #tpu.dot_dimension_numbers<[1], [0], [0], [1], [0, 0, 1, 1], [], []>, transpose_lhs_hint = false} : vector<10000x128xbf16>, vector<128x128xbf16>, vector<10000x128xf32> -> vector<10000x128xf32>
    %get3A_18 = arith.constant 0 : index
    %get3A_19 = arith.constant 0 : index
    %get3A_20 = vector.load %arg3[%get3A_18, %get3A_19] : memref<1x128xf32, #tpu.memory_space<vmem>>, vector<1x128xf32>
    %add3A_21 = vector.broadcast %get3A_20 : vector<1x128xf32> to vector<10000x128xf32>
    %add3A_22 = arith.addf %dot_general3A_17, %add3A_21 : vector<10000x128xf32>
    %get3A_23 = arith.constant 0 : index
    %get3A_24 = arith.constant 0 : index
    %get3A_25 = vector.load %arg4[%get3A_23, %get3A_24] : memref<1x128xf32, #tpu.memory_space<vmem>>, vector<1x128xf32>
    %get3A_26 = arith.constant 0 : index
    %get3A_27 = arith.constant 0 : index
    %get3A_28 = vector.load %arg5[%get3A_26, %get3A_27] : memref<1x128xf32, #tpu.memory_space<vmem>>, vector<1x128xf32>
    %reduce_sum3A = arith.constant dense<0.000000e+00> : vector<128xf32>
    %reduce_sum3A_29 = vector.multi_reduction <add>, %add3A_22, %reduce_sum3A [0] : vector<10000x128xf32> to vector<128xf32>
    %broadcast_in_dim3A = vector.shape_cast %reduce_sum3A_29 : vector<128xf32> to vector<1x128xf32>
    %div3A = arith.constant 1.000000e+04 : f32
    %div3A_30 = vector.broadcast %div3A : f32 to vector<1x128xf32>
    %div3A_31 = arith.divf %broadcast_in_dim3A, %div3A_30 : vector<1x128xf32>
    %sub3A = vector.broadcast %div3A_31 : vector<1x128xf32> to vector<10000x128xf32>
    %sub3A_32 = arith.subf %add3A_22, %sub3A : vector<10000x128xf32>
    %mul3A = arith.mulf %sub3A_32, %sub3A_32 : vector<10000x128xf32>
    %reduce_sum3A_33 = arith.constant dense<0.000000e+00> : vector<128xf32>
    %reduce_sum3A_34 = vector.multi_reduction <add>, %mul3A, %reduce_sum3A_33 [0] : vector<10000x128xf32> to vector<128xf32>
    %broadcast_in_dim3A_35 = vector.shape_cast %reduce_sum3A_34 : vector<128xf32> to vector<1x128xf32>
    %div3A_36 = arith.constant 1.000000e+04 : f32
    %div3A_37 = vector.broadcast %div3A_36 : f32 to vector<1x128xf32>
    %div3A_38 = arith.divf %broadcast_in_dim3A_35, %div3A_37 : vector<1x128xf32>
    %add3A_39 = arith.constant 9.99999974E-6 : f32
    %add3A_40 = vector.broadcast %add3A_39 : f32 to vector<1x128xf32>
    %add3A_41 = arith.addf %div3A_38, %add3A_40 : vector<1x128xf32>
    %rsqrt3A = math.rsqrt %add3A_41 : vector<1x128xf32>
    %mul3A_42 = vector.broadcast %rsqrt3A : vector<1x128xf32> to vector<10000x128xf32>
    %mul3A_43 = arith.mulf %sub3A_32, %mul3A_42 : vector<10000x128xf32>
    %mul3A_44 = vector.broadcast %get3A_25 : vector<1x128xf32> to vector<10000x128xf32>
    %mul3A_45 = arith.mulf %mul3A_43, %mul3A_44 : vector<10000x128xf32>
    %add3A_46 = vector.broadcast %get3A_28 : vector<1x128xf32> to vector<10000x128xf32>
    %add3A_47 = arith.addf %mul3A_45, %add3A_46 : vector<10000x128xf32>
    %max3A = arith.constant 0.000000e+00 : f32
    %max3A_48 = vector.broadcast %max3A : f32 to vector<10000x128xf32>
    %max3A_49 = arith.maximumf %add3A_47, %max3A_48 : vector<10000x128xf32>
    %get3A_50 = arith.constant 0 : index
    %get3A_51 = arith.constant 0 : index
    %get3A_52 = vector.load %arg6[%get3A_50, %get3A_51] : memref<128x128xf32, #tpu.memory_space<vmem>>, vector<128x128xf32>
    %convert_element_type3A_53 = arith.truncf %max3A_49 : vector<10000x128xf32> to vector<10000x128xbf16>
    %convert_element_type3A_54 = arith.truncf %get3A_52 : vector<128x128xf32> to vector<128x128xbf16>
    %dot_general3A_55 = arith.constant dense<0.000000e+00> : vector<10000x128xf32>
    %dot_general3A_56 = tpu.matmul %convert_element_type3A_53, %convert_element_type3A_54, %dot_general3A_55 {dimension_numbers = #tpu.dot_dimension_numbers<[1], [0], [0], [1], [0, 0, 1, 1], [], []>, transpose_lhs_hint = false} : vector<10000x128xbf16>, vector<128x128xbf16>, vector<10000x128xf32> -> vector<10000x128xf32>
    %get3A_57 = arith.constant 0 : index
    %get3A_58 = arith.constant 0 : index
    %get3A_59 = vector.load %arg7[%get3A_57, %get3A_58] : memref<1x128xf32, #tpu.memory_space<vmem>>, vector<1x128xf32>
    %add3A_60 = vector.broadcast %get3A_59 : vector<1x128xf32> to vector<10000x128xf32>
    %add3A_61 = arith.addf %dot_general3A_56, %add3A_60 : vector<10000x128xf32>
    %get3A_62 = arith.constant 0 : index
    %get3A_63 = arith.constant 0 : index
    %get3A_64 = vector.load %arg8[%get3A_62, %get3A_63] : memref<1x128xf32, #tpu.memory_space<vmem>>, vector<1x128xf32>
    %get3A_65 = arith.constant 0 : index
    %get3A_66 = arith.constant 0 : index
    %get3A_67 = vector.load %arg9[%get3A_65, %get3A_66] : memref<1x128xf32, #tpu.memory_space<vmem>>, vector<1x128xf32>
    %reduce_sum3A_68 = arith.constant dense<0.000000e+00> : vector<128xf32>
    %reduce_sum3A_69 = vector.multi_reduction <add>, %add3A_61, %reduce_sum3A_68 [0] : vector<10000x128xf32> to vector<128xf32>
    %broadcast_in_dim3A_70 = vector.shape_cast %reduce_sum3A_69 : vector<128xf32> to vector<1x128xf32>
    %div3A_71 = arith.constant 1.000000e+04 : f32
    %div3A_72 = vector.broadcast %div3A_71 : f32 to vector<1x128xf32>
    %div3A_73 = arith.divf %broadcast_in_dim3A_70, %div3A_72 : vector<1x128xf32>
    %sub3A_74 = vector.broadcast %div3A_73 : vector<1x128xf32> to vector<10000x128xf32>
    %sub3A_75 = arith.subf %add3A_61, %sub3A_74 : vector<10000x128xf32>
    %mul3A_76 = arith.mulf %sub3A_75, %sub3A_75 : vector<10000x128xf32>
    %reduce_sum3A_77 = arith.constant dense<0.000000e+00> : vector<128xf32>
    %reduce_sum3A_78 = vector.multi_reduction <add>, %mul3A_76, %reduce_sum3A_77 [0] : vector<10000x128xf32> to vector<128xf32>
    %broadcast_in_dim3A_79 = vector.shape_cast %reduce_sum3A_78 : vector<128xf32> to vector<1x128xf32>
    %div3A_80 = arith.constant 1.000000e+04 : f32
    %div3A_81 = vector.broadcast %div3A_80 : f32 to vector<1x128xf32>
    %div3A_82 = arith.divf %broadcast_in_dim3A_79, %div3A_81 : vector<1x128xf32>
    %add3A_83 = arith.constant 9.99999974E-6 : f32
    %add3A_84 = vector.broadcast %add3A_83 : f32 to vector<1x128xf32>
    %add3A_85 = arith.addf %div3A_82, %add3A_84 : vector<1x128xf32>
    %rsqrt3A_86 = math.rsqrt %add3A_85 : vector<1x128xf32>
    %mul3A_87 = vector.broadcast %rsqrt3A_86 : vector<1x128xf32> to vector<10000x128xf32>
    %mul3A_88 = arith.mulf %sub3A_75, %mul3A_87 : vector<10000x128xf32>
    %mul3A_89 = vector.broadcast %get3A_64 : vector<1x128xf32> to vector<10000x128xf32>
    %mul3A_90 = arith.mulf %mul3A_88, %mul3A_89 : vector<10000x128xf32>
    %add3A_91 = vector.broadcast %get3A_67 : vector<1x128xf32> to vector<10000x128xf32>
    %add3A_92 = arith.addf %mul3A_90, %add3A_91 : vector<10000x128xf32>
    %max3A_93 = arith.constant 0.000000e+00 : f32
    %max3A_94 = vector.broadcast %max3A_93 : f32 to vector<10000x128xf32>
    %max3A_95 = arith.maximumf %add3A_92, %max3A_94 : vector<10000x128xf32>
    %swap3A = arith.constant 0 : index
    %swap3A_96 = arith.constant 0 : index
    %swap3A_97 = vector.load %arg10[%swap3A, %swap3A_96] : memref<10000x128xf32, #tpu.memory_space<vmem>>, vector<10000x128xf32>
    tpu.vector_store %arg10[%swap3A, %swap3A_96], %max3A_95 {strides = array<i32>} : memref<10000x128xf32, #tpu.memory_space<vmem>>, vector<10000x128xf32>,
    return
  }
}

</mosaic_0001>

<sc_bundles>
// kernel: kernel.6.cloned.1.call-start
scs
__scs_entry_jumppad:
0x0: {  	(pc) =	sbr.rel $0x88, $3  }
0x1: {  	(tag) =	ssettag $0x0;
	lr =	simm.s32 $0x1  }
0x2: {  	[smem:$0x3F8C] =	sst lr;
	_ =	strace $0xD0000000  }
0x3: {  	_ = 	snop  }
0x4: {  	_ = 	snop  }
0x5: {  	_ = 	snop  }
0x6: {  	_ = 	snop  }
0x7: {  	_ = 	snop  }
__scs_overlays_trampoline_lowered:
0x8: {  	[smem:$0x3F9B] =	sst s0  }
0x9: {  	[smem:$0x3F9C] =	sst s1  }
0xa: {  	[smem:$0x3F9D] =	sst s2  }
0xb: {  	[smem:$0x3F9E] =	sst s3  }
0xc: {  	[smem:$0x3F9F] =	sst s4  }
0xd: {  	[smem:$0x3FA0] =	sst s5  }
0xe: {  	[smem:$0x3FA1] =	sst s6  }
0xf: {  	[smem:$0x3FA2] =	sst s7  }
0x10: {  	[smem:$0x3FA3] =	sst s8  }
0x11: {  	[smem:$0x3FA4] =	sst s9;
	s0 =	simm.s32 @!p0 $0x0  }
0x12: {  	s1 =	sld [smem:$0x3F8A];
	s0 =	simm.s32 @p0 $0x1  }
0x13: {  	[smem:$0x3FA5] =	sst s0;
	s0 =	simm.s32 @!p1 $0x0  }
0x14: {  	s2 =	sld [smem:$0x3F89];
	s0 =	simm.s32 @p1 $0x1  }
0x15: {  	[smem:$0x3FA6] =	sst s0;
	s0 =	simm.s32 @!p2 $0x0  }
0x16: {  	s3 =	sld [smem:$0x3FDB];
	s0 =	simm.s32 @p2 $0x1  }
0x17: {  	s4 =	simm.s32 $0x1BF5;
	[smem:$0x3FA8] =	sst s0  }
0x18: {  	s0 =	sld [smem:$0x3F8B];
	_ =	swait.ge [sflag:s4], $0x0  }
0x19: {  	s7 =	sld [smem:$0x3F8C]  }
0x1a: {  	s8 =	sadd.s32 $0xFFFFE003, lr  }
0x1b: {  	s9 =	sadd.s32 $0xFFFFFEF7, lr;
	s5 =	simm.s32 $0xFFFFFFFF;
	p2 =	slt.u32 s8, $0xFFFFF086  }
0x1c: {  	p1 =	slt.u32 s9, $0xF7A;
	s5 =	simm.s32 @!p2 $0x0  }
0x1d: {  	s5 =	simm.s32 @p1 $0x1;
	p0 =	seq.s32 s7, s2  }
0x1e: {  	s7 =	smul.u32 @!p0 $0xF7A, s2;
	p2 =	seq.s32 @!p0 s5, $0x0  }
0x1f: {  	s9 =	smul.u32 $0xF7A, s1;
	s8 =	simm.s32 @!p0 $0x1BF5;
	p2 =	por !p2, p0  }
0x20: {  	[sflag:s8] =	ssyncset.s32 @!p0 $0xFFFFF086;
	s6 =	sadd.s32 @!p0 s3, s7;
	s7 =	simm.s32 @!p0 $0x108  }
0x21: {  	s3 =	sadd.s32 s3, s9;
	s6 =	sadd.s32 @!p0 $0x88, s6;
	s7 =	simm.s32 @p2 $0x1082  }
0x22: {  	[simem:s7], [sflag:s8] =	dma.local @!p0 [hbm:s6], $0xF7A  }
0x23: {  	s9 =	sor.u32 $0xD0000000, s2;
	s6 =	simm.s32 $0x108;
	_ =	swait.ge @!p0 [sflag:s8], $0x0  }
0x24: {  	s3 =	sadd.s32 $0x88, s3;
	s6 =	simm.s32 @!p1 $0x1082;
	[sflag:s4] =	ssyncset.s32 $0xFFFFF086  }
0x25: {  	[simem:s6], [sflag:s4] =	dma.local [hbm:s3], $0xF7A  }
0x26: {  	[smem:$0x3F8C] =	sst s1;
	(tag) =	ssettag s2;
	_ =	strace s9  }
0x27: {  	s1 =	sld [smem:$0x3F9C]  }
0x28: {  	s2 =	sld [smem:$0x3F9D]  }
0x29: {  	s4 =	sld [smem:$0x3F9F]  }
0x2a: {  	p0 =	seq.s32 s5, $0x0;
	s5 =	sld [smem:$0x3FA0]  }
0x2b: {  	s6 =	sld [smem:$0x3FA1]  }
0x2c: {  	s7 =	sld [smem:$0x3FA2]  }
0x2d: {  	s3 =	simm.s32 $0x108;
	s8 =	sld [smem:$0x3FA3]  }
0x2e: {  	s3 =	simm.s32 @!p0 $0x1082;
	s9 =	sld [smem:$0x3FA4]  }
0x2f: {  	lr =	sadd.s32 s0, s3;
	s0 =	sld [smem:$0x3F9B]  }
0x30: {  	s3 =	sld [smem:$0x3F9E]  }
0x31: {  	[smem:$0x3FA7] =	sst s10  }
0x32: {  	s10 =	sld [smem:$0x3FA5];
	_ =	sdelay $0x3  }
0x33: {  	p0 =	seq.s32 s10, $0x1;
	s10 =	sld [smem:$0x3FA7];
	_ =	sdelay $0x3  }
0x34: {  	[smem:$0x3FA7] =	sst s10  }
0x35: {  	s10 =	sld [smem:$0x3FA6];
	_ =	sdelay $0x3  }
0x36: {  	p1 =	seq.s32 s10, $0x1;
	s10 =	sld [smem:$0x3FA7];
	_ =	sdelay $0x3  }
0x37: {  	[smem:$0x3FA7] =	sst s10  }
0x38: {  	s10 =	sld [smem:$0x3FA8]  }
0x39: {  	_ = 	snop;
	(pc) =	sbr.ind lr, $3  }
0x3a: {  	_ = 	snop  }
0x3b: {  	_ = 	snop  }
0x3c: {  	p2 =	seq.s32 s10, $0x1;
	s10 =	sld [smem:$0x3FA7]  }
0x3d: {  	_ =	shalt  }
0x3e: {  	_ =	shalt  }
0x3f: {  	_ =	shalt  }
0x40: {  	_ =	shalt  }
0x41: {  	_ =	shalt  }
0x42: {  	_ =	shalt  }
0x43: {  	_ =	shalt  }
0x44: {  	_ =	shalt  }
0x45: {  	_ =	shalt  }
0x46: {  	_ =	shalt  }
0x47: {  	_ =	shalt  }
0x48: {  	_ =	shalt  }
0x49: {  	_ =	shalt  }
0x4a: {  	_ =	shalt  }
0x4b: {  	_ =	shalt  }
0x4c: {  	_ =	shalt  }
0x4d: {  	_ =	shalt  }
0x4e: {  	_ =	shalt  }
0x4f: {  	_ =	shalt  }
0x50: {  	_ =	shalt  }
0x51: {  	_ =	shalt  }
0x52: {  	_ =	shalt  }
0x53: {  	_ =	shalt  }
0x54: {  	_ =	shalt  }
0x55: {  	_ =	shalt  }
0x56: {  	_ =	shalt  }
0x57: {  	_ =	shalt  }
0x58: {  	_ =	shalt  }
0x59: {  	_ =	shalt  }
0x5a: {  	_ =	shalt  }
0x5b: {  	_ =	shalt  }
0x5c: {  	_ =	shalt  }
0x5d: {  	_ =	shalt  }
0x5e: {  	_ =	shalt  }
0x5f: {  	_ =	shalt  }
0x60: {  	_ =	shalt  }
0x61: {  	_ =	shalt  }
0x62: {  	_ =	shalt  }
0x63: {  	_ =	shalt  }
0x64: {  	_ =	shalt  }
0x65: {  	_ =	shalt  }
0x66: {  	_ =	shalt  }
0x67: {  	_ =	shalt  }
0x68: {  	_ =	shalt  }
0x69: {  	_ =	shalt  }
0x6a: {  	_ =	shalt  }
0x6b: {  	_ =	shalt  }
0x6c: {  	_ =	shalt  }
0x6d: {  	_ =	shalt  }
0x6e: {  	_ =	shalt  }
0x6f: {  	_ =	shalt  }
0x70: {  	_ =	shalt  }
0x71: {  	_ =	shalt  }
0x72: {  	_ =	shalt  }
0x73: {  	_ =	shalt  }
0x74: {  	_ =	shalt  }
0x75: {  	_ =	shalt  }
0x76: {  	_ =	shalt  }
0x77: {  	_ =	shalt  }
0x78: {  	_ =	shalt  }
0x79: {  	_ =	shalt  }
0x7a: {  	_ =	shalt  }
0x7b: {  	_ =	shalt  }
0x7c: {  	_ =	shalt  }
0x7d: {  	_ =	shalt  }
0x7e: {  	_ =	shalt  }
0x7f: {  	_ =	shalt  }
0x80: {  	_ =	shalt  }
0x81: {  	_ =	shalt  }
0x82: {  	_ =	shalt  }
0x83: {  	_ =	shalt  }
0x84: {  	_ =	shalt  }
0x85: {  	_ =	shalt  }
0x86: {  	_ =	shalt  }
0x87: {  	_ =	shalt  }
.Lfunc_end0:
.L_simem_size_0:
called_computation_lowered:
.L_overlay_start_0:
0x88: {  	s2 =	sld [smem:$0x3FD9]  }
0x89: {  	s3 =	sld [smem:$0x3FFE];
	_ =	sdelay $0x1  }
0x8a: {  	s1 =	srdreg.scid  }
0x8b: {  	s0 =	sand.u32 $0x1, s1  }
0x8c: {  	s17 =	sshll.u32 s0, $0xA;
	s2 =	sadd.s32 s3, s2  }
0x8d: {  	s2 =	sadd.s32 s2, s17  }
0x8e: {  	[smem:$0x3FB3] =	sst s2  }
0x8f: {  	_ = 	snop  }
0x90: {  	s2 =	sld [smem:$0x3FC9];
	(tm) =	ssettm $0x1  }
0x91: {  	s18 =	sld [smem:$0x3FFB];
	_ =	sdelay $0x3  }
0x92: {  	_ =	strace s18  }
0x93: {  	s3 =	sld [smem:$0x3FFC];
	_ =	sdelay $0x3  }
0x94: {  	_ =	strace s3  }
0x95: {  	s3 =	sld [smem:$0x3FFD];
	_ =	sdelay $0x3  }
0x96: {  	_ =	strace s3  }
0x97: {  	_ =	strace $0x8FFFFFFF  }
0x98: {  	s19 =	sld [smem:$0x3FDB];
	_ =	sdelay $0x1  }
0x99: {  	s4 =	simm.s32 $_scs_section_size  }
0x9a: {  	s5 =	simm.s32 $_size__tile_overlayer_lowered;
	s6 =	simm.s32 $_tile_overlayer_lowered  }
0x9b: {  	s22 =	simm.s32 $0x1BFF;
	s21 =	sshll.u32 s6, $0x1;
	s3 =	sadd.s32 s4, s19  }
0x9c: {  	s7 =	simm.s32 $0x0;
	s20 =	sshll.u32 s5, $0x1;
	s5 =	sadd.s32 s21, s3  }
0x9d: {  	[timem:s7], [sflag:s22] =	dma.local [hbm:s5], s20  }
0x9e: {  	_ =	swait.ge [sflag:s22], s20  }
0x9f: {  	s4 =	ssub.s32 $0x0, s20;
	[sflag:s22] =	ssyncset.done $0x0  }
0xa0: {  	[sflag:s22] =	ssyncadd.s32 s4;
	_ =	sdelay $0x1  }
0xa1: {  	s23 =	simm.s32 $0x1B8B  }
0xa2: {  	_ =	swait.ge [sflag:s23], $0x1  }
0xa3: {  	[sflag:s23] =	ssyncset.done $0x0  }
0xa4: {  	s25 =	simm.s32 $0x1B8E;
	s24 =	sld [smem:$0x3FFE];
	[sflag:s23] =	ssyncadd.s32 $0xFFFFFFFF  }
0xa5: {  	s26 =	simm.s32 $execute0_lowered;
	[smem:$0x3FD2] =	sst s25  }
0xa6: {  	s5 =	sshll.u32 s26, $0x1;
	_ =	strace $0x80000046;
	[dreg:$0x1] =	wrdreg $0xFFFFFFFF  }
0xa7: {  	s28 =	simm.s32 $_size_execute0_lowered;
	s3 =	sadd.s32 s3, s5;
	[dreg:$0x0] =	wrdreg $0x0  }
0xa8: {  	s5 =	sshll.u32 s28, $0x1;
	[dreg:$0x2] =	wrdreg s3  }
0xa9: {  	[dreg:$0x3] =	wrdreg s5  }
0xaa: {  	[dreg:$0x4] =	wrdreg $0xC0  }
0xab: {  	_ =	task [dreg:s7], $0x5FFFF  }
0xac: {  	[dreg:$0x1] =	wrdreg $0xFFFFFFFF  }
0xad: {  	[dreg:$0x0] =	wrdreg $0x60  }
0xae: {  	[dreg:$0x2] =	wrdreg s2  }
0xaf: {  	[dreg:$0x3] =	wrdreg s24  }
0xb0: {  	[dreg:$0x4] =	wrdreg $0x98000  }
0xb1: {  	[dreg:$0x5] =	wrdreg $0x9  }
0xb2: {  	_ =	task.clear_ibuf [dreg:s7], $0x6FFFF;
	_ =	strace $0x90000046  }
0xb3: {  	s29 =	simm.s32 $0x9;
	_ =	strace $0x80000048  }
0xb4: {  	_ =	swait.ge [sflag:s29], $0x1  }
0xb5: {  	[sflag:s29] =	ssyncadd.s32 $0xFFFFFFFF  }
0xb6: {  	_ =	strace $0x90000048  }
0xb7: {  	_ =	sfence  }
0xb8: {  	s30 =	sld [smem:$0x0];
	_ =	sdelay $0x2  }
0xb9: {  	s31 =	sshll.u32 s1, $0xD;
	s1 =	sshrl.u32 s1, $0x2  }
0xba: {  	s3 =	sand.u32 $0x4000, s31;
	s1 =	sadd.s32 s1, s30  }
0xbb: {  	s0 =	sor.u32 s3, s0;
	s1 =	sshll.u32 s1, $0x11  }
0xbc: {  	s0 =	sor.u32 s1, s0  }
0xbd: {  	s0 =	sadd.s32 $0x8F2B, s0  }
0xbe: {  	[sflag:s0] =	ssyncadd.remote.s32 $0x1  }
0xbf: {  	_ =	sfence.sel $0xFFFF  }
0xc0: {  	[dreg:$0x0] =	wrdreg $0xFFFFFFFF;
	(pc) =	sbr.abs _section_cstart, $3  }
0xc1: {  	[dreg:$0x1] =	wrdreg $0xFFFFFFFF  }
0xc2: {  	_ =	task.clear_ibuf [dreg:s7], $0x2FFFF;
	_ =	strace $0x9FFFFFFF  }
0xc3: {  	(tm) =	ssettm $0x7FFFFFFF  }
tec
execute0_lowered:
.L_overlay_start_1:
0x0: {  	(tag) =	ssettag $0x1  }
0x1: {  	s1 =	rddreg [dreg:$0x0]  }
0x2: {  	s0 =	rddreg [dreg:$0x1]  }
0x3: {  	s2 =	rddreg [dreg:$0x2];
	s4 =	simm.s32 $0x0;
	s3 =	srdreg.scid  }
0x4: {  	s9 =	stileid.u32;
	s28 =	simm.s32 $0x2000;
	s29 =	simm.s32 $0x80  }
0x5: {  	s30 =	simm.s32 $0x4800;
	s31 =	simm.s32 $0x1;
	[smem:$0x7FF] =	sst s4  }
0x6: {  	s3 =	sand.u32 $0x1, s3;
	s5 =	sshll.u32 s9, $0xB;
	s6 =	smul.u32 $0x4E000, s9  }
0x7: {  	s13 =	sadd.s32 $0x138000, s2;
	s26 =	smul.u32 $0x2700, s9;
	p0 =	sne.s32 s9, $0xF  }
0x8: {  	s17 =	sshll.u32 s3, $0xF;
	_ =	strace $0x80000047;
	s7 =	smul.u32 $0x27100, s3  }
0x9: {  	s3 =	ssub.s32 $0x2, s3;
	s4 =	sor.u32 s5, s17;
	s18 =	sshrl.u32 s6, $0x2  }
0xa: {  	s8 =	sshrl.u32 s3, $0x1;
	s6 =	simm.s32 $0x0;
	s19 =	sadd.s32 s4, s0  }
0xb: {  	s5 =	sadd.s32 s18, s2;
	s7 =	sadd.s32 s7, s0;
	s3 =	ssub.s32 s3, s8  }
0xc: {  	s0 =	sadd.s32 $0x13E00, s0;
	s20 =	sadd.s32 $0x2800, s5;
	s21 =	sadd.s32 $0x5000, s5  }
0xd: {  	s22 =	sadd.s32 $0x7800, s5;
	s23 =	sadd.s32 $0xA000, s5;
	[dreg:$0x4] =	wrdreg s20  }
0xe: {  	s24 =	sadd.s32 $0xC800, s5;
	s25 =	sadd.s32 $0xF000, s5;
	[dreg:$0x5] =	wrdreg s21  }
0xf: {  	s12 =	sadd.s32 $0x11800, s5;
	s14 =	sadd.s32 $0x3E00, s19;
	[dreg:$0x6] =	wrdreg s22  }
0x10: {  	s15 =	sadd.s32 $0x4000, s19;
	s16 =	sadd.s32 $0x4200, s19;
	[dreg:$0x7] =	wrdreg s23  }
0x11: {  	s17 =	sadd.s32 $0x4400, s19;
	s18 =	sadd.s32 $0x23E00, s7;
	[dreg:$0x8] =	wrdreg s24  }
0x12: {  	s19 =	smax.u32 s3, $0x1;
	s3 =	simm.s32 $0x1F00;
	[dreg:$0x9] =	wrdreg s25  }
0x13: {  	s20 =	simm.s32 $0x7000;
	s21 =	simm.s32 $0x4;
	s22 =	sadd.s32 s4, s0  }
0x14: {  	s23 =	simm.s32 $0x1000;
	s24 =	simm.s32 $0x3;
	s25 =	sadd.s32 s26, s18  }
0x15: {  	v0 =	vimm.f32 $0.0e+00;
	s26 =	simm.s32 $0x50;
	s0 =	simm.s32 $0x2;
	s4 =	simm.s32 $0x1F80  }
.LBB2_1:
0x16: {  	s7 =	simm.s32 $0x0;
	s8 =	simm.s32 $0x200  }
.LBB2_2:
0x17: {  	p1 =	sne.s32 s8, $0x9E00;
	[tilespmem:s7+$0x7070] =	vst v0  }
0x18: {  	[tilespmem:s7+$0x7000] =	vst v0  }
0x19: {  	[tilespmem:s7+$0x7010] =	vst v0  }
.Ltmp0:
0x1a: {  	[tilespmem:s7+$0x7020] =	vst v0;
	(pc) =	sbr.rel @p1 .LBB2_2-.Ltmp0, $4  }
0x1b: {  	[tilespmem:s7+$0x7030] =	vst v0  }
0x1c: {  	[tilespmem:s7+$0x7040] =	vst v0  }
0x1d: {  	[tilespmem:s7+$0x7050] =	vst v0  }
0x1e: {  	[tilespmem:s7+$0x7060] =	vst v0;
	s7 =	sshra.s32 s8, $0x2;
	s8 =	sadd.s32 $0x200, s8  }
0x1f: {  	[tilespmem:s7+$0x7070] =	vst v0  }
0x20: {  	[tilespmem:s7+$0x7000] =	vst v0  }
0x21: {  	[tilespmem:s7+$0x7010] =	vst v0  }
0x22: {  	[tilespmem:s7+$0x7020] =	vst v0  }
0x23: {  	[tilespmem:s7+$0x7030] =	vst v0  }
0x24: {  	[tilespmem:s7+$0x7040] =	vst v0  }
0x25: {  	[tilespmem:s7+$0x7050] =	vst v0  }
0x26: {  	[tilespmem:s7+$0x7060] =	vst v0  }
0x27: {  	[spmem:s5] =	stream.linear.scatter [tilespmem:s20], [sflag:$0x3], $0x2800, $0x38;
	[tilespmem:$0x1D080] =	vst v63  }
0x28: {  	s10 =	rddreg [dreg:$0x4]  }
0x29: {  	[spmem:s10] =	stream.linear.scatter [tilespmem:s20], [sflag:$0x3], $0x2800, $0x38;
	[tilespmem:$0x1D080] =	vst v63  }
0x2a: {  	s11 =	rddreg [dreg:$0x5]  }
0x2b: {  	[spmem:s11] =	stream.linear.scatter [tilespmem:s20], [sflag:$0x3], $0x2800, $0x38;
	[tilespmem:$0x1D080] =	vst v63  }
0x2c: {  	s8 =	rddreg [dreg:$0x6]  }
0x2d: {  	[spmem:s8] =	stream.linear.scatter [tilespmem:s20], [sflag:$0x3], $0x2800, $0x38;
	[tilespmem:$0x1D080] =	vst v63  }
0x2e: {  	s9 =	rddreg [dreg:$0x7]  }
0x2f: {  	[spmem:s9] =	stream.linear.scatter [tilespmem:s20], [sflag:$0x3], $0x2800, $0x38;
	[tilespmem:$0x1D080] =	vst v63  }
0x30: {  	s10 =	rddreg [dreg:$0x8]  }
0x31: {  	[spmem:s10] =	stream.linear.scatter [tilespmem:s20], [sflag:$0x3], $0x2800, $0x38;
	[tilespmem:$0x1D080] =	vst v63  }
0x32: {  	s11 =	rddreg [dreg:$0x9]  }
0x33: {  	[spmem:s11] =	stream.linear.scatter [tilespmem:s20], [sflag:$0x3], $0x2800, $0x38;
	[tilespmem:$0x1D080] =	vst v63  }
0x34: {  	_ = 	snop  }
0x35: {  	[spmem:s12] =	stream.linear.scatter [tilespmem:s20], [sflag:$0x3], $0x2000, $0x38;
	[tilespmem:$0x1D080] =	vst v63  }
0x36: {  	s7 =	simm.s32 @!p0 $0x7000  }
0x37: {  	[spmem:s13] =	stream.linear.scatter @!p0 [tilespmem:s7], [sflag:$0x3], $0x800, $0x38;
	[tilespmem:$0x1D080] =	vst v63  }
0x38: {  	s8 =	simm.s32 $0x0  }
0x39: {  	[tilespmem:s8], [sflag:$0x4] =	stream.linear.gather [hbm4b:s14+s8], $0x1000, $0x38;
	[tilespmem:$0x1D080] =	vst v63  }
0x3a: {  	_ =	swait.ge [sflag:s21], $0x1000  }
0x3b: {  	[sflag:s21] =	ssyncset.done $0x0  }
0x3c: {  	[sflag:s21] =	ssyncadd.s32 $0xFFFFF000  }
0x3d: {  	[tilespmem:s23], [sflag:$0x4] =	stream.linear.gather [hbm4b:s22+s8], $0x1000, $0x38;
	[tilespmem:$0x1D080] =	vst v63  }
0x3e: {  	_ =	swait.ge [sflag:s21], $0x1000  }
0x3f: {  	[sflag:s21] =	ssyncset.done $0x0  }
0x40: {  	[sflag:s21] =	ssyncadd.s32 $0xFFFFF000  }
0x41: {  	_ =	swait.ge [sflag:s24], $0x2800  }
0x42: {  	[sflag:s24] =	ssyncset.done $0x0  }
0x43: {  	[sflag:s24] =	ssyncadd.s32 $0xFFFFD800  }
0x44: {  	_ =	swait.ge [sflag:s24], $0x2800  }
0x45: {  	[sflag:s24] =	ssyncset.done $0x0  }
0x46: {  	[sflag:s24] =	ssyncadd.s32 $0xFFFFD800  }
0x47: {  	_ =	swait.ge [sflag:s24], $0x2800  }
0x48: {  	[sflag:s24] =	ssyncset.done $0x0  }
0x49: {  	[sflag:s24] =	ssyncadd.s32 $0xFFFFD800  }
0x4a: {  	_ =	swait.ge [sflag:s24], $0x2800  }
0x4b: {  	[sflag:s24] =	ssyncset.done $0x0  }
0x4c: {  	[sflag:s24] =	ssyncadd.s32 $0xFFFFD800  }
0x4d: {  	_ =	swait.ge [sflag:s24], $0x2800  }
0x4e: {  	[sflag:s24] =	ssyncset.done $0x0  }
0x4f: {  	[sflag:s24] =	ssyncadd.s32 $0xFFFFD800  }
0x50: {  	_ =	swait.ge [sflag:s24], $0x2800  }
0x51: {  	[sflag:s24] =	ssyncset.done $0x0  }
0x52: {  	[sflag:s24] =	ssyncadd.s32 $0xFFFFD800  }
0x53: {  	_ =	swait.ge [sflag:s24], $0x2800  }
0x54: {  	[sflag:s24] =	ssyncset.done $0x0  }
0x55: {  	[sflag:s24] =	ssyncadd.s32 $0xFFFFD800  }
0x56: {  	_ =	swait.ge [sflag:s24], $0x2000  }
0x57: {  	[sflag:s24] =	ssyncset.done $0x0  }
0x58: {  	s7 =	simm.s32 @!p0 $0x3;
	[sflag:s24] =	ssyncadd.s32 $0xFFFFE000  }
0x59: {  	_ =	swait.ge @!p0 [sflag:s7], $0x800  }
0x5a: {  	[sflag:s7] =	ssyncset.done @!p0 $0x0  }
0x5b: {  	[sflag:s7] =	ssyncadd.s32 @!p0 $0xFFFFF800  }
0x5c: {  	s9 =	simm.s32 $0x0;
	[bflag:$0x0] =	sbarrier.arrive $0xFFFF  }
0x5d: {  	[tilespmem:s28], [sflag:$0x1] =	stream.indirect.gather [hbm4b:s1+s26], $0x80, s9, s26, $0xb8;
	[tilespmem:$0x1D080] =	vst v63  }
0x5e: {  	_ = 	snop  }
0x5f: {  	[tilespmem:s30], [sflag:$0x2] =	stream.indirect.gather [hbm4b:s1+s26], $0x80, s29, s26, $0xb8;
	[tilespmem:$0x1D080] =	vst v63  }
0x60: {  	s10 =	simm.s32 $0x100  }
0x61: {  	[tilespmem:s20], [sflag:$0x3] =	stream.indirect.gather [hbm4b:s1+s26], $0x80, s10, s26, $0xb8;
	[tilespmem:$0x1D080] =	vst v63  }
0x62: {  	_ =	swait.ge [sflag:s31], $0x2800  }
0x63: {  	[sflag:s31] =	ssyncset.done $0x0  }
0x64: {  	s11 =	simm.s32 $0x1000;
	[sflag:s31] =	ssyncadd.s32 $0xFFFFD800  }
0x65: {  	[spmem:s2] =	stream.indirect.scatter.add.f32 [tilespmem:s28], [sflag:$0x4], $0x80, s11, s26, $0xb8;
	[tilespmem:$0x1D080] =	vst v63  }
0x66: {  	_ =	swait.ge [sflag:s21], $0x2800  }
0x67: {  	[sflag:s21] =	ssyncset.done $0x0  }
0x68: {  	s8 =	simm.s32 $0x180;
	[sflag:s21] =	ssyncadd.s32 $0xFFFFD800  }
0x69: {  	[tilespmem:s28], [sflag:$0x1] =	stream.indirect.gather [hbm4b:s1+s26], $0x80, s8, s26, $0xb8;
	[tilespmem:$0x1D080] =	vst v63  }
0x6a: {  	_ =	swait.ge [sflag:s0], $0x2800  }
0x6b: {  	[sflag:s0] =	ssyncset.done $0x0  }
0x6c: {  	s9 =	simm.s32 $0x1080;
	[sflag:s0] =	ssyncadd.s32 $0xFFFFD800  }
0x6d: {  	[spmem:s2] =	stream.indirect.scatter.add.f32 [tilespmem:s30], [sflag:$0x4], $0x80, s9, s26, $0xb8;
	[tilespmem:$0x1D080] =	vst v63  }
0x6e: {  	_ =	swait.ge [sflag:s21], $0x2800  }
0x6f: {  	[sflag:s21] =	ssyncset.done $0x0  }
0x70: {  	s10 =	simm.s32 $0x200;
	[sflag:s21] =	ssyncadd.s32 $0xFFFFD800  }
0x71: {  	[tilespmem:s30], [sflag:$0x2] =	stream.indirect.gather [hbm4b:s1+s26], $0x80, s10, s26, $0xb8;
	[tilespmem:$0x1D080] =	vst v63  }
0x72: {  	_ =	swait.ge [sflag:s24], $0x2800  }
0x73: {  	[sflag:s24] =	ssyncset.done $0x0  }
0x74: {  	s11 =	simm.s32 $0x1100;
	[sflag:s24] =	ssyncadd.s32 $0xFFFFD800  }
0x75: {  	[spmem:s2] =	stream.indirect.scatter.add.f32 [tilespmem:s20], [sflag:$0x4], $0x80, s11, s26, $0xb8;
	[tilespmem:$0x1D080] =	vst v63  }
0x76: {  	_ =	swait.ge [sflag:s21], $0x2800  }
0x77: {  	s7 =	simm.s32 $0x180;
	s8 =	simm.s32 $0xC00;
	[sflag:s21] =	ssyncset.done $0x0  }
.LBB2_4:
0x78: {  	s9 =	sadd.s32 $0x100, s7  }
0x79: {  	[sflag:s21] =	ssyncadd.s32 $0xFFFFD800;
	s10 =	smov.u32 s8;
	s11 =	sadd.s32 $0x600, s8  }
0x7a: {  	[tilespmem:s20], [sflag:$0x3] =	stream.indirect.gather [hbm4b:s1+s26], $0x80, s9, s26, $0xb8;
	[tilespmem:$0x1D080] =	vst v63  }
0x7b: {  	p1 =	sne.s32 s8, $0x3600;
	_ =	swait.ge [sflag:s31], $0x2800  }
0x7c: {  	[sflag:s31] =	ssyncset.done $0x0  }
0x7d: {  	s8 =	sadd.s32 $0x1000, s7;
	[sflag:s31] =	ssyncadd.s32 $0xFFFFD800  }
0x7e: {  	[spmem:s2] =	stream.indirect.scatter.add.f32 [tilespmem:s28], [sflag:$0x4], $0x80, s8, s26, $0xb8;
	[tilespmem:$0x1D080] =	vst v63  }
0x7f: {  	_ =	swait.ge [sflag:s21], $0x2800  }
0x80: {  	[sflag:s21] =	ssyncset.done $0x0  }
0x81: {  	s8 =	sadd.s32 $0x180, s7;
	[sflag:s21] =	ssyncadd.s32 $0xFFFFD800  }
0x82: {  	[tilespmem:s28], [sflag:$0x1] =	stream.indirect.gather [hbm4b:s1+s26], $0x80, s8, s26, $0xb8;
	[tilespmem:$0x1D080] =	vst v63  }
0x83: {  	_ =	swait.ge [sflag:s0], $0x2800  }
0x84: {  	[sflag:s0] =	ssyncset.done $0x0  }
0x85: {  	s8 =	sadd.s32 $0x1080, s7;
	[sflag:s0] =	ssyncadd.s32 $0xFFFFD800  }
0x86: {  	[spmem:s2] =	stream.indirect.scatter.add.f32 [tilespmem:s30], [sflag:$0x4], $0x80, s8, s26, $0xb8;
	[tilespmem:$0x1D080] =	vst v63  }
0x87: {  	_ =	swait.ge [sflag:s21], $0x2800  }
0x88: {  	[sflag:s21] =	ssyncset.done $0x0  }
0x89: {  	s8 =	sadd.s32 $0x200, s7;
	[sflag:s21] =	ssyncadd.s32 $0xFFFFD800  }
0x8a: {  	[tilespmem:s30], [sflag:$0x2] =	stream.indirect.gather [hbm4b:s1+s26], $0x80, s8, s26, $0xb8;
	[tilespmem:$0x1D080] =	vst v63  }
0x8b: {  	_ =	swait.ge [sflag:s24], $0x2800  }
.Ltmp1:
0x8c: {  	[sflag:s24] =	ssyncset.done $0x0;
	(pc) =	sbr.rel @p1 .LBB2_4-.Ltmp1, $4  }
0x8d: {  	s7 =	sadd.s32 $0x1100, s7;
	[sflag:s24] =	ssyncadd.s32 $0xFFFFD800  }
0x8e: {  	[spmem:s2] =	stream.indirect.scatter.add.f32 [tilespmem:s20], [sflag:$0x4], $0x80, s7, s26, $0xb8;
	[tilespmem:$0x1D080] =	vst v63  }
0x8f: {  	_ =	swait.ge [sflag:s21], $0x2800  }
0x90: {  	s8 =	smov.u32 s11;
	s7 =	sshra.s32 s10, $0x2;
	[sflag:s21] =	ssyncset.done $0x0  }
0x91: {  	s8 =	sadd.s32 $0x100, s7;
	[sflag:s21] =	ssyncadd.s32 $0xFFFFD800  }
0x92: {  	[tilespmem:s20], [sflag:$0x3] =	stream.indirect.gather [hbm4b:s1+s26], $0x80, s8, s26, $0xb8;
	[tilespmem:$0x1D080] =	vst v63  }
0x93: {  	_ =	swait.ge [sflag:s31], $0x2800  }
0x94: {  	[sflag:s31] =	ssyncset.done $0x0  }
0x95: {  	s9 =	sadd.s32 $0x1000, s7;
	[sflag:s31] =	ssyncadd.s32 $0xFFFFD800  }
0x96: {  	[spmem:s2] =	stream.indirect.scatter.add.f32 [tilespmem:s28], [sflag:$0x4], $0x80, s9, s26, $0xb8;
	[tilespmem:$0x1D080] =	vst v63  }
0x97: {  	_ =	swait.ge [sflag:s21], $0x2800  }
0x98: {  	[sflag:s21] =	ssyncset.done $0x0  }
0x99: {  	s10 =	sadd.s32 $0x180, s7;
	[sflag:s21] =	ssyncadd.s32 $0xFFFFD800  }
0x9a: {  	[tilespmem:s28], [sflag:$0x1] =	stream.indirect.gather [hbm4b:s1+s26], $0x80, s10, s26, $0xb8;
	[tilespmem:$0x1D080] =	vst v63  }
0x9b: {  	_ =	swait.ge [sflag:s0], $0x2800  }
0x9c: {  	[sflag:s0] =	ssyncset.done $0x0  }
0x9d: {  	s11 =	sadd.s32 $0x1080, s7;
	[sflag:s0] =	ssyncadd.s32 $0xFFFFD800  }
0x9e: {  	[spmem:s2] =	stream.indirect.scatter.add.f32 [tilespmem:s30], [sflag:$0x4], $0x80, s11, s26, $0xb8;
	[tilespmem:$0x1D080] =	vst v63  }
0x9f: {  	_ =	swait.ge [sflag:s21], $0x2800  }
0xa0: {  	[sflag:s21] =	ssyncset.done $0x0  }
0xa1: {  	s9 =	sadd.s32 $0x200, s7;
	[sflag:s21] =	ssyncadd.s32 $0xFFFFD800  }
0xa2: {  	[tilespmem:s30], [sflag:$0x2] =	stream.indirect.gather [hbm4b:s1+s26], $0x80, s9, s26, $0xb8;
	[tilespmem:$0x1D080] =	vst v63  }
0xa3: {  	_ =	swait.ge [sflag:s24], $0x2800  }
0xa4: {  	[sflag:s24] =	ssyncset.done $0x0  }
0xa5: {  	s10 =	sadd.s32 $0x1100, s7;
	[sflag:s24] =	ssyncadd.s32 $0xFFFFD800  }
0xa6: {  	[spmem:s2] =	stream.indirect.scatter.add.f32 [tilespmem:s20], [sflag:$0x4], $0x80, s10, s26, $0xb8;
	[tilespmem:$0x1D080] =	vst v63  }
0xa7: {  	_ =	swait.ge [sflag:s21], $0x2800  }
0xa8: {  	[sflag:s21] =	ssyncset.done $0x0  }
0xa9: {  	[sflag:s21] =	ssyncadd.s32 $0xFFFFD800  }
0xaa: {  	_ =	swait.ge [sflag:s31], $0x2800  }
0xab: {  	[sflag:s31] =	ssyncset.done $0x0  }
0xac: {  	[sflag:s31] =	ssyncadd.s32 $0xFFFFD800  }
0xad: {  	[spmem:s2] =	stream.indirect.scatter.add.f32 [tilespmem:s28], [sflag:$0x4], $0x80, s3, s26, $0xb8;
	[tilespmem:$0x1D080] =	vst v63  }
0xae: {  	_ =	swait.ge [sflag:s21], $0x2800  }
0xaf: {  	[sflag:s21] =	ssyncset.done $0x0  }
0xb0: {  	[sflag:s21] =	ssyncadd.s32 $0xFFFFD800  }
0xb1: {  	_ =	swait.ge [sflag:s0], $0x2800  }
0xb2: {  	[sflag:s0] =	ssyncset.done $0x0  }
0xb3: {  	[sflag:s0] =	ssyncadd.s32 $0xFFFFD800  }
0xb4: {  	[spmem:s2] =	stream.indirect.scatter.add.f32 [tilespmem:s30], [sflag:$0x4], $0x80, s4, s26, $0xb8;
	[tilespmem:$0x1D080] =	vst v63  }
0xb5: {  	_ =	swait.ge [sflag:s21], $0x2800  }
0xb6: {  	[sflag:s21] =	ssyncset.done $0x0  }
0xb7: {  	s11 =	simm.s32 $0x0;
	[sflag:s21] =	ssyncadd.s32 $0xFFFFD800  }
0xb8: {  	[tilespmem:s11], [sflag:$0x4] =	stream.linear.gather [hbm4b:s15+s11], $0x1000, $0x38;
	[tilespmem:$0x1D080] =	vst v63  }
0xb9: {  	_ =	swait.ge [sflag:s21], $0x1000  }
0xba: {  	[sflag:s21] =	ssyncset.done $0x0  }
0xbb: {  	s9 =	sadd.s32 $0x200, s22;
	[sflag:s21] =	ssyncadd.s32 $0xFFFFF000  }
0xbc: {  	[tilespmem:s23], [sflag:$0x4] =	stream.linear.gather [hbm4b:s9+s11], $0x1000, $0x38;
	[tilespmem:$0x1D080] =	vst v63  }
0xbd: {  	_ =	swait.ge [sflag:s21], $0x1000  }
0xbe: {  	[sflag:s21] =	ssyncset.done $0x0  }
0xbf: {  	[sflag:s21] =	ssyncadd.s32 $0xFFFFF000  }
0xc0: {  	[tilespmem:s28], [sflag:$0x1] =	stream.indirect.gather [hbm4b:s1+s26], $0x80, s11, s26, $0xb8;
	[tilespmem:$0x1D080] =	vst v63  }
0xc1: {  	_ = 	snop  }
0xc2: {  	[tilespmem:s30], [sflag:$0x2] =	stream.indirect.gather [hbm4b:s1+s26], $0x80, s29, s26, $0xb8;
	[tilespmem:$0x1D080] =	vst v63  }
0xc3: {  	s10 =	simm.s32 $0x100  }
0xc4: {  	[tilespmem:s20], [sflag:$0x3] =	stream.indirect.gather [hbm4b:s1+s26], $0x80, s10, s26, $0xb8;
	[tilespmem:$0x1D080] =	vst v63  }
0xc5: {  	_ =	swait.ge [sflag:s31], $0x2800  }
0xc6: {  	[sflag:s31] =	ssyncset.done $0x0  }
0xc7: {  	s11 =	simm.s32 $0x1000;
	[sflag:s31] =	ssyncadd.s32 $0xFFFFD800  }
0xc8: {  	[spmem:s2] =	stream.indirect.scatter.add.f32 [tilespmem:s28], [sflag:$0x4], $0x80, s11, s26, $0xb8;
	[tilespmem:$0x1D080] =	vst v63  }
0xc9: {  	_ =	swait.ge [sflag:s21], $0x2800  }
0xca: {  	[sflag:s21] =	ssyncset.done $0x0  }
0xcb: {  	s8 =	simm.s32 $0x180;
	[sflag:s21] =	ssyncadd.s32 $0xFFFFD800  }
0xcc: {  	[tilespmem:s28], [sflag:$0x1] =	stream.indirect.gather [hbm4b:s1+s26], $0x80, s8, s26, $0xb8;
	[tilespmem:$0x1D080] =	vst v63  }
0xcd: {  	_ =	swait.ge [sflag:s0], $0x2800  }
0xce: {  	[sflag:s0] =	ssyncset.done $0x0  }
0xcf: {  	s9 =	simm.s32 $0x1080;
	[sflag:s0] =	ssyncadd.s32 $0xFFFFD800  }
0xd0: {  	[spmem:s2] =	stream.indirect.scatter.add.f32 [tilespmem:s30], [sflag:$0x4], $0x80, s9, s26, $0xb8;
	[tilespmem:$0x1D080] =	vst v63  }
0xd1: {  	_ =	swait.ge [sflag:s21], $0x2800  }
0xd2: {  	[sflag:s21] =	ssyncset.done $0x0  }
0xd3: {  	s10 =	simm.s32 $0x200;
	[sflag:s21] =	ssyncadd.s32 $0xFFFFD800  }
0xd4: {  	[tilespmem:s30], [sflag:$0x2] =	stream.indirect.gather [hbm4b:s1+s26], $0x80, s10, s26, $0xb8;
	[tilespmem:$0x1D080] =	vst v63  }
0xd5: {  	_ =	swait.ge [sflag:s24], $0x2800  }
0xd6: {  	[sflag:s24] =	ssyncset.done $0x0  }
0xd7: {  	s11 =	simm.s32 $0x1100;
	[sflag:s24] =	ssyncadd.s32 $0xFFFFD800  }
0xd8: {  	[spmem:s2] =	stream.indirect.scatter.add.f32 [tilespmem:s20], [sflag:$0x4], $0x80, s11, s26, $0xb8;
	[tilespmem:$0x1D080] =	vst v63  }
0xd9: {  	_ =	swait.ge [sflag:s21], $0x2800  }
0xda: {  	s7 =	simm.s32 $0x180;
	s8 =	simm.s32 $0xC00;
	[sflag:s21] =	ssyncset.done $0x0  }
.LBB2_6:
0xdb: {  	s9 =	sadd.s32 $0x100, s7  }
0xdc: {  	[sflag:s21] =	ssyncadd.s32 $0xFFFFD800;
	s10 =	smov.u32 s8;
	s11 =	sadd.s32 $0x600, s8  }
0xdd: {  	[tilespmem:s20], [sflag:$0x3] =	stream.indirect.gather [hbm4b:s1+s26], $0x80, s9, s26, $0xb8;
	[tilespmem:$0x1D080] =	vst v63  }
0xde: {  	p1 =	sne.s32 s8, $0x3600;
	_ =	swait.ge [sflag:s31], $0x2800  }
0xdf: {  	[sflag:s31] =	ssyncset.done $0x0  }
0xe0: {  	s8 =	sadd.s32 $0x1000, s7;
	[sflag:s31] =	ssyncadd.s32 $0xFFFFD800  }
0xe1: {  	[spmem:s2] =	stream.indirect.scatter.add.f32 [tilespmem:s28], [sflag:$0x4], $0x80, s8, s26, $0xb8;
	[tilespmem:$0x1D080] =	vst v63  }
0xe2: {  	_ =	swait.ge [sflag:s21], $0x2800  }
0xe3: {  	[sflag:s21] =	ssyncset.done $0x0  }
0xe4: {  	s8 =	sadd.s32 $0x180, s7;
	[sflag:s21] =	ssyncadd.s32 $0xFFFFD800  }
0xe5: {  	[tilespmem:s28], [sflag:$0x1] =	stream.indirect.gather [hbm4b:s1+s26], $0x80, s8, s26, $0xb8;
	[tilespmem:$0x1D080] =	vst v63  }
0xe6: {  	_ =	swait.ge [sflag:s0], $0x2800  }
0xe7: {  	[sflag:s0] =	ssyncset.done $0x0  }
0xe8: {  	s8 =	sadd.s32 $0x1080, s7;
	[sflag:s0] =	ssyncadd.s32 $0xFFFFD800  }
0xe9: {  	[spmem:s2] =	stream.indirect.scatter.add.f32 [tilespmem:s30], [sflag:$0x4], $0x80, s8, s26, $0xb8;
	[tilespmem:$0x1D080] =	vst v63  }
0xea: {  	_ =	swait.ge [sflag:s21], $0x2800  }
0xeb: {  	[sflag:s21] =	ssyncset.done $0x0  }
0xec: {  	s8 =	sadd.s32 $0x200, s7;
	[sflag:s21] =	ssyncadd.s32 $0xFFFFD800  }
0xed: {  	[tilespmem:s30], [sflag:$0x2] =	stream.indirect.gather [hbm4b:s1+s26], $0x80, s8, s26, $0xb8;
	[tilespmem:$0x1D080] =	vst v63  }
0xee: {  	_ =	swait.ge [sflag:s24], $0x2800  }
.Ltmp2:
0xef: {  	[sflag:s24] =	ssyncset.done $0x0;
	(pc) =	sbr.rel @p1 .LBB2_6-.Ltmp2, $4  }
0xf0: {  	s7 =	sadd.s32 $0x1100, s7;
	[sflag:s24] =	ssyncadd.s32 $0xFFFFD800  }
0xf1: {  	[spmem:s2] =	stream.indirect.scatter.add.f32 [tilespmem:s20], [sflag:$0x4], $0x80, s7, s26, $0xb8;
	[tilespmem:$0x1D080] =	vst v63  }
0xf2: {  	_ =	swait.ge [sflag:s21], $0x2800  }
0xf3: {  	s8 =	smov.u32 s11;
	s7 =	sshra.s32 s10, $0x2;
	[sflag:s21] =	ssyncset.done $0x0  }
0xf4: {  	s8 =	sadd.s32 $0x100, s7;
	[sflag:s21] =	ssyncadd.s32 $0xFFFFD800  }
0xf5: {  	[tilespmem:s20], [sflag:$0x3] =	stream.indirect.gather [hbm4b:s1+s26], $0x80, s8, s26, $0xb8;
	[tilespmem:$0x1D080] =	vst v63  }
0xf6: {  	_ =	swait.ge [sflag:s31], $0x2800  }
0xf7: {  	[sflag:s31] =	ssyncset.done $0x0  }
0xf8: {  	s9 =	sadd.s32 $0x1000, s7;
	[sflag:s31] =	ssyncadd.s32 $0xFFFFD800  }
0xf9: {  	[spmem:s2] =	stream.indirect.scatter.add.f32 [tilespmem:s28], [sflag:$0x4], $0x80, s9, s26, $0xb8;
	[tilespmem:$0x1D080] =	vst v63  }
0xfa: {  	_ =	swait.ge [sflag:s21], $0x2800  }
0xfb: {  	[sflag:s21] =	ssyncset.done $0x0  }
0xfc: {  	s10 =	sadd.s32 $0x180, s7;
	[sflag:s21] =	ssyncadd.s32 $0xFFFFD800  }
0xfd: {  	[tilespmem:s28], [sflag:$0x1] =	stream.indirect.gather [hbm4b:s1+s26], $0x80, s10, s26, $0xb8;
	[tilespmem:$0x1D080] =	vst v63  }
0xfe: {  	_ =	swait.ge [sflag:s0], $0x2800  }
0xff: {  	[sflag:s0] =	ssyncset.done $0x0  }
0x100: {  	s11 =	sadd.s32 $0x1080, s7;
	[sflag:s0] =	ssyncadd.s32 $0xFFFFD800  }
0x101: {  	[spmem:s2] =	stream.indirect.scatter.add.f32 [tilespmem:s30], [sflag:$0x4], $0x80, s11, s26, $0xb8;
	[tilespmem:$0x1D080] =	vst v63  }
0x102: {  	_ =	swait.ge [sflag:s21], $0x2800  }
0x103: {  	[sflag:s21] =	ssyncset.done $0x0  }
0x104: {  	s9 =	sadd.s32 $0x200, s7;
	[sflag:s21] =	ssyncadd.s32 $0xFFFFD800  }
0x105: {  	[tilespmem:s30], [sflag:$0x2] =	stream.indirect.gather [hbm4b:s1+s26], $0x80, s9, s26, $0xb8;
	[tilespmem:$0x1D080] =	vst v63  }
0x106: {  	_ =	swait.ge [sflag:s24], $0x2800  }
0x107: {  	[sflag:s24] =	ssyncset.done $0x0  }
0x108: {  	s10 =	sadd.s32 $0x1100, s7;
	[sflag:s24] =	ssyncadd.s32 $0xFFFFD800  }
0x109: {  	[spmem:s2] =	stream.indirect.scatter.add.f32 [tilespmem:s20], [sflag:$0x4], $0x80, s10, s26, $0xb8;
	[tilespmem:$0x1D080] =	vst v63  }
0x10a: {  	_ =	swait.ge [sflag:s21], $0x2800  }
0x10b: {  	[sflag:s21] =	ssyncset.done $0x0  }
0x10c: {  	[sflag:s21] =	ssyncadd.s32 $0xFFFFD800  }
0x10d: {  	_ =	swait.ge [sflag:s31], $0x2800  }
0x10e: {  	[sflag:s31] =	ssyncset.done $0x0  }
0x10f: {  	[sflag:s31] =	ssyncadd.s32 $0xFFFFD800  }
0x110: {  	[spmem:s2] =	stream.indirect.scatter.add.f32 [tilespmem:s28], [sflag:$0x4], $0x80, s3, s26, $0xb8;
	[tilespmem:$0x1D080] =	vst v63  }
0x111: {  	_ =	swait.ge [sflag:s21], $0x2800  }
0x112: {  	[sflag:s21] =	ssyncset.done $0x0  }
0x113: {  	[sflag:s21] =	ssyncadd.s32 $0xFFFFD800  }
0x114: {  	_ =	swait.ge [sflag:s0], $0x2800  }
0x115: {  	[sflag:s0] =	ssyncset.done $0x0  }
0x116: {  	[sflag:s0] =	ssyncadd.s32 $0xFFFFD800  }
0x117: {  	[spmem:s2] =	stream.indirect.scatter.add.f32 [tilespmem:s30], [sflag:$0x4], $0x80, s4, s26, $0xb8;
	[tilespmem:$0x1D080] =	vst v63  }
0x118: {  	_ =	swait.ge [sflag:s21], $0x2800  }
0x119: {  	[sflag:s21] =	ssyncset.done $0x0  }
0x11a: {  	s11 =	simm.s32 $0x0;
	[sflag:s21] =	ssyncadd.s32 $0xFFFFD800  }
0x11b: {  	[tilespmem:s11], [sflag:$0x4] =	stream.linear.gather [hbm4b:s16+s11], $0x1000, $0x38;
	[tilespmem:$0x1D080] =	vst v63  }
0x11c: {  	_ =	swait.ge [sflag:s21], $0x1000  }
0x11d: {  	[sflag:s21] =	ssyncset.done $0x0  }
0x11e: {  	s9 =	sadd.s32 $0x400, s22;
	[sflag:s21] =	ssyncadd.s32 $0xFFFFF000  }
0x11f: {  	[tilespmem:s23], [sflag:$0x4] =	stream.linear.gather [hbm4b:s9+s11], $0x1000, $0x38;
	[tilespmem:$0x1D080] =	vst v63  }
0x120: {  	_ =	swait.ge [sflag:s21], $0x1000  }
0x121: {  	[sflag:s21] =	ssyncset.done $0x0  }
0x122: {  	[sflag:s21] =	ssyncadd.s32 $0xFFFFF000  }
0x123: {  	[tilespmem:s28], [sflag:$0x1] =	stream.indirect.gather [hbm4b:s1+s26], $0x80, s11, s26, $0xb8;
	[tilespmem:$0x1D080] =	vst v63  }
0x124: {  	_ = 	snop  }
0x125: {  	[tilespmem:s30], [sflag:$0x2] =	stream.indirect.gather [hbm4b:s1+s26], $0x80, s29, s26, $0xb8;
	[tilespmem:$0x1D080] =	vst v63  }
0x126: {  	s10 =	simm.s32 $0x100  }
0x127: {  	[tilespmem:s20], [sflag:$0x3] =	stream.indirect.gather [hbm4b:s1+s26], $0x80, s10, s26, $0xb8;
	[tilespmem:$0x1D080] =	vst v63  }
0x128: {  	_ =	swait.ge [sflag:s31], $0x2800  }
0x129: {  	[sflag:s31] =	ssyncset.done $0x0  }
0x12a: {  	s11 =	simm.s32 $0x1000;
	[sflag:s31] =	ssyncadd.s32 $0xFFFFD800  }
0x12b: {  	[spmem:s2] =	stream.indirect.scatter.add.f32 [tilespmem:s28], [sflag:$0x4], $0x80, s11, s26, $0xb8;
	[tilespmem:$0x1D080] =	vst v63  }
0x12c: {  	_ =	swait.ge [sflag:s21], $0x2800  }
0x12d: {  	[sflag:s21] =	ssyncset.done $0x0  }
0x12e: {  	s8 =	simm.s32 $0x180;
	[sflag:s21] =	ssyncadd.s32 $0xFFFFD800  }
0x12f: {  	[tilespmem:s28], [sflag:$0x1] =	stream.indirect.gather [hbm4b:s1+s26], $0x80, s8, s26, $0xb8;
	[tilespmem:$0x1D080] =	vst v63  }
0x130: {  	_ =	swait.ge [sflag:s0], $0x2800  }
0x131: {  	[sflag:s0] =	ssyncset.done $0x0  }
0x132: {  	s9 =	simm.s32 $0x1080;
	[sflag:s0] =	ssyncadd.s32 $0xFFFFD800  }
0x133: {  	[spmem:s2] =	stream.indirect.scatter.add.f32 [tilespmem:s30], [sflag:$0x4], $0x80, s9, s26, $0xb8;
	[tilespmem:$0x1D080] =	vst v63  }
0x134: {  	_ =	swait.ge [sflag:s21], $0x2800  }
0x135: {  	[sflag:s21] =	ssyncset.done $0x0  }
0x136: {  	s10 =	simm.s32 $0x200;
	[sflag:s21] =	ssyncadd.s32 $0xFFFFD800  }
0x137: {  	[tilespmem:s30], [sflag:$0x2] =	stream.indirect.gather [hbm4b:s1+s26], $0x80, s10, s26, $0xb8;
	[tilespmem:$0x1D080] =	vst v63  }
0x138: {  	_ =	swait.ge [sflag:s24], $0x2800  }
0x139: {  	[sflag:s24] =	ssyncset.done $0x0  }
0x13a: {  	s11 =	simm.s32 $0x1100;
	[sflag:s24] =	ssyncadd.s32 $0xFFFFD800  }
0x13b: {  	[spmem:s2] =	stream.indirect.scatter.add.f32 [tilespmem:s20], [sflag:$0x4], $0x80, s11, s26, $0xb8;
	[tilespmem:$0x1D080] =	vst v63  }
0x13c: {  	_ =	swait.ge [sflag:s21], $0x2800  }
0x13d: {  	s7 =	simm.s32 $0x180;
	s8 =	simm.s32 $0xC00;
	[sflag:s21] =	ssyncset.done $0x0  }
.LBB2_8:
0x13e: {  	s9 =	sadd.s32 $0x100, s7  }
0x13f: {  	[sflag:s21] =	ssyncadd.s32 $0xFFFFD800;
	s10 =	smov.u32 s8;
	s11 =	sadd.s32 $0x600, s8  }
0x140: {  	[tilespmem:s20], [sflag:$0x3] =	stream.indirect.gather [hbm4b:s1+s26], $0x80, s9, s26, $0xb8;
	[tilespmem:$0x1D080] =	vst v63  }
0x141: {  	p1 =	sne.s32 s8, $0x3600;
	_ =	swait.ge [sflag:s31], $0x2800  }
0x142: {  	[sflag:s31] =	ssyncset.done $0x0  }
0x143: {  	s8 =	sadd.s32 $0x1000, s7;
	[sflag:s31] =	ssyncadd.s32 $0xFFFFD800  }
0x144: {  	[spmem:s2] =	stream.indirect.scatter.add.f32 [tilespmem:s28], [sflag:$0x4], $0x80, s8, s26, $0xb8;
	[tilespmem:$0x1D080] =	vst v63  }
0x145: {  	_ =	swait.ge [sflag:s21], $0x2800  }
0x146: {  	[sflag:s21] =	ssyncset.done $0x0  }
0x147: {  	s8 =	sadd.s32 $0x180, s7;
	[sflag:s21] =	ssyncadd.s32 $0xFFFFD800  }
0x148: {  	[tilespmem:s28], [sflag:$0x1] =	stream.indirect.gather [hbm4b:s1+s26], $0x80, s8, s26, $0xb8;
	[tilespmem:$0x1D080] =	vst v63  }
0x149: {  	_ =	swait.ge [sflag:s0], $0x2800  }
0x14a: {  	[sflag:s0] =	ssyncset.done $0x0  }
0x14b: {  	s8 =	sadd.s32 $0x1080, s7;
	[sflag:s0] =	ssyncadd.s32 $0xFFFFD800  }
0x14c: {  	[spmem:s2] =	stream.indirect.scatter.add.f32 [tilespmem:s30], [sflag:$0x4], $0x80, s8, s26, $0xb8;
	[tilespmem:$0x1D080] =	vst v63  }
0x14d: {  	_ =	swait.ge [sflag:s21], $0x2800  }
0x14e: {  	[sflag:s21] =	ssyncset.done $0x0  }
0x14f: {  	s8 =	sadd.s32 $0x200, s7;
	[sflag:s21] =	ssyncadd.s32 $0xFFFFD800  }
0x150: {  	[tilespmem:s30], [sflag:$0x2] =	stream.indirect.gather [hbm4b:s1+s26], $0x80, s8, s26, $0xb8;
	[tilespmem:$0x1D080] =	vst v63  }
0x151: {  	_ =	swait.ge [sflag:s24], $0x2800  }
.Ltmp3:
0x152: {  	[sflag:s24] =	ssyncset.done $0x0;
	(pc) =	sbr.rel @p1 .LBB2_8-.Ltmp3, $4  }
0x153: {  	s7 =	sadd.s32 $0x1100, s7;
	[sflag:s24] =	ssyncadd.s32 $0xFFFFD800  }
0x154: {  	[spmem:s2] =	stream.indirect.scatter.add.f32 [tilespmem:s20], [sflag:$0x4], $0x80, s7, s26, $0xb8;
	[tilespmem:$0x1D080] =	vst v63  }
0x155: {  	_ =	swait.ge [sflag:s21], $0x2800  }
0x156: {  	s8 =	smov.u32 s11;
	s7 =	sshra.s32 s10, $0x2;
	[sflag:s21] =	ssyncset.done $0x0  }
0x157: {  	s8 =	sadd.s32 $0x100, s7;
	[sflag:s21] =	ssyncadd.s32 $0xFFFFD800  }
0x158: {  	[tilespmem:s20], [sflag:$0x3] =	stream.indirect.gather [hbm4b:s1+s26], $0x80, s8, s26, $0xb8;
	[tilespmem:$0x1D080] =	vst v63  }
0x159: {  	_ =	swait.ge [sflag:s31], $0x2800  }
0x15a: {  	[sflag:s31] =	ssyncset.done $0x0  }
0x15b: {  	s9 =	sadd.s32 $0x1000, s7;
	[sflag:s31] =	ssyncadd.s32 $0xFFFFD800  }
0x15c: {  	[spmem:s2] =	stream.indirect.scatter.add.f32 [tilespmem:s28], [sflag:$0x4], $0x80, s9, s26, $0xb8;
	[tilespmem:$0x1D080] =	vst v63  }
0x15d: {  	_ =	swait.ge [sflag:s21], $0x2800  }
0x15e: {  	[sflag:s21] =	ssyncset.done $0x0  }
0x15f: {  	s10 =	sadd.s32 $0x180, s7;
	[sflag:s21] =	ssyncadd.s32 $0xFFFFD800  }
0x160: {  	[tilespmem:s28], [sflag:$0x1] =	stream.indirect.gather [hbm4b:s1+s26], $0x80, s10, s26, $0xb8;
	[tilespmem:$0x1D080] =	vst v63  }
0x161: {  	_ =	swait.ge [sflag:s0], $0x2800  }
0x162: {  	[sflag:s0] =	ssyncset.done $0x0  }
0x163: {  	s11 =	sadd.s32 $0x1080, s7;
	[sflag:s0] =	ssyncadd.s32 $0xFFFFD800  }
0x164: {  	[spmem:s2] =	stream.indirect.scatter.add.f32 [tilespmem:s30], [sflag:$0x4], $0x80, s11, s26, $0xb8;
	[tilespmem:$0x1D080] =	vst v63  }
0x165: {  	_ =	swait.ge [sflag:s21], $0x2800  }
0x166: {  	[sflag:s21] =	ssyncset.done $0x0  }
0x167: {  	s9 =	sadd.s32 $0x200, s7;
	[sflag:s21] =	ssyncadd.s32 $0xFFFFD800  }
0x168: {  	[tilespmem:s30], [sflag:$0x2] =	stream.indirect.gather [hbm4b:s1+s26], $0x80, s9, s26, $0xb8;
	[tilespmem:$0x1D080] =	vst v63  }
0x169: {  	_ =	swait.ge [sflag:s24], $0x2800  }
0x16a: {  	[sflag:s24] =	ssyncset.done $0x0  }
0x16b: {  	s10 =	sadd.s32 $0x1100, s7;
	[sflag:s24] =	ssyncadd.s32 $0xFFFFD800  }
0x16c: {  	[spmem:s2] =	stream.indirect.scatter.add.f32 [tilespmem:s20], [sflag:$0x4], $0x80, s10, s26, $0xb8;
	[tilespmem:$0x1D080] =	vst v63  }
0x16d: {  	_ =	swait.ge [sflag:s21], $0x2800  }
0x16e: {  	[sflag:s21] =	ssyncset.done $0x0  }
0x16f: {  	[sflag:s21] =	ssyncadd.s32 $0xFFFFD800  }
0x170: {  	_ =	swait.ge [sflag:s31], $0x2800  }
0x171: {  	[sflag:s31] =	ssyncset.done $0x0  }
0x172: {  	[sflag:s31] =	ssyncadd.s32 $0xFFFFD800  }
0x173: {  	[spmem:s2] =	stream.indirect.scatter.add.f32 [tilespmem:s28], [sflag:$0x4], $0x80, s3, s26, $0xb8;
	[tilespmem:$0x1D080] =	vst v63  }
0x174: {  	_ =	swait.ge [sflag:s21], $0x2800  }
0x175: {  	[sflag:s21] =	ssyncset.done $0x0  }
0x176: {  	[sflag:s21] =	ssyncadd.s32 $0xFFFFD800  }
0x177: {  	_ =	swait.ge [sflag:s0], $0x2800  }
0x178: {  	[sflag:s0] =	ssyncset.done $0x0  }
0x179: {  	[sflag:s0] =	ssyncadd.s32 $0xFFFFD800  }
0x17a: {  	[spmem:s2] =	stream.indirect.scatter.add.f32 [tilespmem:s30], [sflag:$0x4], $0x80, s4, s26, $0xb8;
	[tilespmem:$0x1D080] =	vst v63  }
0x17b: {  	_ =	swait.ge [sflag:s21], $0x2800  }
0x17c: {  	[sflag:s21] =	ssyncset.done $0x0  }
0x17d: {  	s11 =	simm.s32 $0x0;
	[sflag:s21] =	ssyncadd.s32 $0xFFFFD800  }
0x17e: {  	[tilespmem:s11], [sflag:$0x4] =	stream.linear.gather [hbm4b:s17+s11], $0xE80, $0x38;
	[tilespmem:$0x1D080] =	vst v63  }
0x17f: {  	_ =	swait.ge [sflag:s21], $0xE80  }
0x180: {  	[sflag:s21] =	ssyncset.done $0x0  }
0x181: {  	s9 =	sadd.s32 $0x600, s22;
	[sflag:s21] =	ssyncadd.s32 $0xFFFFF180  }
0x182: {  	[tilespmem:s23], [sflag:$0x4] =	stream.linear.gather [hbm4b:s9+s11], $0xE80, $0x38;
	[tilespmem:$0x1D080] =	vst v63  }
0x183: {  	_ =	swait.ge [sflag:s21], $0xE80  }
0x184: {  	[sflag:s21] =	ssyncset.done $0x0  }
0x185: {  	[sflag:s21] =	ssyncadd.s32 $0xFFFFF180  }
0x186: {  	[tilespmem:s28], [sflag:$0x1] =	stream.indirect.gather [hbm4b:s1+s26], $0x80, s11, s26, $0xb8;
	[tilespmem:$0x1D080] =	vst v63  }
0x187: {  	_ = 	snop  }
0x188: {  	[tilespmem:s30], [sflag:$0x2] =	stream.indirect.gather [hbm4b:s1+s26], $0x80, s29, s26, $0xb8;
	[tilespmem:$0x1D080] =	vst v63  }
0x189: {  	s10 =	simm.s32 $0x100  }
0x18a: {  	[tilespmem:s20], [sflag:$0x3] =	stream.indirect.gather [hbm4b:s1+s26], $0x80, s10, s26, $0xb8;
	[tilespmem:$0x1D080] =	vst v63  }
0x18b: {  	_ =	swait.ge [sflag:s31], $0x2800  }
0x18c: {  	[sflag:s31] =	ssyncset.done $0x0  }
0x18d: {  	s11 =	simm.s32 $0x1000;
	[sflag:s31] =	ssyncadd.s32 $0xFFFFD800  }
0x18e: {  	[spmem:s2] =	stream.indirect.scatter.add.f32 [tilespmem:s28], [sflag:$0x4], $0x80, s11, s26, $0xb8;
	[tilespmem:$0x1D080] =	vst v63  }
0x18f: {  	_ =	swait.ge [sflag:s21], $0x2800  }
0x190: {  	[sflag:s21] =	ssyncset.done $0x0  }
0x191: {  	s8 =	simm.s32 $0x180;
	[sflag:s21] =	ssyncadd.s32 $0xFFFFD800  }
0x192: {  	[tilespmem:s28], [sflag:$0x1] =	stream.indirect.gather [hbm4b:s1+s26], $0x80, s8, s26, $0xb8;
	[tilespmem:$0x1D080] =	vst v63  }
0x193: {  	_ =	swait.ge [sflag:s0], $0x2800  }
0x194: {  	[sflag:s0] =	ssyncset.done $0x0  }
0x195: {  	s9 =	simm.s32 $0x1080;
	[sflag:s0] =	ssyncadd.s32 $0xFFFFD800  }
0x196: {  	[spmem:s2] =	stream.indirect.scatter.add.f32 [tilespmem:s30], [sflag:$0x4], $0x80, s9, s26, $0xb8;
	[tilespmem:$0x1D080] =	vst v63  }
0x197: {  	_ =	swait.ge [sflag:s21], $0x2800  }
0x198: {  	[sflag:s21] =	ssyncset.done $0x0  }
0x199: {  	s10 =	simm.s32 $0x200;
	[sflag:s21] =	ssyncadd.s32 $0xFFFFD800  }
0x19a: {  	[tilespmem:s30], [sflag:$0x2] =	stream.indirect.gather [hbm4b:s1+s26], $0x80, s10, s26, $0xb8;
	[tilespmem:$0x1D080] =	vst v63  }
0x19b: {  	_ =	swait.ge [sflag:s24], $0x2800  }
0x19c: {  	[sflag:s24] =	ssyncset.done $0x0  }
0x19d: {  	s11 =	simm.s32 $0x1100;
	[sflag:s24] =	ssyncadd.s32 $0xFFFFD800  }
0x19e: {  	[spmem:s2] =	stream.indirect.scatter.add.f32 [tilespmem:s20], [sflag:$0x4], $0x80, s11, s26, $0xb8;
	[tilespmem:$0x1D080] =	vst v63  }
0x19f: {  	_ =	swait.ge [sflag:s21], $0x2800  }
0x1a0: {  	s7 =	simm.s32 $0x180;
	s8 =	simm.s32 $0xC00;
	[sflag:s21] =	ssyncset.done $0x0  }
.LBB2_10:
0x1a1: {  	s9 =	sadd.s32 $0x100, s7  }
0x1a2: {  	[sflag:s21] =	ssyncadd.s32 $0xFFFFD800;
	s10 =	smov.u32 s8;
	s11 =	sadd.s32 $0x600, s8  }
0x1a3: {  	[tilespmem:s20], [sflag:$0x3] =	stream.indirect.gather [hbm4b:s1+s26], $0x80, s9, s26, $0xb8;
	[tilespmem:$0x1D080] =	vst v63  }
0x1a4: {  	p1 =	sne.s32 s8, $0x3000;
	_ =	swait.ge [sflag:s31], $0x2800  }
0x1a5: {  	[sflag:s31] =	ssyncset.done $0x0  }
0x1a6: {  	s8 =	sadd.s32 $0x1000, s7;
	[sflag:s31] =	ssyncadd.s32 $0xFFFFD800  }
0x1a7: {  	[spmem:s2] =	stream.indirect.scatter.add.f32 [tilespmem:s28], [sflag:$0x4], $0x80, s8, s26, $0xb8;
	[tilespmem:$0x1D080] =	vst v63  }
0x1a8: {  	_ =	swait.ge [sflag:s21], $0x2800  }
0x1a9: {  	[sflag:s21] =	ssyncset.done $0x0  }
0x1aa: {  	s8 =	sadd.s32 $0x180, s7;
	[sflag:s21] =	ssyncadd.s32 $0xFFFFD800  }
0x1ab: {  	[tilespmem:s28], [sflag:$0x1] =	stream.indirect.gather [hbm4b:s1+s26], $0x80, s8, s26, $0xb8;
	[tilespmem:$0x1D080] =	vst v63  }
0x1ac: {  	_ =	swait.ge [sflag:s0], $0x2800  }
0x1ad: {  	[sflag:s0] =	ssyncset.done $0x0  }
0x1ae: {  	s8 =	sadd.s32 $0x1080, s7;
	[sflag:s0] =	ssyncadd.s32 $0xFFFFD800  }
0x1af: {  	[spmem:s2] =	stream.indirect.scatter.add.f32 [tilespmem:s30], [sflag:$0x4], $0x80, s8, s26, $0xb8;
	[tilespmem:$0x1D080] =	vst v63  }
0x1b0: {  	_ =	swait.ge [sflag:s21], $0x2800  }
0x1b1: {  	[sflag:s21] =	ssyncset.done $0x0  }
0x1b2: {  	s8 =	sadd.s32 $0x200, s7;
	[sflag:s21] =	ssyncadd.s32 $0xFFFFD800  }
0x1b3: {  	[tilespmem:s30], [sflag:$0x2] =	stream.indirect.gather [hbm4b:s1+s26], $0x80, s8, s26, $0xb8;
	[tilespmem:$0x1D080] =	vst v63  }
0x1b4: {  	_ =	swait.ge [sflag:s24], $0x2800  }
.Ltmp4:
0x1b5: {  	[sflag:s24] =	ssyncset.done $0x0;
	(pc) =	sbr.rel @p1 .LBB2_10-.Ltmp4, $4  }
0x1b6: {  	s7 =	sadd.s32 $0x1100, s7;
	[sflag:s24] =	ssyncadd.s32 $0xFFFFD800  }
0x1b7: {  	[spmem:s2] =	stream.indirect.scatter.add.f32 [tilespmem:s20], [sflag:$0x4], $0x80, s7, s26, $0xb8;
	[tilespmem:$0x1D080] =	vst v63  }
0x1b8: {  	_ =	swait.ge [sflag:s21], $0x2800  }
0x1b9: {  	s8 =	smov.u32 s11;
	s7 =	sshra.s32 s10, $0x2;
	[sflag:s21] =	ssyncset.done $0x0  }
0x1ba: {  	s8 =	sadd.s32 $0x100, s7;
	[sflag:s21] =	ssyncadd.s32 $0xFFFFD800  }
0x1bb: {  	[tilespmem:s20], [sflag:$0x3] =	stream.indirect.gather [hbm4b:s1+s26], $0x80, s8, s26, $0xb8;
	[tilespmem:$0x1D080] =	vst v63  }
0x1bc: {  	_ =	swait.ge [sflag:s31], $0x2800  }
0x1bd: {  	[sflag:s31] =	ssyncset.done $0x0  }
0x1be: {  	s10 =	sadd.s32 $0x1000, s7;
	[sflag:s31] =	ssyncadd.s32 $0xFFFFD800  }
0x1bf: {  	[spmem:s2] =	stream.indirect.scatter.add.f32 [tilespmem:s28], [sflag:$0x4], $0x80, s10, s26, $0xb8;
	[tilespmem:$0x1D080] =	vst v63  }
0x1c0: {  	_ =	swait.ge [sflag:s21], $0x2800  }
0x1c1: {  	[sflag:s21] =	ssyncset.done $0x0  }
0x1c2: {  	s11 =	sadd.s32 $0x180, s7;
	[sflag:s21] =	ssyncadd.s32 $0xFFFFD800  }
0x1c3: {  	[tilespmem:s28], [sflag:$0x1] =	stream.indirect.gather [hbm4b:s1+s26], $0x80, s11, s26, $0xb8;
	[tilespmem:$0x1D080] =	vst v63  }
0x1c4: {  	_ =	swait.ge [sflag:s0], $0x2800  }
0x1c5: {  	[sflag:s0] =	ssyncset.done $0x0  }
0x1c6: {  	s9 =	sadd.s32 $0x1080, s7;
	[sflag:s0] =	ssyncadd.s32 $0xFFFFD800  }
0x1c7: {  	[spmem:s2] =	stream.indirect.scatter.add.f32 [tilespmem:s30], [sflag:$0x4], $0x80, s9, s26, $0xb8;
	[tilespmem:$0x1D080] =	vst v63  }
0x1c8: {  	_ =	swait.ge [sflag:s21], $0x2800  }
0x1c9: {  	[sflag:s21] =	ssyncset.done $0x0  }
0x1ca: {  	s10 =	sadd.s32 $0x200, s7;
	[sflag:s21] =	ssyncadd.s32 $0xFFFFD800  }
0x1cb: {  	[tilespmem:s30], [sflag:$0x2] =	stream.indirect.gather [hbm4b:s1+s26], $0x80, s10, s26, $0xb8;
	[tilespmem:$0x1D080] =	vst v63  }
0x1cc: {  	_ =	swait.ge [sflag:s24], $0x2800  }
0x1cd: {  	[sflag:s24] =	ssyncset.done $0x0  }
0x1ce: {  	s11 =	sadd.s32 $0x1100, s7;
	[sflag:s24] =	ssyncadd.s32 $0xFFFFD800  }
0x1cf: {  	[spmem:s2] =	stream.indirect.scatter.add.f32 [tilespmem:s20], [sflag:$0x4], $0x80, s11, s26, $0xb8;
	[tilespmem:$0x1D080] =	vst v63  }
0x1d0: {  	_ =	swait.ge [sflag:s21], $0x2800  }
0x1d1: {  	[sflag:s21] =	ssyncset.done $0x0  }
0x1d2: {  	[sflag:s21] =	ssyncadd.s32 $0xFFFFD800  }
0x1d3: {  	_ =	swait.ge [sflag:s31], $0x2800  }
0x1d4: {  	[sflag:s31] =	ssyncset.done $0x0  }
0x1d5: {  	s8 =	simm.s32 $0x1D80;
	[sflag:s31] =	ssyncadd.s32 $0xFFFFD800  }
0x1d6: {  	[spmem:s2] =	stream.indirect.scatter.add.f32 [tilespmem:s28], [sflag:$0x4], $0x80, s8, s26, $0xb8;
	[tilespmem:$0x1D080] =	vst v63  }
0x1d7: {  	_ =	swait.ge [sflag:s21], $0x2800  }
0x1d8: {  	[sflag:s21] =	ssyncset.done $0x0  }
0x1d9: {  	[sflag:s21] =	ssyncadd.s32 $0xFFFFD800  }
0x1da: {  	_ =	swait.ge [sflag:s0], $0x2800  }
0x1db: {  	[sflag:s0] =	ssyncset.done $0x0  }
0x1dc: {  	s9 =	simm.s32 $0x1E00;
	[sflag:s0] =	ssyncadd.s32 $0xFFFFD800  }
0x1dd: {  	[spmem:s2] =	stream.indirect.scatter.add.f32 [tilespmem:s30], [sflag:$0x4], $0x80, s9, s26, $0xb8;
	[tilespmem:$0x1D080] =	vst v63  }
0x1de: {  	_ =	swait.ge [sflag:s21], $0x2800  }
0x1df: {  	s10 =	stileid.u32;
	[sflag:s21] =	ssyncset.done $0x0  }
0x1e0: {  	s7 =	sshll.u32 s10, $0x6;
	[sflag:s21] =	ssyncadd.s32 $0xFFFFD800  }
0x1e1: {  	s7 =	sor.u32 $0x1C04, s7;
	s11 =	sshrl.u32 s5, $0x3;
	[bflag:$0x0] =	sbarrier.arrive $0xFFFF  }
0x1e2: {  	[hbm:s25], [sflag:s7] =	dma.local [spmem:s11], $0x2700  }
0x1e3: {  	s6 =	sadd.s32 $0x1, s6;
	_ =	swait.ge [sflag:s21], $0x2700  }
0x1e4: {  	p1 =	sne.s32 s6, s19;
	[sflag:s21] =	ssyncset.done $0x0  }
0x1e5: {  	s8 =	sadd.s32 @!p0 $0x27000, s18;
	s9 =	sshrl.u32 @!p0 s13, $0x3;
	[sflag:s21] =	ssyncadd.s32 $0xFFFFD900  }
0x1e6: {  	[hbm:s8], [sflag:s7] =	dma.local @!p0 [spmem:s9], $0x100  }
.Ltmp5:
0x1e7: {  	_ = 	snop;
	(pc) =	sbr.rel @p1 .LBB2_1-.Ltmp5, $4  }
0x1e8: {  	s7 =	simm.s32 @!p0 $0x4  }
0x1e9: {  	_ =	swait.ge @!p0 [sflag:s7], $0x100  }
0x1ea: {  	[sflag:s7] =	ssyncset.done @!p0 $0x0  }
0x1eb: {  	[sflag:s7] =	ssyncadd.s32 @!p0 $0xFFFFFF00  }
0x1ec: {  	_ =	sfence.sel $0x180000  }
0x1ed: {  	[bflag:$0x0] =	sbarrier.arrive $0xFFFF  }
0x1ee: {  	_ =	strace $0x90000047  }
0x1ef: {  	s0 =	stileid.u32;
	[bflag:$0x2] =	sbarrier.arrive $0xFFFF  }
0x1f0: {  	p0 =	sne.s32 s0, $0x0;
	s0 =	rddreg [dreg:$0x3]  }
0x1f1: {  	s0 =	sadd.s32 @!p0 $0x100000, s0  }
0x1f2: {  	[sflag:s0] =	ssyncadd.tile.s32 @!p0 $0x1;
	_ =	shalt  }
.Lfunc_end2:
_tile_overlayer_lowered:
.L_overlay_start_2:
0x1f3: {  	(tag) =	ssettag $0x2  }
0x1f4: {  	s0 =	rddreg [dreg:$0x0];
	s2 =	stileid.u32  }
0x1f5: {  	s1 =	rddreg [dreg:$0x1];
	p0 =	sne.s32 s2, $0x0  }
0x1f6: {  	s3 =	rddreg [dreg:$0x2];
	[bflag:$0x3] =	sbarrier.arrive $0xFFFF;
	s2 =	simm.s32 @!p0 $0x1C04  }
0x1f7: {  	[timem:s3], [sflag:s2] =	dma.local @!p0 [hbm:s0], s1  }
0x1f8: {  	s0 =	simm.s32 @!p0 $0x4  }
0x1f9: {  	_ =	swait.ge @!p0 [sflag:s0], s1  }
0x1fa: {  	s1 =	ssub.s32 @!p0 $0x0, s1;
	[sflag:s0] =	ssyncset.done @!p0 $0x0  }
0x1fb: {  	[sflag:s0] =	ssyncadd.s32 @!p0 s1  }
0x1fc: {  	[bflag:$0x3] =	sbarrier.arrive $0xFFFF  }
0x1fd: {  	_ =	shalt  }

// kernel: kernel.9.cloned.1.call-start
scs
__scs_entry_jumppad:
0x0: {  	(pc) =	sbr.rel $0x88, $3  }
0x1: {  	(tag) =	ssettag $0x0;
	lr =	simm.s32 $0x1  }
0x2: {  	[smem:$0x3F8C] =	sst lr;
	_ =	strace $0xD0000000  }
0x3: {  	_ = 	snop  }
0x4: {  	_ = 	snop  }
0x5: {  	_ = 	snop  }
0x6: {  	_ = 	snop  }
0x7: {  	_ = 	snop  }
__scs_overlays_trampoline_lowered:
0x8: {  	[smem:$0x3F9B] =	sst s0  }
0x9: {  	[smem:$0x3F9C] =	sst s1  }
0xa: {  	[smem:$0x3F9D] =	sst s2  }
0xb: {  	[smem:$0x3F9E] =	sst s3  }
0xc: {  	[smem:$0x3F9F] =	sst s4  }
0xd: {  	[smem:$0x3FA0] =	sst s5  }
0xe: {  	[smem:$0x3FA1] =	sst s6  }
0xf: {  	[smem:$0x3FA2] =	sst s7  }
0x10: {  	[smem:$0x3FA3] =	sst s8  }
0x11: {  	[smem:$0x3FA4] =	sst s9;
	s0 =	simm.s32 @!p0 $0x0  }
0x12: {  	s1 =	sld [smem:$0x3F8A];
	s0 =	simm.s32 @p0 $0x1  }
0x13: {  	[smem:$0x3FA5] =	sst s0;
	s0 =	simm.s32 @!p1 $0x0  }
0x14: {  	s2 =	sld [smem:$0x3F89];
	s0 =	simm.s32 @p1 $0x1  }
0x15: {  	[smem:$0x3FA6] =	sst s0;
	s0 =	simm.s32 @!p2 $0x0  }
0x16: {  	s3 =	sld [smem:$0x3FDB];
	s0 =	simm.s32 @p2 $0x1  }
0x17: {  	s4 =	simm.s32 $0x1BF5;
	[smem:$0x3FA8] =	sst s0  }
0x18: {  	s0 =	sld [smem:$0x3F8B];
	_ =	swait.ge [sflag:s4], $0x0  }
0x19: {  	s7 =	sld [smem:$0x3F8C]  }
0x1a: {  	s8 =	sadd.s32 $0xFFFFE003, lr  }
0x1b: {  	s9 =	sadd.s32 $0xFFFFFEF7, lr;
	s5 =	simm.s32 $0xFFFFFFFF;
	p2 =	slt.u32 s8, $0xFFFFF086  }
0x1c: {  	p1 =	slt.u32 s9, $0xF7A;
	s5 =	simm.s32 @!p2 $0x0  }
0x1d: {  	s5 =	simm.s32 @p1 $0x1;
	p0 =	seq.s32 s7, s2  }
0x1e: {  	s7 =	smul.u32 @!p0 $0xF7A, s2;
	p2 =	seq.s32 @!p0 s5, $0x0  }
0x1f: {  	s9 =	smul.u32 $0xF7A, s1;
	s8 =	simm.s32 @!p0 $0x1BF5;
	p2 =	por !p2, p0  }
0x20: {  	[sflag:s8] =	ssyncset.s32 @!p0 $0xFFFFF086;
	s6 =	sadd.s32 @!p0 s3, s7;
	s7 =	simm.s32 @!p0 $0x108  }
0x21: {  	s3 =	sadd.s32 s3, s9;
	s6 =	sadd.s32 @!p0 $0x88, s6;
	s7 =	simm.s32 @p2 $0x1082  }
0x22: {  	[simem:s7], [sflag:s8] =	dma.local @!p0 [hbm:s6], $0xF7A  }
0x23: {  	s9 =	sor.u32 $0xD0000000, s2;
	s6 =	simm.s32 $0x108;
	_ =	swait.ge @!p0 [sflag:s8], $0x0  }
0x24: {  	s3 =	sadd.s32 $0x88, s3;
	s6 =	simm.s32 @!p1 $0x1082;
	[sflag:s4] =	ssyncset.s32 $0xFFFFF086  }
0x25: {  	[simem:s6], [sflag:s4] =	dma.local [hbm:s3], $0xF7A  }
0x26: {  	[smem:$0x3F8C] =	sst s1;
	(tag) =	ssettag s2;
	_ =	strace s9  }
0x27: {  	s1 =	sld [smem:$0x3F9C]  }
0x28: {  	s2 =	sld [smem:$0x3F9D]  }
0x29: {  	s4 =	sld [smem:$0x3F9F]  }
0x2a: {  	p0 =	seq.s32 s5, $0x0;
	s5 =	sld [smem:$0x3FA0]  }
0x2b: {  	s6 =	sld [smem:$0x3FA1]  }
0x2c: {  	s7 =	sld [smem:$0x3FA2]  }
0x2d: {  	s3 =	simm.s32 $0x108;
	s8 =	sld [smem:$0x3FA3]  }
0x2e: {  	s3 =	simm.s32 @!p0 $0x1082;
	s9 =	sld [smem:$0x3FA4]  }
0x2f: {  	lr =	sadd.s32 s0, s3;
	s0 =	sld [smem:$0x3F9B]  }
0x30: {  	s3 =	sld [smem:$0x3F9E]  }
0x31: {  	[smem:$0x3FA7] =	sst s10  }
0x32: {  	s10 =	sld [smem:$0x3FA5];
	_ =	sdelay $0x3  }
0x33: {  	p0 =	seq.s32 s10, $0x1;
	s10 =	sld [smem:$0x3FA7];
	_ =	sdelay $0x3  }
0x34: {  	[smem:$0x3FA7] =	sst s10  }
0x35: {  	s10 =	sld [smem:$0x3FA6];
	_ =	sdelay $0x3  }
0x36: {  	p1 =	seq.s32 s10, $0x1;
	s10 =	sld [smem:$0x3FA7];
	_ =	sdelay $0x3  }
0x37: {  	[smem:$0x3FA7] =	sst s10  }
0x38: {  	s10 =	sld [smem:$0x3FA8]  }
0x39: {  	_ = 	snop;
	(pc) =	sbr.ind lr, $3  }
0x3a: {  	_ = 	snop  }
0x3b: {  	_ = 	snop  }
0x3c: {  	p2 =	seq.s32 s10, $0x1;
	s10 =	sld [smem:$0x3FA7]  }
0x3d: {  	_ =	shalt  }
0x3e: {  	_ =	shalt  }
0x3f: {  	_ =	shalt  }
0x40: {  	_ =	shalt  }
0x41: {  	_ =	shalt  }
0x42: {  	_ =	shalt  }
0x43: {  	_ =	shalt  }
0x44: {  	_ =	shalt  }
0x45: {  	_ =	shalt  }
0x46: {  	_ =	shalt  }
0x47: {  	_ =	shalt  }
0x48: {  	_ =	shalt  }
0x49: {  	_ =	shalt  }
0x4a: {  	_ =	shalt  }
0x4b: {  	_ =	shalt  }
0x4c: {  	_ =	shalt  }
0x4d: {  	_ =	shalt  }
0x4e: {  	_ =	shalt  }
0x4f: {  	_ =	shalt  }
0x50: {  	_ =	shalt  }
0x51: {  	_ =	shalt  }
0x52: {  	_ =	shalt  }
0x53: {  	_ =	shalt  }
0x54: {  	_ =	shalt  }
0x55: {  	_ =	shalt  }
0x56: {  	_ =	shalt  }
0x57: {  	_ =	shalt  }
0x58: {  	_ =	shalt  }
0x59: {  	_ =	shalt  }
0x5a: {  	_ =	shalt  }
0x5b: {  	_ =	shalt  }
0x5c: {  	_ =	shalt  }
0x5d: {  	_ =	shalt  }
0x5e: {  	_ =	shalt  }
0x5f: {  	_ =	shalt  }
0x60: {  	_ =	shalt  }
0x61: {  	_ =	shalt  }
0x62: {  	_ =	shalt  }
0x63: {  	_ =	shalt  }
0x64: {  	_ =	shalt  }
0x65: {  	_ =	shalt  }
0x66: {  	_ =	shalt  }
0x67: {  	_ =	shalt  }
0x68: {  	_ =	shalt  }
0x69: {  	_ =	shalt  }
0x6a: {  	_ =	shalt  }
0x6b: {  	_ =	shalt  }
0x6c: {  	_ =	shalt  }
0x6d: {  	_ =	shalt  }
0x6e: {  	_ =	shalt  }
0x6f: {  	_ =	shalt  }
0x70: {  	_ =	shalt  }
0x71: {  	_ =	shalt  }
0x72: {  	_ =	shalt  }
0x73: {  	_ =	shalt  }
0x74: {  	_ =	shalt  }
0x75: {  	_ =	shalt  }
0x76: {  	_ =	shalt  }
0x77: {  	_ =	shalt  }
0x78: {  	_ =	shalt  }
0x79: {  	_ =	shalt  }
0x7a: {  	_ =	shalt  }
0x7b: {  	_ =	shalt  }
0x7c: {  	_ =	shalt  }
0x7d: {  	_ =	shalt  }
0x7e: {  	_ =	shalt  }
0x7f: {  	_ =	shalt  }
0x80: {  	_ =	shalt  }
0x81: {  	_ =	shalt  }
0x82: {  	_ =	shalt  }
0x83: {  	_ =	shalt  }
0x84: {  	_ =	shalt  }
0x85: {  	_ =	shalt  }
0x86: {  	_ =	shalt  }
0x87: {  	_ =	shalt  }
.Lfunc_end0:
.L_simem_size_0:
called_computation.1_lowered:
.L_overlay_start_0:
0x88: {  	s2 =	sld [smem:$0x3FD9]  }
0x89: {  	s3 =	sld [smem:$0x3FFE];
	_ =	sdelay $0x1  }
0x8a: {  	s1 =	srdreg.scid  }
0x8b: {  	s0 =	sand.u32 $0x1, s1  }
0x8c: {  	s16 =	sshll.u32 s0, $0xA;
	s2 =	sadd.s32 s3, s2  }
0x8d: {  	s2 =	sadd.s32 s2, s16  }
0x8e: {  	[smem:$0x3FB3] =	sst s2  }
0x8f: {  	_ = 	snop  }
0x90: {  	(tm) =	ssettm $0x1  }
0x91: {  	s17 =	sld [smem:$0x3FFB];
	_ =	sdelay $0x3  }
0x92: {  	_ =	strace s17  }
0x93: {  	s2 =	sld [smem:$0x3FFC];
	_ =	sdelay $0x3  }
0x94: {  	_ =	strace s2  }
0x95: {  	s2 =	sld [smem:$0x3FFD];
	_ =	sdelay $0x3  }
0x96: {  	_ =	strace s2  }
0x97: {  	_ =	strace $0x8FFFFFFF  }
0x98: {  	s18 =	sld [smem:$0x3FDB];
	_ =	sdelay $0x1  }
0x99: {  	s19 =	simm.s32 $_scs_section_size  }
0x9a: {  	s4 =	simm.s32 $_size__tile_overlayer_lowered;
	s5 =	simm.s32 $_tile_overlayer_lowered  }
0x9b: {  	s22 =	simm.s32 $0x1BFF;
	s21 =	sshll.u32 s5, $0x1;
	s2 =	sadd.s32 s19, s18  }
0x9c: {  	s6 =	simm.s32 $0x0;
	s20 =	sshll.u32 s4, $0x1;
	s4 =	sadd.s32 s21, s2  }
0x9d: {  	[timem:s6], [sflag:s22] =	dma.local [hbm:s4], s20  }
0x9e: {  	_ =	swait.ge [sflag:s22], s20  }
0x9f: {  	s3 =	ssub.s32 $0x0, s20;
	[sflag:s22] =	ssyncset.done $0x0  }
0xa0: {  	[sflag:s22] =	ssyncadd.s32 s3;
	_ =	sdelay $0x1  }
0xa1: {  	s23 =	simm.s32 $0x1B8B  }
0xa2: {  	_ =	swait.ge [sflag:s23], $0x1  }
0xa3: {  	[sflag:s23] =	ssyncset.done $0x0  }
0xa4: {  	s25 =	simm.s32 $0x1B8E;
	s24 =	sld [smem:$0x3FFE];
	[sflag:s23] =	ssyncadd.s32 $0xFFFFFFFF  }
0xa5: {  	s26 =	simm.s32 $execute0_lowered;
	[smem:$0x3FD2] =	sst s25  }
0xa6: {  	s4 =	sshll.u32 s26, $0x1;
	_ =	strace $0x80000049;
	[dreg:$0x1] =	wrdreg $0xFFFFFFFF  }
0xa7: {  	s28 =	simm.s32 $_size_execute0_lowered;
	s2 =	sadd.s32 s2, s4;
	[dreg:$0x0] =	wrdreg $0x0  }
0xa8: {  	s4 =	sshll.u32 s28, $0x1;
	[dreg:$0x2] =	wrdreg s2  }
0xa9: {  	[dreg:$0x3] =	wrdreg s4  }
0xaa: {  	[dreg:$0x4] =	wrdreg $0xC0  }
0xab: {  	_ =	task [dreg:s6], $0x5FFFF  }
0xac: {  	[dreg:$0x1] =	wrdreg $0xFFFFFFFF  }
0xad: {  	[dreg:$0x0] =	wrdreg $0x60  }
0xae: {  	[dreg:$0x2] =	wrdreg s24  }
0xaf: {  	[dreg:$0x3] =	wrdreg $0x98000  }
0xb0: {  	[dreg:$0x4] =	wrdreg $0x9  }
0xb1: {  	_ =	task.clear_ibuf [dreg:s6], $0x5FFFF;
	_ =	strace $0x90000049  }
0xb2: {  	s29 =	simm.s32 $0x9;
	_ =	strace $0x8000004B  }
0xb3: {  	_ =	swait.ge [sflag:s29], $0x1  }
0xb4: {  	[sflag:s29] =	ssyncadd.s32 $0xFFFFFFFF  }
0xb5: {  	_ =	strace $0x9000004B  }
0xb6: {  	_ =	sfence  }
0xb7: {  	s30 =	sld [smem:$0x0];
	_ =	sdelay $0x2  }
0xb8: {  	s31 =	sshll.u32 s1, $0xD;
	s1 =	sshrl.u32 s1, $0x2  }
0xb9: {  	s3 =	sand.u32 $0x4000, s31;
	s1 =	sadd.s32 s1, s30  }
0xba: {  	s0 =	sor.u32 s3, s0;
	s1 =	sshll.u32 s1, $0x11  }
0xbb: {  	s0 =	sor.u32 s1, s0  }
0xbc: {  	s0 =	sadd.s32 $0x8F2B, s0  }
0xbd: {  	[sflag:s0] =	ssyncadd.remote.s32 $0x1  }
0xbe: {  	_ =	sfence.sel $0xFFFF  }
0xbf: {  	[dreg:$0x0] =	wrdreg $0xFFFFFFFF;
	(pc) =	sbr.abs _section_cstart, $3  }
0xc0: {  	[dreg:$0x1] =	wrdreg $0xFFFFFFFF  }
0xc1: {  	_ =	task.clear_ibuf [dreg:s6], $0x2FFFF;
	_ =	strace $0x9FFFFFFF  }
0xc2: {  	(tm) =	ssettm $0x7FFFFFFF  }
0xc3: {  	_ =	shalt  }
tec
execute0_lowered:
.L_overlay_start_1:
0x0: {  	(tag) =	ssettag $0x1  }
0x1: {  	s0 =	rddreg [dreg:$0x0]  }
0x2: {  	s1 =	rddreg [dreg:$0x1]  }
0x3: {  	s3 =	simm.s32 $0x0;
	s2 =	srdreg.scid;
	s9 =	stileid.u32  }
0x4: {  	s28 =	simm.s32 $0x2000;
	s29 =	simm.s32 $0x80;
	s30 =	simm.s32 $0x4800  }
0x5: {  	s31 =	simm.s32 $0x1;
	[smem:$0x7FF] =	sst s3;
	s2 =	sand.u32 $0x1, s2  }
0x6: {  	s5 =	sshll.u32 s9, $0xB;
	s6 =	smul.u32 $0x4E000, s9;
	s4 =	sadd.s32 $0x23E00, s0  }
0x7: {  	s13 =	sadd.s32 $0x138000, s1;
	s26 =	smul.u32 $0x2700, s9;
	p0 =	sne.s32 s9, $0xF  }
0x8: {  	s17 =	sshll.u32 s2, $0xF;
	_ =	strace $0x8000004A;
	s7 =	smul.u32 $0x27100, s2  }
0x9: {  	s2 =	ssub.s32 $0x2, s2;
	s3 =	sor.u32 s5, s17;
	s18 =	sshrl.u32 s6, $0x2  }
0xa: {  	s8 =	sshrl.u32 s2, $0x1;
	s6 =	simm.s32 $0x0;
	s19 =	sadd.s32 s3, s0  }
0xb: {  	s5 =	sadd.s32 s18, s1;
	s7 =	sadd.s32 s7, s0;
	s2 =	ssub.s32 s2, s8  }
0xc: {  	s0 =	sadd.s32 $0x13E00, s0;
	s20 =	sadd.s32 $0x2800, s5;
	s21 =	sadd.s32 $0x5000, s5  }
0xd: {  	s22 =	sadd.s32 $0x7800, s5;
	s23 =	sadd.s32 $0xA000, s5;
	[dreg:$0x3] =	wrdreg s20  }
0xe: {  	s24 =	sadd.s32 $0xC800, s5;
	s25 =	sadd.s32 $0xF000, s5;
	[dreg:$0x4] =	wrdreg s21  }
0xf: {  	s12 =	sadd.s32 $0x11800, s5;
	s14 =	sadd.s32 $0x3E00, s19;
	[dreg:$0x5] =	wrdreg s22  }
0x10: {  	s15 =	sadd.s32 $0x4000, s19;
	s16 =	sadd.s32 $0x4200, s19;
	[dreg:$0x6] =	wrdreg s23  }
0x11: {  	s17 =	sadd.s32 $0x4400, s19;
	s18 =	sadd.s32 $0x4B000, s7;
	[dreg:$0x7] =	wrdreg s24  }
0x12: {  	s19 =	smax.u32 s2, $0x1;
	s2 =	simm.s32 $0x1F00;
	[dreg:$0x8] =	wrdreg s25  }
0x13: {  	s20 =	simm.s32 $0x7000;
	s21 =	simm.s32 $0x4;
	s22 =	sadd.s32 s3, s0  }
0x14: {  	s23 =	simm.s32 $0x1000;
	s24 =	simm.s32 $0x3;
	s25 =	sadd.s32 s26, s18  }
0x15: {  	v0 =	vimm.f32 $0.0e+00;
	s26 =	simm.s32 $0x50;
	s0 =	simm.s32 $0x2;
	s3 =	simm.s32 $0x1F80  }
.LBB2_1:
0x16: {  	s7 =	simm.s32 $0x0;
	s8 =	simm.s32 $0x200  }
.LBB2_2:
0x17: {  	p1 =	sne.s32 s8, $0x9E00;
	[tilespmem:s7+$0x7070] =	vst v0  }
0x18: {  	[tilespmem:s7+$0x7000] =	vst v0  }
0x19: {  	[tilespmem:s7+$0x7010] =	vst v0  }
.Ltmp0:
0x1a: {  	[tilespmem:s7+$0x7020] =	vst v0;
	(pc) =	sbr.rel @p1 .LBB2_2-.Ltmp0, $4  }
0x1b: {  	[tilespmem:s7+$0x7030] =	vst v0  }
0x1c: {  	[tilespmem:s7+$0x7040] =	vst v0  }
0x1d: {  	[tilespmem:s7+$0x7050] =	vst v0  }
0x1e: {  	[tilespmem:s7+$0x7060] =	vst v0;
	s7 =	sshra.s32 s8, $0x2;
	s8 =	sadd.s32 $0x200, s8  }
0x1f: {  	[tilespmem:s7+$0x7070] =	vst v0  }
0x20: {  	[tilespmem:s7+$0x7000] =	vst v0  }
0x21: {  	[tilespmem:s7+$0x7010] =	vst v0  }
0x22: {  	[tilespmem:s7+$0x7020] =	vst v0  }
0x23: {  	[tilespmem:s7+$0x7030] =	vst v0  }
0x24: {  	[tilespmem:s7+$0x7040] =	vst v0  }
0x25: {  	[tilespmem:s7+$0x7050] =	vst v0  }
0x26: {  	[tilespmem:s7+$0x7060] =	vst v0  }
0x27: {  	[spmem:s5] =	stream.linear.scatter [tilespmem:s20], [sflag:$0x3], $0x2800, $0x38;
	[tilespmem:$0x1D080] =	vst v63  }
0x28: {  	s10 =	rddreg [dreg:$0x3]  }
0x29: {  	[spmem:s10] =	stream.linear.scatter [tilespmem:s20], [sflag:$0x3], $0x2800, $0x38;
	[tilespmem:$0x1D080] =	vst v63  }
0x2a: {  	s11 =	rddreg [dreg:$0x4]  }
0x2b: {  	[spmem:s11] =	stream.linear.scatter [tilespmem:s20], [sflag:$0x3], $0x2800, $0x38;
	[tilespmem:$0x1D080] =	vst v63  }
0x2c: {  	s8 =	rddreg [dreg:$0x5]  }
0x2d: {  	[spmem:s8] =	stream.linear.scatter [tilespmem:s20], [sflag:$0x3], $0x2800, $0x38;
	[tilespmem:$0x1D080] =	vst v63  }
0x2e: {  	s9 =	rddreg [dreg:$0x6]  }
0x2f: {  	[spmem:s9] =	stream.linear.scatter [tilespmem:s20], [sflag:$0x3], $0x2800, $0x38;
	[tilespmem:$0x1D080] =	vst v63  }
0x30: {  	s10 =	rddreg [dreg:$0x7]  }
0x31: {  	[spmem:s10] =	stream.linear.scatter [tilespmem:s20], [sflag:$0x3], $0x2800, $0x38;
	[tilespmem:$0x1D080] =	vst v63  }
0x32: {  	s11 =	rddreg [dreg:$0x8]  }
0x33: {  	[spmem:s11] =	stream.linear.scatter [tilespmem:s20], [sflag:$0x3], $0x2800, $0x38;
	[tilespmem:$0x1D080] =	vst v63  }
0x34: {  	_ = 	snop  }
0x35: {  	[spmem:s12] =	stream.linear.scatter [tilespmem:s20], [sflag:$0x3], $0x2000, $0x38;
	[tilespmem:$0x1D080] =	vst v63  }
0x36: {  	s7 =	simm.s32 @!p0 $0x7000  }
0x37: {  	[spmem:s13] =	stream.linear.scatter @!p0 [tilespmem:s7], [sflag:$0x3], $0x800, $0x38;
	[tilespmem:$0x1D080] =	vst v63  }
0x38: {  	s8 =	simm.s32 $0x0  }
0x39: {  	[tilespmem:s8], [sflag:$0x4] =	stream.linear.gather [hbm4b:s14+s8], $0x1000, $0x38;
	[tilespmem:$0x1D080] =	vst v63  }
0x3a: {  	_ =	swait.ge [sflag:s21], $0x1000  }
0x3b: {  	[sflag:s21] =	ssyncset.done $0x0  }
0x3c: {  	[sflag:s21] =	ssyncadd.s32 $0xFFFFF000  }
0x3d: {  	[tilespmem:s23], [sflag:$0x4] =	stream.linear.gather [hbm4b:s22+s8], $0x1000, $0x38;
	[tilespmem:$0x1D080] =	vst v63  }
0x3e: {  	_ =	swait.ge [sflag:s21], $0x1000  }
0x3f: {  	[sflag:s21] =	ssyncset.done $0x0  }
0x40: {  	[sflag:s21] =	ssyncadd.s32 $0xFFFFF000  }
0x41: {  	_ =	swait.ge [sflag:s24], $0x2800  }
0x42: {  	[sflag:s24] =	ssyncset.done $0x0  }
0x43: {  	[sflag:s24] =	ssyncadd.s32 $0xFFFFD800  }
0x44: {  	_ =	swait.ge [sflag:s24], $0x2800  }
0x45: {  	[sflag:s24] =	ssyncset.done $0x0  }
0x46: {  	[sflag:s24] =	ssyncadd.s32 $0xFFFFD800  }
0x47: {  	_ =	swait.ge [sflag:s24], $0x2800  }
0x48: {  	[sflag:s24] =	ssyncset.done $0x0  }
0x49: {  	[sflag:s24] =	ssyncadd.s32 $0xFFFFD800  }
0x4a: {  	_ =	swait.ge [sflag:s24], $0x2800  }
0x4b: {  	[sflag:s24] =	ssyncset.done $0x0  }
0x4c: {  	[sflag:s24] =	ssyncadd.s32 $0xFFFFD800  }
0x4d: {  	_ =	swait.ge [sflag:s24], $0x2800  }
0x4e: {  	[sflag:s24] =	ssyncset.done $0x0  }
0x4f: {  	[sflag:s24] =	ssyncadd.s32 $0xFFFFD800  }
0x50: {  	_ =	swait.ge [sflag:s24], $0x2800  }
0x51: {  	[sflag:s24] =	ssyncset.done $0x0  }
0x52: {  	[sflag:s24] =	ssyncadd.s32 $0xFFFFD800  }
0x53: {  	_ =	swait.ge [sflag:s24], $0x2800  }
0x54: {  	[sflag:s24] =	ssyncset.done $0x0  }
0x55: {  	[sflag:s24] =	ssyncadd.s32 $0xFFFFD800  }
0x56: {  	_ =	swait.ge [sflag:s24], $0x2000  }
0x57: {  	[sflag:s24] =	ssyncset.done $0x0  }
0x58: {  	s7 =	simm.s32 @!p0 $0x3;
	[sflag:s24] =	ssyncadd.s32 $0xFFFFE000  }
0x59: {  	_ =	swait.ge @!p0 [sflag:s7], $0x800  }
0x5a: {  	[sflag:s7] =	ssyncset.done @!p0 $0x0  }
0x5b: {  	[sflag:s7] =	ssyncadd.s32 @!p0 $0xFFFFF800  }
0x5c: {  	s9 =	simm.s32 $0x0;
	[bflag:$0x0] =	sbarrier.arrive $0xFFFF  }
0x5d: {  	[tilespmem:s28], [sflag:$0x1] =	stream.indirect.gather [hbm4b:s4+s26], $0x80, s9, s26, $0xb8;
	[tilespmem:$0x1D080] =	vst v63  }
0x5e: {  	_ = 	snop  }
0x5f: {  	[tilespmem:s30], [sflag:$0x2] =	stream.indirect.gather [hbm4b:s4+s26], $0x80, s29, s26, $0xb8;
	[tilespmem:$0x1D080] =	vst v63  }
0x60: {  	s10 =	simm.s32 $0x100  }
0x61: {  	[tilespmem:s20], [sflag:$0x3] =	stream.indirect.gather [hbm4b:s4+s26], $0x80, s10, s26, $0xb8;
	[tilespmem:$0x1D080] =	vst v63  }
0x62: {  	_ =	swait.ge [sflag:s31], $0x2800  }
0x63: {  	[sflag:s31] =	ssyncset.done $0x0  }
0x64: {  	s11 =	simm.s32 $0x1000;
	[sflag:s31] =	ssyncadd.s32 $0xFFFFD800  }
0x65: {  	[spmem:s1] =	stream.indirect.scatter.add.f32 [tilespmem:s28], [sflag:$0x4], $0x80, s11, s26, $0xb8;
	[tilespmem:$0x1D080] =	vst v63  }
0x66: {  	_ =	swait.ge [sflag:s21], $0x2800  }
0x67: {  	[sflag:s21] =	ssyncset.done $0x0  }
0x68: {  	s8 =	simm.s32 $0x180;
	[sflag:s21] =	ssyncadd.s32 $0xFFFFD800  }
0x69: {  	[tilespmem:s28], [sflag:$0x1] =	stream.indirect.gather [hbm4b:s4+s26], $0x80, s8, s26, $0xb8;
	[tilespmem:$0x1D080] =	vst v63  }
0x6a: {  	_ =	swait.ge [sflag:s0], $0x2800  }
0x6b: {  	[sflag:s0] =	ssyncset.done $0x0  }
0x6c: {  	s9 =	simm.s32 $0x1080;
	[sflag:s0] =	ssyncadd.s32 $0xFFFFD800  }
0x6d: {  	[spmem:s1] =	stream.indirect.scatter.add.f32 [tilespmem:s30], [sflag:$0x4], $0x80, s9, s26, $0xb8;
	[tilespmem:$0x1D080] =	vst v63  }
0x6e: {  	_ =	swait.ge [sflag:s21], $0x2800  }
0x6f: {  	[sflag:s21] =	ssyncset.done $0x0  }
0x70: {  	s10 =	simm.s32 $0x200;
	[sflag:s21] =	ssyncadd.s32 $0xFFFFD800  }
0x71: {  	[tilespmem:s30], [sflag:$0x2] =	stream.indirect.gather [hbm4b:s4+s26], $0x80, s10, s26, $0xb8;
	[tilespmem:$0x1D080] =	vst v63  }
0x72: {  	_ =	swait.ge [sflag:s24], $0x2800  }
0x73: {  	[sflag:s24] =	ssyncset.done $0x0  }
0x74: {  	s11 =	simm.s32 $0x1100;
	[sflag:s24] =	ssyncadd.s32 $0xFFFFD800  }
0x75: {  	[spmem:s1] =	stream.indirect.scatter.add.f32 [tilespmem:s20], [sflag:$0x4], $0x80, s11, s26, $0xb8;
	[tilespmem:$0x1D080] =	vst v63  }
0x76: {  	_ =	swait.ge [sflag:s21], $0x2800  }
0x77: {  	s7 =	simm.s32 $0x180;
	s8 =	simm.s32 $0xC00;
	[sflag:s21] =	ssyncset.done $0x0  }
.LBB2_4:
0x78: {  	s9 =	sadd.s32 $0x100, s7  }
0x79: {  	[sflag:s21] =	ssyncadd.s32 $0xFFFFD800;
	s10 =	smov.u32 s8;
	s11 =	sadd.s32 $0x600, s8  }
0x7a: {  	[tilespmem:s20], [sflag:$0x3] =	stream.indirect.gather [hbm4b:s4+s26], $0x80, s9, s26, $0xb8;
	[tilespmem:$0x1D080] =	vst v63  }
0x7b: {  	p1 =	sne.s32 s8, $0x3600;
	_ =	swait.ge [sflag:s31], $0x2800  }
0x7c: {  	[sflag:s31] =	ssyncset.done $0x0  }
0x7d: {  	s8 =	sadd.s32 $0x1000, s7;
	[sflag:s31] =	ssyncadd.s32 $0xFFFFD800  }
0x7e: {  	[spmem:s1] =	stream.indirect.scatter.add.f32 [tilespmem:s28], [sflag:$0x4], $0x80, s8, s26, $0xb8;
	[tilespmem:$0x1D080] =	vst v63  }
0x7f: {  	_ =	swait.ge [sflag:s21], $0x2800  }
0x80: {  	[sflag:s21] =	ssyncset.done $0x0  }
0x81: {  	s8 =	sadd.s32 $0x180, s7;
	[sflag:s21] =	ssyncadd.s32 $0xFFFFD800  }
0x82: {  	[tilespmem:s28], [sflag:$0x1] =	stream.indirect.gather [hbm4b:s4+s26], $0x80, s8, s26, $0xb8;
	[tilespmem:$0x1D080] =	vst v63  }
0x83: {  	_ =	swait.ge [sflag:s0], $0x2800  }
0x84: {  	[sflag:s0] =	ssyncset.done $0x0  }
0x85: {  	s8 =	sadd.s32 $0x1080, s7;
	[sflag:s0] =	ssyncadd.s32 $0xFFFFD800  }
0x86: {  	[spmem:s1] =	stream.indirect.scatter.add.f32 [tilespmem:s30], [sflag:$0x4], $0x80, s8, s26, $0xb8;
	[tilespmem:$0x1D080] =	vst v63  }
0x87: {  	_ =	swait.ge [sflag:s21], $0x2800  }
0x88: {  	[sflag:s21] =	ssyncset.done $0x0  }
0x89: {  	s8 =	sadd.s32 $0x200, s7;
	[sflag:s21] =	ssyncadd.s32 $0xFFFFD800  }
0x8a: {  	[tilespmem:s30], [sflag:$0x2] =	stream.indirect.gather [hbm4b:s4+s26], $0x80, s8, s26, $0xb8;
	[tilespmem:$0x1D080] =	vst v63  }
0x8b: {  	_ =	swait.ge [sflag:s24], $0x2800  }
.Ltmp1:
0x8c: {  	[sflag:s24] =	ssyncset.done $0x0;
	(pc) =	sbr.rel @p1 .LBB2_4-.Ltmp1, $4  }
0x8d: {  	s7 =	sadd.s32 $0x1100, s7;
	[sflag:s24] =	ssyncadd.s32 $0xFFFFD800  }
0x8e: {  	[spmem:s1] =	stream.indirect.scatter.add.f32 [tilespmem:s20], [sflag:$0x4], $0x80, s7, s26, $0xb8;
	[tilespmem:$0x1D080] =	vst v63  }
0x8f: {  	_ =	swait.ge [sflag:s21], $0x2800  }
0x90: {  	s8 =	smov.u32 s11;
	s7 =	sshra.s32 s10, $0x2;
	[sflag:s21] =	ssyncset.done $0x0  }
0x91: {  	s8 =	sadd.s32 $0x100, s7;
	[sflag:s21] =	ssyncadd.s32 $0xFFFFD800  }
0x92: {  	[tilespmem:s20], [sflag:$0x3] =	stream.indirect.gather [hbm4b:s4+s26], $0x80, s8, s26, $0xb8;
	[tilespmem:$0x1D080] =	vst v63  }
0x93: {  	_ =	swait.ge [sflag:s31], $0x2800  }
0x94: {  	[sflag:s31] =	ssyncset.done $0x0  }
0x95: {  	s9 =	sadd.s32 $0x1000, s7;
	[sflag:s31] =	ssyncadd.s32 $0xFFFFD800  }
0x96: {  	[spmem:s1] =	stream.indirect.scatter.add.f32 [tilespmem:s28], [sflag:$0x4], $0x80, s9, s26, $0xb8;
	[tilespmem:$0x1D080] =	vst v63  }
0x97: {  	_ =	swait.ge [sflag:s21], $0x2800  }
0x98: {  	[sflag:s21] =	ssyncset.done $0x0  }
0x99: {  	s10 =	sadd.s32 $0x180, s7;
	[sflag:s21] =	ssyncadd.s32 $0xFFFFD800  }
0x9a: {  	[tilespmem:s28], [sflag:$0x1] =	stream.indirect.gather [hbm4b:s4+s26], $0x80, s10, s26, $0xb8;
	[tilespmem:$0x1D080] =	vst v63  }
0x9b: {  	_ =	swait.ge [sflag:s0], $0x2800  }
0x9c: {  	[sflag:s0] =	ssyncset.done $0x0  }
0x9d: {  	s11 =	sadd.s32 $0x1080, s7;
	[sflag:s0] =	ssyncadd.s32 $0xFFFFD800  }
0x9e: {  	[spmem:s1] =	stream.indirect.scatter.add.f32 [tilespmem:s30], [sflag:$0x4], $0x80, s11, s26, $0xb8;
	[tilespmem:$0x1D080] =	vst v63  }
0x9f: {  	_ =	swait.ge [sflag:s21], $0x2800  }
0xa0: {  	[sflag:s21] =	ssyncset.done $0x0  }
0xa1: {  	s9 =	sadd.s32 $0x200, s7;
	[sflag:s21] =	ssyncadd.s32 $0xFFFFD800  }
0xa2: {  	[tilespmem:s30], [sflag:$0x2] =	stream.indirect.gather [hbm4b:s4+s26], $0x80, s9, s26, $0xb8;
	[tilespmem:$0x1D080] =	vst v63  }
0xa3: {  	_ =	swait.ge [sflag:s24], $0x2800  }
0xa4: {  	[sflag:s24] =	ssyncset.done $0x0  }
0xa5: {  	s10 =	sadd.s32 $0x1100, s7;
	[sflag:s24] =	ssyncadd.s32 $0xFFFFD800  }
0xa6: {  	[spmem:s1] =	stream.indirect.scatter.add.f32 [tilespmem:s20], [sflag:$0x4], $0x80, s10, s26, $0xb8;
	[tilespmem:$0x1D080] =	vst v63  }
0xa7: {  	_ =	swait.ge [sflag:s21], $0x2800  }
0xa8: {  	[sflag:s21] =	ssyncset.done $0x0  }
0xa9: {  	[sflag:s21] =	ssyncadd.s32 $0xFFFFD800  }
0xaa: {  	_ =	swait.ge [sflag:s31], $0x2800  }
0xab: {  	[sflag:s31] =	ssyncset.done $0x0  }
0xac: {  	[sflag:s31] =	ssyncadd.s32 $0xFFFFD800  }
0xad: {  	[spmem:s1] =	stream.indirect.scatter.add.f32 [tilespmem:s28], [sflag:$0x4], $0x80, s2, s26, $0xb8;
	[tilespmem:$0x1D080] =	vst v63  }
0xae: {  	_ =	swait.ge [sflag:s21], $0x2800  }
0xaf: {  	[sflag:s21] =	ssyncset.done $0x0  }
0xb0: {  	[sflag:s21] =	ssyncadd.s32 $0xFFFFD800  }
0xb1: {  	_ =	swait.ge [sflag:s0], $0x2800  }
0xb2: {  	[sflag:s0] =	ssyncset.done $0x0  }
0xb3: {  	[sflag:s0] =	ssyncadd.s32 $0xFFFFD800  }
0xb4: {  	[spmem:s1] =	stream.indirect.scatter.add.f32 [tilespmem:s30], [sflag:$0x4], $0x80, s3, s26, $0xb8;
	[tilespmem:$0x1D080] =	vst v63  }
0xb5: {  	_ =	swait.ge [sflag:s21], $0x2800  }
0xb6: {  	[sflag:s21] =	ssyncset.done $0x0  }
0xb7: {  	s11 =	simm.s32 $0x0;
	[sflag:s21] =	ssyncadd.s32 $0xFFFFD800  }
0xb8: {  	[tilespmem:s11], [sflag:$0x4] =	stream.linear.gather [hbm4b:s15+s11], $0x1000, $0x38;
	[tilespmem:$0x1D080] =	vst v63  }
0xb9: {  	_ =	swait.ge [sflag:s21], $0x1000  }
0xba: {  	[sflag:s21] =	ssyncset.done $0x0  }
0xbb: {  	s9 =	sadd.s32 $0x200, s22;
	[sflag:s21] =	ssyncadd.s32 $0xFFFFF000  }
0xbc: {  	[tilespmem:s23], [sflag:$0x4] =	stream.linear.gather [hbm4b:s9+s11], $0x1000, $0x38;
	[tilespmem:$0x1D080] =	vst v63  }
0xbd: {  	_ =	swait.ge [sflag:s21], $0x1000  }
0xbe: {  	[sflag:s21] =	ssyncset.done $0x0  }
0xbf: {  	[sflag:s21] =	ssyncadd.s32 $0xFFFFF000  }
0xc0: {  	[tilespmem:s28], [sflag:$0x1] =	stream.indirect.gather [hbm4b:s4+s26], $0x80, s11, s26, $0xb8;
	[tilespmem:$0x1D080] =	vst v63  }
0xc1: {  	_ = 	snop  }
0xc2: {  	[tilespmem:s30], [sflag:$0x2] =	stream.indirect.gather [hbm4b:s4+s26], $0x80, s29, s26, $0xb8;
	[tilespmem:$0x1D080] =	vst v63  }
0xc3: {  	s10 =	simm.s32 $0x100  }
0xc4: {  	[tilespmem:s20], [sflag:$0x3] =	stream.indirect.gather [hbm4b:s4+s26], $0x80, s10, s26, $0xb8;
	[tilespmem:$0x1D080] =	vst v63  }
0xc5: {  	_ =	swait.ge [sflag:s31], $0x2800  }
0xc6: {  	[sflag:s31] =	ssyncset.done $0x0  }
0xc7: {  	s11 =	simm.s32 $0x1000;
	[sflag:s31] =	ssyncadd.s32 $0xFFFFD800  }
0xc8: {  	[spmem:s1] =	stream.indirect.scatter.add.f32 [tilespmem:s28], [sflag:$0x4], $0x80, s11, s26, $0xb8;
	[tilespmem:$0x1D080] =	vst v63  }
0xc9: {  	_ =	swait.ge [sflag:s21], $0x2800  }
0xca: {  	[sflag:s21] =	ssyncset.done $0x0  }
0xcb: {  	s8 =	simm.s32 $0x180;
	[sflag:s21] =	ssyncadd.s32 $0xFFFFD800  }
0xcc: {  	[tilespmem:s28], [sflag:$0x1] =	stream.indirect.gather [hbm4b:s4+s26], $0x80, s8, s26, $0xb8;
	[tilespmem:$0x1D080] =	vst v63  }
0xcd: {  	_ =	swait.ge [sflag:s0], $0x2800  }
0xce: {  	[sflag:s0] =	ssyncset.done $0x0  }
0xcf: {  	s9 =	simm.s32 $0x1080;
	[sflag:s0] =	ssyncadd.s32 $0xFFFFD800  }
0xd0: {  	[spmem:s1] =	stream.indirect.scatter.add.f32 [tilespmem:s30], [sflag:$0x4], $0x80, s9, s26, $0xb8;
	[tilespmem:$0x1D080] =	vst v63  }
0xd1: {  	_ =	swait.ge [sflag:s21], $0x2800  }
0xd2: {  	[sflag:s21] =	ssyncset.done $0x0  }
0xd3: {  	s10 =	simm.s32 $0x200;
	[sflag:s21] =	ssyncadd.s32 $0xFFFFD800  }
0xd4: {  	[tilespmem:s30], [sflag:$0x2] =	stream.indirect.gather [hbm4b:s4+s26], $0x80, s10, s26, $0xb8;
	[tilespmem:$0x1D080] =	vst v63  }
0xd5: {  	_ =	swait.ge [sflag:s24], $0x2800  }
0xd6: {  	[sflag:s24] =	ssyncset.done $0x0  }
0xd7: {  	s11 =	simm.s32 $0x1100;
	[sflag:s24] =	ssyncadd.s32 $0xFFFFD800  }
0xd8: {  	[spmem:s1] =	stream.indirect.scatter.add.f32 [tilespmem:s20], [sflag:$0x4], $0x80, s11, s26, $0xb8;
	[tilespmem:$0x1D080] =	vst v63  }
0xd9: {  	_ =	swait.ge [sflag:s21], $0x2800  }
0xda: {  	s7 =	simm.s32 $0x180;
	s8 =	simm.s32 $0xC00;
	[sflag:s21] =	ssyncset.done $0x0  }
.LBB2_6:
0xdb: {  	s9 =	sadd.s32 $0x100, s7  }
0xdc: {  	[sflag:s21] =	ssyncadd.s32 $0xFFFFD800;
	s10 =	smov.u32 s8;
	s11 =	sadd.s32 $0x600, s8  }
0xdd: {  	[tilespmem:s20], [sflag:$0x3] =	stream.indirect.gather [hbm4b:s4+s26], $0x80, s9, s26, $0xb8;
	[tilespmem:$0x1D080] =	vst v63  }
0xde: {  	p1 =	sne.s32 s8, $0x3600;
	_ =	swait.ge [sflag:s31], $0x2800  }
0xdf: {  	[sflag:s31] =	ssyncset.done $0x0  }
0xe0: {  	s8 =	sadd.s32 $0x1000, s7;
	[sflag:s31] =	ssyncadd.s32 $0xFFFFD800  }
0xe1: {  	[spmem:s1] =	stream.indirect.scatter.add.f32 [tilespmem:s28], [sflag:$0x4], $0x80, s8, s26, $0xb8;
	[tilespmem:$0x1D080] =	vst v63  }
0xe2: {  	_ =	swait.ge [sflag:s21], $0x2800  }
0xe3: {  	[sflag:s21] =	ssyncset.done $0x0  }
0xe4: {  	s8 =	sadd.s32 $0x180, s7;
	[sflag:s21] =	ssyncadd.s32 $0xFFFFD800  }
0xe5: {  	[tilespmem:s28], [sflag:$0x1] =	stream.indirect.gather [hbm4b:s4+s26], $0x80, s8, s26, $0xb8;
	[tilespmem:$0x1D080] =	vst v63  }
0xe6: {  	_ =	swait.ge [sflag:s0], $0x2800  }
0xe7: {  	[sflag:s0] =	ssyncset.done $0x0  }
0xe8: {  	s8 =	sadd.s32 $0x1080, s7;
	[sflag:s0] =	ssyncadd.s32 $0xFFFFD800  }
0xe9: {  	[spmem:s1] =	stream.indirect.scatter.add.f32 [tilespmem:s30], [sflag:$0x4], $0x80, s8, s26, $0xb8;
	[tilespmem:$0x1D080] =	vst v63  }
0xea: {  	_ =	swait.ge [sflag:s21], $0x2800  }
0xeb: {  	[sflag:s21] =	ssyncset.done $0x0  }
0xec: {  	s8 =	sadd.s32 $0x200, s7;
	[sflag:s21] =	ssyncadd.s32 $0xFFFFD800  }
0xed: {  	[tilespmem:s30], [sflag:$0x2] =	stream.indirect.gather [hbm4b:s4+s26], $0x80, s8, s26, $0xb8;
	[tilespmem:$0x1D080] =	vst v63  }
0xee: {  	_ =	swait.ge [sflag:s24], $0x2800  }
.Ltmp2:
0xef: {  	[sflag:s24] =	ssyncset.done $0x0;
	(pc) =	sbr.rel @p1 .LBB2_6-.Ltmp2, $4  }
0xf0: {  	s7 =	sadd.s32 $0x1100, s7;
	[sflag:s24] =	ssyncadd.s32 $0xFFFFD800  }
0xf1: {  	[spmem:s1] =	stream.indirect.scatter.add.f32 [tilespmem:s20], [sflag:$0x4], $0x80, s7, s26, $0xb8;
	[tilespmem:$0x1D080] =	vst v63  }
0xf2: {  	_ =	swait.ge [sflag:s21], $0x2800  }
0xf3: {  	s8 =	smov.u32 s11;
	s7 =	sshra.s32 s10, $0x2;
	[sflag:s21] =	ssyncset.done $0x0  }
0xf4: {  	s8 =	sadd.s32 $0x100, s7;
	[sflag:s21] =	ssyncadd.s32 $0xFFFFD800  }
0xf5: {  	[tilespmem:s20], [sflag:$0x3] =	stream.indirect.gather [hbm4b:s4+s26], $0x80, s8, s26, $0xb8;
	[tilespmem:$0x1D080] =	vst v63  }
0xf6: {  	_ =	swait.ge [sflag:s31], $0x2800  }
0xf7: {  	[sflag:s31] =	ssyncset.done $0x0  }
0xf8: {  	s9 =	sadd.s32 $0x1000, s7;
	[sflag:s31] =	ssyncadd.s32 $0xFFFFD800  }
0xf9: {  	[spmem:s1] =	stream.indirect.scatter.add.f32 [tilespmem:s28], [sflag:$0x4], $0x80, s9, s26, $0xb8;
	[tilespmem:$0x1D080] =	vst v63  }
0xfa: {  	_ =	swait.ge [sflag:s21], $0x2800  }
0xfb: {  	[sflag:s21] =	ssyncset.done $0x0  }
0xfc: {  	s10 =	sadd.s32 $0x180, s7;
	[sflag:s21] =	ssyncadd.s32 $0xFFFFD800  }
0xfd: {  	[tilespmem:s28], [sflag:$0x1] =	stream.indirect.gather [hbm4b:s4+s26], $0x80, s10, s26, $0xb8;
	[tilespmem:$0x1D080] =	vst v63  }
0xfe: {  	_ =	swait.ge [sflag:s0], $0x2800  }
0xff: {  	[sflag:s0] =	ssyncset.done $0x0  }
0x100: {  	s11 =	sadd.s32 $0x1080, s7;
	[sflag:s0] =	ssyncadd.s32 $0xFFFFD800  }
0x101: {  	[spmem:s1] =	stream.indirect.scatter.add.f32 [tilespmem:s30], [sflag:$0x4], $0x80, s11, s26, $0xb8;
	[tilespmem:$0x1D080] =	vst v63  }
0x102: {  	_ =	swait.ge [sflag:s21], $0x2800  }
0x103: {  	[sflag:s21] =	ssyncset.done $0x0  }
0x104: {  	s9 =	sadd.s32 $0x200, s7;
	[sflag:s21] =	ssyncadd.s32 $0xFFFFD800  }
0x105: {  	[tilespmem:s30], [sflag:$0x2] =	stream.indirect.gather [hbm4b:s4+s26], $0x80, s9, s26, $0xb8;
	[tilespmem:$0x1D080] =	vst v63  }
0x106: {  	_ =	swait.ge [sflag:s24], $0x2800  }
0x107: {  	[sflag:s24] =	ssyncset.done $0x0  }
0x108: {  	s10 =	sadd.s32 $0x1100, s7;
	[sflag:s24] =	ssyncadd.s32 $0xFFFFD800  }
0x109: {  	[spmem:s1] =	stream.indirect.scatter.add.f32 [tilespmem:s20], [sflag:$0x4], $0x80, s10, s26, $0xb8;
	[tilespmem:$0x1D080] =	vst v63  }
0x10a: {  	_ =	swait.ge [sflag:s21], $0x2800  }
0x10b: {  	[sflag:s21] =	ssyncset.done $0x0  }
0x10c: {  	[sflag:s21] =	ssyncadd.s32 $0xFFFFD800  }
0x10d: {  	_ =	swait.ge [sflag:s31], $0x2800  }
0x10e: {  	[sflag:s31] =	ssyncset.done $0x0  }
0x10f: {  	[sflag:s31] =	ssyncadd.s32 $0xFFFFD800  }
0x110: {  	[spmem:s1] =	stream.indirect.scatter.add.f32 [tilespmem:s28], [sflag:$0x4], $0x80, s2, s26, $0xb8;
	[tilespmem:$0x1D080] =	vst v63  }
0x111: {  	_ =	swait.ge [sflag:s21], $0x2800  }
0x112: {  	[sflag:s21] =	ssyncset.done $0x0  }
0x113: {  	[sflag:s21] =	ssyncadd.s32 $0xFFFFD800  }
0x114: {  	_ =	swait.ge [sflag:s0], $0x2800  }
0x115: {  	[sflag:s0] =	ssyncset.done $0x0  }
0x116: {  	[sflag:s0] =	ssyncadd.s32 $0xFFFFD800  }
0x117: {  	[spmem:s1] =	stream.indirect.scatter.add.f32 [tilespmem:s30], [sflag:$0x4], $0x80, s3, s26, $0xb8;
	[tilespmem:$0x1D080] =	vst v63  }
0x118: {  	_ =	swait.ge [sflag:s21], $0x2800  }
0x119: {  	[sflag:s21] =	ssyncset.done $0x0  }
0x11a: {  	s11 =	simm.s32 $0x0;
	[sflag:s21] =	ssyncadd.s32 $0xFFFFD800  }
0x11b: {  	[tilespmem:s11], [sflag:$0x4] =	stream.linear.gather [hbm4b:s16+s11], $0x1000, $0x38;
	[tilespmem:$0x1D080] =	vst v63  }
0x11c: {  	_ =	swait.ge [sflag:s21], $0x1000  }
0x11d: {  	[sflag:s21] =	ssyncset.done $0x0  }
0x11e: {  	s9 =	sadd.s32 $0x400, s22;
	[sflag:s21] =	ssyncadd.s32 $0xFFFFF000  }
0x11f: {  	[tilespmem:s23], [sflag:$0x4] =	stream.linear.gather [hbm4b:s9+s11], $0x1000, $0x38;
	[tilespmem:$0x1D080] =	vst v63  }
0x120: {  	_ =	swait.ge [sflag:s21], $0x1000  }
0x121: {  	[sflag:s21] =	ssyncset.done $0x0  }
0x122: {  	[sflag:s21] =	ssyncadd.s32 $0xFFFFF000  }
0x123: {  	[tilespmem:s28], [sflag:$0x1] =	stream.indirect.gather [hbm4b:s4+s26], $0x80, s11, s26, $0xb8;
	[tilespmem:$0x1D080] =	vst v63  }
0x124: {  	_ = 	snop  }
0x125: {  	[tilespmem:s30], [sflag:$0x2] =	stream.indirect.gather [hbm4b:s4+s26], $0x80, s29, s26, $0xb8;
	[tilespmem:$0x1D080] =	vst v63  }
0x126: {  	s10 =	simm.s32 $0x100  }
0x127: {  	[tilespmem:s20], [sflag:$0x3] =	stream.indirect.gather [hbm4b:s4+s26], $0x80, s10, s26, $0xb8;
	[tilespmem:$0x1D080] =	vst v63  }
0x128: {  	_ =	swait.ge [sflag:s31], $0x2800  }
0x129: {  	[sflag:s31] =	ssyncset.done $0x0  }
0x12a: {  	s11 =	simm.s32 $0x1000;
	[sflag:s31] =	ssyncadd.s32 $0xFFFFD800  }
0x12b: {  	[spmem:s1] =	stream.indirect.scatter.add.f32 [tilespmem:s28], [sflag:$0x4], $0x80, s11, s26, $0xb8;
	[tilespmem:$0x1D080] =	vst v63  }
0x12c: {  	_ =	swait.ge [sflag:s21], $0x2800  }
0x12d: {  	[sflag:s21] =	ssyncset.done $0x0  }
0x12e: {  	s8 =	simm.s32 $0x180;
	[sflag:s21] =	ssyncadd.s32 $0xFFFFD800  }
0x12f: {  	[tilespmem:s28], [sflag:$0x1] =	stream.indirect.gather [hbm4b:s4+s26], $0x80, s8, s26, $0xb8;
	[tilespmem:$0x1D080] =	vst v63  }
0x130: {  	_ =	swait.ge [sflag:s0], $0x2800  }
0x131: {  	[sflag:s0] =	ssyncset.done $0x0  }
0x132: {  	s9 =	simm.s32 $0x1080;
	[sflag:s0] =	ssyncadd.s32 $0xFFFFD800  }
0x133: {  	[spmem:s1] =	stream.indirect.scatter.add.f32 [tilespmem:s30], [sflag:$0x4], $0x80, s9, s26, $0xb8;
	[tilespmem:$0x1D080] =	vst v63  }
0x134: {  	_ =	swait.ge [sflag:s21], $0x2800  }
0x135: {  	[sflag:s21] =	ssyncset.done $0x0  }
0x136: {  	s10 =	simm.s32 $0x200;
	[sflag:s21] =	ssyncadd.s32 $0xFFFFD800  }
0x137: {  	[tilespmem:s30], [sflag:$0x2] =	stream.indirect.gather [hbm4b:s4+s26], $0x80, s10, s26, $0xb8;
	[tilespmem:$0x1D080] =	vst v63  }
0x138: {  	_ =	swait.ge [sflag:s24], $0x2800  }
0x139: {  	[sflag:s24] =	ssyncset.done $0x0  }
0x13a: {  	s11 =	simm.s32 $0x1100;
	[sflag:s24] =	ssyncadd.s32 $0xFFFFD800  }
0x13b: {  	[spmem:s1] =	stream.indirect.scatter.add.f32 [tilespmem:s20], [sflag:$0x4], $0x80, s11, s26, $0xb8;
	[tilespmem:$0x1D080] =	vst v63  }
0x13c: {  	_ =	swait.ge [sflag:s21], $0x2800  }
0x13d: {  	s7 =	simm.s32 $0x180;
	s8 =	simm.s32 $0xC00;
	[sflag:s21] =	ssyncset.done $0x0  }
.LBB2_8:
0x13e: {  	s9 =	sadd.s32 $0x100, s7  }
0x13f: {  	[sflag:s21] =	ssyncadd.s32 $0xFFFFD800;
	s10 =	smov.u32 s8;
	s11 =	sadd.s32 $0x600, s8  }
0x140: {  	[tilespmem:s20], [sflag:$0x3] =	stream.indirect.gather [hbm4b:s4+s26], $0x80, s9, s26, $0xb8;
	[tilespmem:$0x1D080] =	vst v63  }
0x141: {  	p1 =	sne.s32 s8, $0x3600;
	_ =	swait.ge [sflag:s31], $0x2800  }
0x142: {  	[sflag:s31] =	ssyncset.done $0x0  }
0x143: {  	s8 =	sadd.s32 $0x1000, s7;
	[sflag:s31] =	ssyncadd.s32 $0xFFFFD800  }
0x144: {  	[spmem:s1] =	stream.indirect.scatter.add.f32 [tilespmem:s28], [sflag:$0x4], $0x80, s8, s26, $0xb8;
	[tilespmem:$0x1D080] =	vst v63  }
0x145: {  	_ =	swait.ge [sflag:s21], $0x2800  }
0x146: {  	[sflag:s21] =	ssyncset.done $0x0  }
0x147: {  	s8 =	sadd.s32 $0x180, s7;
	[sflag:s21] =	ssyncadd.s32 $0xFFFFD800  }
0x148: {  	[tilespmem:s28], [sflag:$0x1] =	stream.indirect.gather [hbm4b:s4+s26], $0x80, s8, s26, $0xb8;
	[tilespmem:$0x1D080] =	vst v63  }
0x149: {  	_ =	swait.ge [sflag:s0], $0x2800  }
0x14a: {  	[sflag:s0] =	ssyncset.done $0x0  }
0x14b: {  	s8 =	sadd.s32 $0x1080, s7;
	[sflag:s0] =	ssyncadd.s32 $0xFFFFD800  }
0x14c: {  	[spmem:s1] =	stream.indirect.scatter.add.f32 [tilespmem:s30], [sflag:$0x4], $0x80, s8, s26, $0xb8;
	[tilespmem:$0x1D080] =	vst v63  }
0x14d: {  	_ =	swait.ge [sflag:s21], $0x2800  }
0x14e: {  	[sflag:s21] =	ssyncset.done $0x0  }
0x14f: {  	s8 =	sadd.s32 $0x200, s7;
	[sflag:s21] =	ssyncadd.s32 $0xFFFFD800  }
0x150: {  	[tilespmem:s30], [sflag:$0x2] =	stream.indirect.gather [hbm4b:s4+s26], $0x80, s8, s26, $0xb8;
	[tilespmem:$0x1D080] =	vst v63  }
0x151: {  	_ =	swait.ge [sflag:s24], $0x2800  }
.Ltmp3:
0x152: {  	[sflag:s24] =	ssyncset.done $0x0;
	(pc) =	sbr.rel @p1 .LBB2_8-.Ltmp3, $4  }
0x153: {  	s7 =	sadd.s32 $0x1100, s7;
	[sflag:s24] =	ssyncadd.s32 $0xFFFFD800  }
0x154: {  	[spmem:s1] =	stream.indirect.scatter.add.f32 [tilespmem:s20], [sflag:$0x4], $0x80, s7, s26, $0xb8;
	[tilespmem:$0x1D080] =	vst v63  }
0x155: {  	_ =	swait.ge [sflag:s21], $0x2800  }
0x156: {  	s8 =	smov.u32 s11;
	s7 =	sshra.s32 s10, $0x2;
	[sflag:s21] =	ssyncset.done $0x0  }
0x157: {  	s8 =	sadd.s32 $0x100, s7;
	[sflag:s21] =	ssyncadd.s32 $0xFFFFD800  }
0x158: {  	[tilespmem:s20], [sflag:$0x3] =	stream.indirect.gather [hbm4b:s4+s26], $0x80, s8, s26, $0xb8;
	[tilespmem:$0x1D080] =	vst v63  }
0x159: {  	_ =	swait.ge [sflag:s31], $0x2800  }
0x15a: {  	[sflag:s31] =	ssyncset.done $0x0  }
0x15b: {  	s9 =	sadd.s32 $0x1000, s7;
	[sflag:s31] =	ssyncadd.s32 $0xFFFFD800  }
0x15c: {  	[spmem:s1] =	stream.indirect.scatter.add.f32 [tilespmem:s28], [sflag:$0x4], $0x80, s9, s26, $0xb8;
	[tilespmem:$0x1D080] =	vst v63  }
0x15d: {  	_ =	swait.ge [sflag:s21], $0x2800  }
0x15e: {  	[sflag:s21] =	ssyncset.done $0x0  }
0x15f: {  	s10 =	sadd.s32 $0x180, s7;
	[sflag:s21] =	ssyncadd.s32 $0xFFFFD800  }
0x160: {  	[tilespmem:s28], [sflag:$0x1] =	stream.indirect.gather [hbm4b:s4+s26], $0x80, s10, s26, $0xb8;
	[tilespmem:$0x1D080] =	vst v63  }
0x161: {  	_ =	swait.ge [sflag:s0], $0x2800  }
0x162: {  	[sflag:s0] =	ssyncset.done $0x0  }
0x163: {  	s11 =	sadd.s32 $0x1080, s7;
	[sflag:s0] =	ssyncadd.s32 $0xFFFFD800  }
0x164: {  	[spmem:s1] =	stream.indirect.scatter.add.f32 [tilespmem:s30], [sflag:$0x4], $0x80, s11, s26, $0xb8;
	[tilespmem:$0x1D080] =	vst v63  }
0x165: {  	_ =	swait.ge [sflag:s21], $0x2800  }
0x166: {  	[sflag:s21] =	ssyncset.done $0x0  }
0x167: {  	s9 =	sadd.s32 $0x200, s7;
	[sflag:s21] =	ssyncadd.s32 $0xFFFFD800  }
0x168: {  	[tilespmem:s30], [sflag:$0x2] =	stream.indirect.gather [hbm4b:s4+s26], $0x80, s9, s26, $0xb8;
	[tilespmem:$0x1D080] =	vst v63  }
0x169: {  	_ =	swait.ge [sflag:s24], $0x2800  }
0x16a: {  	[sflag:s24] =	ssyncset.done $0x0  }
0x16b: {  	s10 =	sadd.s32 $0x1100, s7;
	[sflag:s24] =	ssyncadd.s32 $0xFFFFD800  }
0x16c: {  	[spmem:s1] =	stream.indirect.scatter.add.f32 [tilespmem:s20], [sflag:$0x4], $0x80, s10, s26, $0xb8;
	[tilespmem:$0x1D080] =	vst v63  }
0x16d: {  	_ =	swait.ge [sflag:s21], $0x2800  }
0x16e: {  	[sflag:s21] =	ssyncset.done $0x0  }
0x16f: {  	[sflag:s21] =	ssyncadd.s32 $0xFFFFD800  }
0x170: {  	_ =	swait.ge [sflag:s31], $0x2800  }
0x171: {  	[sflag:s31] =	ssyncset.done $0x0  }
0x172: {  	[sflag:s31] =	ssyncadd.s32 $0xFFFFD800  }
0x173: {  	[spmem:s1] =	stream.indirect.scatter.add.f32 [tilespmem:s28], [sflag:$0x4], $0x80, s2, s26, $0xb8;
	[tilespmem:$0x1D080] =	vst v63  }
0x174: {  	_ =	swait.ge [sflag:s21], $0x2800  }
0x175: {  	[sflag:s21] =	ssyncset.done $0x0  }
0x176: {  	[sflag:s21] =	ssyncadd.s32 $0xFFFFD800  }
0x177: {  	_ =	swait.ge [sflag:s0], $0x2800  }
0x178: {  	[sflag:s0] =	ssyncset.done $0x0  }
0x179: {  	[sflag:s0] =	ssyncadd.s32 $0xFFFFD800  }
0x17a: {  	[spmem:s1] =	stream.indirect.scatter.add.f32 [tilespmem:s30], [sflag:$0x4], $0x80, s3, s26, $0xb8;
	[tilespmem:$0x1D080] =	vst v63  }
0x17b: {  	_ =	swait.ge [sflag:s21], $0x2800  }
0x17c: {  	[sflag:s21] =	ssyncset.done $0x0  }
0x17d: {  	s11 =	simm.s32 $0x0;
	[sflag:s21] =	ssyncadd.s32 $0xFFFFD800  }
0x17e: {  	[tilespmem:s11], [sflag:$0x4] =	stream.linear.gather [hbm4b:s17+s11], $0xE80, $0x38;
	[tilespmem:$0x1D080] =	vst v63  }
0x17f: {  	_ =	swait.ge [sflag:s21], $0xE80  }
0x180: {  	[sflag:s21] =	ssyncset.done $0x0  }
0x181: {  	s9 =	sadd.s32 $0x600, s22;
	[sflag:s21] =	ssyncadd.s32 $0xFFFFF180  }
0x182: {  	[tilespmem:s23], [sflag:$0x4] =	stream.linear.gather [hbm4b:s9+s11], $0xE80, $0x38;
	[tilespmem:$0x1D080] =	vst v63  }
0x183: {  	_ =	swait.ge [sflag:s21], $0xE80  }
0x184: {  	[sflag:s21] =	ssyncset.done $0x0  }
0x185: {  	[sflag:s21] =	ssyncadd.s32 $0xFFFFF180  }
0x186: {  	[tilespmem:s28], [sflag:$0x1] =	stream.indirect.gather [hbm4b:s4+s26], $0x80, s11, s26, $0xb8;
	[tilespmem:$0x1D080] =	vst v63  }
0x187: {  	_ = 	snop  }
0x188: {  	[tilespmem:s30], [sflag:$0x2] =	stream.indirect.gather [hbm4b:s4+s26], $0x80, s29, s26, $0xb8;
	[tilespmem:$0x1D080] =	vst v63  }
0x189: {  	s10 =	simm.s32 $0x100  }
0x18a: {  	[tilespmem:s20], [sflag:$0x3] =	stream.indirect.gather [hbm4b:s4+s26], $0x80, s10, s26, $0xb8;
	[tilespmem:$0x1D080] =	vst v63  }
0x18b: {  	_ =	swait.ge [sflag:s31], $0x2800  }
0x18c: {  	[sflag:s31] =	ssyncset.done $0x0  }
0x18d: {  	s11 =	simm.s32 $0x1000;
	[sflag:s31] =	ssyncadd.s32 $0xFFFFD800  }
0x18e: {  	[spmem:s1] =	stream.indirect.scatter.add.f32 [tilespmem:s28], [sflag:$0x4], $0x80, s11, s26, $0xb8;
	[tilespmem:$0x1D080] =	vst v63  }
0x18f: {  	_ =	swait.ge [sflag:s21], $0x2800  }
0x190: {  	[sflag:s21] =	ssyncset.done $0x0  }
0x191: {  	s8 =	simm.s32 $0x180;
	[sflag:s21] =	ssyncadd.s32 $0xFFFFD800  }
0x192: {  	[tilespmem:s28], [sflag:$0x1] =	stream.indirect.gather [hbm4b:s4+s26], $0x80, s8, s26, $0xb8;
	[tilespmem:$0x1D080] =	vst v63  }
0x193: {  	_ =	swait.ge [sflag:s0], $0x2800  }
0x194: {  	[sflag:s0] =	ssyncset.done $0x0  }
0x195: {  	s9 =	simm.s32 $0x1080;
	[sflag:s0] =	ssyncadd.s32 $0xFFFFD800  }
0x196: {  	[spmem:s1] =	stream.indirect.scatter.add.f32 [tilespmem:s30], [sflag:$0x4], $0x80, s9, s26, $0xb8;
	[tilespmem:$0x1D080] =	vst v63  }
0x197: {  	_ =	swait.ge [sflag:s21], $0x2800  }
0x198: {  	[sflag:s21] =	ssyncset.done $0x0  }
0x199: {  	s10 =	simm.s32 $0x200;
	[sflag:s21] =	ssyncadd.s32 $0xFFFFD800  }
0x19a: {  	[tilespmem:s30], [sflag:$0x2] =	stream.indirect.gather [hbm4b:s4+s26], $0x80, s10, s26, $0xb8;
	[tilespmem:$0x1D080] =	vst v63  }
0x19b: {  	_ =	swait.ge [sflag:s24], $0x2800  }
0x19c: {  	[sflag:s24] =	ssyncset.done $0x0  }
0x19d: {  	s11 =	simm.s32 $0x1100;
	[sflag:s24] =	ssyncadd.s32 $0xFFFFD800  }
0x19e: {  	[spmem:s1] =	stream.indirect.scatter.add.f32 [tilespmem:s20], [sflag:$0x4], $0x80, s11, s26, $0xb8;
	[tilespmem:$0x1D080] =	vst v63  }
0x19f: {  	_ =	swait.ge [sflag:s21], $0x2800  }
0x1a0: {  	s7 =	simm.s32 $0x180;
	s8 =	simm.s32 $0xC00;
	[sflag:s21] =	ssyncset.done $0x0  }
.LBB2_10:
0x1a1: {  	s9 =	sadd.s32 $0x100, s7  }
0x1a2: {  	[sflag:s21] =	ssyncadd.s32 $0xFFFFD800;
	s10 =	smov.u32 s8;
	s11 =	sadd.s32 $0x600, s8  }
0x1a3: {  	[tilespmem:s20], [sflag:$0x3] =	stream.indirect.gather [hbm4b:s4+s26], $0x80, s9, s26, $0xb8;
	[tilespmem:$0x1D080] =	vst v63  }
0x1a4: {  	p1 =	sne.s32 s8, $0x3000;
	_ =	swait.ge [sflag:s31], $0x2800  }
0x1a5: {  	[sflag:s31] =	ssyncset.done $0x0  }
0x1a6: {  	s8 =	sadd.s32 $0x1000, s7;
	[sflag:s31] =	ssyncadd.s32 $0xFFFFD800  }
0x1a7: {  	[spmem:s1] =	stream.indirect.scatter.add.f32 [tilespmem:s28], [sflag:$0x4], $0x80, s8, s26, $0xb8;
	[tilespmem:$0x1D080] =	vst v63  }
0x1a8: {  	_ =	swait.ge [sflag:s21], $0x2800  }
0x1a9: {  	[sflag:s21] =	ssyncset.done $0x0  }
0x1aa: {  	s8 =	sadd.s32 $0x180, s7;
	[sflag:s21] =	ssyncadd.s32 $0xFFFFD800  }
0x1ab: {  	[tilespmem:s28], [sflag:$0x1] =	stream.indirect.gather [hbm4b:s4+s26], $0x80, s8, s26, $0xb8;
	[tilespmem:$0x1D080] =	vst v63  }
0x1ac: {  	_ =	swait.ge [sflag:s0], $0x2800  }
0x1ad: {  	[sflag:s0] =	ssyncset.done $0x0  }
0x1ae: {  	s8 =	sadd.s32 $0x1080, s7;
	[sflag:s0] =	ssyncadd.s32 $0xFFFFD800  }
0x1af: {  	[spmem:s1] =	stream.indirect.scatter.add.f32 [tilespmem:s30], [sflag:$0x4], $0x80, s8, s26, $0xb8;
	[tilespmem:$0x1D080] =	vst v63  }
0x1b0: {  	_ =	swait.ge [sflag:s21], $0x2800  }
0x1b1: {  	[sflag:s21] =	ssyncset.done $0x0  }
0x1b2: {  	s8 =	sadd.s32 $0x200, s7;
	[sflag:s21] =	ssyncadd.s32 $0xFFFFD800  }
0x1b3: {  	[tilespmem:s30], [sflag:$0x2] =	stream.indirect.gather [hbm4b:s4+s26], $0x80, s8, s26, $0xb8;
	[tilespmem:$0x1D080] =	vst v63  }
0x1b4: {  	_ =	swait.ge [sflag:s24], $0x2800  }
.Ltmp4:
0x1b5: {  	[sflag:s24] =	ssyncset.done $0x0;
	(pc) =	sbr.rel @p1 .LBB2_10-.Ltmp4, $4  }
0x1b6: {  	s7 =	sadd.s32 $0x1100, s7;
	[sflag:s24] =	ssyncadd.s32 $0xFFFFD800  }
0x1b7: {  	[spmem:s1] =	stream.indirect.scatter.add.f32 [tilespmem:s20], [sflag:$0x4], $0x80, s7, s26, $0xb8;
	[tilespmem:$0x1D080] =	vst v63  }
0x1b8: {  	_ =	swait.ge [sflag:s21], $0x2800  }
0x1b9: {  	s8 =	smov.u32 s11;
	s7 =	sshra.s32 s10, $0x2;
	[sflag:s21] =	ssyncset.done $0x0  }
0x1ba: {  	s8 =	sadd.s32 $0x100, s7;
	[sflag:s21] =	ssyncadd.s32 $0xFFFFD800  }
0x1bb: {  	[tilespmem:s20], [sflag:$0x3] =	stream.indirect.gather [hbm4b:s4+s26], $0x80, s8, s26, $0xb8;
	[tilespmem:$0x1D080] =	vst v63  }
0x1bc: {  	_ =	swait.ge [sflag:s31], $0x2800  }
0x1bd: {  	[sflag:s31] =	ssyncset.done $0x0  }
0x1be: {  	s10 =	sadd.s32 $0x1000, s7;
	[sflag:s31] =	ssyncadd.s32 $0xFFFFD800  }
0x1bf: {  	[spmem:s1] =	stream.indirect.scatter.add.f32 [tilespmem:s28], [sflag:$0x4], $0x80, s10, s26, $0xb8;
	[tilespmem:$0x1D080] =	vst v63  }
0x1c0: {  	_ =	swait.ge [sflag:s21], $0x2800  }
0x1c1: {  	[sflag:s21] =	ssyncset.done $0x0  }
0x1c2: {  	s11 =	sadd.s32 $0x180, s7;
	[sflag:s21] =	ssyncadd.s32 $0xFFFFD800  }
0x1c3: {  	[tilespmem:s28], [sflag:$0x1] =	stream.indirect.gather [hbm4b:s4+s26], $0x80, s11, s26, $0xb8;
	[tilespmem:$0x1D080] =	vst v63  }
0x1c4: {  	_ =	swait.ge [sflag:s0], $0x2800  }
0x1c5: {  	[sflag:s0] =	ssyncset.done $0x0  }
0x1c6: {  	s9 =	sadd.s32 $0x1080, s7;
	[sflag:s0] =	ssyncadd.s32 $0xFFFFD800  }
0x1c7: {  	[spmem:s1] =	stream.indirect.scatter.add.f32 [tilespmem:s30], [sflag:$0x4], $0x80, s9, s26, $0xb8;
	[tilespmem:$0x1D080] =	vst v63  }
0x1c8: {  	_ =	swait.ge [sflag:s21], $0x2800  }
0x1c9: {  	[sflag:s21] =	ssyncset.done $0x0  }
0x1ca: {  	s10 =	sadd.s32 $0x200, s7;
	[sflag:s21] =	ssyncadd.s32 $0xFFFFD800  }
0x1cb: {  	[tilespmem:s30], [sflag:$0x2] =	stream.indirect.gather [hbm4b:s4+s26], $0x80, s10, s26, $0xb8;
	[tilespmem:$0x1D080] =	vst v63  }
0x1cc: {  	_ =	swait.ge [sflag:s24], $0x2800  }
0x1cd: {  	[sflag:s24] =	ssyncset.done $0x0  }
0x1ce: {  	s11 =	sadd.s32 $0x1100, s7;
	[sflag:s24] =	ssyncadd.s32 $0xFFFFD800  }
0x1cf: {  	[spmem:s1] =	stream.indirect.scatter.add.f32 [tilespmem:s20], [sflag:$0x4], $0x80, s11, s26, $0xb8;
	[tilespmem:$0x1D080] =	vst v63  }
0x1d0: {  	_ =	swait.ge [sflag:s21], $0x2800  }
0x1d1: {  	[sflag:s21] =	ssyncset.done $0x0  }
0x1d2: {  	[sflag:s21] =	ssyncadd.s32 $0xFFFFD800  }
0x1d3: {  	_ =	swait.ge [sflag:s31], $0x2800  }
0x1d4: {  	[sflag:s31] =	ssyncset.done $0x0  }
0x1d5: {  	s8 =	simm.s32 $0x1D80;
	[sflag:s31] =	ssyncadd.s32 $0xFFFFD800  }
0x1d6: {  	[spmem:s1] =	stream.indirect.scatter.add.f32 [tilespmem:s28], [sflag:$0x4], $0x80, s8, s26, $0xb8;
	[tilespmem:$0x1D080] =	vst v63  }
0x1d7: {  	_ =	swait.ge [sflag:s21], $0x2800  }
0x1d8: {  	[sflag:s21] =	ssyncset.done $0x0  }
0x1d9: {  	[sflag:s21] =	ssyncadd.s32 $0xFFFFD800  }
0x1da: {  	_ =	swait.ge [sflag:s0], $0x2800  }
0x1db: {  	[sflag:s0] =	ssyncset.done $0x0  }
0x1dc: {  	s9 =	simm.s32 $0x1E00;
	[sflag:s0] =	ssyncadd.s32 $0xFFFFD800  }
0x1dd: {  	[spmem:s1] =	stream.indirect.scatter.add.f32 [tilespmem:s30], [sflag:$0x4], $0x80, s9, s26, $0xb8;
	[tilespmem:$0x1D080] =	vst v63  }
0x1de: {  	_ =	swait.ge [sflag:s21], $0x2800  }
0x1df: {  	s10 =	stileid.u32;
	[sflag:s21] =	ssyncset.done $0x0  }
0x1e0: {  	s7 =	sshll.u32 s10, $0x6;
	[sflag:s21] =	ssyncadd.s32 $0xFFFFD800  }
0x1e1: {  	s7 =	sor.u32 $0x1C04, s7;
	s11 =	sshrl.u32 s5, $0x3;
	[bflag:$0x0] =	sbarrier.arrive $0xFFFF  }
0x1e2: {  	[hbm:s25], [sflag:s7] =	dma.local [spmem:s11], $0x2700  }
0x1e3: {  	s6 =	sadd.s32 $0x1, s6;
	_ =	swait.ge [sflag:s21], $0x2700  }
0x1e4: {  	p1 =	sne.s32 s6, s19;
	[sflag:s21] =	ssyncset.done $0x0  }
0x1e5: {  	s8 =	sadd.s32 @!p0 $0x27000, s18;
	s9 =	sshrl.u32 @!p0 s13, $0x3;
	[sflag:s21] =	ssyncadd.s32 $0xFFFFD900  }
0x1e6: {  	[hbm:s8], [sflag:s7] =	dma.local @!p0 [spmem:s9], $0x100  }
.Ltmp5:
0x1e7: {  	_ = 	snop;
	(pc) =	sbr.rel @p1 .LBB2_1-.Ltmp5, $4  }
0x1e8: {  	s7 =	simm.s32 @!p0 $0x4  }
0x1e9: {  	_ =	swait.ge @!p0 [sflag:s7], $0x100  }
0x1ea: {  	[sflag:s7] =	ssyncset.done @!p0 $0x0  }
0x1eb: {  	[sflag:s7] =	ssyncadd.s32 @!p0 $0xFFFFFF00  }
0x1ec: {  	_ =	sfence.sel $0x180000  }
0x1ed: {  	[bflag:$0x0] =	sbarrier.arrive $0xFFFF  }
0x1ee: {  	_ =	strace $0x9000004A  }
0x1ef: {  	s0 =	stileid.u32;
	[bflag:$0x2] =	sbarrier.arrive $0xFFFF  }
0x1f0: {  	p0 =	sne.s32 s0, $0x0;
	s0 =	rddreg [dreg:$0x2]  }
0x1f1: {  	s0 =	sadd.s32 @!p0 $0x100000, s0  }
0x1f2: {  	[sflag:s0] =	ssyncadd.tile.s32 @!p0 $0x1;
	_ =	shalt  }
.Lfunc_end2:
_tile_overlayer_lowered:
.L_overlay_start_2:
0x1f3: {  	(tag) =	ssettag $0x2  }
0x1f4: {  	s0 =	rddreg [dreg:$0x0];
	s2 =	stileid.u32  }
0x1f5: {  	s1 =	rddreg [dreg:$0x1];
	p0 =	sne.s32 s2, $0x0  }
0x1f6: {  	s3 =	rddreg [dreg:$0x2];
	[bflag:$0x3] =	sbarrier.arrive $0xFFFF;
	s2 =	simm.s32 @!p0 $0x1C04  }
0x1f7: {  	[timem:s3], [sflag:s2] =	dma.local @!p0 [hbm:s0], s1  }
0x1f8: {  	s0 =	simm.s32 @!p0 $0x4  }
0x1f9: {  	_ =	swait.ge @!p0 [sflag:s0], s1  }
0x1fa: {  	s1 =	ssub.s32 @!p0 $0x0, s1;
	[sflag:s0] =	ssyncset.done @!p0 $0x0  }
0x1fb: {  	[sflag:s0] =	ssyncadd.s32 @!p0 s1  }
0x1fc: {  	[bflag:$0x3] =	sbarrier.arrive $0xFFFF  }
0x1fd: {  	_ =	shalt  }

</sc_bundles>
